<compile_context>
chip_gen: v7x
topology: tpu7x:2x2x1
jax: 0.10.2.dev20260603
libtpu: 0.0.44.dev20260713+nightly
codegen_flags: <defaults>
</compile_context>

<pallas_src>
import functools
import math

import jax
import jax.numpy as jnp
from jax import lax
from jax.experimental import pallas as pl
from jax.experimental.pallas import tpu as pltpu
from jax.experimental.pallas import tpu_sc as plsc

_N = 10000
_E = 320000
_D = 128
_H = 128
_C = 64
_ALPHA = 0.1
_LAMBDA = 0.5

_NC = 2
_NS = 16
_NW = _NC * _NS
_CHUNK = 128
_CPT = 80
_EPAD = _NW * _CPT * _CHUNK
_NPAD = 10240
_ZR = _NPAD // _NS


def _sc_mesh():
    return plsc.VectorSubcoreMesh(
        core_axis_name="c", subcore_axis_name="s",
        num_cores=_NC, num_subcores=_NS)


@functools.partial(
    pl.kernel,
    out_type=jax.ShapeDtypeStruct((_NC, 2, _NPAD), jnp.float32),
    mesh=_sc_mesh(),
    scratch_types=[
        pltpu.VMEM((_CPT, _CHUNK), jnp.int32),
        pltpu.VMEM((_CPT, _CHUNK), jnp.int32),
        pltpu.VMEM((_CHUNK,), jnp.float32),
        pltpu.VMEM((_ZR,), jnp.float32),
        pltpu.VMEM_SHARED((_NPAD,), jnp.float32),
        pltpu.VMEM_SHARED((_NPAD,), jnp.float32),
    ],
)
def _deg_kernel(srcs, dsts, out, src_v, dst_v, ones_v, zer_v, do_sh, di_sh):
    cid = lax.axis_index("c")
    sid = lax.axis_index("s")
    wid = cid * _NS + sid
    for k in range(_CHUNK // 16):
        ones_v[pl.ds(k * 16, 16)] = jnp.full((16,), 1.0, jnp.float32)
    for k in range(_ZR // 16):
        zer_v[pl.ds(k * 16, 16)] = jnp.zeros((16,), jnp.float32)
    pltpu.sync_copy(zer_v, do_sh.at[pl.ds(sid * _ZR, _ZR)])
    pltpu.sync_copy(zer_v, di_sh.at[pl.ds(sid * _ZR, _ZR)])
    pltpu.sync_copy(srcs.at[wid], src_v)
    pltpu.sync_copy(dsts.at[wid], dst_v)
    plsc.subcore_barrier()

    def body(j, carry):
        pltpu.sync_copy(ones_v, do_sh.at[src_v.at[j]], add=True)
        pltpu.sync_copy(ones_v, di_sh.at[dst_v.at[j]], add=True)
        return carry

    lax.fori_loop(0, _CPT, body, 0)
    plsc.subcore_barrier()
    rows = pl.ds(sid * _ZR, _ZR)
    pltpu.sync_copy(do_sh.at[rows], out.at[cid, 0, rows])
    pltpu.sync_copy(di_sh.at[rows], out.at[cid, 1, rows])


_HH = _H // _NC
_CPS = _EPAD // _CHUNK // _NS


@functools.partial(
    pl.kernel,
    out_type=jax.ShapeDtypeStruct((_NC, _NPAD, _HH), jnp.float32),
    mesh=_sc_mesh(),
    scratch_types=[
        pltpu.VMEM((_CPS, _CHUNK), jnp.int32),
        pltpu.VMEM((_CPS, _CHUNK), jnp.int32),
        pltpu.VMEM((_CHUNK, _HH), jnp.float32),
        pltpu.VMEM((_CHUNK, _HH), jnp.float32),
        pltpu.VMEM((_CHUNK, _HH), jnp.float32),
        pltpu.VMEM((_CHUNK, _HH), jnp.float32),
        pltpu.VMEM((_CHUNK, _HH), jnp.float32),
        pltpu.VMEM_SHARED((_NPAD, _HH), jnp.float32),
        pltpu.SemaphoreType.DMA,
        pltpu.SemaphoreType.DMA,
        pltpu.SemaphoreType.DMA,
        pltpu.SemaphoreType.DMA,
        pltpu.SemaphoreType.DMA,
        pltpu.SemaphoreType.DMA,
        pltpu.SemaphoreType.DMA,
        pltpu.SemaphoreType.DMA,
        pltpu.SemaphoreType.DMA,
        pltpu.SemaphoreType.DMA,
    ],
    compiler_params=pltpu.CompilerParams(use_tc_tiling_on_sc=False),
)
def _agg_kernel(m_hbm, srcs, dsts, zrows, out,
                src_v, dst_v, rows0, rows1, rows2, rows3, rows4, acc_sh,
                sg0, sg1, sg2, sg3, sg4, ss0, ss1, ss2, ss3, ss4):
    rows = (rows0, rows1, rows2, rows3, rows4)
    sg = (sg0, sg1, sg2, sg3, sg4)
    ss = (ss0, ss1, ss2, ss3, ss4)
    cid = lax.axis_index("c")
    sid = lax.axis_index("s")
    mh = m_hbm.at[cid]
    pltpu.sync_copy(zrows, acc_sh.at[pl.ds(sid * _ZR, _ZR)])
    pltpu.sync_copy(srcs.at[sid], src_v)
    pltpu.sync_copy(dsts.at[sid], dst_v)
    plsc.subcore_barrier()

    def _wait_gather(j, b):
        pltpu.make_async_copy(mh.at[src_v.at[j]], rows[b], sg[b]).wait()

    def _wait_scatter(j, b):
        pltpu.make_async_copy(rows[b], acc_sh.at[dst_v.at[j]], ss[b]).wait()

    def _start_scatter(j, b):
        pltpu.async_copy(rows[b], acc_sh.at[dst_v.at[j]], ss[b], add=True)

    def body(g, carry):
        j0 = g * 5
        for b in range(5):
            j = j0 + b

            @pl.when(g > 0)
            def _(b=b, j=j):
                _wait_scatter(j - 5, b)

            pltpu.async_copy(mh.at[src_v.at[j]], rows[b], sg[b])
            bs = (b + 2) % 5
            js = j - 3
            if b < 3:
                @pl.when(g > 0)
                def _(bs=bs, js=js):
                    _wait_gather(js, bs)
                    _start_scatter(js, bs)
            else:
                _wait_gather(js, bs)
                _start_scatter(js, bs)
        return carry

    lax.fori_loop(0, _CPS // 5, body, 0)
    for jj in (_CPS - 3, _CPS - 2, _CPS - 1):
        _wait_gather(jj, jj % 5)
        _start_scatter(jj, jj % 5)
    for b in range(5):
        _wait_scatter(_CPS - 5 + b, b)
    plsc.subcore_barrier()
    r = pl.ds(sid * _ZR, _ZR)
    pltpu.sync_copy(acc_sh.at[r], out.at[cid, r])


_BR = 1000
_GRID = _N // _BR


def _norms(deg_blk):
    deg_out = deg_blk[:, 0] + deg_blk[:, 2]
    deg_in = deg_blk[:, 1] + deg_blk[:, 3]
    ns = lax.rsqrt(jnp.maximum(deg_out, 1.0))
    nd = lax.rsqrt(jnp.maximum(deg_in, 1.0))
    return ns, nd


def _split_m(m_ref, m2):
    m_ref[0] = m2[:, :_HH]
    m_ref[1] = m2[:, _HH:]


def _tc_in_body(x_ref, w_ref, b_ref, deg_ref, x0_ref, m_ref):
    h = jnp.dot(x_ref[...], w_ref[...], preferred_element_type=jnp.float32)
    h = jnp.maximum(h + b_ref[...], 0.0)
    ns, _ = _norms(deg_ref[...])
    x0_ref[...] = h
    _split_m(m_ref, h * ns[:, None])


def _tc_in(x, W0, b0r, degp):
    return pl.pallas_call(
        _tc_in_body,
        grid=(_GRID,),
        in_specs=[
            pl.BlockSpec((_BR, _D), lambda i: (i, 0)),
            pl.BlockSpec((_D, _H), lambda i: (0, 0)),
            pl.BlockSpec((1, _H), lambda i: (0, 0)),
            pl.BlockSpec((_BR, 2 * _NC), lambda i: (i, 0)),
        ],
        out_specs=[
            pl.BlockSpec((_BR, _H), lambda i: (i, 0)),
            pl.BlockSpec((_NC, _BR, _HH), lambda i: (0, i, 0)),
        ],
        out_shape=[
            jax.ShapeDtypeStruct((_N, _H), jnp.float32),
            jax.ShapeDtypeStruct((_NC, _N, _HH), jnp.float32),
        ],
    )(x, W0, b0r, degp)


def _agg_from_p(p_ref, deg_blk):
    ns, nd = _norms(deg_blk)
    p = p_ref[...]
    agg = jnp.concatenate([p[0], p[1]], axis=1) * nd[:, None]
    return agg, ns


def _tc_layer_body(beta, p_ref, x0_ref, deg_ref, wc_ref, m_ref):
    agg, ns = _agg_from_p(p_ref, deg_ref[...])
    rst = (1.0 - _ALPHA) * agg + _ALPHA * x0_ref[...]
    h = (1.0 - beta) * rst + beta * jnp.dot(
        rst, wc_ref[...], preferred_element_type=jnp.float32)
    h = jnp.maximum(h, 0.0)
    _split_m(m_ref, h * ns[:, None])


def _tc_layer(beta, p, x0, degp, Wc):
    return pl.pallas_call(
        functools.partial(_tc_layer_body, beta),
        grid=(_GRID,),
        in_specs=[
            pl.BlockSpec((_NC, _BR, _HH), lambda i: (0, i, 0)),
            pl.BlockSpec((_BR, _H), lambda i: (i, 0)),
            pl.BlockSpec((_BR, 2 * _NC), lambda i: (i, 0)),
            pl.BlockSpec((_H, _H), lambda i: (0, 0)),
        ],
        out_specs=pl.BlockSpec((_NC, _BR, _HH), lambda i: (0, i, 0)),
        out_shape=jax.ShapeDtypeStruct((_NC, _N, _HH), jnp.float32),
    )(p, x0, degp, Wc)


def _tc_final_body(beta, p_ref, x0_ref, deg_ref, wc_ref, w1_ref, b1_ref,
                   out_ref):
    agg, _ = _agg_from_p(p_ref, deg_ref[...])
    rst = (1.0 - _ALPHA) * agg + _ALPHA * x0_ref[...]
    h = (1.0 - beta) * rst + beta * jnp.dot(
        rst, wc_ref[...], preferred_element_type=jnp.float32)
    out_ref[...] = jnp.dot(
        h, w1_ref[...], preferred_element_type=jnp.float32) + b1_ref[...]


def _tc_final(beta, p, x0, degp, Wc, W1, b1r):
    return pl.pallas_call(
        functools.partial(_tc_final_body, beta),
        grid=(_GRID,),
        in_specs=[
            pl.BlockSpec((_NC, _BR, _HH), lambda i: (0, i, 0)),
            pl.BlockSpec((_BR, _H), lambda i: (i, 0)),
            pl.BlockSpec((_BR, 2 * _NC), lambda i: (i, 0)),
            pl.BlockSpec((_H, _H), lambda i: (0, 0)),
            pl.BlockSpec((_H, _C), lambda i: (0, 0)),
            pl.BlockSpec((1, _C), lambda i: (0, 0)),
        ],
        out_specs=pl.BlockSpec((_BR, _C), lambda i: (i, 0)),
        out_shape=jax.ShapeDtypeStruct((_N, _C), jnp.float32),
    )(p, x0, degp, Wc, W1, b1r)


def kernel(x, edge_index, W0, b0, Wc1, Wc2, Wc3, W1, b1):
    src = edge_index[0]
    dst = edge_index[1]
    pad = _EPAD - _E
    pad_n = jnp.full((pad,), _N, jnp.int32)
    srcs_deg = jnp.concatenate([src, pad_n]).reshape(_NW, _CPT, _CHUNK)
    dst_p = jnp.concatenate([dst, pad_n])
    dsts_deg = dst_p.reshape(_NW, _CPT, _CHUNK)
    dsts_agg = dst_p.reshape(_NS, _CPS, _CHUNK)
    srcs_agg = jnp.concatenate(
        [src, jnp.zeros((pad,), jnp.int32)]).reshape(_NS, _CPS, _CHUNK)
    zrows = jnp.zeros((_ZR, _HH), jnp.float32)

    degp = _deg_kernel(srcs_deg, dsts_deg)
    degp = degp[:, :, :_N].transpose(2, 0, 1).reshape(_N, 2 * _NC)
    x0, m = _tc_in(x, W0, b0.reshape(1, _H), degp)
    for l, Wc in enumerate((Wc1, Wc2, Wc3), start=1):
        beta = math.log(_LAMBDA / l + 1.0)
        p = _agg_kernel(m, srcs_agg, dsts_agg, zrows)
        if l < 3:
            m = _tc_layer(beta, p, x0, degp, Wc)
        else:
            out = _tc_final(beta, p, x0, degp, Wc, W1, b1.reshape(1, _C))
    return out

# --- scband reference (transcript-rebuilt; emitter-appended) ---
"""Pipeline reference for scband-gcn2-50706383897196 (READ-ONLY COPY).

The authoritative reference and input builder live on the scoring server;
editing this copy changes nothing except your own understanding.
"""

import jax, jax.numpy as jnp
import numpy as np
import math

N = 10000
E = 320000
D = 128
H = 128
C = 64
ALPHA = 0.1
LAMBDA = 0.5


def setup_inputs(seed: int = 0) -> dict:
    key = jax.random.key(seed)
    ks = jax.random.split(key, 10)
    x = jax.random.normal(ks[0], (N, D), dtype=jnp.float32)
    edge_index = jax.random.randint(ks[1], (2, E), 0, N, dtype=jnp.int32)
    s = 1.0 / math.sqrt(H)
    W0 = jax.random.normal(ks[2], (D, H), dtype=jnp.float32) * (1.0 / math.sqrt(D))
    b0 = jnp.zeros((H,), dtype=jnp.float32)
    Wc1 = jax.random.normal(ks[3], (H, H), dtype=jnp.float32) * s
    Wc2 = jax.random.normal(ks[4], (H, H), dtype=jnp.float32) * s
    Wc3 = jax.random.normal(ks[5], (H, H), dtype=jnp.float32) * s
    W1 = jax.random.normal(ks[6], (H, C), dtype=jnp.float32) * s
    b1 = jnp.zeros((C,), dtype=jnp.float32)
    return {"x": x, "edge_index": edge_index, "W0": W0, "b0": b0,
            "Wc1": Wc1, "Wc2": Wc2, "Wc3": Wc3, "W1": W1, "b1": b1}


def reference(x, edge_index, W0, b0, Wc1, Wc2, Wc3, W1, b1):
    src = edge_index[0]
    dst = edge_index[1]
    # symmetric GCN normalization (DGL GCN2Conv: out-degree on src side, in-degree on dst side, clamped to 1)
    deg_out = jnp.clip(jnp.zeros((N,), jnp.float32).at[src].add(1.0), 1.0, None)
    deg_in = jnp.clip(jnp.zeros((N,), jnp.float32).at[dst].add(1.0), 1.0, None)
    norm_src = deg_out ** -0.5
    norm_dst = deg_in ** -0.5

    # dropout p=0.0 -> identity
    h = jax.nn.relu(x @ W0 + b0)
    x0 = h
    convs = [Wc1, Wc2, Wc3]
    for l, Wc in enumerate(convs, start=1):
        beta = math.log(LAMBDA / l + 1.0)
        m = h * norm_src[:, None]
        agg = jnp.zeros_like(h).at[dst].add(jnp.take(m, src, axis=0))
        agg = agg * norm_dst[:, None]
        rst = (1.0 - ALPHA) * agg + ALPHA * x0
        h = (1.0 - beta) * rst + beta * (rst @ Wc)
        if l != len(convs):
            h = jax.nn.relu(h)
    out = h @ W1 + b1
    return out

if __name__ == "__main__":
    import jax
    _d = setup_inputs()
    print(jax.jit(kernel)(*tuple(_d.values())))

</pallas_src>

<mosaic_0001>
#map = affine_map<(d0, d1) -> (0, 0, 0)>
#map1 = affine_map<(d0, d1) -> (0, 0)>
module attributes {stable_mosaic.version = 14 : i64} {
  func.func @_agg_kernel(%arg0: i32, %arg1: i32, %arg2: memref<2x10000x64xf32, #tpu.memory_space<hbm>>, %arg3: memref<16x160x128xi32, #tpu.memory_space<hbm>>, %arg4: memref<16x160x128xi32, #tpu.memory_space<hbm>>, %arg5: memref<640x64xf32, #tpu.memory_space<hbm>>, %arg6: memref<2x10240x64xf32, #tpu.memory_space<hbm>>, %arg7: memref<160x128xi32, #tpu.memory_space<vmem>>, %arg8: memref<160x128xi32, #tpu.memory_space<vmem>>, %arg9: memref<128x64xf32, #tpu.memory_space<vmem>>, %arg10: memref<128x64xf32, #tpu.memory_space<vmem>>, %arg11: memref<128x64xf32, #tpu.memory_space<vmem>>, %arg12: memref<128x64xf32, #tpu.memory_space<vmem>>, %arg13: memref<128x64xf32, #tpu.memory_space<vmem>>, %arg14: memref<10240x64xf32, #tpu.memory_space<vmem_shared>>, %arg15: memref<!tpu.dma_semaphore, #tpu.memory_space<semaphore_mem>>, %arg16: memref<!tpu.dma_semaphore, #tpu.memory_space<semaphore_mem>>, %arg17: memref<!tpu.dma_semaphore, #tpu.memory_space<semaphore_mem>>, %arg18: memref<!tpu.dma_semaphore, #tpu.memory_space<semaphore_mem>>, %arg19: memref<!tpu.dma_semaphore, #tpu.memory_space<semaphore_mem>>, %arg20: memref<!tpu.dma_semaphore, #tpu.memory_space<semaphore_mem>>, %arg21: memref<!tpu.dma_semaphore, #tpu.memory_space<semaphore_mem>>, %arg22: memref<!tpu.dma_semaphore, #tpu.memory_space<semaphore_mem>>, %arg23: memref<!tpu.dma_semaphore, #tpu.memory_space<semaphore_mem>>, %arg24: memref<!tpu.dma_semaphore, #tpu.memory_space<semaphore_mem>>) attributes {dimension_semantics = [#tpu.dimension_semantics<core_parallel>, #tpu.dimension_semantics<subcore_parallel>], iteration_bounds = array<i64: 2, 16>, scalar_prefetch = 0 : i64, scratch_operands = 18 : i64, tpu.core_type = #tpu.core_type<sc_vector_subcore>, window_params = [{transform_indices = #map}, {transform_indices = #map}, {transform_indices = #map}, {transform_indices = #map1}, {transform_indices = #map}]} {
    %mul3A = arith.constant 640 : i32
    %mul3A_0 = arith.muli %arg1, %mul3A : i32
    "tpu.region"() ({
      %run_scoped3A = tpu.sem_alloc : memref<!tpu.dma_semaphore, #tpu.memory_space<semaphore_mem>>
      %dma_start3A_96 = arith.constant 0 : i32
      %dma_start3A_97 = tpu.memref_slice %arg14[%mul3A_0, %dma_start3A_96] : memref<10240x64xf32, #tpu.memory_space<vmem_shared>> -> memref<640x64xf32, #tpu.memory_space<vmem_shared>>
      tpu.enqueue_dma source(%arg5 : memref<640x64xf32, #tpu.memory_space<hbm>>) target(%dma_start3A_97 : memref<640x64xf32, #tpu.memory_space<vmem_shared>>) target_semaphore(%run_scoped3A : memref<!tpu.dma_semaphore, #tpu.memory_space<semaphore_mem>>)
      %dma_wait3A_98 = arith.constant 0 : i32
      %dma_wait3A_99 = tpu.memref_slice %arg14[%mul3A_0, %dma_wait3A_98] : memref<10240x64xf32, #tpu.memory_space<vmem_shared>> -> memref<640x64xf32, #tpu.memory_space<vmem_shared>>
      tpu.wait_dma2 semaphore(%run_scoped3A : memref<!tpu.dma_semaphore, #tpu.memory_space<semaphore_mem>>) src(%arg5 : memref<640x64xf32, #tpu.memory_space<hbm>>) dst(%dma_wait3A_99 : memref<640x64xf32, #tpu.memory_space<vmem_shared>>)
      tpu.yield
    }) : () -> ()
    "tpu.region"() ({
      %run_scoped3A = tpu.sem_alloc : memref<!tpu.dma_semaphore, #tpu.memory_space<semaphore_mem>>
      %dma_start3A_96 = arith.constant 0 : i32
      %dma_start3A_97 = arith.constant 0 : i32
      %dma_start3A_98 = tpu.memref_slice %arg3[%arg1, %dma_start3A_96, %dma_start3A_97] : memref<16x160x128xi32, #tpu.memory_space<hbm>> -> memref<1x160x128xi32, #tpu.memory_space<hbm>>
      %dma_start3A_99 = tpu.memref_squeeze %dma_start3A_98 : memref<1x160x128xi32, #tpu.memory_space<hbm>> -> memref<160x128xi32, #tpu.memory_space<hbm>>
      %dma_start3A_100 = arith.constant 0 : i32
      %dma_start3A_101 = arith.constant 0 : i32
      %dma_start3A_102 = tpu.memref_slice %arg3[%arg1, %dma_start3A_100, %dma_start3A_101] : memref<16x160x128xi32, #tpu.memory_space<hbm>> -> memref<1x160x128xi32, #tpu.memory_space<hbm>>
      %dma_start3A_103 = tpu.memref_squeeze %dma_start3A_102 : memref<1x160x128xi32, #tpu.memory_space<hbm>> -> memref<160x128xi32, #tpu.memory_space<hbm>>
      tpu.enqueue_dma source(%dma_start3A_103 : memref<160x128xi32, #tpu.memory_space<hbm>>) target(%arg7 : memref<160x128xi32, #tpu.memory_space<vmem>>) target_semaphore(%run_scoped3A : memref<!tpu.dma_semaphore, #tpu.memory_space<semaphore_mem>>)
      %dma_wait3A_104 = arith.constant 0 : i32
      %dma_wait3A_105 = arith.constant 0 : i32
      %dma_wait3A_106 = tpu.memref_slice %arg3[%arg1, %dma_wait3A_104, %dma_wait3A_105] : memref<16x160x128xi32, #tpu.memory_space<hbm>> -> memref<1x160x128xi32, #tpu.memory_space<hbm>>
      %dma_wait3A_107 = tpu.memref_squeeze %dma_wait3A_106 : memref<1x160x128xi32, #tpu.memory_space<hbm>> -> memref<160x128xi32, #tpu.memory_space<hbm>>
      %dma_wait3A_108 = arith.constant 0 : i32
      %dma_wait3A_109 = arith.constant 0 : i32
      %dma_wait3A_110 = tpu.memref_slice %arg3[%arg1, %dma_wait3A_108, %dma_wait3A_109] : memref<16x160x128xi32, #tpu.memory_space<hbm>> -> memref<1x160x128xi32, #tpu.memory_space<hbm>>
      %dma_wait3A_111 = tpu.memref_squeeze %dma_wait3A_110 : memref<1x160x128xi32, #tpu.memory_space<hbm>> -> memref<160x128xi32, #tpu.memory_space<hbm>>
      tpu.wait_dma2 semaphore(%run_scoped3A : memref<!tpu.dma_semaphore, #tpu.memory_space<semaphore_mem>>) src(%dma_wait3A_111 : memref<160x128xi32, #tpu.memory_space<hbm>>) dst(%arg7 : memref<160x128xi32, #tpu.memory_space<vmem>>)
      tpu.yield
    }) : () -> ()
    "tpu.region"() ({
      %run_scoped3A = tpu.sem_alloc : memref<!tpu.dma_semaphore, #tpu.memory_space<semaphore_mem>>
      %dma_start3A_96 = arith.constant 0 : i32
      %dma_start3A_97 = arith.constant 0 : i32
      %dma_start3A_98 = tpu.memref_slice %arg4[%arg1, %dma_start3A_96, %dma_start3A_97] : memref<16x160x128xi32, #tpu.memory_space<hbm>> -> memref<1x160x128xi32, #tpu.memory_space<hbm>>
      %dma_start3A_99 = tpu.memref_squeeze %dma_start3A_98 : memref<1x160x128xi32, #tpu.memory_space<hbm>> -> memref<160x128xi32, #tpu.memory_space<hbm>>
      %dma_start3A_100 = arith.constant 0 : i32
      %dma_start3A_101 = arith.constant 0 : i32
      %dma_start3A_102 = tpu.memref_slice %arg4[%arg1, %dma_start3A_100, %dma_start3A_101] : memref<16x160x128xi32, #tpu.memory_space<hbm>> -> memref<1x160x128xi32, #tpu.memory_space<hbm>>
      %dma_start3A_103 = tpu.memref_squeeze %dma_start3A_102 : memref<1x160x128xi32, #tpu.memory_space<hbm>> -> memref<160x128xi32, #tpu.memory_space<hbm>>
      tpu.enqueue_dma source(%dma_start3A_103 : memref<160x128xi32, #tpu.memory_space<hbm>>) target(%arg8 : memref<160x128xi32, #tpu.memory_space<vmem>>) target_semaphore(%run_scoped3A : memref<!tpu.dma_semaphore, #tpu.memory_space<semaphore_mem>>)
      %dma_wait3A_104 = arith.constant 0 : i32
      %dma_wait3A_105 = arith.constant 0 : i32
      %dma_wait3A_106 = tpu.memref_slice %arg4[%arg1, %dma_wait3A_104, %dma_wait3A_105] : memref<16x160x128xi32, #tpu.memory_space<hbm>> -> memref<1x160x128xi32, #tpu.memory_space<hbm>>
      %dma_wait3A_107 = tpu.memref_squeeze %dma_wait3A_106 : memref<1x160x128xi32, #tpu.memory_space<hbm>> -> memref<160x128xi32, #tpu.memory_space<hbm>>
      %dma_wait3A_108 = arith.constant 0 : i32
      %dma_wait3A_109 = arith.constant 0 : i32
      %dma_wait3A_110 = tpu.memref_slice %arg4[%arg1, %dma_wait3A_108, %dma_wait3A_109] : memref<16x160x128xi32, #tpu.memory_space<hbm>> -> memref<1x160x128xi32, #tpu.memory_space<hbm>>
      %dma_wait3A_111 = tpu.memref_squeeze %dma_wait3A_110 : memref<1x160x128xi32, #tpu.memory_space<hbm>> -> memref<160x128xi32, #tpu.memory_space<hbm>>
      tpu.wait_dma2 semaphore(%run_scoped3A : memref<!tpu.dma_semaphore, #tpu.memory_space<semaphore_mem>>) src(%dma_wait3A_111 : memref<160x128xi32, #tpu.memory_space<hbm>>) dst(%arg8 : memref<160x128xi32, #tpu.memory_space<vmem>>)
      tpu.yield
    }) : () -> ()
    %barrier3A = arith.constant 0 : index
    tpu.barrier barrier_id(%barrier3A)
    %scan3A = arith.constant 0 : i32
    %scan3A_1 = arith.constant 0 : i32
    %scan3A_2 = arith.constant 32 : i32
    %scan3A_3 = arith.addi %scan3A_1, %scan3A_2 : i32
    %scan3A_4 = arith.constant 1 : i32
    scf.for %scan3A_96 = %scan3A_1 to %scan3A_3 step %scan3A_4  : i32 {
      %mul3A_97 = arith.constant 5 : i32
      %mul3A_98 = arith.muli %scan3A_96, %mul3A_97 : i32
      %add3A = arith.constant 0 : i32
      %add3A_99 = arith.addi %mul3A_98, %add3A : i32
      %gt3A = arith.constant 0 : i32
      %gt3A_100 = arith.cmpi sgt, %scan3A_96, %gt3A : i32
      %convert_element_type3A = arith.extui %gt3A_100 : i1 to i32
      %cond3A = arith.constant 0 : i32
      %cond3A_101 = arith.cmpi ne, %convert_element_type3A, %cond3A : i32
      scf.if %cond3A_101 {
        %sub3A_236 = arith.constant 5 : i32
        %sub3A_237 = arith.subi %add3A_99, %sub3A_236 : i32
        %dma_wait3A_238 = arith.constant 0 : i32
        %dma_wait3A_239 = tpu.memref_slice %arg8[%sub3A_237, %dma_wait3A_238] : memref<160x128xi32, #tpu.memory_space<vmem>> -> memref<1x128xi32, #tpu.memory_space<vmem>>
        %dma_wait3A_240 = tpu.memref_squeeze %dma_wait3A_239 : memref<1x128xi32, #tpu.memory_space<vmem>> -> memref<128xi32, #tpu.memory_space<vmem>>
        %dma_wait3A_241 = arith.constant 0 : i32
        %dma_wait3A_242 = arith.constant 0 : i32
        %dma_wait3A_243 = tpu.memref_slice %arg14[%dma_wait3A_241, %dma_wait3A_242] : memref<10240x64xf32, #tpu.memory_space<vmem_shared>> -> memref<10240x64xf32, #tpu.memory_space<vmem_shared>>
        tpu.wait_indirect_dma semaphore(%arg20 : memref<!tpu.dma_semaphore, #tpu.memory_space<semaphore_mem>>) src(%arg9 : memref<128x64xf32, #tpu.memory_space<vmem>>) dst(%dma_wait3A_243 : memref<10240x64xf32, #tpu.memory_space<vmem_shared>>)
      } else {
      }
      %dma_start3A_102 = arith.constant 0 : i32
      %dma_start3A_103 = tpu.memref_slice %arg7[%add3A_99, %dma_start3A_102] : memref<160x128xi32, #tpu.memory_space<vmem>> -> memref<1x128xi32, #tpu.memory_space<vmem>>
      %dma_start3A_104 = tpu.memref_squeeze %dma_start3A_103 : memref<1x128xi32, #tpu.memory_space<vmem>> -> memref<128xi32, #tpu.memory_space<vmem>>
      %dma_start3A_105 = arith.constant 0 : i32
      %dma_start3A_106 = arith.constant 0 : i32
      %dma_start3A_107 = tpu.memref_slice %arg2[%arg0, %dma_start3A_105, %dma_start3A_106] : memref<2x10000x64xf32, #tpu.memory_space<hbm>> -> memref<1x10000x64xf32, #tpu.memory_space<hbm>>
      %dma_start3A_108 = tpu.memref_squeeze %dma_start3A_107 : memref<1x10000x64xf32, #tpu.memory_space<hbm>> -> memref<10000x64xf32, #tpu.memory_space<hbm>>
      %dma_start3A_109 = arith.constant 0 : i32
      %dma_start3A_110 = arith.constant 0 : i32
      %dma_start3A_111 = tpu.memref_slice %dma_start3A_108[%dma_start3A_109, %dma_start3A_110] : memref<10000x64xf32, #tpu.memory_space<hbm>> -> memref<10000x64xf32, #tpu.memory_space<hbm>>
      tpu.enqueue_indirect_dma source(%dma_start3A_111 : memref<10000x64xf32, #tpu.memory_space<hbm>>) target(%arg9 : memref<128x64xf32, #tpu.memory_space<vmem>>) offsets(%dma_start3A_104 : memref<128xi32, #tpu.memory_space<vmem>>) semaphore(%arg15 : memref<!tpu.dma_semaphore, #tpu.memory_space<semaphore_mem>>)
      %sub3A = arith.constant 3 : i32
      %sub3A_112 = arith.subi %add3A_99, %sub3A : i32
      %gt3A_113 = arith.constant 0 : i32
      %gt3A_114 = arith.cmpi sgt, %scan3A_96, %gt3A_113 : i32
      %convert_element_type3A_115 = arith.extui %gt3A_114 : i1 to i32
      %cond3A_116 = arith.constant 0 : i32
      %cond3A_117 = arith.cmpi ne, %convert_element_type3A_115, %cond3A_116 : i32
      scf.if %cond3A_117 {
        %dma_wait3A_236 = arith.constant 0 : i32
        %dma_wait3A_237 = tpu.memref_slice %arg7[%sub3A_112, %dma_wait3A_236] : memref<160x128xi32, #tpu.memory_space<vmem>> -> memref<1x128xi32, #tpu.memory_space<vmem>>
        %dma_wait3A_238 = tpu.memref_squeeze %dma_wait3A_237 : memref<1x128xi32, #tpu.memory_space<vmem>> -> memref<128xi32, #tpu.memory_space<vmem>>
        %dma_wait3A_239 = arith.constant 0 : i32
        %dma_wait3A_240 = arith.constant 0 : i32
        %dma_wait3A_241 = tpu.memref_slice %arg2[%arg0, %dma_wait3A_239, %dma_wait3A_240] : memref<2x10000x64xf32, #tpu.memory_space<hbm>> -> memref<1x10000x64xf32, #tpu.memory_space<hbm>>
        %dma_wait3A_242 = tpu.memref_squeeze %dma_wait3A_241 : memref<1x10000x64xf32, #tpu.memory_space<hbm>> -> memref<10000x64xf32, #tpu.memory_space<hbm>>
        %dma_wait3A_243 = arith.constant 0 : i32
        %dma_wait3A_244 = arith.constant 0 : i32
        %dma_wait3A_245 = tpu.memref_slice %dma_wait3A_242[%dma_wait3A_243, %dma_wait3A_244] : memref<10000x64xf32, #tpu.memory_space<hbm>> -> memref<10000x64xf32, #tpu.memory_space<hbm>>
        tpu.wait_indirect_dma semaphore(%arg17 : memref<!tpu.dma_semaphore, #tpu.memory_space<semaphore_mem>>) src(%dma_wait3A_245 : memref<10000x64xf32, #tpu.memory_space<hbm>>) dst(%arg11 : memref<128x64xf32, #tpu.memory_space<vmem>>)
        %dma_start3A_246 = arith.constant 0 : i32
        %dma_start3A_247 = tpu.memref_slice %arg8[%sub3A_112, %dma_start3A_246] : memref<160x128xi32, #tpu.memory_space<vmem>> -> memref<1x128xi32, #tpu.memory_space<vmem>>
        %dma_start3A_248 = tpu.memref_squeeze %dma_start3A_247 : memref<1x128xi32, #tpu.memory_space<vmem>> -> memref<128xi32, #tpu.memory_space<vmem>>
        %dma_start3A_249 = arith.constant 0 : i32
        %dma_start3A_250 = arith.constant 0 : i32
        %dma_start3A_251 = tpu.memref_slice %arg14[%dma_start3A_249, %dma_start3A_250] : memref<10240x64xf32, #tpu.memory_space<vmem_shared>> -> memref<10240x64xf32, #tpu.memory_space<vmem_shared>>
        tpu.enqueue_indirect_dma source(%arg11 : memref<128x64xf32, #tpu.memory_space<vmem>>) target(%dma_start3A_251 : memref<10240x64xf32, #tpu.memory_space<vmem_shared>>) offsets(%dma_start3A_248 : memref<128xi32, #tpu.memory_space<vmem>>) semaphore(%arg22 : memref<!tpu.dma_semaphore, #tpu.memory_space<semaphore_mem>>) {add = true}
      } else {
      }
      %add3A_118 = arith.constant 1 : i32
      %add3A_119 = arith.addi %mul3A_98, %add3A_118 : i32
      %gt3A_120 = arith.constant 0 : i32
      %gt3A_121 = arith.cmpi sgt, %scan3A_96, %gt3A_120 : i32
      %convert_element_type3A_122 = arith.extui %gt3A_121 : i1 to i32
      %cond3A_123 = arith.constant 0 : i32
      %cond3A_124 = arith.cmpi ne, %convert_element_type3A_122, %cond3A_123 : i32
      scf.if %cond3A_124 {
        %sub3A_236 = arith.constant 5 : i32
        %sub3A_237 = arith.subi %add3A_119, %sub3A_236 : i32
        %dma_wait3A_238 = arith.constant 0 : i32
        %dma_wait3A_239 = tpu.memref_slice %arg8[%sub3A_237, %dma_wait3A_238] : memref<160x128xi32, #tpu.memory_space<vmem>> -> memref<1x128xi32, #tpu.memory_space<vmem>>
        %dma_wait3A_240 = tpu.memref_squeeze %dma_wait3A_239 : memref<1x128xi32, #tpu.memory_space<vmem>> -> memref<128xi32, #tpu.memory_space<vmem>>
        %dma_wait3A_241 = arith.constant 0 : i32
        %dma_wait3A_242 = arith.constant 0 : i32
        %dma_wait3A_243 = tpu.memref_slice %arg14[%dma_wait3A_241, %dma_wait3A_242] : memref<10240x64xf32, #tpu.memory_space<vmem_shared>> -> memref<10240x64xf32, #tpu.memory_space<vmem_shared>>
        tpu.wait_indirect_dma semaphore(%arg21 : memref<!tpu.dma_semaphore, #tpu.memory_space<semaphore_mem>>) src(%arg10 : memref<128x64xf32, #tpu.memory_space<vmem>>) dst(%dma_wait3A_243 : memref<10240x64xf32, #tpu.memory_space<vmem_shared>>)
      } else {
      }
      %dma_start3A_125 = arith.constant 0 : i32
      %dma_start3A_126 = tpu.memref_slice %arg7[%add3A_119, %dma_start3A_125] : memref<160x128xi32, #tpu.memory_space<vmem>> -> memref<1x128xi32, #tpu.memory_space<vmem>>
      %dma_start3A_127 = tpu.memref_squeeze %dma_start3A_126 : memref<1x128xi32, #tpu.memory_space<vmem>> -> memref<128xi32, #tpu.memory_space<vmem>>
      %dma_start3A_128 = arith.constant 0 : i32
      %dma_start3A_129 = arith.constant 0 : i32
      %dma_start3A_130 = tpu.memref_slice %arg2[%arg0, %dma_start3A_128, %dma_start3A_129] : memref<2x10000x64xf32, #tpu.memory_space<hbm>> -> memref<1x10000x64xf32, #tpu.memory_space<hbm>>
      %dma_start3A_131 = tpu.memref_squeeze %dma_start3A_130 : memref<1x10000x64xf32, #tpu.memory_space<hbm>> -> memref<10000x64xf32, #tpu.memory_space<hbm>>
      %dma_start3A_132 = arith.constant 0 : i32
      %dma_start3A_133 = arith.constant 0 : i32
      %dma_start3A_134 = tpu.memref_slice %dma_start3A_131[%dma_start3A_132, %dma_start3A_133] : memref<10000x64xf32, #tpu.memory_space<hbm>> -> memref<10000x64xf32, #tpu.memory_space<hbm>>
      tpu.enqueue_indirect_dma source(%dma_start3A_134 : memref<10000x64xf32, #tpu.memory_space<hbm>>) target(%arg10 : memref<128x64xf32, #tpu.memory_space<vmem>>) offsets(%dma_start3A_127 : memref<128xi32, #tpu.memory_space<vmem>>) semaphore(%arg16 : memref<!tpu.dma_semaphore, #tpu.memory_space<semaphore_mem>>)
      %sub3A_135 = arith.constant 3 : i32
      %sub3A_136 = arith.subi %add3A_119, %sub3A_135 : i32
      %gt3A_137 = arith.constant 0 : i32
      %gt3A_138 = arith.cmpi sgt, %scan3A_96, %gt3A_137 : i32
      %convert_element_type3A_139 = arith.extui %gt3A_138 : i1 to i32
      %cond3A_140 = arith.constant 0 : i32
      %cond3A_141 = arith.cmpi ne, %convert_element_type3A_139, %cond3A_140 : i32
      scf.if %cond3A_141 {
        %dma_wait3A_236 = arith.constant 0 : i32
        %dma_wait3A_237 = tpu.memref_slice %arg7[%sub3A_136, %dma_wait3A_236] : memref<160x128xi32, #tpu.memory_space<vmem>> -> memref<1x128xi32, #tpu.memory_space<vmem>>
        %dma_wait3A_238 = tpu.memref_squeeze %dma_wait3A_237 : memref<1x128xi32, #tpu.memory_space<vmem>> -> memref<128xi32, #tpu.memory_space<vmem>>
        %dma_wait3A_239 = arith.constant 0 : i32
        %dma_wait3A_240 = arith.constant 0 : i32
        %dma_wait3A_241 = tpu.memref_slice %arg2[%arg0, %dma_wait3A_239, %dma_wait3A_240] : memref<2x10000x64xf32, #tpu.memory_space<hbm>> -> memref<1x10000x64xf32, #tpu.memory_space<hbm>>
        %dma_wait3A_242 = tpu.memref_squeeze %dma_wait3A_241 : memref<1x10000x64xf32, #tpu.memory_space<hbm>> -> memref<10000x64xf32, #tpu.memory_space<hbm>>
        %dma_wait3A_243 = arith.constant 0 : i32
        %dma_wait3A_244 = arith.constant 0 : i32
        %dma_wait3A_245 = tpu.memref_slice %dma_wait3A_242[%dma_wait3A_243, %dma_wait3A_244] : memref<10000x64xf32, #tpu.memory_space<hbm>> -> memref<10000x64xf32, #tpu.memory_space<hbm>>
        tpu.wait_indirect_dma semaphore(%arg18 : memref<!tpu.dma_semaphore, #tpu.memory_space<semaphore_mem>>) src(%dma_wait3A_245 : memref<10000x64xf32, #tpu.memory_space<hbm>>) dst(%arg12 : memref<128x64xf32, #tpu.memory_space<vmem>>)
        %dma_start3A_246 = arith.constant 0 : i32
        %dma_start3A_247 = tpu.memref_slice %arg8[%sub3A_136, %dma_start3A_246] : memref<160x128xi32, #tpu.memory_space<vmem>> -> memref<1x128xi32, #tpu.memory_space<vmem>>
        %dma_start3A_248 = tpu.memref_squeeze %dma_start3A_247 : memref<1x128xi32, #tpu.memory_space<vmem>> -> memref<128xi32, #tpu.memory_space<vmem>>
        %dma_start3A_249 = arith.constant 0 : i32
        %dma_start3A_250 = arith.constant 0 : i32
        %dma_start3A_251 = tpu.memref_slice %arg14[%dma_start3A_249, %dma_start3A_250] : memref<10240x64xf32, #tpu.memory_space<vmem_shared>> -> memref<10240x64xf32, #tpu.memory_space<vmem_shared>>
        tpu.enqueue_indirect_dma source(%arg12 : memref<128x64xf32, #tpu.memory_space<vmem>>) target(%dma_start3A_251 : memref<10240x64xf32, #tpu.memory_space<vmem_shared>>) offsets(%dma_start3A_248 : memref<128xi32, #tpu.memory_space<vmem>>) semaphore(%arg23 : memref<!tpu.dma_semaphore, #tpu.memory_space<semaphore_mem>>) {add = true}
      } else {
      }
      %add3A_142 = arith.constant 2 : i32
      %add3A_143 = arith.addi %mul3A_98, %add3A_142 : i32
      %gt3A_144 = arith.constant 0 : i32
      %gt3A_145 = arith.cmpi sgt, %scan3A_96, %gt3A_144 : i32
      %convert_element_type3A_146 = arith.extui %gt3A_145 : i1 to i32
      %cond3A_147 = arith.constant 0 : i32
      %cond3A_148 = arith.cmpi ne, %convert_element_type3A_146, %cond3A_147 : i32
      scf.if %cond3A_148 {
        %sub3A_236 = arith.constant 5 : i32
        %sub3A_237 = arith.subi %add3A_143, %sub3A_236 : i32
        %dma_wait3A_238 = arith.constant 0 : i32
        %dma_wait3A_239 = tpu.memref_slice %arg8[%sub3A_237, %dma_wait3A_238] : memref<160x128xi32, #tpu.memory_space<vmem>> -> memref<1x128xi32, #tpu.memory_space<vmem>>
        %dma_wait3A_240 = tpu.memref_squeeze %dma_wait3A_239 : memref<1x128xi32, #tpu.memory_space<vmem>> -> memref<128xi32, #tpu.memory_space<vmem>>
        %dma_wait3A_241 = arith.constant 0 : i32
        %dma_wait3A_242 = arith.constant 0 : i32
        %dma_wait3A_243 = tpu.memref_slice %arg14[%dma_wait3A_241, %dma_wait3A_242] : memref<10240x64xf32, #tpu.memory_space<vmem_shared>> -> memref<10240x64xf32, #tpu.memory_space<vmem_shared>>
        tpu.wait_indirect_dma semaphore(%arg22 : memref<!tpu.dma_semaphore, #tpu.memory_space<semaphore_mem>>) src(%arg11 : memref<128x64xf32, #tpu.memory_space<vmem>>) dst(%dma_wait3A_243 : memref<10240x64xf32, #tpu.memory_space<vmem_shared>>)
      } else {
      }
      %dma_start3A_149 = arith.constant 0 : i32
      %dma_start3A_150 = tpu.memref_slice %arg7[%add3A_143, %dma_start3A_149] : memref<160x128xi32, #tpu.memory_space<vmem>> -> memref<1x128xi32, #tpu.memory_space<vmem>>
      %dma_start3A_151 = tpu.memref_squeeze %dma_start3A_150 : memref<1x128xi32, #tpu.memory_space<vmem>> -> memref<128xi32, #tpu.memory_space<vmem>>
      %dma_start3A_152 = arith.constant 0 : i32
      %dma_start3A_153 = arith.constant 0 : i32
      %dma_start3A_154 = tpu.memref_slice %arg2[%arg0, %dma_start3A_152, %dma_start3A_153] : memref<2x10000x64xf32, #tpu.memory_space<hbm>> -> memref<1x10000x64xf32, #tpu.memory_space<hbm>>
      %dma_start3A_155 = tpu.memref_squeeze %dma_start3A_154 : memref<1x10000x64xf32, #tpu.memory_space<hbm>> -> memref<10000x64xf32, #tpu.memory_space<hbm>>
      %dma_start3A_156 = arith.constant 0 : i32
      %dma_start3A_157 = arith.constant 0 : i32
      %dma_start3A_158 = tpu.memref_slice %dma_start3A_155[%dma_start3A_156, %dma_start3A_157] : memref<10000x64xf32, #tpu.memory_space<hbm>> -> memref<10000x64xf32, #tpu.memory_space<hbm>>
      tpu.enqueue_indirect_dma source(%dma_start3A_158 : memref<10000x64xf32, #tpu.memory_space<hbm>>) target(%arg11 : memref<128x64xf32, #tpu.memory_space<vmem>>) offsets(%dma_start3A_151 : memref<128xi32, #tpu.memory_space<vmem>>) semaphore(%arg17 : memref<!tpu.dma_semaphore, #tpu.memory_space<semaphore_mem>>)
      %sub3A_159 = arith.constant 3 : i32
      %sub3A_160 = arith.subi %add3A_143, %sub3A_159 : i32
      %gt3A_161 = arith.constant 0 : i32
      %gt3A_162 = arith.cmpi sgt, %scan3A_96, %gt3A_161 : i32
      %convert_element_type3A_163 = arith.extui %gt3A_162 : i1 to i32
      %cond3A_164 = arith.constant 0 : i32
      %cond3A_165 = arith.cmpi ne, %convert_element_type3A_163, %cond3A_164 : i32
      scf.if %cond3A_165 {
        %dma_wait3A_236 = arith.constant 0 : i32
        %dma_wait3A_237 = tpu.memref_slice %arg7[%sub3A_160, %dma_wait3A_236] : memref<160x128xi32, #tpu.memory_space<vmem>> -> memref<1x128xi32, #tpu.memory_space<vmem>>
        %dma_wait3A_238 = tpu.memref_squeeze %dma_wait3A_237 : memref<1x128xi32, #tpu.memory_space<vmem>> -> memref<128xi32, #tpu.memory_space<vmem>>
        %dma_wait3A_239 = arith.constant 0 : i32
        %dma_wait3A_240 = arith.constant 0 : i32
        %dma_wait3A_241 = tpu.memref_slice %arg2[%arg0, %dma_wait3A_239, %dma_wait3A_240] : memref<2x10000x64xf32, #tpu.memory_space<hbm>> -> memref<1x10000x64xf32, #tpu.memory_space<hbm>>
        %dma_wait3A_242 = tpu.memref_squeeze %dma_wait3A_241 : memref<1x10000x64xf32, #tpu.memory_space<hbm>> -> memref<10000x64xf32, #tpu.memory_space<hbm>>
        %dma_wait3A_243 = arith.constant 0 : i32
        %dma_wait3A_244 = arith.constant 0 : i32
        %dma_wait3A_245 = tpu.memref_slice %dma_wait3A_242[%dma_wait3A_243, %dma_wait3A_244] : memref<10000x64xf32, #tpu.memory_space<hbm>> -> memref<10000x64xf32, #tpu.memory_space<hbm>>
        tpu.wait_indirect_dma semaphore(%arg19 : memref<!tpu.dma_semaphore, #tpu.memory_space<semaphore_mem>>) src(%dma_wait3A_245 : memref<10000x64xf32, #tpu.memory_space<hbm>>) dst(%arg13 : memref<128x64xf32, #tpu.memory_space<vmem>>)
        %dma_start3A_246 = arith.constant 0 : i32
        %dma_start3A_247 = tpu.memref_slice %arg8[%sub3A_160, %dma_start3A_246] : memref<160x128xi32, #tpu.memory_space<vmem>> -> memref<1x128xi32, #tpu.memory_space<vmem>>
        %dma_start3A_248 = tpu.memref_squeeze %dma_start3A_247 : memref<1x128xi32, #tpu.memory_space<vmem>> -> memref<128xi32, #tpu.memory_space<vmem>>
        %dma_start3A_249 = arith.constant 0 : i32
        %dma_start3A_250 = arith.constant 0 : i32
        %dma_start3A_251 = tpu.memref_slice %arg14[%dma_start3A_249, %dma_start3A_250] : memref<10240x64xf32, #tpu.memory_space<vmem_shared>> -> memref<10240x64xf32, #tpu.memory_space<vmem_shared>>
        tpu.enqueue_indirect_dma source(%arg13 : memref<128x64xf32, #tpu.memory_space<vmem>>) target(%dma_start3A_251 : memref<10240x64xf32, #tpu.memory_space<vmem_shared>>) offsets(%dma_start3A_248 : memref<128xi32, #tpu.memory_space<vmem>>) semaphore(%arg24 : memref<!tpu.dma_semaphore, #tpu.memory_space<semaphore_mem>>) {add = true}
      } else {
      }
      %add3A_166 = arith.constant 3 : i32
      %add3A_167 = arith.addi %mul3A_98, %add3A_166 : i32
      %gt3A_168 = arith.constant 0 : i32
      %gt3A_169 = arith.cmpi sgt, %scan3A_96, %gt3A_168 : i32
      %convert_element_type3A_170 = arith.extui %gt3A_169 : i1 to i32
      %cond3A_171 = arith.constant 0 : i32
      %cond3A_172 = arith.cmpi ne, %convert_element_type3A_170, %cond3A_171 : i32
      scf.if %cond3A_172 {
        %sub3A_236 = arith.constant 5 : i32
        %sub3A_237 = arith.subi %add3A_167, %sub3A_236 : i32
        %dma_wait3A_238 = arith.constant 0 : i32
        %dma_wait3A_239 = tpu.memref_slice %arg8[%sub3A_237, %dma_wait3A_238] : memref<160x128xi32, #tpu.memory_space<vmem>> -> memref<1x128xi32, #tpu.memory_space<vmem>>
        %dma_wait3A_240 = tpu.memref_squeeze %dma_wait3A_239 : memref<1x128xi32, #tpu.memory_space<vmem>> -> memref<128xi32, #tpu.memory_space<vmem>>
        %dma_wait3A_241 = arith.constant 0 : i32
        %dma_wait3A_242 = arith.constant 0 : i32
        %dma_wait3A_243 = tpu.memref_slice %arg14[%dma_wait3A_241, %dma_wait3A_242] : memref<10240x64xf32, #tpu.memory_space<vmem_shared>> -> memref<10240x64xf32, #tpu.memory_space<vmem_shared>>
        tpu.wait_indirect_dma semaphore(%arg23 : memref<!tpu.dma_semaphore, #tpu.memory_space<semaphore_mem>>) src(%arg12 : memref<128x64xf32, #tpu.memory_space<vmem>>) dst(%dma_wait3A_243 : memref<10240x64xf32, #tpu.memory_space<vmem_shared>>)
      } else {
      }
      %dma_start3A_173 = arith.constant 0 : i32
      %dma_start3A_174 = tpu.memref_slice %arg7[%add3A_167, %dma_start3A_173] : memref<160x128xi32, #tpu.memory_space<vmem>> -> memref<1x128xi32, #tpu.memory_space<vmem>>
      %dma_start3A_175 = tpu.memref_squeeze %dma_start3A_174 : memref<1x128xi32, #tpu.memory_space<vmem>> -> memref<128xi32, #tpu.memory_space<vmem>>
      %dma_start3A_176 = arith.constant 0 : i32
      %dma_start3A_177 = arith.constant 0 : i32
      %dma_start3A_178 = tpu.memref_slice %arg2[%arg0, %dma_start3A_176, %dma_start3A_177] : memref<2x10000x64xf32, #tpu.memory_space<hbm>> -> memref<1x10000x64xf32, #tpu.memory_space<hbm>>
      %dma_start3A_179 = tpu.memref_squeeze %dma_start3A_178 : memref<1x10000x64xf32, #tpu.memory_space<hbm>> -> memref<10000x64xf32, #tpu.memory_space<hbm>>
      %dma_start3A_180 = arith.constant 0 : i32
      %dma_start3A_181 = arith.constant 0 : i32
      %dma_start3A_182 = tpu.memref_slice %dma_start3A_179[%dma_start3A_180, %dma_start3A_181] : memref<10000x64xf32, #tpu.memory_space<hbm>> -> memref<10000x64xf32, #tpu.memory_space<hbm>>
      tpu.enqueue_indirect_dma source(%dma_start3A_182 : memref<10000x64xf32, #tpu.memory_space<hbm>>) target(%arg12 : memref<128x64xf32, #tpu.memory_space<vmem>>) offsets(%dma_start3A_175 : memref<128xi32, #tpu.memory_space<vmem>>) semaphore(%arg18 : memref<!tpu.dma_semaphore, #tpu.memory_space<semaphore_mem>>)
      %sub3A_183 = arith.constant 3 : i32
      %sub3A_184 = arith.subi %add3A_167, %sub3A_183 : i32
      %dma_wait3A_185 = arith.constant 0 : i32
      %dma_wait3A_186 = tpu.memref_slice %arg7[%sub3A_184, %dma_wait3A_185] : memref<160x128xi32, #tpu.memory_space<vmem>> -> memref<1x128xi32, #tpu.memory_space<vmem>>
      %dma_wait3A_187 = tpu.memref_squeeze %dma_wait3A_186 : memref<1x128xi32, #tpu.memory_space<vmem>> -> memref<128xi32, #tpu.memory_space<vmem>>
      %dma_wait3A_188 = arith.constant 0 : i32
      %dma_wait3A_189 = arith.constant 0 : i32
      %dma_wait3A_190 = tpu.memref_slice %arg2[%arg0, %dma_wait3A_188, %dma_wait3A_189] : memref<2x10000x64xf32, #tpu.memory_space<hbm>> -> memref<1x10000x64xf32, #tpu.memory_space<hbm>>
      %dma_wait3A_191 = tpu.memref_squeeze %dma_wait3A_190 : memref<1x10000x64xf32, #tpu.memory_space<hbm>> -> memref<10000x64xf32, #tpu.memory_space<hbm>>
      %dma_wait3A_192 = arith.constant 0 : i32
      %dma_wait3A_193 = arith.constant 0 : i32
      %dma_wait3A_194 = tpu.memref_slice %dma_wait3A_191[%dma_wait3A_192, %dma_wait3A_193] : memref<10000x64xf32, #tpu.memory_space<hbm>> -> memref<10000x64xf32, #tpu.memory_space<hbm>>
      tpu.wait_indirect_dma semaphore(%arg15 : memref<!tpu.dma_semaphore, #tpu.memory_space<semaphore_mem>>) src(%dma_wait3A_194 : memref<10000x64xf32, #tpu.memory_space<hbm>>) dst(%arg9 : memref<128x64xf32, #tpu.memory_space<vmem>>)
      %dma_start3A_195 = arith.constant 0 : i32
      %dma_start3A_196 = tpu.memref_slice %arg8[%sub3A_184, %dma_start3A_195] : memref<160x128xi32, #tpu.memory_space<vmem>> -> memref<1x128xi32, #tpu.memory_space<vmem>>
      %dma_start3A_197 = tpu.memref_squeeze %dma_start3A_196 : memref<1x128xi32, #tpu.memory_space<vmem>> -> memref<128xi32, #tpu.memory_space<vmem>>
      %dma_start3A_198 = arith.constant 0 : i32
      %dma_start3A_199 = arith.constant 0 : i32
      %dma_start3A_200 = tpu.memref_slice %arg14[%dma_start3A_198, %dma_start3A_199] : memref<10240x64xf32, #tpu.memory_space<vmem_shared>> -> memref<10240x64xf32, #tpu.memory_space<vmem_shared>>
      tpu.enqueue_indirect_dma source(%arg9 : memref<128x64xf32, #tpu.memory_space<vmem>>) target(%dma_start3A_200 : memref<10240x64xf32, #tpu.memory_space<vmem_shared>>) offsets(%dma_start3A_197 : memref<128xi32, #tpu.memory_space<vmem>>) semaphore(%arg20 : memref<!tpu.dma_semaphore, #tpu.memory_space<semaphore_mem>>) {add = true}
      %add3A_201 = arith.constant 4 : i32
      %add3A_202 = arith.addi %mul3A_98, %add3A_201 : i32
      %gt3A_203 = arith.constant 0 : i32
      %gt3A_204 = arith.cmpi sgt, %scan3A_96, %gt3A_203 : i32
      %convert_element_type3A_205 = arith.extui %gt3A_204 : i1 to i32
      %cond3A_206 = arith.constant 0 : i32
      %cond3A_207 = arith.cmpi ne, %convert_element_type3A_205, %cond3A_206 : i32
      scf.if %cond3A_207 {
        %sub3A_236 = arith.constant 5 : i32
        %sub3A_237 = arith.subi %add3A_202, %sub3A_236 : i32
        %dma_wait3A_238 = arith.constant 0 : i32
        %dma_wait3A_239 = tpu.memref_slice %arg8[%sub3A_237, %dma_wait3A_238] : memref<160x128xi32, #tpu.memory_space<vmem>> -> memref<1x128xi32, #tpu.memory_space<vmem>>
        %dma_wait3A_240 = tpu.memref_squeeze %dma_wait3A_239 : memref<1x128xi32, #tpu.memory_space<vmem>> -> memref<128xi32, #tpu.memory_space<vmem>>
        %dma_wait3A_241 = arith.constant 0 : i32
        %dma_wait3A_242 = arith.constant 0 : i32
        %dma_wait3A_243 = tpu.memref_slice %arg14[%dma_wait3A_241, %dma_wait3A_242] : memref<10240x64xf32, #tpu.memory_space<vmem_shared>> -> memref<10240x64xf32, #tpu.memory_space<vmem_shared>>
        tpu.wait_indirect_dma semaphore(%arg24 : memref<!tpu.dma_semaphore, #tpu.memory_space<semaphore_mem>>) src(%arg13 : memref<128x64xf32, #tpu.memory_space<vmem>>) dst(%dma_wait3A_243 : memref<10240x64xf32, #tpu.memory_space<vmem_shared>>)
      } else {
      }
      %dma_start3A_208 = arith.constant 0 : i32
      %dma_start3A_209 = tpu.memref_slice %arg7[%add3A_202, %dma_start3A_208] : memref<160x128xi32, #tpu.memory_space<vmem>> -> memref<1x128xi32, #tpu.memory_space<vmem>>
      %dma_start3A_210 = tpu.memref_squeeze %dma_start3A_209 : memref<1x128xi32, #tpu.memory_space<vmem>> -> memref<128xi32, #tpu.memory_space<vmem>>
      %dma_start3A_211 = arith.constant 0 : i32
      %dma_start3A_212 = arith.constant 0 : i32
      %dma_start3A_213 = tpu.memref_slice %arg2[%arg0, %dma_start3A_211, %dma_start3A_212] : memref<2x10000x64xf32, #tpu.memory_space<hbm>> -> memref<1x10000x64xf32, #tpu.memory_space<hbm>>
      %dma_start3A_214 = tpu.memref_squeeze %dma_start3A_213 : memref<1x10000x64xf32, #tpu.memory_space<hbm>> -> memref<10000x64xf32, #tpu.memory_space<hbm>>
      %dma_start3A_215 = arith.constant 0 : i32
      %dma_start3A_216 = arith.constant 0 : i32
      %dma_start3A_217 = tpu.memref_slice %dma_start3A_214[%dma_start3A_215, %dma_start3A_216] : memref<10000x64xf32, #tpu.memory_space<hbm>> -> memref<10000x64xf32, #tpu.memory_space<hbm>>
      tpu.enqueue_indirect_dma source(%dma_start3A_217 : memref<10000x64xf32, #tpu.memory_space<hbm>>) target(%arg13 : memref<128x64xf32, #tpu.memory_space<vmem>>) offsets(%dma_start3A_210 : memref<128xi32, #tpu.memory_space<vmem>>) semaphore(%arg19 : memref<!tpu.dma_semaphore, #tpu.memory_space<semaphore_mem>>)
      %sub3A_218 = arith.constant 3 : i32
      %sub3A_219 = arith.subi %add3A_202, %sub3A_218 : i32
      %dma_wait3A_220 = arith.constant 0 : i32
      %dma_wait3A_221 = tpu.memref_slice %arg7[%sub3A_219, %dma_wait3A_220] : memref<160x128xi32, #tpu.memory_space<vmem>> -> memref<1x128xi32, #tpu.memory_space<vmem>>
      %dma_wait3A_222 = tpu.memref_squeeze %dma_wait3A_221 : memref<1x128xi32, #tpu.memory_space<vmem>> -> memref<128xi32, #tpu.memory_space<vmem>>
      %dma_wait3A_223 = arith.constant 0 : i32
      %dma_wait3A_224 = arith.constant 0 : i32
      %dma_wait3A_225 = tpu.memref_slice %arg2[%arg0, %dma_wait3A_223, %dma_wait3A_224] : memref<2x10000x64xf32, #tpu.memory_space<hbm>> -> memref<1x10000x64xf32, #tpu.memory_space<hbm>>
      %dma_wait3A_226 = tpu.memref_squeeze %dma_wait3A_225 : memref<1x10000x64xf32, #tpu.memory_space<hbm>> -> memref<10000x64xf32, #tpu.memory_space<hbm>>
      %dma_wait3A_227 = arith.constant 0 : i32
      %dma_wait3A_228 = arith.constant 0 : i32
      %dma_wait3A_229 = tpu.memref_slice %dma_wait3A_226[%dma_wait3A_227, %dma_wait3A_228] : memref<10000x64xf32, #tpu.memory_space<hbm>> -> memref<10000x64xf32, #tpu.memory_space<hbm>>
      tpu.wait_indirect_dma semaphore(%arg16 : memref<!tpu.dma_semaphore, #tpu.memory_space<semaphore_mem>>) src(%dma_wait3A_229 : memref<10000x64xf32, #tpu.memory_space<hbm>>) dst(%arg10 : memref<128x64xf32, #tpu.memory_space<vmem>>)
      %dma_start3A_230 = arith.constant 0 : i32
      %dma_start3A_231 = tpu.memref_slice %arg8[%sub3A_219, %dma_start3A_230] : memref<160x128xi32, #tpu.memory_space<vmem>> -> memref<1x128xi32, #tpu.memory_space<vmem>>
      %dma_start3A_232 = tpu.memref_squeeze %dma_start3A_231 : memref<1x128xi32, #tpu.memory_space<vmem>> -> memref<128xi32, #tpu.memory_space<vmem>>
      %dma_start3A_233 = arith.constant 0 : i32
      %dma_start3A_234 = arith.constant 0 : i32
      %dma_start3A_235 = tpu.memref_slice %arg14[%dma_start3A_233, %dma_start3A_234] : memref<10240x64xf32, #tpu.memory_space<vmem_shared>> -> memref<10240x64xf32, #tpu.memory_space<vmem_shared>>
      tpu.enqueue_indirect_dma source(%arg10 : memref<128x64xf32, #tpu.memory_space<vmem>>) target(%dma_start3A_235 : memref<10240x64xf32, #tpu.memory_space<vmem_shared>>) offsets(%dma_start3A_232 : memref<128xi32, #tpu.memory_space<vmem>>) semaphore(%arg21 : memref<!tpu.dma_semaphore, #tpu.memory_space<semaphore_mem>>) {add = true}
    }
    %scan3A_5 = arith.constant 32 : i32
    %dma_wait3A = arith.constant 157 : i32
    %dma_wait3A_6 = arith.constant 0 : i32
    %dma_wait3A_7 = tpu.memref_slice %arg7[%dma_wait3A, %dma_wait3A_6] : memref<160x128xi32, #tpu.memory_space<vmem>> -> memref<1x128xi32, #tpu.memory_space<vmem>>
    %dma_wait3A_8 = tpu.memref_squeeze %dma_wait3A_7 : memref<1x128xi32, #tpu.memory_space<vmem>> -> memref<128xi32, #tpu.memory_space<vmem>>
    %dma_wait3A_9 = arith.constant 0 : i32
    %dma_wait3A_10 = arith.constant 0 : i32
    %dma_wait3A_11 = tpu.memref_slice %arg2[%arg0, %dma_wait3A_9, %dma_wait3A_10] : memref<2x10000x64xf32, #tpu.memory_space<hbm>> -> memref<1x10000x64xf32, #tpu.memory_space<hbm>>
    %dma_wait3A_12 = tpu.memref_squeeze %dma_wait3A_11 : memref<1x10000x64xf32, #tpu.memory_space<hbm>> -> memref<10000x64xf32, #tpu.memory_space<hbm>>
    %dma_wait3A_13 = arith.constant 0 : i32
    %dma_wait3A_14 = arith.constant 0 : i32
    %dma_wait3A_15 = tpu.memref_slice %dma_wait3A_12[%dma_wait3A_13, %dma_wait3A_14] : memref<10000x64xf32, #tpu.memory_space<hbm>> -> memref<10000x64xf32, #tpu.memory_space<hbm>>
    tpu.wait_indirect_dma semaphore(%arg17 : memref<!tpu.dma_semaphore, #tpu.memory_space<semaphore_mem>>) src(%dma_wait3A_15 : memref<10000x64xf32, #tpu.memory_space<hbm>>) dst(%arg11 : memref<128x64xf32, #tpu.memory_space<vmem>>)
    %dma_start3A = arith.constant 157 : i32
    %dma_start3A_16 = arith.constant 0 : i32
    %dma_start3A_17 = tpu.memref_slice %arg8[%dma_start3A, %dma_start3A_16] : memref<160x128xi32, #tpu.memory_space<vmem>> -> memref<1x128xi32, #tpu.memory_space<vmem>>
    %dma_start3A_18 = tpu.memref_squeeze %dma_start3A_17 : memref<1x128xi32, #tpu.memory_space<vmem>> -> memref<128xi32, #tpu.memory_space<vmem>>
    %dma_start3A_19 = arith.constant 0 : i32
    %dma_start3A_20 = arith.constant 0 : i32
    %dma_start3A_21 = tpu.memref_slice %arg14[%dma_start3A_19, %dma_start3A_20] : memref<10240x64xf32, #tpu.memory_space<vmem_shared>> -> memref<10240x64xf32, #tpu.memory_space<vmem_shared>>
    tpu.enqueue_indirect_dma source(%arg11 : memref<128x64xf32, #tpu.memory_space<vmem>>) target(%dma_start3A_21 : memref<10240x64xf32, #tpu.memory_space<vmem_shared>>) offsets(%dma_start3A_18 : memref<128xi32, #tpu.memory_space<vmem>>) semaphore(%arg22 : memref<!tpu.dma_semaphore, #tpu.memory_space<semaphore_mem>>) {add = true}
    %dma_wait3A_22 = arith.constant 158 : i32
    %dma_wait3A_23 = arith.constant 0 : i32
    %dma_wait3A_24 = tpu.memref_slice %arg7[%dma_wait3A_22, %dma_wait3A_23] : memref<160x128xi32, #tpu.memory_space<vmem>> -> memref<1x128xi32, #tpu.memory_space<vmem>>
    %dma_wait3A_25 = tpu.memref_squeeze %dma_wait3A_24 : memref<1x128xi32, #tpu.memory_space<vmem>> -> memref<128xi32, #tpu.memory_space<vmem>>
    %dma_wait3A_26 = arith.constant 0 : i32
    %dma_wait3A_27 = arith.constant 0 : i32
    %dma_wait3A_28 = tpu.memref_slice %arg2[%arg0, %dma_wait3A_26, %dma_wait3A_27] : memref<2x10000x64xf32, #tpu.memory_space<hbm>> -> memref<1x10000x64xf32, #tpu.memory_space<hbm>>
    %dma_wait3A_29 = tpu.memref_squeeze %dma_wait3A_28 : memref<1x10000x64xf32, #tpu.memory_space<hbm>> -> memref<10000x64xf32, #tpu.memory_space<hbm>>
    %dma_wait3A_30 = arith.constant 0 : i32
    %dma_wait3A_31 = arith.constant 0 : i32
    %dma_wait3A_32 = tpu.memref_slice %dma_wait3A_29[%dma_wait3A_30, %dma_wait3A_31] : memref<10000x64xf32, #tpu.memory_space<hbm>> -> memref<10000x64xf32, #tpu.memory_space<hbm>>
    tpu.wait_indirect_dma semaphore(%arg18 : memref<!tpu.dma_semaphore, #tpu.memory_space<semaphore_mem>>) src(%dma_wait3A_32 : memref<10000x64xf32, #tpu.memory_space<hbm>>) dst(%arg12 : memref<128x64xf32, #tpu.memory_space<vmem>>)
    %dma_start3A_33 = arith.constant 158 : i32
    %dma_start3A_34 = arith.constant 0 : i32
    %dma_start3A_35 = tpu.memref_slice %arg8[%dma_start3A_33, %dma_start3A_34] : memref<160x128xi32, #tpu.memory_space<vmem>> -> memref<1x128xi32, #tpu.memory_space<vmem>>
    %dma_start3A_36 = tpu.memref_squeeze %dma_start3A_35 : memref<1x128xi32, #tpu.memory_space<vmem>> -> memref<128xi32, #tpu.memory_space<vmem>>
    %dma_start3A_37 = arith.constant 0 : i32
    %dma_start3A_38 = arith.constant 0 : i32
    %dma_start3A_39 = tpu.memref_slice %arg14[%dma_start3A_37, %dma_start3A_38] : memref<10240x64xf32, #tpu.memory_space<vmem_shared>> -> memref<10240x64xf32, #tpu.memory_space<vmem_shared>>
    tpu.enqueue_indirect_dma source(%arg12 : memref<128x64xf32, #tpu.memory_space<vmem>>) target(%dma_start3A_39 : memref<10240x64xf32, #tpu.memory_space<vmem_shared>>) offsets(%dma_start3A_36 : memref<128xi32, #tpu.memory_space<vmem>>) semaphore(%arg23 : memref<!tpu.dma_semaphore, #tpu.memory_space<semaphore_mem>>) {add = true}
    %dma_wait3A_40 = arith.constant 159 : i32
    %dma_wait3A_41 = arith.constant 0 : i32
    %dma_wait3A_42 = tpu.memref_slice %arg7[%dma_wait3A_40, %dma_wait3A_41] : memref<160x128xi32, #tpu.memory_space<vmem>> -> memref<1x128xi32, #tpu.memory_space<vmem>>
    %dma_wait3A_43 = tpu.memref_squeeze %dma_wait3A_42 : memref<1x128xi32, #tpu.memory_space<vmem>> -> memref<128xi32, #tpu.memory_space<vmem>>
    %dma_wait3A_44 = arith.constant 0 : i32
    %dma_wait3A_45 = arith.constant 0 : i32
    %dma_wait3A_46 = tpu.memref_slice %arg2[%arg0, %dma_wait3A_44, %dma_wait3A_45] : memref<2x10000x64xf32, #tpu.memory_space<hbm>> -> memref<1x10000x64xf32, #tpu.memory_space<hbm>>
    %dma_wait3A_47 = tpu.memref_squeeze %dma_wait3A_46 : memref<1x10000x64xf32, #tpu.memory_space<hbm>> -> memref<10000x64xf32, #tpu.memory_space<hbm>>
    %dma_wait3A_48 = arith.constant 0 : i32
    %dma_wait3A_49 = arith.constant 0 : i32
    %dma_wait3A_50 = tpu.memref_slice %dma_wait3A_47[%dma_wait3A_48, %dma_wait3A_49] : memref<10000x64xf32, #tpu.memory_space<hbm>> -> memref<10000x64xf32, #tpu.memory_space<hbm>>
    tpu.wait_indirect_dma semaphore(%arg19 : memref<!tpu.dma_semaphore, #tpu.memory_space<semaphore_mem>>) src(%dma_wait3A_50 : memref<10000x64xf32, #tpu.memory_space<hbm>>) dst(%arg13 : memref<128x64xf32, #tpu.memory_space<vmem>>)
    %dma_start3A_51 = arith.constant 159 : i32
    %dma_start3A_52 = arith.constant 0 : i32
    %dma_start3A_53 = tpu.memref_slice %arg8[%dma_start3A_51, %dma_start3A_52] : memref<160x128xi32, #tpu.memory_space<vmem>> -> memref<1x128xi32, #tpu.memory_space<vmem>>
    %dma_start3A_54 = tpu.memref_squeeze %dma_start3A_53 : memref<1x128xi32, #tpu.memory_space<vmem>> -> memref<128xi32, #tpu.memory_space<vmem>>
    %dma_start3A_55 = arith.constant 0 : i32
    %dma_start3A_56 = arith.constant 0 : i32
    %dma_start3A_57 = tpu.memref_slice %arg14[%dma_start3A_55, %dma_start3A_56] : memref<10240x64xf32, #tpu.memory_space<vmem_shared>> -> memref<10240x64xf32, #tpu.memory_space<vmem_shared>>
    tpu.enqueue_indirect_dma source(%arg13 : memref<128x64xf32, #tpu.memory_space<vmem>>) target(%dma_start3A_57 : memref<10240x64xf32, #tpu.memory_space<vmem_shared>>) offsets(%dma_start3A_54 : memref<128xi32, #tpu.memory_space<vmem>>) semaphore(%arg24 : memref<!tpu.dma_semaphore, #tpu.memory_space<semaphore_mem>>) {add = true}
    %dma_wait3A_58 = arith.constant 155 : i32
    %dma_wait3A_59 = arith.constant 0 : i32
    %dma_wait3A_60 = tpu.memref_slice %arg8[%dma_wait3A_58, %dma_wait3A_59] : memref<160x128xi32, #tpu.memory_space<vmem>> -> memref<1x128xi32, #tpu.memory_space<vmem>>
    %dma_wait3A_61 = tpu.memref_squeeze %dma_wait3A_60 : memref<1x128xi32, #tpu.memory_space<vmem>> -> memref<128xi32, #tpu.memory_space<vmem>>
    %dma_wait3A_62 = arith.constant 0 : i32
    %dma_wait3A_63 = arith.constant 0 : i32
    %dma_wait3A_64 = tpu.memref_slice %arg14[%dma_wait3A_62, %dma_wait3A_63] : memref<10240x64xf32, #tpu.memory_space<vmem_shared>> -> memref<10240x64xf32, #tpu.memory_space<vmem_shared>>
    tpu.wait_indirect_dma semaphore(%arg20 : memref<!tpu.dma_semaphore, #tpu.memory_space<semaphore_mem>>) src(%arg9 : memref<128x64xf32, #tpu.memory_space<vmem>>) dst(%dma_wait3A_64 : memref<10240x64xf32, #tpu.memory_space<vmem_shared>>)
    %dma_wait3A_65 = arith.constant 156 : i32
    %dma_wait3A_66 = arith.constant 0 : i32
    %dma_wait3A_67 = tpu.memref_slice %arg8[%dma_wait3A_65, %dma_wait3A_66] : memref<160x128xi32, #tpu.memory_space<vmem>> -> memref<1x128xi32, #tpu.memory_space<vmem>>
    %dma_wait3A_68 = tpu.memref_squeeze %dma_wait3A_67 : memref<1x128xi32, #tpu.memory_space<vmem>> -> memref<128xi32, #tpu.memory_space<vmem>>
    %dma_wait3A_69 = arith.constant 0 : i32
    %dma_wait3A_70 = arith.constant 0 : i32
    %dma_wait3A_71 = tpu.memref_slice %arg14[%dma_wait3A_69, %dma_wait3A_70] : memref<10240x64xf32, #tpu.memory_space<vmem_shared>> -> memref<10240x64xf32, #tpu.memory_space<vmem_shared>>
    tpu.wait_indirect_dma semaphore(%arg21 : memref<!tpu.dma_semaphore, #tpu.memory_space<semaphore_mem>>) src(%arg10 : memref<128x64xf32, #tpu.memory_space<vmem>>) dst(%dma_wait3A_71 : memref<10240x64xf32, #tpu.memory_space<vmem_shared>>)
    %dma_wait3A_72 = arith.constant 157 : i32
    %dma_wait3A_73 = arith.constant 0 : i32
    %dma_wait3A_74 = tpu.memref_slice %arg8[%dma_wait3A_72, %dma_wait3A_73] : memref<160x128xi32, #tpu.memory_space<vmem>> -> memref<1x128xi32, #tpu.memory_space<vmem>>
    %dma_wait3A_75 = tpu.memref_squeeze %dma_wait3A_74 : memref<1x128xi32, #tpu.memory_space<vmem>> -> memref<128xi32, #tpu.memory_space<vmem>>
    %dma_wait3A_76 = arith.constant 0 : i32
    %dma_wait3A_77 = arith.constant 0 : i32
    %dma_wait3A_78 = tpu.memref_slice %arg14[%dma_wait3A_76, %dma_wait3A_77] : memref<10240x64xf32, #tpu.memory_space<vmem_shared>> -> memref<10240x64xf32, #tpu.memory_space<vmem_shared>>
    tpu.wait_indirect_dma semaphore(%arg22 : memref<!tpu.dma_semaphore, #tpu.memory_space<semaphore_mem>>) src(%arg11 : memref<128x64xf32, #tpu.memory_space<vmem>>) dst(%dma_wait3A_78 : memref<10240x64xf32, #tpu.memory_space<vmem_shared>>)
    %dma_wait3A_79 = arith.constant 158 : i32
    %dma_wait3A_80 = arith.constant 0 : i32
    %dma_wait3A_81 = tpu.memref_slice %arg8[%dma_wait3A_79, %dma_wait3A_80] : memref<160x128xi32, #tpu.memory_space<vmem>> -> memref<1x128xi32, #tpu.memory_space<vmem>>
    %dma_wait3A_82 = tpu.memref_squeeze %dma_wait3A_81 : memref<1x128xi32, #tpu.memory_space<vmem>> -> memref<128xi32, #tpu.memory_space<vmem>>
    %dma_wait3A_83 = arith.constant 0 : i32
    %dma_wait3A_84 = arith.constant 0 : i32
    %dma_wait3A_85 = tpu.memref_slice %arg14[%dma_wait3A_83, %dma_wait3A_84] : memref<10240x64xf32, #tpu.memory_space<vmem_shared>> -> memref<10240x64xf32, #tpu.memory_space<vmem_shared>>
    tpu.wait_indirect_dma semaphore(%arg23 : memref<!tpu.dma_semaphore, #tpu.memory_space<semaphore_mem>>) src(%arg12 : memref<128x64xf32, #tpu.memory_space<vmem>>) dst(%dma_wait3A_85 : memref<10240x64xf32, #tpu.memory_space<vmem_shared>>)
    %dma_wait3A_86 = arith.constant 159 : i32
    %dma_wait3A_87 = arith.constant 0 : i32
    %dma_wait3A_88 = tpu.memref_slice %arg8[%dma_wait3A_86, %dma_wait3A_87] : memref<160x128xi32, #tpu.memory_space<vmem>> -> memref<1x128xi32, #tpu.memory_space<vmem>>
    %dma_wait3A_89 = tpu.memref_squeeze %dma_wait3A_88 : memref<1x128xi32, #tpu.memory_space<vmem>> -> memref<128xi32, #tpu.memory_space<vmem>>
    %dma_wait3A_90 = arith.constant 0 : i32
    %dma_wait3A_91 = arith.constant 0 : i32
    %dma_wait3A_92 = tpu.memref_slice %arg14[%dma_wait3A_90, %dma_wait3A_91] : memref<10240x64xf32, #tpu.memory_space<vmem_shared>> -> memref<10240x64xf32, #tpu.memory_space<vmem_shared>>
    tpu.wait_indirect_dma semaphore(%arg24 : memref<!tpu.dma_semaphore, #tpu.memory_space<semaphore_mem>>) src(%arg13 : memref<128x64xf32, #tpu.memory_space<vmem>>) dst(%dma_wait3A_92 : memref<10240x64xf32, #tpu.memory_space<vmem_shared>>)
    %barrier3A_93 = arith.constant 0 : index
    tpu.barrier barrier_id(%barrier3A_93)
    %mul3A_94 = arith.constant 640 : i32
    %mul3A_95 = arith.muli %arg1, %mul3A_94 : i32
    "tpu.region"() ({
      %run_scoped3A = tpu.sem_alloc : memref<!tpu.dma_semaphore, #tpu.memory_space<semaphore_mem>>
      %dma_start3A_96 = arith.constant 0 : i32
      %dma_start3A_97 = tpu.memref_slice %arg6[%arg0, %mul3A_95, %dma_start3A_96] : memref<2x10240x64xf32, #tpu.memory_space<hbm>> -> memref<1x640x64xf32, #tpu.memory_space<hbm>>
      %dma_start3A_98 = tpu.memref_squeeze %dma_start3A_97 : memref<1x640x64xf32, #tpu.memory_space<hbm>> -> memref<640x64xf32, #tpu.memory_space<hbm>>
      %dma_start3A_99 = arith.constant 0 : i32
      %dma_start3A_100 = tpu.memref_slice %arg14[%mul3A_95, %dma_start3A_99] : memref<10240x64xf32, #tpu.memory_space<vmem_shared>> -> memref<640x64xf32, #tpu.memory_space<vmem_shared>>
      tpu.enqueue_dma source(%dma_start3A_100 : memref<640x64xf32, #tpu.memory_space<vmem_shared>>) target(%dma_start3A_98 : memref<640x64xf32, #tpu.memory_space<hbm>>) target_semaphore(%run_scoped3A : memref<!tpu.dma_semaphore, #tpu.memory_space<semaphore_mem>>)
      %dma_wait3A_101 = arith.constant 0 : i32
      %dma_wait3A_102 = tpu.memref_slice %arg6[%arg0, %mul3A_95, %dma_wait3A_101] : memref<2x10240x64xf32, #tpu.memory_space<hbm>> -> memref<1x640x64xf32, #tpu.memory_space<hbm>>
      %dma_wait3A_103 = tpu.memref_squeeze %dma_wait3A_102 : memref<1x640x64xf32, #tpu.memory_space<hbm>> -> memref<640x64xf32, #tpu.memory_space<hbm>>
      %dma_wait3A_104 = arith.constant 0 : i32
      %dma_wait3A_105 = tpu.memref_slice %arg14[%mul3A_95, %dma_wait3A_104] : memref<10240x64xf32, #tpu.memory_space<vmem_shared>> -> memref<640x64xf32, #tpu.memory_space<vmem_shared>>
      tpu.wait_dma2 semaphore(%run_scoped3A : memref<!tpu.dma_semaphore, #tpu.memory_space<semaphore_mem>>) src(%dma_wait3A_105 : memref<640x64xf32, #tpu.memory_space<vmem_shared>>) dst(%dma_wait3A_103 : memref<640x64xf32, #tpu.memory_space<hbm>>)
      tpu.yield
    }) : () -> ()
    return
  }
}

#map = affine_map<(d0, d1) -> (0, 0, 0)>
module attributes {stable_mosaic.version = 14 : i64} {
  func.func @_deg_kernel(%arg0: i32, %arg1: i32, %arg2: memref<32x80x128xi32, #tpu.memory_space<hbm>>, %arg3: memref<32x80x128xi32, #tpu.memory_space<hbm>>, %arg4: memref<2x2x10240xf32, #tpu.memory_space<hbm>>, %arg5: memref<80x128xi32, #tpu.memory_space<vmem>>, %arg6: memref<80x128xi32, #tpu.memory_space<vmem>>, %arg7: memref<128xf32, #tpu.memory_space<vmem>>, %arg8: memref<640xf32, #tpu.memory_space<vmem>>, %arg9: memref<10240xf32, #tpu.memory_space<vmem_shared>>, %arg10: memref<10240xf32, #tpu.memory_space<vmem_shared>>) attributes {dimension_semantics = [#tpu.dimension_semantics<core_parallel>, #tpu.dimension_semantics<subcore_parallel>], iteration_bounds = array<i64: 2, 16>, scalar_prefetch = 0 : i64, scratch_operands = 6 : i64, tpu.core_type = #tpu.core_type<sc_vector_subcore>, window_params = [{transform_indices = #map}, {transform_indices = #map}, {transform_indices = #map}]} {
    %mul3A = arith.constant 16 : i32
    %mul3A_0 = arith.muli %arg0, %mul3A : i32
    %add3A = arith.addi %mul3A_0, %arg1 : i32
    %broadcast_in_dim3A = arith.constant 1.000000e+00 : f32
    %broadcast_in_dim3A_1 = vector.broadcast %broadcast_in_dim3A : f32 to vector<16xf32>
    %swap3A = arith.constant 0 : index
    %swap3A_2 = tpu.vector_load %arg7[%swap3A] {strides = array<i32>} : memref<128xf32, #tpu.memory_space<vmem>>, vector<16xf32>,
    %swap3A_3 = vector.shape_cast %swap3A_2 : vector<16xf32> to vector<16xf32>
    %swap3A_4 = vector.shape_cast %broadcast_in_dim3A_1 : vector<16xf32> to vector<16xf32>
    tpu.vector_store %arg7[%swap3A], %swap3A_4 {strides = array<i32>} : memref<128xf32, #tpu.memory_space<vmem>>, vector<16xf32>,
    %broadcast_in_dim3A_5 = arith.constant 1.000000e+00 : f32
    %broadcast_in_dim3A_6 = vector.broadcast %broadcast_in_dim3A_5 : f32 to vector<16xf32>
    %swap3A_7 = arith.constant 16 : index
    %swap3A_8 = tpu.vector_load %arg7[%swap3A_7] {strides = array<i32>} : memref<128xf32, #tpu.memory_space<vmem>>, vector<16xf32>,
    %swap3A_9 = vector.shape_cast %swap3A_8 : vector<16xf32> to vector<16xf32>
    %swap3A_10 = vector.shape_cast %broadcast_in_dim3A_6 : vector<16xf32> to vector<16xf32>
    tpu.vector_store %arg7[%swap3A_7], %swap3A_10 {strides = array<i32>} : memref<128xf32, #tpu.memory_space<vmem>>, vector<16xf32>,
    %broadcast_in_dim3A_11 = arith.constant 1.000000e+00 : f32
    %broadcast_in_dim3A_12 = vector.broadcast %broadcast_in_dim3A_11 : f32 to vector<16xf32>
    %swap3A_13 = arith.constant 32 : index
    %swap3A_14 = tpu.vector_load %arg7[%swap3A_13] {strides = array<i32>} : memref<128xf32, #tpu.memory_space<vmem>>, vector<16xf32>,
    %swap3A_15 = vector.shape_cast %swap3A_14 : vector<16xf32> to vector<16xf32>
    %swap3A_16 = vector.shape_cast %broadcast_in_dim3A_12 : vector<16xf32> to vector<16xf32>
    tpu.vector_store %arg7[%swap3A_13], %swap3A_16 {strides = array<i32>} : memref<128xf32, #tpu.memory_space<vmem>>, vector<16xf32>,
    %broadcast_in_dim3A_17 = arith.constant 1.000000e+00 : f32
    %broadcast_in_dim3A_18 = vector.broadcast %broadcast_in_dim3A_17 : f32 to vector<16xf32>
    %swap3A_19 = arith.constant 48 : index
    %swap3A_20 = tpu.vector_load %arg7[%swap3A_19] {strides = array<i32>} : memref<128xf32, #tpu.memory_space<vmem>>, vector<16xf32>,
    %swap3A_21 = vector.shape_cast %swap3A_20 : vector<16xf32> to vector<16xf32>
    %swap3A_22 = vector.shape_cast %broadcast_in_dim3A_18 : vector<16xf32> to vector<16xf32>
    tpu.vector_store %arg7[%swap3A_19], %swap3A_22 {strides = array<i32>} : memref<128xf32, #tpu.memory_space<vmem>>, vector<16xf32>,
    %broadcast_in_dim3A_23 = arith.constant 1.000000e+00 : f32
    %broadcast_in_dim3A_24 = vector.broadcast %broadcast_in_dim3A_23 : f32 to vector<16xf32>
    %swap3A_25 = arith.constant 64 : index
    %swap3A_26 = tpu.vector_load %arg7[%swap3A_25] {strides = array<i32>} : memref<128xf32, #tpu.memory_space<vmem>>, vector<16xf32>,
    %swap3A_27 = vector.shape_cast %swap3A_26 : vector<16xf32> to vector<16xf32>
    %swap3A_28 = vector.shape_cast %broadcast_in_dim3A_24 : vector<16xf32> to vector<16xf32>
    tpu.vector_store %arg7[%swap3A_25], %swap3A_28 {strides = array<i32>} : memref<128xf32, #tpu.memory_space<vmem>>, vector<16xf32>,
    %broadcast_in_dim3A_29 = arith.constant 1.000000e+00 : f32
    %broadcast_in_dim3A_30 = vector.broadcast %broadcast_in_dim3A_29 : f32 to vector<16xf32>
    %swap3A_31 = arith.constant 80 : index
    %swap3A_32 = tpu.vector_load %arg7[%swap3A_31] {strides = array<i32>} : memref<128xf32, #tpu.memory_space<vmem>>, vector<16xf32>,
    %swap3A_33 = vector.shape_cast %swap3A_32 : vector<16xf32> to vector<16xf32>
    %swap3A_34 = vector.shape_cast %broadcast_in_dim3A_30 : vector<16xf32> to vector<16xf32>
    tpu.vector_store %arg7[%swap3A_31], %swap3A_34 {strides = array<i32>} : memref<128xf32, #tpu.memory_space<vmem>>, vector<16xf32>,
    %broadcast_in_dim3A_35 = arith.constant 1.000000e+00 : f32
    %broadcast_in_dim3A_36 = vector.broadcast %broadcast_in_dim3A_35 : f32 to vector<16xf32>
    %swap3A_37 = arith.constant 96 : index
    %swap3A_38 = tpu.vector_load %arg7[%swap3A_37] {strides = array<i32>} : memref<128xf32, #tpu.memory_space<vmem>>, vector<16xf32>,
    %swap3A_39 = vector.shape_cast %swap3A_38 : vector<16xf32> to vector<16xf32>
    %swap3A_40 = vector.shape_cast %broadcast_in_dim3A_36 : vector<16xf32> to vector<16xf32>
    tpu.vector_store %arg7[%swap3A_37], %swap3A_40 {strides = array<i32>} : memref<128xf32, #tpu.memory_space<vmem>>, vector<16xf32>,
    %broadcast_in_dim3A_41 = arith.constant 1.000000e+00 : f32
    %broadcast_in_dim3A_42 = vector.broadcast %broadcast_in_dim3A_41 : f32 to vector<16xf32>
    %swap3A_43 = arith.constant 112 : index
    %swap3A_44 = tpu.vector_load %arg7[%swap3A_43] {strides = array<i32>} : memref<128xf32, #tpu.memory_space<vmem>>, vector<16xf32>,
    %swap3A_45 = vector.shape_cast %swap3A_44 : vector<16xf32> to vector<16xf32>
    %swap3A_46 = vector.shape_cast %broadcast_in_dim3A_42 : vector<16xf32> to vector<16xf32>
    tpu.vector_store %arg7[%swap3A_43], %swap3A_46 {strides = array<i32>} : memref<128xf32, #tpu.memory_space<vmem>>, vector<16xf32>,
    %broadcast_in_dim3A_47 = arith.constant 0.000000e+00 : f32
    %broadcast_in_dim3A_48 = vector.broadcast %broadcast_in_dim3A_47 : f32 to vector<16xf32>
    %swap3A_49 = arith.constant 0 : index
    %swap3A_50 = tpu.vector_load %arg8[%swap3A_49] {strides = array<i32>} : memref<640xf32, #tpu.memory_space<vmem>>, vector<16xf32>,
    %swap3A_51 = vector.shape_cast %swap3A_50 : vector<16xf32> to vector<16xf32>
    %swap3A_52 = vector.shape_cast %broadcast_in_dim3A_48 : vector<16xf32> to vector<16xf32>
    tpu.vector_store %arg8[%swap3A_49], %swap3A_52 {strides = array<i32>} : memref<640xf32, #tpu.memory_space<vmem>>, vector<16xf32>,
    %broadcast_in_dim3A_53 = arith.constant 0.000000e+00 : f32
    %broadcast_in_dim3A_54 = vector.broadcast %broadcast_in_dim3A_53 : f32 to vector<16xf32>
    %swap3A_55 = arith.constant 16 : index
    %swap3A_56 = tpu.vector_load %arg8[%swap3A_55] {strides = array<i32>} : memref<640xf32, #tpu.memory_space<vmem>>, vector<16xf32>,
    %swap3A_57 = vector.shape_cast %swap3A_56 : vector<16xf32> to vector<16xf32>
    %swap3A_58 = vector.shape_cast %broadcast_in_dim3A_54 : vector<16xf32> to vector<16xf32>
    tpu.vector_store %arg8[%swap3A_55], %swap3A_58 {strides = array<i32>} : memref<640xf32, #tpu.memory_space<vmem>>, vector<16xf32>,
    %broadcast_in_dim3A_59 = arith.constant 0.000000e+00 : f32
    %broadcast_in_dim3A_60 = vector.broadcast %broadcast_in_dim3A_59 : f32 to vector<16xf32>
    %swap3A_61 = arith.constant 32 : index
    %swap3A_62 = tpu.vector_load %arg8[%swap3A_61] {strides = array<i32>} : memref<640xf32, #tpu.memory_space<vmem>>, vector<16xf32>,
    %swap3A_63 = vector.shape_cast %swap3A_62 : vector<16xf32> to vector<16xf32>
    %swap3A_64 = vector.shape_cast %broadcast_in_dim3A_60 : vector<16xf32> to vector<16xf32>
    tpu.vector_store %arg8[%swap3A_61], %swap3A_64 {strides = array<i32>} : memref<640xf32, #tpu.memory_space<vmem>>, vector<16xf32>,
    %broadcast_in_dim3A_65 = arith.constant 0.000000e+00 : f32
    %broadcast_in_dim3A_66 = vector.broadcast %broadcast_in_dim3A_65 : f32 to vector<16xf32>
    %swap3A_67 = arith.constant 48 : index
    %swap3A_68 = tpu.vector_load %arg8[%swap3A_67] {strides = array<i32>} : memref<640xf32, #tpu.memory_space<vmem>>, vector<16xf32>,
    %swap3A_69 = vector.shape_cast %swap3A_68 : vector<16xf32> to vector<16xf32>
    %swap3A_70 = vector.shape_cast %broadcast_in_dim3A_66 : vector<16xf32> to vector<16xf32>
    tpu.vector_store %arg8[%swap3A_67], %swap3A_70 {strides = array<i32>} : memref<640xf32, #tpu.memory_space<vmem>>, vector<16xf32>,
    %broadcast_in_dim3A_71 = arith.constant 0.000000e+00 : f32
    %broadcast_in_dim3A_72 = vector.broadcast %broadcast_in_dim3A_71 : f32 to vector<16xf32>
    %swap3A_73 = arith.constant 64 : index
    %swap3A_74 = tpu.vector_load %arg8[%swap3A_73] {strides = array<i32>} : memref<640xf32, #tpu.memory_space<vmem>>, vector<16xf32>,
    %swap3A_75 = vector.shape_cast %swap3A_74 : vector<16xf32> to vector<16xf32>
    %swap3A_76 = vector.shape_cast %broadcast_in_dim3A_72 : vector<16xf32> to vector<16xf32>
    tpu.vector_store %arg8[%swap3A_73], %swap3A_76 {strides = array<i32>} : memref<640xf32, #tpu.memory_space<vmem>>, vector<16xf32>,
    %broadcast_in_dim3A_77 = arith.constant 0.000000e+00 : f32
    %broadcast_in_dim3A_78 = vector.broadcast %broadcast_in_dim3A_77 : f32 to vector<16xf32>
    %swap3A_79 = arith.constant 80 : index
    %swap3A_80 = tpu.vector_load %arg8[%swap3A_79] {strides = array<i32>} : memref<640xf32, #tpu.memory_space<vmem>>, vector<16xf32>,
    %swap3A_81 = vector.shape_cast %swap3A_80 : vector<16xf32> to vector<16xf32>
    %swap3A_82 = vector.shape_cast %broadcast_in_dim3A_78 : vector<16xf32> to vector<16xf32>
    tpu.vector_store %arg8[%swap3A_79], %swap3A_82 {strides = array<i32>} : memref<640xf32, #tpu.memory_space<vmem>>, vector<16xf32>,
    %broadcast_in_dim3A_83 = arith.constant 0.000000e+00 : f32
    %broadcast_in_dim3A_84 = vector.broadcast %broadcast_in_dim3A_83 : f32 to vector<16xf32>
    %swap3A_85 = arith.constant 96 : index
    %swap3A_86 = tpu.vector_load %arg8[%swap3A_85] {strides = array<i32>} : memref<640xf32, #tpu.memory_space<vmem>>, vector<16xf32>,
    %swap3A_87 = vector.shape_cast %swap3A_86 : vector<16xf32> to vector<16xf32>
    %swap3A_88 = vector.shape_cast %broadcast_in_dim3A_84 : vector<16xf32> to vector<16xf32>
    tpu.vector_store %arg8[%swap3A_85], %swap3A_88 {strides = array<i32>} : memref<640xf32, #tpu.memory_space<vmem>>, vector<16xf32>,
    %broadcast_in_dim3A_89 = arith.constant 0.000000e+00 : f32
    %broadcast_in_dim3A_90 = vector.broadcast %broadcast_in_dim3A_89 : f32 to vector<16xf32>
    %swap3A_91 = arith.constant 112 : index
    %swap3A_92 = tpu.vector_load %arg8[%swap3A_91] {strides = array<i32>} : memref<640xf32, #tpu.memory_space<vmem>>, vector<16xf32>,
    %swap3A_93 = vector.shape_cast %swap3A_92 : vector<16xf32> to vector<16xf32>
    %swap3A_94 = vector.shape_cast %broadcast_in_dim3A_90 : vector<16xf32> to vector<16xf32>
    tpu.vector_store %arg8[%swap3A_91], %swap3A_94 {strides = array<i32>} : memref<640xf32, #tpu.memory_space<vmem>>, vector<16xf32>,
    %broadcast_in_dim3A_95 = arith.constant 0.000000e+00 : f32
    %broadcast_in_dim3A_96 = vector.broadcast %broadcast_in_dim3A_95 : f32 to vector<16xf32>
    %swap3A_97 = arith.constant 128 : index
    %swap3A_98 = tpu.vector_load %arg8[%swap3A_97] {strides = array<i32>} : memref<640xf32, #tpu.memory_space<vmem>>, vector<16xf32>,
    %swap3A_99 = vector.shape_cast %swap3A_98 : vector<16xf32> to vector<16xf32>
    %swap3A_100 = vector.shape_cast %broadcast_in_dim3A_96 : vector<16xf32> to vector<16xf32>
    tpu.vector_store %arg8[%swap3A_97], %swap3A_100 {strides = array<i32>} : memref<640xf32, #tpu.memory_space<vmem>>, vector<16xf32>,
    %broadcast_in_dim3A_101 = arith.constant 0.000000e+00 : f32
    %broadcast_in_dim3A_102 = vector.broadcast %broadcast_in_dim3A_101 : f32 to vector<16xf32>
    %swap3A_103 = arith.constant 144 : index
    %swap3A_104 = tpu.vector_load %arg8[%swap3A_103] {strides = array<i32>} : memref<640xf32, #tpu.memory_space<vmem>>, vector<16xf32>,
    %swap3A_105 = vector.shape_cast %swap3A_104 : vector<16xf32> to vector<16xf32>
    %swap3A_106 = vector.shape_cast %broadcast_in_dim3A_102 : vector<16xf32> to vector<16xf32>
    tpu.vector_store %arg8[%swap3A_103], %swap3A_106 {strides = array<i32>} : memref<640xf32, #tpu.memory_space<vmem>>, vector<16xf32>,
    %broadcast_in_dim3A_107 = arith.constant 0.000000e+00 : f32
    %broadcast_in_dim3A_108 = vector.broadcast %broadcast_in_dim3A_107 : f32 to vector<16xf32>
    %swap3A_109 = arith.constant 160 : index
    %swap3A_110 = tpu.vector_load %arg8[%swap3A_109] {strides = array<i32>} : memref<640xf32, #tpu.memory_space<vmem>>, vector<16xf32>,
    %swap3A_111 = vector.shape_cast %swap3A_110 : vector<16xf32> to vector<16xf32>
    %swap3A_112 = vector.shape_cast %broadcast_in_dim3A_108 : vector<16xf32> to vector<16xf32>
    tpu.vector_store %arg8[%swap3A_109], %swap3A_112 {strides = array<i32>} : memref<640xf32, #tpu.memory_space<vmem>>, vector<16xf32>,
    %broadcast_in_dim3A_113 = arith.constant 0.000000e+00 : f32
    %broadcast_in_dim3A_114 = vector.broadcast %broadcast_in_dim3A_113 : f32 to vector<16xf32>
    %swap3A_115 = arith.constant 176 : index
    %swap3A_116 = tpu.vector_load %arg8[%swap3A_115] {strides = array<i32>} : memref<640xf32, #tpu.memory_space<vmem>>, vector<16xf32>,
    %swap3A_117 = vector.shape_cast %swap3A_116 : vector<16xf32> to vector<16xf32>
    %swap3A_118 = vector.shape_cast %broadcast_in_dim3A_114 : vector<16xf32> to vector<16xf32>
    tpu.vector_store %arg8[%swap3A_115], %swap3A_118 {strides = array<i32>} : memref<640xf32, #tpu.memory_space<vmem>>, vector<16xf32>,
    %broadcast_in_dim3A_119 = arith.constant 0.000000e+00 : f32
    %broadcast_in_dim3A_120 = vector.broadcast %broadcast_in_dim3A_119 : f32 to vector<16xf32>
    %swap3A_121 = arith.constant 192 : index
    %swap3A_122 = tpu.vector_load %arg8[%swap3A_121] {strides = array<i32>} : memref<640xf32, #tpu.memory_space<vmem>>, vector<16xf32>,
    %swap3A_123 = vector.shape_cast %swap3A_122 : vector<16xf32> to vector<16xf32>
    %swap3A_124 = vector.shape_cast %broadcast_in_dim3A_120 : vector<16xf32> to vector<16xf32>
    tpu.vector_store %arg8[%swap3A_121], %swap3A_124 {strides = array<i32>} : memref<640xf32, #tpu.memory_space<vmem>>, vector<16xf32>,
    %broadcast_in_dim3A_125 = arith.constant 0.000000e+00 : f32
    %broadcast_in_dim3A_126 = vector.broadcast %broadcast_in_dim3A_125 : f32 to vector<16xf32>
    %swap3A_127 = arith.constant 208 : index
    %swap3A_128 = tpu.vector_load %arg8[%swap3A_127] {strides = array<i32>} : memref<640xf32, #tpu.memory_space<vmem>>, vector<16xf32>,
    %swap3A_129 = vector.shape_cast %swap3A_128 : vector<16xf32> to vector<16xf32>
    %swap3A_130 = vector.shape_cast %broadcast_in_dim3A_126 : vector<16xf32> to vector<16xf32>
    tpu.vector_store %arg8[%swap3A_127], %swap3A_130 {strides = array<i32>} : memref<640xf32, #tpu.memory_space<vmem>>, vector<16xf32>,
    %broadcast_in_dim3A_131 = arith.constant 0.000000e+00 : f32
    %broadcast_in_dim3A_132 = vector.broadcast %broadcast_in_dim3A_131 : f32 to vector<16xf32>
    %swap3A_133 = arith.constant 224 : index
    %swap3A_134 = tpu.vector_load %arg8[%swap3A_133] {strides = array<i32>} : memref<640xf32, #tpu.memory_space<vmem>>, vector<16xf32>,
    %swap3A_135 = vector.shape_cast %swap3A_134 : vector<16xf32> to vector<16xf32>
    %swap3A_136 = vector.shape_cast %broadcast_in_dim3A_132 : vector<16xf32> to vector<16xf32>
    tpu.vector_store %arg8[%swap3A_133], %swap3A_136 {strides = array<i32>} : memref<640xf32, #tpu.memory_space<vmem>>, vector<16xf32>,
    %broadcast_in_dim3A_137 = arith.constant 0.000000e+00 : f32
    %broadcast_in_dim3A_138 = vector.broadcast %broadcast_in_dim3A_137 : f32 to vector<16xf32>
    %swap3A_139 = arith.constant 240 : index
    %swap3A_140 = tpu.vector_load %arg8[%swap3A_139] {strides = array<i32>} : memref<640xf32, #tpu.memory_space<vmem>>, vector<16xf32>,
    %swap3A_141 = vector.shape_cast %swap3A_140 : vector<16xf32> to vector<16xf32>
    %swap3A_142 = vector.shape_cast %broadcast_in_dim3A_138 : vector<16xf32> to vector<16xf32>
    tpu.vector_store %arg8[%swap3A_139], %swap3A_142 {strides = array<i32>} : memref<640xf32, #tpu.memory_space<vmem>>, vector<16xf32>,
    %broadcast_in_dim3A_143 = arith.constant 0.000000e+00 : f32
    %broadcast_in_dim3A_144 = vector.broadcast %broadcast_in_dim3A_143 : f32 to vector<16xf32>
    %swap3A_145 = arith.constant 256 : index
    %swap3A_146 = tpu.vector_load %arg8[%swap3A_145] {strides = array<i32>} : memref<640xf32, #tpu.memory_space<vmem>>, vector<16xf32>,
    %swap3A_147 = vector.shape_cast %swap3A_146 : vector<16xf32> to vector<16xf32>
    %swap3A_148 = vector.shape_cast %broadcast_in_dim3A_144 : vector<16xf32> to vector<16xf32>
    tpu.vector_store %arg8[%swap3A_145], %swap3A_148 {strides = array<i32>} : memref<640xf32, #tpu.memory_space<vmem>>, vector<16xf32>,
    %broadcast_in_dim3A_149 = arith.constant 0.000000e+00 : f32
    %broadcast_in_dim3A_150 = vector.broadcast %broadcast_in_dim3A_149 : f32 to vector<16xf32>
    %swap3A_151 = arith.constant 272 : index
    %swap3A_152 = tpu.vector_load %arg8[%swap3A_151] {strides = array<i32>} : memref<640xf32, #tpu.memory_space<vmem>>, vector<16xf32>,
    %swap3A_153 = vector.shape_cast %swap3A_152 : vector<16xf32> to vector<16xf32>
    %swap3A_154 = vector.shape_cast %broadcast_in_dim3A_150 : vector<16xf32> to vector<16xf32>
    tpu.vector_store %arg8[%swap3A_151], %swap3A_154 {strides = array<i32>} : memref<640xf32, #tpu.memory_space<vmem>>, vector<16xf32>,
    %broadcast_in_dim3A_155 = arith.constant 0.000000e+00 : f32
    %broadcast_in_dim3A_156 = vector.broadcast %broadcast_in_dim3A_155 : f32 to vector<16xf32>
    %swap3A_157 = arith.constant 288 : index
    %swap3A_158 = tpu.vector_load %arg8[%swap3A_157] {strides = array<i32>} : memref<640xf32, #tpu.memory_space<vmem>>, vector<16xf32>,
    %swap3A_159 = vector.shape_cast %swap3A_158 : vector<16xf32> to vector<16xf32>
    %swap3A_160 = vector.shape_cast %broadcast_in_dim3A_156 : vector<16xf32> to vector<16xf32>
    tpu.vector_store %arg8[%swap3A_157], %swap3A_160 {strides = array<i32>} : memref<640xf32, #tpu.memory_space<vmem>>, vector<16xf32>,
    %broadcast_in_dim3A_161 = arith.constant 0.000000e+00 : f32
    %broadcast_in_dim3A_162 = vector.broadcast %broadcast_in_dim3A_161 : f32 to vector<16xf32>
    %swap3A_163 = arith.constant 304 : index
    %swap3A_164 = tpu.vector_load %arg8[%swap3A_163] {strides = array<i32>} : memref<640xf32, #tpu.memory_space<vmem>>, vector<16xf32>,
    %swap3A_165 = vector.shape_cast %swap3A_164 : vector<16xf32> to vector<16xf32>
    %swap3A_166 = vector.shape_cast %broadcast_in_dim3A_162 : vector<16xf32> to vector<16xf32>
    tpu.vector_store %arg8[%swap3A_163], %swap3A_166 {strides = array<i32>} : memref<640xf32, #tpu.memory_space<vmem>>, vector<16xf32>,
    %broadcast_in_dim3A_167 = arith.constant 0.000000e+00 : f32
    %broadcast_in_dim3A_168 = vector.broadcast %broadcast_in_dim3A_167 : f32 to vector<16xf32>
    %swap3A_169 = arith.constant 320 : index
    %swap3A_170 = tpu.vector_load %arg8[%swap3A_169] {strides = array<i32>} : memref<640xf32, #tpu.memory_space<vmem>>, vector<16xf32>,
    %swap3A_171 = vector.shape_cast %swap3A_170 : vector<16xf32> to vector<16xf32>
    %swap3A_172 = vector.shape_cast %broadcast_in_dim3A_168 : vector<16xf32> to vector<16xf32>
    tpu.vector_store %arg8[%swap3A_169], %swap3A_172 {strides = array<i32>} : memref<640xf32, #tpu.memory_space<vmem>>, vector<16xf32>,
    %broadcast_in_dim3A_173 = arith.constant 0.000000e+00 : f32
    %broadcast_in_dim3A_174 = vector.broadcast %broadcast_in_dim3A_173 : f32 to vector<16xf32>
    %swap3A_175 = arith.constant 336 : index
    %swap3A_176 = tpu.vector_load %arg8[%swap3A_175] {strides = array<i32>} : memref<640xf32, #tpu.memory_space<vmem>>, vector<16xf32>,
    %swap3A_177 = vector.shape_cast %swap3A_176 : vector<16xf32> to vector<16xf32>
    %swap3A_178 = vector.shape_cast %broadcast_in_dim3A_174 : vector<16xf32> to vector<16xf32>
    tpu.vector_store %arg8[%swap3A_175], %swap3A_178 {strides = array<i32>} : memref<640xf32, #tpu.memory_space<vmem>>, vector<16xf32>,
    %broadcast_in_dim3A_179 = arith.constant 0.000000e+00 : f32
    %broadcast_in_dim3A_180 = vector.broadcast %broadcast_in_dim3A_179 : f32 to vector<16xf32>
    %swap3A_181 = arith.constant 352 : index
    %swap3A_182 = tpu.vector_load %arg8[%swap3A_181] {strides = array<i32>} : memref<640xf32, #tpu.memory_space<vmem>>, vector<16xf32>,
    %swap3A_183 = vector.shape_cast %swap3A_182 : vector<16xf32> to vector<16xf32>
    %swap3A_184 = vector.shape_cast %broadcast_in_dim3A_180 : vector<16xf32> to vector<16xf32>
    tpu.vector_store %arg8[%swap3A_181], %swap3A_184 {strides = array<i32>} : memref<640xf32, #tpu.memory_space<vmem>>, vector<16xf32>,
    %broadcast_in_dim3A_185 = arith.constant 0.000000e+00 : f32
    %broadcast_in_dim3A_186 = vector.broadcast %broadcast_in_dim3A_185 : f32 to vector<16xf32>
    %swap3A_187 = arith.constant 368 : index
    %swap3A_188 = tpu.vector_load %arg8[%swap3A_187] {strides = array<i32>} : memref<640xf32, #tpu.memory_space<vmem>>, vector<16xf32>,
    %swap3A_189 = vector.shape_cast %swap3A_188 : vector<16xf32> to vector<16xf32>
    %swap3A_190 = vector.shape_cast %broadcast_in_dim3A_186 : vector<16xf32> to vector<16xf32>
    tpu.vector_store %arg8[%swap3A_187], %swap3A_190 {strides = array<i32>} : memref<640xf32, #tpu.memory_space<vmem>>, vector<16xf32>,
    %broadcast_in_dim3A_191 = arith.constant 0.000000e+00 : f32
    %broadcast_in_dim3A_192 = vector.broadcast %broadcast_in_dim3A_191 : f32 to vector<16xf32>
    %swap3A_193 = arith.constant 384 : index
    %swap3A_194 = tpu.vector_load %arg8[%swap3A_193] {strides = array<i32>} : memref<640xf32, #tpu.memory_space<vmem>>, vector<16xf32>,
    %swap3A_195 = vector.shape_cast %swap3A_194 : vector<16xf32> to vector<16xf32>
    %swap3A_196 = vector.shape_cast %broadcast_in_dim3A_192 : vector<16xf32> to vector<16xf32>
    tpu.vector_store %arg8[%swap3A_193], %swap3A_196 {strides = array<i32>} : memref<640xf32, #tpu.memory_space<vmem>>, vector<16xf32>,
    %broadcast_in_dim3A_197 = arith.constant 0.000000e+00 : f32
    %broadcast_in_dim3A_198 = vector.broadcast %broadcast_in_dim3A_197 : f32 to vector<16xf32>
    %swap3A_199 = arith.constant 400 : index
    %swap3A_200 = tpu.vector_load %arg8[%swap3A_199] {strides = array<i32>} : memref<640xf32, #tpu.memory_space<vmem>>, vector<16xf32>,
    %swap3A_201 = vector.shape_cast %swap3A_200 : vector<16xf32> to vector<16xf32>
    %swap3A_202 = vector.shape_cast %broadcast_in_dim3A_198 : vector<16xf32> to vector<16xf32>
    tpu.vector_store %arg8[%swap3A_199], %swap3A_202 {strides = array<i32>} : memref<640xf32, #tpu.memory_space<vmem>>, vector<16xf32>,
    %broadcast_in_dim3A_203 = arith.constant 0.000000e+00 : f32
    %broadcast_in_dim3A_204 = vector.broadcast %broadcast_in_dim3A_203 : f32 to vector<16xf32>
    %swap3A_205 = arith.constant 416 : index
    %swap3A_206 = tpu.vector_load %arg8[%swap3A_205] {strides = array<i32>} : memref<640xf32, #tpu.memory_space<vmem>>, vector<16xf32>,
    %swap3A_207 = vector.shape_cast %swap3A_206 : vector<16xf32> to vector<16xf32>
    %swap3A_208 = vector.shape_cast %broadcast_in_dim3A_204 : vector<16xf32> to vector<16xf32>
    tpu.vector_store %arg8[%swap3A_205], %swap3A_208 {strides = array<i32>} : memref<640xf32, #tpu.memory_space<vmem>>, vector<16xf32>,
    %broadcast_in_dim3A_209 = arith.constant 0.000000e+00 : f32
    %broadcast_in_dim3A_210 = vector.broadcast %broadcast_in_dim3A_209 : f32 to vector<16xf32>
    %swap3A_211 = arith.constant 432 : index
    %swap3A_212 = tpu.vector_load %arg8[%swap3A_211] {strides = array<i32>} : memref<640xf32, #tpu.memory_space<vmem>>, vector<16xf32>,
    %swap3A_213 = vector.shape_cast %swap3A_212 : vector<16xf32> to vector<16xf32>
    %swap3A_214 = vector.shape_cast %broadcast_in_dim3A_210 : vector<16xf32> to vector<16xf32>
    tpu.vector_store %arg8[%swap3A_211], %swap3A_214 {strides = array<i32>} : memref<640xf32, #tpu.memory_space<vmem>>, vector<16xf32>,
    %broadcast_in_dim3A_215 = arith.constant 0.000000e+00 : f32
    %broadcast_in_dim3A_216 = vector.broadcast %broadcast_in_dim3A_215 : f32 to vector<16xf32>
    %swap3A_217 = arith.constant 448 : index
    %swap3A_218 = tpu.vector_load %arg8[%swap3A_217] {strides = array<i32>} : memref<640xf32, #tpu.memory_space<vmem>>, vector<16xf32>,
    %swap3A_219 = vector.shape_cast %swap3A_218 : vector<16xf32> to vector<16xf32>
    %swap3A_220 = vector.shape_cast %broadcast_in_dim3A_216 : vector<16xf32> to vector<16xf32>
    tpu.vector_store %arg8[%swap3A_217], %swap3A_220 {strides = array<i32>} : memref<640xf32, #tpu.memory_space<vmem>>, vector<16xf32>,
    %broadcast_in_dim3A_221 = arith.constant 0.000000e+00 : f32
    %broadcast_in_dim3A_222 = vector.broadcast %broadcast_in_dim3A_221 : f32 to vector<16xf32>
    %swap3A_223 = arith.constant 464 : index
    %swap3A_224 = tpu.vector_load %arg8[%swap3A_223] {strides = array<i32>} : memref<640xf32, #tpu.memory_space<vmem>>, vector<16xf32>,
    %swap3A_225 = vector.shape_cast %swap3A_224 : vector<16xf32> to vector<16xf32>
    %swap3A_226 = vector.shape_cast %broadcast_in_dim3A_222 : vector<16xf32> to vector<16xf32>
    tpu.vector_store %arg8[%swap3A_223], %swap3A_226 {strides = array<i32>} : memref<640xf32, #tpu.memory_space<vmem>>, vector<16xf32>,
    %broadcast_in_dim3A_227 = arith.constant 0.000000e+00 : f32
    %broadcast_in_dim3A_228 = vector.broadcast %broadcast_in_dim3A_227 : f32 to vector<16xf32>
    %swap3A_229 = arith.constant 480 : index
    %swap3A_230 = tpu.vector_load %arg8[%swap3A_229] {strides = array<i32>} : memref<640xf32, #tpu.memory_space<vmem>>, vector<16xf32>,
    %swap3A_231 = vector.shape_cast %swap3A_230 : vector<16xf32> to vector<16xf32>
    %swap3A_232 = vector.shape_cast %broadcast_in_dim3A_228 : vector<16xf32> to vector<16xf32>
    tpu.vector_store %arg8[%swap3A_229], %swap3A_232 {strides = array<i32>} : memref<640xf32, #tpu.memory_space<vmem>>, vector<16xf32>,
    %broadcast_in_dim3A_233 = arith.constant 0.000000e+00 : f32
    %broadcast_in_dim3A_234 = vector.broadcast %broadcast_in_dim3A_233 : f32 to vector<16xf32>
    %swap3A_235 = arith.constant 496 : index
    %swap3A_236 = tpu.vector_load %arg8[%swap3A_235] {strides = array<i32>} : memref<640xf32, #tpu.memory_space<vmem>>, vector<16xf32>,
    %swap3A_237 = vector.shape_cast %swap3A_236 : vector<16xf32> to vector<16xf32>
    %swap3A_238 = vector.shape_cast %broadcast_in_dim3A_234 : vector<16xf32> to vector<16xf32>
    tpu.vector_store %arg8[%swap3A_235], %swap3A_238 {strides = array<i32>} : memref<640xf32, #tpu.memory_space<vmem>>, vector<16xf32>,
    %broadcast_in_dim3A_239 = arith.constant 0.000000e+00 : f32
    %broadcast_in_dim3A_240 = vector.broadcast %broadcast_in_dim3A_239 : f32 to vector<16xf32>
    %swap3A_241 = arith.constant 512 : index
    %swap3A_242 = tpu.vector_load %arg8[%swap3A_241] {strides = array<i32>} : memref<640xf32, #tpu.memory_space<vmem>>, vector<16xf32>,
    %swap3A_243 = vector.shape_cast %swap3A_242 : vector<16xf32> to vector<16xf32>
    %swap3A_244 = vector.shape_cast %broadcast_in_dim3A_240 : vector<16xf32> to vector<16xf32>
    tpu.vector_store %arg8[%swap3A_241], %swap3A_244 {strides = array<i32>} : memref<640xf32, #tpu.memory_space<vmem>>, vector<16xf32>,
    %broadcast_in_dim3A_245 = arith.constant 0.000000e+00 : f32
    %broadcast_in_dim3A_246 = vector.broadcast %broadcast_in_dim3A_245 : f32 to vector<16xf32>
    %swap3A_247 = arith.constant 528 : index
    %swap3A_248 = tpu.vector_load %arg8[%swap3A_247] {strides = array<i32>} : memref<640xf32, #tpu.memory_space<vmem>>, vector<16xf32>,
    %swap3A_249 = vector.shape_cast %swap3A_248 : vector<16xf32> to vector<16xf32>
    %swap3A_250 = vector.shape_cast %broadcast_in_dim3A_246 : vector<16xf32> to vector<16xf32>
    tpu.vector_store %arg8[%swap3A_247], %swap3A_250 {strides = array<i32>} : memref<640xf32, #tpu.memory_space<vmem>>, vector<16xf32>,
    %broadcast_in_dim3A_251 = arith.constant 0.000000e+00 : f32
    %broadcast_in_dim3A_252 = vector.broadcast %broadcast_in_dim3A_251 : f32 to vector<16xf32>
    %swap3A_253 = arith.constant 544 : index
    %swap3A_254 = tpu.vector_load %arg8[%swap3A_253] {strides = array<i32>} : memref<640xf32, #tpu.memory_space<vmem>>, vector<16xf32>,
    %swap3A_255 = vector.shape_cast %swap3A_254 : vector<16xf32> to vector<16xf32>
    %swap3A_256 = vector.shape_cast %broadcast_in_dim3A_252 : vector<16xf32> to vector<16xf32>
    tpu.vector_store %arg8[%swap3A_253], %swap3A_256 {strides = array<i32>} : memref<640xf32, #tpu.memory_space<vmem>>, vector<16xf32>,
    %broadcast_in_dim3A_257 = arith.constant 0.000000e+00 : f32
    %broadcast_in_dim3A_258 = vector.broadcast %broadcast_in_dim3A_257 : f32 to vector<16xf32>
    %swap3A_259 = arith.constant 560 : index
    %swap3A_260 = tpu.vector_load %arg8[%swap3A_259] {strides = array<i32>} : memref<640xf32, #tpu.memory_space<vmem>>, vector<16xf32>,
    %swap3A_261 = vector.shape_cast %swap3A_260 : vector<16xf32> to vector<16xf32>
    %swap3A_262 = vector.shape_cast %broadcast_in_dim3A_258 : vector<16xf32> to vector<16xf32>
    tpu.vector_store %arg8[%swap3A_259], %swap3A_262 {strides = array<i32>} : memref<640xf32, #tpu.memory_space<vmem>>, vector<16xf32>,
    %broadcast_in_dim3A_263 = arith.constant 0.000000e+00 : f32
    %broadcast_in_dim3A_264 = vector.broadcast %broadcast_in_dim3A_263 : f32 to vector<16xf32>
    %swap3A_265 = arith.constant 576 : index
    %swap3A_266 = tpu.vector_load %arg8[%swap3A_265] {strides = array<i32>} : memref<640xf32, #tpu.memory_space<vmem>>, vector<16xf32>,
    %swap3A_267 = vector.shape_cast %swap3A_266 : vector<16xf32> to vector<16xf32>
    %swap3A_268 = vector.shape_cast %broadcast_in_dim3A_264 : vector<16xf32> to vector<16xf32>
    tpu.vector_store %arg8[%swap3A_265], %swap3A_268 {strides = array<i32>} : memref<640xf32, #tpu.memory_space<vmem>>, vector<16xf32>,
    %broadcast_in_dim3A_269 = arith.constant 0.000000e+00 : f32
    %broadcast_in_dim3A_270 = vector.broadcast %broadcast_in_dim3A_269 : f32 to vector<16xf32>
    %swap3A_271 = arith.constant 592 : index
    %swap3A_272 = tpu.vector_load %arg8[%swap3A_271] {strides = array<i32>} : memref<640xf32, #tpu.memory_space<vmem>>, vector<16xf32>,
    %swap3A_273 = vector.shape_cast %swap3A_272 : vector<16xf32> to vector<16xf32>
    %swap3A_274 = vector.shape_cast %broadcast_in_dim3A_270 : vector<16xf32> to vector<16xf32>
    tpu.vector_store %arg8[%swap3A_271], %swap3A_274 {strides = array<i32>} : memref<640xf32, #tpu.memory_space<vmem>>, vector<16xf32>,
    %broadcast_in_dim3A_275 = arith.constant 0.000000e+00 : f32
    %broadcast_in_dim3A_276 = vector.broadcast %broadcast_in_dim3A_275 : f32 to vector<16xf32>
    %swap3A_277 = arith.constant 608 : index
    %swap3A_278 = tpu.vector_load %arg8[%swap3A_277] {strides = array<i32>} : memref<640xf32, #tpu.memory_space<vmem>>, vector<16xf32>,
    %swap3A_279 = vector.shape_cast %swap3A_278 : vector<16xf32> to vector<16xf32>
    %swap3A_280 = vector.shape_cast %broadcast_in_dim3A_276 : vector<16xf32> to vector<16xf32>
    tpu.vector_store %arg8[%swap3A_277], %swap3A_280 {strides = array<i32>} : memref<640xf32, #tpu.memory_space<vmem>>, vector<16xf32>,
    %broadcast_in_dim3A_281 = arith.constant 0.000000e+00 : f32
    %broadcast_in_dim3A_282 = vector.broadcast %broadcast_in_dim3A_281 : f32 to vector<16xf32>
    %swap3A_283 = arith.constant 624 : index
    %swap3A_284 = tpu.vector_load %arg8[%swap3A_283] {strides = array<i32>} : memref<640xf32, #tpu.memory_space<vmem>>, vector<16xf32>,
    %swap3A_285 = vector.shape_cast %swap3A_284 : vector<16xf32> to vector<16xf32>
    %swap3A_286 = vector.shape_cast %broadcast_in_dim3A_282 : vector<16xf32> to vector<16xf32>
    tpu.vector_store %arg8[%swap3A_283], %swap3A_286 {strides = array<i32>} : memref<640xf32, #tpu.memory_space<vmem>>, vector<16xf32>,
    %mul3A_287 = arith.constant 640 : i32
    %mul3A_288 = arith.muli %arg1, %mul3A_287 : i32
    "tpu.region"() ({
      %run_scoped3A_300 = tpu.sem_alloc : memref<!tpu.dma_semaphore, #tpu.memory_space<semaphore_mem>>
      %dma_start3A = tpu.memref_slice %arg9[%mul3A_288] : memref<10240xf32, #tpu.memory_space<vmem_shared>> -> memref<640xf32, #tpu.memory_space<vmem_shared>>
      %dma_start3A_301 = tpu.memref_slice %arg9[%mul3A_288] : memref<10240xf32, #tpu.memory_space<vmem_shared>> -> memref<640xf32, #tpu.memory_space<vmem_shared>>
      tpu.enqueue_dma source(%arg8 : memref<640xf32, #tpu.memory_space<vmem>>) target(%dma_start3A_301 : memref<640xf32, #tpu.memory_space<vmem_shared>>) target_semaphore(%run_scoped3A_300 : memref<!tpu.dma_semaphore, #tpu.memory_space<semaphore_mem>>)
      %dma_wait3A = tpu.memref_slice %arg9[%mul3A_288] : memref<10240xf32, #tpu.memory_space<vmem_shared>> -> memref<640xf32, #tpu.memory_space<vmem_shared>>
      %dma_wait3A_302 = tpu.memref_slice %arg9[%mul3A_288] : memref<10240xf32, #tpu.memory_space<vmem_shared>> -> memref<640xf32, #tpu.memory_space<vmem_shared>>
      tpu.wait_dma2 semaphore(%run_scoped3A_300 : memref<!tpu.dma_semaphore, #tpu.memory_space<semaphore_mem>>) src(%arg8 : memref<640xf32, #tpu.memory_space<vmem>>) dst(%dma_wait3A_302 : memref<640xf32, #tpu.memory_space<vmem_shared>>)
      tpu.yield
    }) : () -> ()
    %mul3A_289 = arith.constant 640 : i32
    %mul3A_290 = arith.muli %arg1, %mul3A_289 : i32
    "tpu.region"() ({
      %run_scoped3A_300 = tpu.sem_alloc : memref<!tpu.dma_semaphore, #tpu.memory_space<semaphore_mem>>
      %dma_start3A = tpu.memref_slice %arg10[%mul3A_290] : memref<10240xf32, #tpu.memory_space<vmem_shared>> -> memref<640xf32, #tpu.memory_space<vmem_shared>>
      %dma_start3A_301 = tpu.memref_slice %arg10[%mul3A_290] : memref<10240xf32, #tpu.memory_space<vmem_shared>> -> memref<640xf32, #tpu.memory_space<vmem_shared>>
      tpu.enqueue_dma source(%arg8 : memref<640xf32, #tpu.memory_space<vmem>>) target(%dma_start3A_301 : memref<640xf32, #tpu.memory_space<vmem_shared>>) target_semaphore(%run_scoped3A_300 : memref<!tpu.dma_semaphore, #tpu.memory_space<semaphore_mem>>)
      %dma_wait3A = tpu.memref_slice %arg10[%mul3A_290] : memref<10240xf32, #tpu.memory_space<vmem_shared>> -> memref<640xf32, #tpu.memory_space<vmem_shared>>
      %dma_wait3A_302 = tpu.memref_slice %arg10[%mul3A_290] : memref<10240xf32, #tpu.memory_space<vmem_shared>> -> memref<640xf32, #tpu.memory_space<vmem_shared>>
      tpu.wait_dma2 semaphore(%run_scoped3A_300 : memref<!tpu.dma_semaphore, #tpu.memory_space<semaphore_mem>>) src(%arg8 : memref<640xf32, #tpu.memory_space<vmem>>) dst(%dma_wait3A_302 : memref<640xf32, #tpu.memory_space<vmem_shared>>)
      tpu.yield
    }) : () -> ()
    "tpu.region"() ({
      %run_scoped3A_300 = tpu.sem_alloc : memref<!tpu.dma_semaphore, #tpu.memory_space<semaphore_mem>>
      %dma_start3A = arith.constant 0 : i32
      %dma_start3A_301 = arith.constant 0 : i32
      %dma_start3A_302 = tpu.memref_slice %arg2[%add3A, %dma_start3A, %dma_start3A_301] : memref<32x80x128xi32, #tpu.memory_space<hbm>> -> memref<1x80x128xi32, #tpu.memory_space<hbm>>
      %dma_start3A_303 = tpu.memref_squeeze %dma_start3A_302 : memref<1x80x128xi32, #tpu.memory_space<hbm>> -> memref<80x128xi32, #tpu.memory_space<hbm>>
      %dma_start3A_304 = arith.constant 0 : i32
      %dma_start3A_305 = arith.constant 0 : i32
      %dma_start3A_306 = tpu.memref_slice %arg2[%add3A, %dma_start3A_304, %dma_start3A_305] : memref<32x80x128xi32, #tpu.memory_space<hbm>> -> memref<1x80x128xi32, #tpu.memory_space<hbm>>
      %dma_start3A_307 = tpu.memref_squeeze %dma_start3A_306 : memref<1x80x128xi32, #tpu.memory_space<hbm>> -> memref<80x128xi32, #tpu.memory_space<hbm>>
      tpu.enqueue_dma source(%dma_start3A_307 : memref<80x128xi32, #tpu.memory_space<hbm>>) target(%arg5 : memref<80x128xi32, #tpu.memory_space<vmem>>) target_semaphore(%run_scoped3A_300 : memref<!tpu.dma_semaphore, #tpu.memory_space<semaphore_mem>>)
      %dma_wait3A = arith.constant 0 : i32
      %dma_wait3A_308 = arith.constant 0 : i32
      %dma_wait3A_309 = tpu.memref_slice %arg2[%add3A, %dma_wait3A, %dma_wait3A_308] : memref<32x80x128xi32, #tpu.memory_space<hbm>> -> memref<1x80x128xi32, #tpu.memory_space<hbm>>
      %dma_wait3A_310 = tpu.memref_squeeze %dma_wait3A_309 : memref<1x80x128xi32, #tpu.memory_space<hbm>> -> memref<80x128xi32, #tpu.memory_space<hbm>>
      %dma_wait3A_311 = arith.constant 0 : i32
      %dma_wait3A_312 = arith.constant 0 : i32
      %dma_wait3A_313 = tpu.memref_slice %arg2[%add3A, %dma_wait3A_311, %dma_wait3A_312] : memref<32x80x128xi32, #tpu.memory_space<hbm>> -> memref<1x80x128xi32, #tpu.memory_space<hbm>>
      %dma_wait3A_314 = tpu.memref_squeeze %dma_wait3A_313 : memref<1x80x128xi32, #tpu.memory_space<hbm>> -> memref<80x128xi32, #tpu.memory_space<hbm>>
      tpu.wait_dma2 semaphore(%run_scoped3A_300 : memref<!tpu.dma_semaphore, #tpu.memory_space<semaphore_mem>>) src(%dma_wait3A_314 : memref<80x128xi32, #tpu.memory_space<hbm>>) dst(%arg5 : memref<80x128xi32, #tpu.memory_space<vmem>>)
      tpu.yield
    }) : () -> ()
    "tpu.region"() ({
      %run_scoped3A_300 = tpu.sem_alloc : memref<!tpu.dma_semaphore, #tpu.memory_space<semaphore_mem>>
      %dma_start3A = arith.constant 0 : i32
      %dma_start3A_301 = arith.constant 0 : i32
      %dma_start3A_302 = tpu.memref_slice %arg3[%add3A, %dma_start3A, %dma_start3A_301] : memref<32x80x128xi32, #tpu.memory_space<hbm>> -> memref<1x80x128xi32, #tpu.memory_space<hbm>>
      %dma_start3A_303 = tpu.memref_squeeze %dma_start3A_302 : memref<1x80x128xi32, #tpu.memory_space<hbm>> -> memref<80x128xi32, #tpu.memory_space<hbm>>
      %dma_start3A_304 = arith.constant 0 : i32
      %dma_start3A_305 = arith.constant 0 : i32
      %dma_start3A_306 = tpu.memref_slice %arg3[%add3A, %dma_start3A_304, %dma_start3A_305] : memref<32x80x128xi32, #tpu.memory_space<hbm>> -> memref<1x80x128xi32, #tpu.memory_space<hbm>>
      %dma_start3A_307 = tpu.memref_squeeze %dma_start3A_306 : memref<1x80x128xi32, #tpu.memory_space<hbm>> -> memref<80x128xi32, #tpu.memory_space<hbm>>
      tpu.enqueue_dma source(%dma_start3A_307 : memref<80x128xi32, #tpu.memory_space<hbm>>) target(%arg6 : memref<80x128xi32, #tpu.memory_space<vmem>>) target_semaphore(%run_scoped3A_300 : memref<!tpu.dma_semaphore, #tpu.memory_space<semaphore_mem>>)
      %dma_wait3A = arith.constant 0 : i32
      %dma_wait3A_308 = arith.constant 0 : i32
      %dma_wait3A_309 = tpu.memref_slice %arg3[%add3A, %dma_wait3A, %dma_wait3A_308] : memref<32x80x128xi32, #tpu.memory_space<hbm>> -> memref<1x80x128xi32, #tpu.memory_space<hbm>>
      %dma_wait3A_310 = tpu.memref_squeeze %dma_wait3A_309 : memref<1x80x128xi32, #tpu.memory_space<hbm>> -> memref<80x128xi32, #tpu.memory_space<hbm>>
      %dma_wait3A_311 = arith.constant 0 : i32
      %dma_wait3A_312 = arith.constant 0 : i32
      %dma_wait3A_313 = tpu.memref_slice %arg3[%add3A, %dma_wait3A_311, %dma_wait3A_312] : memref<32x80x128xi32, #tpu.memory_space<hbm>> -> memref<1x80x128xi32, #tpu.memory_space<hbm>>
      %dma_wait3A_314 = tpu.memref_squeeze %dma_wait3A_313 : memref<1x80x128xi32, #tpu.memory_space<hbm>> -> memref<80x128xi32, #tpu.memory_space<hbm>>
      tpu.wait_dma2 semaphore(%run_scoped3A_300 : memref<!tpu.dma_semaphore, #tpu.memory_space<semaphore_mem>>) src(%dma_wait3A_314 : memref<80x128xi32, #tpu.memory_space<hbm>>) dst(%arg6 : memref<80x128xi32, #tpu.memory_space<vmem>>)
      tpu.yield
    }) : () -> ()
    %barrier3A = arith.constant 0 : index
    tpu.barrier barrier_id(%barrier3A)
    %scan3A = arith.constant 0 : i32
    %scan3A_291 = arith.constant 0 : i32
    %scan3A_292 = arith.constant 80 : i32
    %scan3A_293 = arith.addi %scan3A_291, %scan3A_292 : i32
    %scan3A_294 = arith.constant 1 : i32
    scf.for %scan3A_300 = %scan3A_291 to %scan3A_293 step %scan3A_294  : i32 {
      "tpu.region"() ({
        %run_scoped3A_301 = tpu.sem_alloc : memref<!tpu.dma_semaphore, #tpu.memory_space<semaphore_mem>>
        %dma_start3A = arith.constant 0 : i32
        %dma_start3A_302 = tpu.memref_slice %arg5[%scan3A_300, %dma_start3A] : memref<80x128xi32, #tpu.memory_space<vmem>> -> memref<1x128xi32, #tpu.memory_space<vmem>>
        %dma_start3A_303 = tpu.memref_squeeze %dma_start3A_302 : memref<1x128xi32, #tpu.memory_space<vmem>> -> memref<128xi32, #tpu.memory_space<vmem>>
        %dma_start3A_304 = arith.constant 0 : i32
        %dma_start3A_305 = tpu.memref_slice %arg9[%dma_start3A_304] : memref<10240xf32, #tpu.memory_space<vmem_shared>> -> memref<10240xf32, #tpu.memory_space<vmem_shared>>
        tpu.enqueue_indirect_dma source(%arg7 : memref<128xf32, #tpu.memory_space<vmem>>) target(%dma_start3A_305 : memref<10240xf32, #tpu.memory_space<vmem_shared>>) offsets(%dma_start3A_303 : memref<128xi32, #tpu.memory_space<vmem>>) semaphore(%run_scoped3A_301 : memref<!tpu.dma_semaphore, #tpu.memory_space<semaphore_mem>>) {add = true}
        %dma_wait3A = arith.constant 0 : i32
        %dma_wait3A_306 = tpu.memref_slice %arg5[%scan3A_300, %dma_wait3A] : memref<80x128xi32, #tpu.memory_space<vmem>> -> memref<1x128xi32, #tpu.memory_space<vmem>>
        %dma_wait3A_307 = tpu.memref_squeeze %dma_wait3A_306 : memref<1x128xi32, #tpu.memory_space<vmem>> -> memref<128xi32, #tpu.memory_space<vmem>>
        %dma_wait3A_308 = arith.constant 0 : i32
        %dma_wait3A_309 = tpu.memref_slice %arg9[%dma_wait3A_308] : memref<10240xf32, #tpu.memory_space<vmem_shared>> -> memref<10240xf32, #tpu.memory_space<vmem_shared>>
        tpu.wait_indirect_dma semaphore(%run_scoped3A_301 : memref<!tpu.dma_semaphore, #tpu.memory_space<semaphore_mem>>) src(%arg7 : memref<128xf32, #tpu.memory_space<vmem>>) dst(%dma_wait3A_309 : memref<10240xf32, #tpu.memory_space<vmem_shared>>)
        tpu.yield
      }) : () -> ()
      "tpu.region"() ({
        %run_scoped3A_301 = tpu.sem_alloc : memref<!tpu.dma_semaphore, #tpu.memory_space<semaphore_mem>>
        %dma_start3A = arith.constant 0 : i32
        %dma_start3A_302 = tpu.memref_slice %arg6[%scan3A_300, %dma_start3A] : memref<80x128xi32, #tpu.memory_space<vmem>> -> memref<1x128xi32, #tpu.memory_space<vmem>>
        %dma_start3A_303 = tpu.memref_squeeze %dma_start3A_302 : memref<1x128xi32, #tpu.memory_space<vmem>> -> memref<128xi32, #tpu.memory_space<vmem>>
        %dma_start3A_304 = arith.constant 0 : i32
        %dma_start3A_305 = tpu.memref_slice %arg10[%dma_start3A_304] : memref<10240xf32, #tpu.memory_space<vmem_shared>> -> memref<10240xf32, #tpu.memory_space<vmem_shared>>
        tpu.enqueue_indirect_dma source(%arg7 : memref<128xf32, #tpu.memory_space<vmem>>) target(%dma_start3A_305 : memref<10240xf32, #tpu.memory_space<vmem_shared>>) offsets(%dma_start3A_303 : memref<128xi32, #tpu.memory_space<vmem>>) semaphore(%run_scoped3A_301 : memref<!tpu.dma_semaphore, #tpu.memory_space<semaphore_mem>>) {add = true}
        %dma_wait3A = arith.constant 0 : i32
        %dma_wait3A_306 = tpu.memref_slice %arg6[%scan3A_300, %dma_wait3A] : memref<80x128xi32, #tpu.memory_space<vmem>> -> memref<1x128xi32, #tpu.memory_space<vmem>>
        %dma_wait3A_307 = tpu.memref_squeeze %dma_wait3A_306 : memref<1x128xi32, #tpu.memory_space<vmem>> -> memref<128xi32, #tpu.memory_space<vmem>>
        %dma_wait3A_308 = arith.constant 0 : i32
        %dma_wait3A_309 = tpu.memref_slice %arg10[%dma_wait3A_308] : memref<10240xf32, #tpu.memory_space<vmem_shared>> -> memref<10240xf32, #tpu.memory_space<vmem_shared>>
        tpu.wait_indirect_dma semaphore(%run_scoped3A_301 : memref<!tpu.dma_semaphore, #tpu.memory_space<semaphore_mem>>) src(%arg7 : memref<128xf32, #tpu.memory_space<vmem>>) dst(%dma_wait3A_309 : memref<10240xf32, #tpu.memory_space<vmem_shared>>)
        tpu.yield
      }) : () -> ()
    }
    %scan3A_295 = arith.constant 80 : i32
    %barrier3A_296 = arith.constant 0 : index
    tpu.barrier barrier_id(%barrier3A_296)
    %mul3A_297 = arith.constant 640 : i32
    %mul3A_298 = arith.muli %arg1, %mul3A_297 : i32
    %run_scoped3A = arith.constant 0 : i32
    "tpu.region"() ({
      %run_scoped3A_300 = tpu.sem_alloc : memref<!tpu.dma_semaphore, #tpu.memory_space<semaphore_mem>>
      %dma_start3A = tpu.memref_slice %arg4[%arg0, %run_scoped3A, %mul3A_298] : memref<2x2x10240xf32, #tpu.memory_space<hbm>> -> memref<1x1x640xf32, #tpu.memory_space<hbm>>
      %dma_start3A_301 = tpu.memref_squeeze %dma_start3A : memref<1x1x640xf32, #tpu.memory_space<hbm>> -> memref<640xf32, #tpu.memory_space<hbm>>
      %dma_start3A_302 = tpu.memref_slice %arg9[%mul3A_298] : memref<10240xf32, #tpu.memory_space<vmem_shared>> -> memref<640xf32, #tpu.memory_space<vmem_shared>>
      tpu.enqueue_dma source(%dma_start3A_302 : memref<640xf32, #tpu.memory_space<vmem_shared>>) target(%dma_start3A_301 : memref<640xf32, #tpu.memory_space<hbm>>) target_semaphore(%run_scoped3A_300 : memref<!tpu.dma_semaphore, #tpu.memory_space<semaphore_mem>>)
      %dma_wait3A = tpu.memref_slice %arg4[%arg0, %run_scoped3A, %mul3A_298] : memref<2x2x10240xf32, #tpu.memory_space<hbm>> -> memref<1x1x640xf32, #tpu.memory_space<hbm>>
      %dma_wait3A_303 = tpu.memref_squeeze %dma_wait3A : memref<1x1x640xf32, #tpu.memory_space<hbm>> -> memref<640xf32, #tpu.memory_space<hbm>>
      %dma_wait3A_304 = tpu.memref_slice %arg9[%mul3A_298] : memref<10240xf32, #tpu.memory_space<vmem_shared>> -> memref<640xf32, #tpu.memory_space<vmem_shared>>
      tpu.wait_dma2 semaphore(%run_scoped3A_300 : memref<!tpu.dma_semaphore, #tpu.memory_space<semaphore_mem>>) src(%dma_wait3A_304 : memref<640xf32, #tpu.memory_space<vmem_shared>>) dst(%dma_wait3A_303 : memref<640xf32, #tpu.memory_space<hbm>>)
      tpu.yield
    }) : () -> ()
    %run_scoped3A_299 = arith.constant 1 : i32
    "tpu.region"() ({
      %run_scoped3A_300 = tpu.sem_alloc : memref<!tpu.dma_semaphore, #tpu.memory_space<semaphore_mem>>
      %dma_start3A = tpu.memref_slice %arg4[%arg0, %run_scoped3A_299, %mul3A_298] : memref<2x2x10240xf32, #tpu.memory_space<hbm>> -> memref<1x1x640xf32, #tpu.memory_space<hbm>>
      %dma_start3A_301 = tpu.memref_squeeze %dma_start3A : memref<1x1x640xf32, #tpu.memory_space<hbm>> -> memref<640xf32, #tpu.memory_space<hbm>>
      %dma_start3A_302 = tpu.memref_slice %arg10[%mul3A_298] : memref<10240xf32, #tpu.memory_space<vmem_shared>> -> memref<640xf32, #tpu.memory_space<vmem_shared>>
      tpu.enqueue_dma source(%dma_start3A_302 : memref<640xf32, #tpu.memory_space<vmem_shared>>) target(%dma_start3A_301 : memref<640xf32, #tpu.memory_space<hbm>>) target_semaphore(%run_scoped3A_300 : memref<!tpu.dma_semaphore, #tpu.memory_space<semaphore_mem>>)
      %dma_wait3A = tpu.memref_slice %arg4[%arg0, %run_scoped3A_299, %mul3A_298] : memref<2x2x10240xf32, #tpu.memory_space<hbm>> -> memref<1x1x640xf32, #tpu.memory_space<hbm>>
      %dma_wait3A_303 = tpu.memref_squeeze %dma_wait3A : memref<1x1x640xf32, #tpu.memory_space<hbm>> -> memref<640xf32, #tpu.memory_space<hbm>>
      %dma_wait3A_304 = tpu.memref_slice %arg10[%mul3A_298] : memref<10240xf32, #tpu.memory_space<vmem_shared>> -> memref<640xf32, #tpu.memory_space<vmem_shared>>
      tpu.wait_dma2 semaphore(%run_scoped3A_300 : memref<!tpu.dma_semaphore, #tpu.memory_space<semaphore_mem>>) src(%dma_wait3A_304 : memref<640xf32, #tpu.memory_space<vmem_shared>>) dst(%dma_wait3A_303 : memref<640xf32, #tpu.memory_space<hbm>>)
      tpu.yield
    }) : () -> ()
    return
  }
}

#map = affine_map<(d0, d1) -> (0, 0, 0)>
#map1 = affine_map<(d0, d1) -> (0, 0)>
module attributes {stable_mosaic.version = 14 : i64} {
  func.func @_agg_kernel(%arg0: i32, %arg1: i32, %arg2: memref<2x10000x64xf32, #tpu.memory_space<hbm>>, %arg3: memref<16x160x128xi32, #tpu.memory_space<hbm>>, %arg4: memref<16x160x128xi32, #tpu.memory_space<hbm>>, %arg5: memref<640x64xf32, #tpu.memory_space<hbm>>, %arg6: memref<2x10240x64xf32, #tpu.memory_space<hbm>>, %arg7: memref<160x128xi32, #tpu.memory_space<vmem>>, %arg8: memref<160x128xi32, #tpu.memory_space<vmem>>, %arg9: memref<128x64xf32, #tpu.memory_space<vmem>>, %arg10: memref<128x64xf32, #tpu.memory_space<vmem>>, %arg11: memref<128x64xf32, #tpu.memory_space<vmem>>, %arg12: memref<128x64xf32, #tpu.memory_space<vmem>>, %arg13: memref<128x64xf32, #tpu.memory_space<vmem>>, %arg14: memref<10240x64xf32, #tpu.memory_space<vmem_shared>>, %arg15: memref<!tpu.dma_semaphore, #tpu.memory_space<semaphore_mem>>, %arg16: memref<!tpu.dma_semaphore, #tpu.memory_space<semaphore_mem>>, %arg17: memref<!tpu.dma_semaphore, #tpu.memory_space<semaphore_mem>>, %arg18: memref<!tpu.dma_semaphore, #tpu.memory_space<semaphore_mem>>, %arg19: memref<!tpu.dma_semaphore, #tpu.memory_space<semaphore_mem>>, %arg20: memref<!tpu.dma_semaphore, #tpu.memory_space<semaphore_mem>>, %arg21: memref<!tpu.dma_semaphore, #tpu.memory_space<semaphore_mem>>, %arg22: memref<!tpu.dma_semaphore, #tpu.memory_space<semaphore_mem>>, %arg23: memref<!tpu.dma_semaphore, #tpu.memory_space<semaphore_mem>>, %arg24: memref<!tpu.dma_semaphore, #tpu.memory_space<semaphore_mem>>) attributes {dimension_semantics = [#tpu.dimension_semantics<core_parallel>, #tpu.dimension_semantics<subcore_parallel>], iteration_bounds = array<i64: 2, 16>, scalar_prefetch = 0 : i64, scratch_operands = 18 : i64, tpu.core_type = #tpu.core_type<sc_vector_subcore>, window_params = [{transform_indices = #map}, {transform_indices = #map}, {transform_indices = #map}, {transform_indices = #map1}, {transform_indices = #map}]} {
    %mul3A = arith.constant 640 : i32
    %mul3A_0 = arith.muli %arg1, %mul3A : i32
    "tpu.region"() ({
      %run_scoped3A = tpu.sem_alloc : memref<!tpu.dma_semaphore, #tpu.memory_space<semaphore_mem>>
      %dma_start3A_96 = arith.constant 0 : i32
      %dma_start3A_97 = tpu.memref_slice %arg14[%mul3A_0, %dma_start3A_96] : memref<10240x64xf32, #tpu.memory_space<vmem_shared>> -> memref<640x64xf32, #tpu.memory_space<vmem_shared>>
      tpu.enqueue_dma source(%arg5 : memref<640x64xf32, #tpu.memory_space<hbm>>) target(%dma_start3A_97 : memref<640x64xf32, #tpu.memory_space<vmem_shared>>) target_semaphore(%run_scoped3A : memref<!tpu.dma_semaphore, #tpu.memory_space<semaphore_mem>>)
      %dma_wait3A_98 = arith.constant 0 : i32
      %dma_wait3A_99 = tpu.memref_slice %arg14[%mul3A_0, %dma_wait3A_98] : memref<10240x64xf32, #tpu.memory_space<vmem_shared>> -> memref<640x64xf32, #tpu.memory_space<vmem_shared>>
      tpu.wait_dma2 semaphore(%run_scoped3A : memref<!tpu.dma_semaphore, #tpu.memory_space<semaphore_mem>>) src(%arg5 : memref<640x64xf32, #tpu.memory_space<hbm>>) dst(%dma_wait3A_99 : memref<640x64xf32, #tpu.memory_space<vmem_shared>>)
      tpu.yield
    }) : () -> ()
    "tpu.region"() ({
      %run_scoped3A = tpu.sem_alloc : memref<!tpu.dma_semaphore, #tpu.memory_space<semaphore_mem>>
      %dma_start3A_96 = arith.constant 0 : i32
      %dma_start3A_97 = arith.constant 0 : i32
      %dma_start3A_98 = tpu.memref_slice %arg3[%arg1, %dma_start3A_96, %dma_start3A_97] : memref<16x160x128xi32, #tpu.memory_space<hbm>> -> memref<1x160x128xi32, #tpu.memory_space<hbm>>
      %dma_start3A_99 = tpu.memref_squeeze %dma_start3A_98 : memref<1x160x128xi32, #tpu.memory_space<hbm>> -> memref<160x128xi32, #tpu.memory_space<hbm>>
      %dma_start3A_100 = arith.constant 0 : i32
      %dma_start3A_101 = arith.constant 0 : i32
      %dma_start3A_102 = tpu.memref_slice %arg3[%arg1, %dma_start3A_100, %dma_start3A_101] : memref<16x160x128xi32, #tpu.memory_space<hbm>> -> memref<1x160x128xi32, #tpu.memory_space<hbm>>
      %dma_start3A_103 = tpu.memref_squeeze %dma_start3A_102 : memref<1x160x128xi32, #tpu.memory_space<hbm>> -> memref<160x128xi32, #tpu.memory_space<hbm>>
      tpu.enqueue_dma source(%dma_start3A_103 : memref<160x128xi32, #tpu.memory_space<hbm>>) target(%arg7 : memref<160x128xi32, #tpu.memory_space<vmem>>) target_semaphore(%run_scoped3A : memref<!tpu.dma_semaphore, #tpu.memory_space<semaphore_mem>>)
      %dma_wait3A_104 = arith.constant 0 : i32
      %dma_wait3A_105 = arith.constant 0 : i32
      %dma_wait3A_106 = tpu.memref_slice %arg3[%arg1, %dma_wait3A_104, %dma_wait3A_105] : memref<16x160x128xi32, #tpu.memory_space<hbm>> -> memref<1x160x128xi32, #tpu.memory_space<hbm>>
      %dma_wait3A_107 = tpu.memref_squeeze %dma_wait3A_106 : memref<1x160x128xi32, #tpu.memory_space<hbm>> -> memref<160x128xi32, #tpu.memory_space<hbm>>
      %dma_wait3A_108 = arith.constant 0 : i32
      %dma_wait3A_109 = arith.constant 0 : i32
      %dma_wait3A_110 = tpu.memref_slice %arg3[%arg1, %dma_wait3A_108, %dma_wait3A_109] : memref<16x160x128xi32, #tpu.memory_space<hbm>> -> memref<1x160x128xi32, #tpu.memory_space<hbm>>
      %dma_wait3A_111 = tpu.memref_squeeze %dma_wait3A_110 : memref<1x160x128xi32, #tpu.memory_space<hbm>> -> memref<160x128xi32, #tpu.memory_space<hbm>>
      tpu.wait_dma2 semaphore(%run_scoped3A : memref<!tpu.dma_semaphore, #tpu.memory_space<semaphore_mem>>) src(%dma_wait3A_111 : memref<160x128xi32, #tpu.memory_space<hbm>>) dst(%arg7 : memref<160x128xi32, #tpu.memory_space<vmem>>)
      tpu.yield
    }) : () -> ()
    "tpu.region"() ({
      %run_scoped3A = tpu.sem_alloc : memref<!tpu.dma_semaphore, #tpu.memory_space<semaphore_mem>>
      %dma_start3A_96 = arith.constant 0 : i32
      %dma_start3A_97 = arith.constant 0 : i32
      %dma_start3A_98 = tpu.memref_slice %arg4[%arg1, %dma_start3A_96, %dma_start3A_97] : memref<16x160x128xi32, #tpu.memory_space<hbm>> -> memref<1x160x128xi32, #tpu.memory_space<hbm>>
      %dma_start3A_99 = tpu.memref_squeeze %dma_start3A_98 : memref<1x160x128xi32, #tpu.memory_space<hbm>> -> memref<160x128xi32, #tpu.memory_space<hbm>>
      %dma_start3A_100 = arith.constant 0 : i32
      %dma_start3A_101 = arith.constant 0 : i32
      %dma_start3A_102 = tpu.memref_slice %arg4[%arg1, %dma_start3A_100, %dma_start3A_101] : memref<16x160x128xi32, #tpu.memory_space<hbm>> -> memref<1x160x128xi32, #tpu.memory_space<hbm>>
      %dma_start3A_103 = tpu.memref_squeeze %dma_start3A_102 : memref<1x160x128xi32, #tpu.memory_space<hbm>> -> memref<160x128xi32, #tpu.memory_space<hbm>>
      tpu.enqueue_dma source(%dma_start3A_103 : memref<160x128xi32, #tpu.memory_space<hbm>>) target(%arg8 : memref<160x128xi32, #tpu.memory_space<vmem>>) target_semaphore(%run_scoped3A : memref<!tpu.dma_semaphore, #tpu.memory_space<semaphore_mem>>)
      %dma_wait3A_104 = arith.constant 0 : i32
      %dma_wait3A_105 = arith.constant 0 : i32
      %dma_wait3A_106 = tpu.memref_slice %arg4[%arg1, %dma_wait3A_104, %dma_wait3A_105] : memref<16x160x128xi32, #tpu.memory_space<hbm>> -> memref<1x160x128xi32, #tpu.memory_space<hbm>>
      %dma_wait3A_107 = tpu.memref_squeeze %dma_wait3A_106 : memref<1x160x128xi32, #tpu.memory_space<hbm>> -> memref<160x128xi32, #tpu.memory_space<hbm>>
      %dma_wait3A_108 = arith.constant 0 : i32
      %dma_wait3A_109 = arith.constant 0 : i32
      %dma_wait3A_110 = tpu.memref_slice %arg4[%arg1, %dma_wait3A_108, %dma_wait3A_109] : memref<16x160x128xi32, #tpu.memory_space<hbm>> -> memref<1x160x128xi32, #tpu.memory_space<hbm>>
      %dma_wait3A_111 = tpu.memref_squeeze %dma_wait3A_110 : memref<1x160x128xi32, #tpu.memory_space<hbm>> -> memref<160x128xi32, #tpu.memory_space<hbm>>
      tpu.wait_dma2 semaphore(%run_scoped3A : memref<!tpu.dma_semaphore, #tpu.memory_space<semaphore_mem>>) src(%dma_wait3A_111 : memref<160x128xi32, #tpu.memory_space<hbm>>) dst(%arg8 : memref<160x128xi32, #tpu.memory_space<vmem>>)
      tpu.yield
    }) : () -> ()
    %barrier3A = arith.constant 0 : index
    tpu.barrier barrier_id(%barrier3A)
    %scan3A = arith.constant 0 : i32
    %scan3A_1 = arith.constant 0 : i32
    %scan3A_2 = arith.constant 32 : i32
    %scan3A_3 = arith.addi %scan3A_1, %scan3A_2 : i32
    %scan3A_4 = arith.constant 1 : i32
    scf.for %scan3A_96 = %scan3A_1 to %scan3A_3 step %scan3A_4  : i32 {
      %mul3A_97 = arith.constant 5 : i32
      %mul3A_98 = arith.muli %scan3A_96, %mul3A_97 : i32
      %add3A = arith.constant 0 : i32
      %add3A_99 = arith.addi %mul3A_98, %add3A : i32
      %gt3A = arith.constant 0 : i32
      %gt3A_100 = arith.cmpi sgt, %scan3A_96, %gt3A : i32
      %convert_element_type3A = arith.extui %gt3A_100 : i1 to i32
      %cond3A = arith.constant 0 : i32
      %cond3A_101 = arith.cmpi ne, %convert_element_type3A, %cond3A : i32
      scf.if %cond3A_101 {
        %sub3A_236 = arith.constant 5 : i32
        %sub3A_237 = arith.subi %add3A_99, %sub3A_236 : i32
        %dma_wait3A_238 = arith.constant 0 : i32
        %dma_wait3A_239 = tpu.memref_slice %arg8[%sub3A_237, %dma_wait3A_238] : memref<160x128xi32, #tpu.memory_space<vmem>> -> memref<1x128xi32, #tpu.memory_space<vmem>>
        %dma_wait3A_240 = tpu.memref_squeeze %dma_wait3A_239 : memref<1x128xi32, #tpu.memory_space<vmem>> -> memref<128xi32, #tpu.memory_space<vmem>>
        %dma_wait3A_241 = arith.constant 0 : i32
        %dma_wait3A_242 = arith.constant 0 : i32
        %dma_wait3A_243 = tpu.memref_slice %arg14[%dma_wait3A_241, %dma_wait3A_242] : memref<10240x64xf32, #tpu.memory_space<vmem_shared>> -> memref<10240x64xf32, #tpu.memory_space<vmem_shared>>
        tpu.wait_indirect_dma semaphore(%arg20 : memref<!tpu.dma_semaphore, #tpu.memory_space<semaphore_mem>>) src(%arg9 : memref<128x64xf32, #tpu.memory_space<vmem>>) dst(%dma_wait3A_243 : memref<10240x64xf32, #tpu.memory_space<vmem_shared>>)
      } else {
      }
      %dma_start3A_102 = arith.constant 0 : i32
      %dma_start3A_103 = tpu.memref_slice %arg7[%add3A_99, %dma_start3A_102] : memref<160x128xi32, #tpu.memory_space<vmem>> -> memref<1x128xi32, #tpu.memory_space<vmem>>
      %dma_start3A_104 = tpu.memref_squeeze %dma_start3A_103 : memref<1x128xi32, #tpu.memory_space<vmem>> -> memref<128xi32, #tpu.memory_space<vmem>>
      %dma_start3A_105 = arith.constant 0 : i32
      %dma_start3A_106 = arith.constant 0 : i32
      %dma_start3A_107 = tpu.memref_slice %arg2[%arg0, %dma_start3A_105, %dma_start3A_106] : memref<2x10000x64xf32, #tpu.memory_space<hbm>> -> memref<1x10000x64xf32, #tpu.memory_space<hbm>>
      %dma_start3A_108 = tpu.memref_squeeze %dma_start3A_107 : memref<1x10000x64xf32, #tpu.memory_space<hbm>> -> memref<10000x64xf32, #tpu.memory_space<hbm>>
      %dma_start3A_109 = arith.constant 0 : i32
      %dma_start3A_110 = arith.constant 0 : i32
      %dma_start3A_111 = tpu.memref_slice %dma_start3A_108[%dma_start3A_109, %dma_start3A_110] : memref<10000x64xf32, #tpu.memory_space<hbm>> -> memref<10000x64xf32, #tpu.memory_space<hbm>>
      tpu.enqueue_indirect_dma source(%dma_start3A_111 : memref<10000x64xf32, #tpu.memory_space<hbm>>) target(%arg9 : memref<128x64xf32, #tpu.memory_space<vmem>>) offsets(%dma_start3A_104 : memref<128xi32, #tpu.memory_space<vmem>>) semaphore(%arg15 : memref<!tpu.dma_semaphore, #tpu.memory_space<semaphore_mem>>)
      %sub3A = arith.constant 3 : i32
      %sub3A_112 = arith.subi %add3A_99, %sub3A : i32
      %gt3A_113 = arith.constant 0 : i32
      %gt3A_114 = arith.cmpi sgt, %scan3A_96, %gt3A_113 : i32
      %convert_element_type3A_115 = arith.extui %gt3A_114 : i1 to i32
      %cond3A_116 = arith.constant 0 : i32
      %cond3A_117 = arith.cmpi ne, %convert_element_type3A_115, %cond3A_116 : i32
      scf.if %cond3A_117 {
        %dma_wait3A_236 = arith.constant 0 : i32
        %dma_wait3A_237 = tpu.memref_slice %arg7[%sub3A_112, %dma_wait3A_236] : memref<160x128xi32, #tpu.memory_space<vmem>> -> memref<1x128xi32, #tpu.memory_space<vmem>>
        %dma_wait3A_238 = tpu.memref_squeeze %dma_wait3A_237 : memref<1x128xi32, #tpu.memory_space<vmem>> -> memref<128xi32, #tpu.memory_space<vmem>>
        %dma_wait3A_239 = arith.constant 0 : i32
        %dma_wait3A_240 = arith.constant 0 : i32
        %dma_wait3A_241 = tpu.memref_slice %arg2[%arg0, %dma_wait3A_239, %dma_wait3A_240] : memref<2x10000x64xf32, #tpu.memory_space<hbm>> -> memref<1x10000x64xf32, #tpu.memory_space<hbm>>
        %dma_wait3A_242 = tpu.memref_squeeze %dma_wait3A_241 : memref<1x10000x64xf32, #tpu.memory_space<hbm>> -> memref<10000x64xf32, #tpu.memory_space<hbm>>
        %dma_wait3A_243 = arith.constant 0 : i32
        %dma_wait3A_244 = arith.constant 0 : i32
        %dma_wait3A_245 = tpu.memref_slice %dma_wait3A_242[%dma_wait3A_243, %dma_wait3A_244] : memref<10000x64xf32, #tpu.memory_space<hbm>> -> memref<10000x64xf32, #tpu.memory_space<hbm>>
        tpu.wait_indirect_dma semaphore(%arg17 : memref<!tpu.dma_semaphore, #tpu.memory_space<semaphore_mem>>) src(%dma_wait3A_245 : memref<10000x64xf32, #tpu.memory_space<hbm>>) dst(%arg11 : memref<128x64xf32, #tpu.memory_space<vmem>>)
        %dma_start3A_246 = arith.constant 0 : i32
        %dma_start3A_247 = tpu.memref_slice %arg8[%sub3A_112, %dma_start3A_246] : memref<160x128xi32, #tpu.memory_space<vmem>> -> memref<1x128xi32, #tpu.memory_space<vmem>>
        %dma_start3A_248 = tpu.memref_squeeze %dma_start3A_247 : memref<1x128xi32, #tpu.memory_space<vmem>> -> memref<128xi32, #tpu.memory_space<vmem>>
        %dma_start3A_249 = arith.constant 0 : i32
        %dma_start3A_250 = arith.constant 0 : i32
        %dma_start3A_251 = tpu.memref_slice %arg14[%dma_start3A_249, %dma_start3A_250] : memref<10240x64xf32, #tpu.memory_space<vmem_shared>> -> memref<10240x64xf32, #tpu.memory_space<vmem_shared>>
        tpu.enqueue_indirect_dma source(%arg11 : memref<128x64xf32, #tpu.memory_space<vmem>>) target(%dma_start3A_251 : memref<10240x64xf32, #tpu.memory_space<vmem_shared>>) offsets(%dma_start3A_248 : memref<128xi32, #tpu.memory_space<vmem>>) semaphore(%arg22 : memref<!tpu.dma_semaphore, #tpu.memory_space<semaphore_mem>>) {add = true}
      } else {
      }
      %add3A_118 = arith.constant 1 : i32
      %add3A_119 = arith.addi %mul3A_98, %add3A_118 : i32
      %gt3A_120 = arith.constant 0 : i32
      %gt3A_121 = arith.cmpi sgt, %scan3A_96, %gt3A_120 : i32
      %convert_element_type3A_122 = arith.extui %gt3A_121 : i1 to i32
      %cond3A_123 = arith.constant 0 : i32
      %cond3A_124 = arith.cmpi ne, %convert_element_type3A_122, %cond3A_123 : i32
      scf.if %cond3A_124 {
        %sub3A_236 = arith.constant 5 : i32
        %sub3A_237 = arith.subi %add3A_119, %sub3A_236 : i32
        %dma_wait3A_238 = arith.constant 0 : i32
        %dma_wait3A_239 = tpu.memref_slice %arg8[%sub3A_237, %dma_wait3A_238] : memref<160x128xi32, #tpu.memory_space<vmem>> -> memref<1x128xi32, #tpu.memory_space<vmem>>
        %dma_wait3A_240 = tpu.memref_squeeze %dma_wait3A_239 : memref<1x128xi32, #tpu.memory_space<vmem>> -> memref<128xi32, #tpu.memory_space<vmem>>
        %dma_wait3A_241 = arith.constant 0 : i32
        %dma_wait3A_242 = arith.constant 0 : i32
        %dma_wait3A_243 = tpu.memref_slice %arg14[%dma_wait3A_241, %dma_wait3A_242] : memref<10240x64xf32, #tpu.memory_space<vmem_shared>> -> memref<10240x64xf32, #tpu.memory_space<vmem_shared>>
        tpu.wait_indirect_dma semaphore(%arg21 : memref<!tpu.dma_semaphore, #tpu.memory_space<semaphore_mem>>) src(%arg10 : memref<128x64xf32, #tpu.memory_space<vmem>>) dst(%dma_wait3A_243 : memref<10240x64xf32, #tpu.memory_space<vmem_shared>>)
      } else {
      }
      %dma_start3A_125 = arith.constant 0 : i32
      %dma_start3A_126 = tpu.memref_slice %arg7[%add3A_119, %dma_start3A_125] : memref<160x128xi32, #tpu.memory_space<vmem>> -> memref<1x128xi32, #tpu.memory_space<vmem>>
      %dma_start3A_127 = tpu.memref_squeeze %dma_start3A_126 : memref<1x128xi32, #tpu.memory_space<vmem>> -> memref<128xi32, #tpu.memory_space<vmem>>
      %dma_start3A_128 = arith.constant 0 : i32
      %dma_start3A_129 = arith.constant 0 : i32
      %dma_start3A_130 = tpu.memref_slice %arg2[%arg0, %dma_start3A_128, %dma_start3A_129] : memref<2x10000x64xf32, #tpu.memory_space<hbm>> -> memref<1x10000x64xf32, #tpu.memory_space<hbm>>
      %dma_start3A_131 = tpu.memref_squeeze %dma_start3A_130 : memref<1x10000x64xf32, #tpu.memory_space<hbm>> -> memref<10000x64xf32, #tpu.memory_space<hbm>>
      %dma_start3A_132 = arith.constant 0 : i32
      %dma_start3A_133 = arith.constant 0 : i32
      %dma_start3A_134 = tpu.memref_slice %dma_start3A_131[%dma_start3A_132, %dma_start3A_133] : memref<10000x64xf32, #tpu.memory_space<hbm>> -> memref<10000x64xf32, #tpu.memory_space<hbm>>
      tpu.enqueue_indirect_dma source(%dma_start3A_134 : memref<10000x64xf32, #tpu.memory_space<hbm>>) target(%arg10 : memref<128x64xf32, #tpu.memory_space<vmem>>) offsets(%dma_start3A_127 : memref<128xi32, #tpu.memory_space<vmem>>) semaphore(%arg16 : memref<!tpu.dma_semaphore, #tpu.memory_space<semaphore_mem>>)
      %sub3A_135 = arith.constant 3 : i32
      %sub3A_136 = arith.subi %add3A_119, %sub3A_135 : i32
      %gt3A_137 = arith.constant 0 : i32
      %gt3A_138 = arith.cmpi sgt, %scan3A_96, %gt3A_137 : i32
      %convert_element_type3A_139 = arith.extui %gt3A_138 : i1 to i32
      %cond3A_140 = arith.constant 0 : i32
      %cond3A_141 = arith.cmpi ne, %convert_element_type3A_139, %cond3A_140 : i32
      scf.if %cond3A_141 {
        %dma_wait3A_236 = arith.constant 0 : i32
        %dma_wait3A_237 = tpu.memref_slice %arg7[%sub3A_136, %dma_wait3A_236] : memref<160x128xi32, #tpu.memory_space<vmem>> -> memref<1x128xi32, #tpu.memory_space<vmem>>
        %dma_wait3A_238 = tpu.memref_squeeze %dma_wait3A_237 : memref<1x128xi32, #tpu.memory_space<vmem>> -> memref<128xi32, #tpu.memory_space<vmem>>
        %dma_wait3A_239 = arith.constant 0 : i32
        %dma_wait3A_240 = arith.constant 0 : i32
        %dma_wait3A_241 = tpu.memref_slice %arg2[%arg0, %dma_wait3A_239, %dma_wait3A_240] : memref<2x10000x64xf32, #tpu.memory_space<hbm>> -> memref<1x10000x64xf32, #tpu.memory_space<hbm>>
        %dma_wait3A_242 = tpu.memref_squeeze %dma_wait3A_241 : memref<1x10000x64xf32, #tpu.memory_space<hbm>> -> memref<10000x64xf32, #tpu.memory_space<hbm>>
        %dma_wait3A_243 = arith.constant 0 : i32
        %dma_wait3A_244 = arith.constant 0 : i32
        %dma_wait3A_245 = tpu.memref_slice %dma_wait3A_242[%dma_wait3A_243, %dma_wait3A_244] : memref<10000x64xf32, #tpu.memory_space<hbm>> -> memref<10000x64xf32, #tpu.memory_space<hbm>>
        tpu.wait_indirect_dma semaphore(%arg18 : memref<!tpu.dma_semaphore, #tpu.memory_space<semaphore_mem>>) src(%dma_wait3A_245 : memref<10000x64xf32, #tpu.memory_space<hbm>>) dst(%arg12 : memref<128x64xf32, #tpu.memory_space<vmem>>)
        %dma_start3A_246 = arith.constant 0 : i32
        %dma_start3A_247 = tpu.memref_slice %arg8[%sub3A_136, %dma_start3A_246] : memref<160x128xi32, #tpu.memory_space<vmem>> -> memref<1x128xi32, #tpu.memory_space<vmem>>
        %dma_start3A_248 = tpu.memref_squeeze %dma_start3A_247 : memref<1x128xi32, #tpu.memory_space<vmem>> -> memref<128xi32, #tpu.memory_space<vmem>>
        %dma_start3A_249 = arith.constant 0 : i32
        %dma_start3A_250 = arith.constant 0 : i32
        %dma_start3A_251 = tpu.memref_slice %arg14[%dma_start3A_249, %dma_start3A_250] : memref<10240x64xf32, #tpu.memory_space<vmem_shared>> -> memref<10240x64xf32, #tpu.memory_space<vmem_shared>>
        tpu.enqueue_indirect_dma source(%arg12 : memref<128x64xf32, #tpu.memory_space<vmem>>) target(%dma_start3A_251 : memref<10240x64xf32, #tpu.memory_space<vmem_shared>>) offsets(%dma_start3A_248 : memref<128xi32, #tpu.memory_space<vmem>>) semaphore(%arg23 : memref<!tpu.dma_semaphore, #tpu.memory_space<semaphore_mem>>) {add = true}
      } else {
      }
      %add3A_142 = arith.constant 2 : i32
      %add3A_143 = arith.addi %mul3A_98, %add3A_142 : i32
      %gt3A_144 = arith.constant 0 : i32
      %gt3A_145 = arith.cmpi sgt, %scan3A_96, %gt3A_144 : i32
      %convert_element_type3A_146 = arith.extui %gt3A_145 : i1 to i32
      %cond3A_147 = arith.constant 0 : i32
      %cond3A_148 = arith.cmpi ne, %convert_element_type3A_146, %cond3A_147 : i32
      scf.if %cond3A_148 {
        %sub3A_236 = arith.constant 5 : i32
        %sub3A_237 = arith.subi %add3A_143, %sub3A_236 : i32
        %dma_wait3A_238 = arith.constant 0 : i32
        %dma_wait3A_239 = tpu.memref_slice %arg8[%sub3A_237, %dma_wait3A_238] : memref<160x128xi32, #tpu.memory_space<vmem>> -> memref<1x128xi32, #tpu.memory_space<vmem>>
        %dma_wait3A_240 = tpu.memref_squeeze %dma_wait3A_239 : memref<1x128xi32, #tpu.memory_space<vmem>> -> memref<128xi32, #tpu.memory_space<vmem>>
        %dma_wait3A_241 = arith.constant 0 : i32
        %dma_wait3A_242 = arith.constant 0 : i32
        %dma_wait3A_243 = tpu.memref_slice %arg14[%dma_wait3A_241, %dma_wait3A_242] : memref<10240x64xf32, #tpu.memory_space<vmem_shared>> -> memref<10240x64xf32, #tpu.memory_space<vmem_shared>>
        tpu.wait_indirect_dma semaphore(%arg22 : memref<!tpu.dma_semaphore, #tpu.memory_space<semaphore_mem>>) src(%arg11 : memref<128x64xf32, #tpu.memory_space<vmem>>) dst(%dma_wait3A_243 : memref<10240x64xf32, #tpu.memory_space<vmem_shared>>)
      } else {
      }
      %dma_start3A_149 = arith.constant 0 : i32
      %dma_start3A_150 = tpu.memref_slice %arg7[%add3A_143, %dma_start3A_149] : memref<160x128xi32, #tpu.memory_space<vmem>> -> memref<1x128xi32, #tpu.memory_space<vmem>>
      %dma_start3A_151 = tpu.memref_squeeze %dma_start3A_150 : memref<1x128xi32, #tpu.memory_space<vmem>> -> memref<128xi32, #tpu.memory_space<vmem>>
      %dma_start3A_152 = arith.constant 0 : i32
      %dma_start3A_153 = arith.constant 0 : i32
      %dma_start3A_154 = tpu.memref_slice %arg2[%arg0, %dma_start3A_152, %dma_start3A_153] : memref<2x10000x64xf32, #tpu.memory_space<hbm>> -> memref<1x10000x64xf32, #tpu.memory_space<hbm>>
      %dma_start3A_155 = tpu.memref_squeeze %dma_start3A_154 : memref<1x10000x64xf32, #tpu.memory_space<hbm>> -> memref<10000x64xf32, #tpu.memory_space<hbm>>
      %dma_start3A_156 = arith.constant 0 : i32
      %dma_start3A_157 = arith.constant 0 : i32
      %dma_start3A_158 = tpu.memref_slice %dma_start3A_155[%dma_start3A_156, %dma_start3A_157] : memref<10000x64xf32, #tpu.memory_space<hbm>> -> memref<10000x64xf32, #tpu.memory_space<hbm>>
      tpu.enqueue_indirect_dma source(%dma_start3A_158 : memref<10000x64xf32, #tpu.memory_space<hbm>>) target(%arg11 : memref<128x64xf32, #tpu.memory_space<vmem>>) offsets(%dma_start3A_151 : memref<128xi32, #tpu.memory_space<vmem>>) semaphore(%arg17 : memref<!tpu.dma_semaphore, #tpu.memory_space<semaphore_mem>>)
      %sub3A_159 = arith.constant 3 : i32
      %sub3A_160 = arith.subi %add3A_143, %sub3A_159 : i32
      %gt3A_161 = arith.constant 0 : i32
      %gt3A_162 = arith.cmpi sgt, %scan3A_96, %gt3A_161 : i32
      %convert_element_type3A_163 = arith.extui %gt3A_162 : i1 to i32
      %cond3A_164 = arith.constant 0 : i32
      %cond3A_165 = arith.cmpi ne, %convert_element_type3A_163, %cond3A_164 : i32
      scf.if %cond3A_165 {
        %dma_wait3A_236 = arith.constant 0 : i32
        %dma_wait3A_237 = tpu.memref_slice %arg7[%sub3A_160, %dma_wait3A_236] : memref<160x128xi32, #tpu.memory_space<vmem>> -> memref<1x128xi32, #tpu.memory_space<vmem>>
        %dma_wait3A_238 = tpu.memref_squeeze %dma_wait3A_237 : memref<1x128xi32, #tpu.memory_space<vmem>> -> memref<128xi32, #tpu.memory_space<vmem>>
        %dma_wait3A_239 = arith.constant 0 : i32
        %dma_wait3A_240 = arith.constant 0 : i32
        %dma_wait3A_241 = tpu.memref_slice %arg2[%arg0, %dma_wait3A_239, %dma_wait3A_240] : memref<2x10000x64xf32, #tpu.memory_space<hbm>> -> memref<1x10000x64xf32, #tpu.memory_space<hbm>>
        %dma_wait3A_242 = tpu.memref_squeeze %dma_wait3A_241 : memref<1x10000x64xf32, #tpu.memory_space<hbm>> -> memref<10000x64xf32, #tpu.memory_space<hbm>>
        %dma_wait3A_243 = arith.constant 0 : i32
        %dma_wait3A_244 = arith.constant 0 : i32
        %dma_wait3A_245 = tpu.memref_slice %dma_wait3A_242[%dma_wait3A_243, %dma_wait3A_244] : memref<10000x64xf32, #tpu.memory_space<hbm>> -> memref<10000x64xf32, #tpu.memory_space<hbm>>
        tpu.wait_indirect_dma semaphore(%arg19 : memref<!tpu.dma_semaphore, #tpu.memory_space<semaphore_mem>>) src(%dma_wait3A_245 : memref<10000x64xf32, #tpu.memory_space<hbm>>) dst(%arg13 : memref<128x64xf32, #tpu.memory_space<vmem>>)
        %dma_start3A_246 = arith.constant 0 : i32
        %dma_start3A_247 = tpu.memref_slice %arg8[%sub3A_160, %dma_start3A_246] : memref<160x128xi32, #tpu.memory_space<vmem>> -> memref<1x128xi32, #tpu.memory_space<vmem>>
        %dma_start3A_248 = tpu.memref_squeeze %dma_start3A_247 : memref<1x128xi32, #tpu.memory_space<vmem>> -> memref<128xi32, #tpu.memory_space<vmem>>
        %dma_start3A_249 = arith.constant 0 : i32
        %dma_start3A_250 = arith.constant 0 : i32
        %dma_start3A_251 = tpu.memref_slice %arg14[%dma_start3A_249, %dma_start3A_250] : memref<10240x64xf32, #tpu.memory_space<vmem_shared>> -> memref<10240x64xf32, #tpu.memory_space<vmem_shared>>
        tpu.enqueue_indirect_dma source(%arg13 : memref<128x64xf32, #tpu.memory_space<vmem>>) target(%dma_start3A_251 : memref<10240x64xf32, #tpu.memory_space<vmem_shared>>) offsets(%dma_start3A_248 : memref<128xi32, #tpu.memory_space<vmem>>) semaphore(%arg24 : memref<!tpu.dma_semaphore, #tpu.memory_space<semaphore_mem>>) {add = true}
      } else {
      }
      %add3A_166 = arith.constant 3 : i32
      %add3A_167 = arith.addi %mul3A_98, %add3A_166 : i32
      %gt3A_168 = arith.constant 0 : i32
      %gt3A_169 = arith.cmpi sgt, %scan3A_96, %gt3A_168 : i32
      %convert_element_type3A_170 = arith.extui %gt3A_169 : i1 to i32
      %cond3A_171 = arith.constant 0 : i32
      %cond3A_172 = arith.cmpi ne, %convert_element_type3A_170, %cond3A_171 : i32
      scf.if %cond3A_172 {
        %sub3A_236 = arith.constant 5 : i32
        %sub3A_237 = arith.subi %add3A_167, %sub3A_236 : i32
        %dma_wait3A_238 = arith.constant 0 : i32
        %dma_wait3A_239 = tpu.memref_slice %arg8[%sub3A_237, %dma_wait3A_238] : memref<160x128xi32, #tpu.memory_space<vmem>> -> memref<1x128xi32, #tpu.memory_space<vmem>>
        %dma_wait3A_240 = tpu.memref_squeeze %dma_wait3A_239 : memref<1x128xi32, #tpu.memory_space<vmem>> -> memref<128xi32, #tpu.memory_space<vmem>>
        %dma_wait3A_241 = arith.constant 0 : i32
        %dma_wait3A_242 = arith.constant 0 : i32
        %dma_wait3A_243 = tpu.memref_slice %arg14[%dma_wait3A_241, %dma_wait3A_242] : memref<10240x64xf32, #tpu.memory_space<vmem_shared>> -> memref<10240x64xf32, #tpu.memory_space<vmem_shared>>
        tpu.wait_indirect_dma semaphore(%arg23 : memref<!tpu.dma_semaphore, #tpu.memory_space<semaphore_mem>>) src(%arg12 : memref<128x64xf32, #tpu.memory_space<vmem>>) dst(%dma_wait3A_243 : memref<10240x64xf32, #tpu.memory_space<vmem_shared>>)
      } else {
      }
      %dma_start3A_173 = arith.constant 0 : i32
      %dma_start3A_174 = tpu.memref_slice %arg7[%add3A_167, %dma_start3A_173] : memref<160x128xi32, #tpu.memory_space<vmem>> -> memref<1x128xi32, #tpu.memory_space<vmem>>
      %dma_start3A_175 = tpu.memref_squeeze %dma_start3A_174 : memref<1x128xi32, #tpu.memory_space<vmem>> -> memref<128xi32, #tpu.memory_space<vmem>>
      %dma_start3A_176 = arith.constant 0 : i32
      %dma_start3A_177 = arith.constant 0 : i32
      %dma_start3A_178 = tpu.memref_slice %arg2[%arg0, %dma_start3A_176, %dma_start3A_177] : memref<2x10000x64xf32, #tpu.memory_space<hbm>> -> memref<1x10000x64xf32, #tpu.memory_space<hbm>>
      %dma_start3A_179 = tpu.memref_squeeze %dma_start3A_178 : memref<1x10000x64xf32, #tpu.memory_space<hbm>> -> memref<10000x64xf32, #tpu.memory_space<hbm>>
      %dma_start3A_180 = arith.constant 0 : i32
      %dma_start3A_181 = arith.constant 0 : i32
      %dma_start3A_182 = tpu.memref_slice %dma_start3A_179[%dma_start3A_180, %dma_start3A_181] : memref<10000x64xf32, #tpu.memory_space<hbm>> -> memref<10000x64xf32, #tpu.memory_space<hbm>>
      tpu.enqueue_indirect_dma source(%dma_start3A_182 : memref<10000x64xf32, #tpu.memory_space<hbm>>) target(%arg12 : memref<128x64xf32, #tpu.memory_space<vmem>>) offsets(%dma_start3A_175 : memref<128xi32, #tpu.memory_space<vmem>>) semaphore(%arg18 : memref<!tpu.dma_semaphore, #tpu.memory_space<semaphore_mem>>)
      %sub3A_183 = arith.constant 3 : i32
      %sub3A_184 = arith.subi %add3A_167, %sub3A_183 : i32
      %dma_wait3A_185 = arith.constant 0 : i32
      %dma_wait3A_186 = tpu.memref_slice %arg7[%sub3A_184, %dma_wait3A_185] : memref<160x128xi32, #tpu.memory_space<vmem>> -> memref<1x128xi32, #tpu.memory_space<vmem>>
      %dma_wait3A_187 = tpu.memref_squeeze %dma_wait3A_186 : memref<1x128xi32, #tpu.memory_space<vmem>> -> memref<128xi32, #tpu.memory_space<vmem>>
      %dma_wait3A_188 = arith.constant 0 : i32
      %dma_wait3A_189 = arith.constant 0 : i32
      %dma_wait3A_190 = tpu.memref_slice %arg2[%arg0, %dma_wait3A_188, %dma_wait3A_189] : memref<2x10000x64xf32, #tpu.memory_space<hbm>> -> memref<1x10000x64xf32, #tpu.memory_space<hbm>>
      %dma_wait3A_191 = tpu.memref_squeeze %dma_wait3A_190 : memref<1x10000x64xf32, #tpu.memory_space<hbm>> -> memref<10000x64xf32, #tpu.memory_space<hbm>>
      %dma_wait3A_192 = arith.constant 0 : i32
      %dma_wait3A_193 = arith.constant 0 : i32
      %dma_wait3A_194 = tpu.memref_slice %dma_wait3A_191[%dma_wait3A_192, %dma_wait3A_193] : memref<10000x64xf32, #tpu.memory_space<hbm>> -> memref<10000x64xf32, #tpu.memory_space<hbm>>
      tpu.wait_indirect_dma semaphore(%arg15 : memref<!tpu.dma_semaphore, #tpu.memory_space<semaphore_mem>>) src(%dma_wait3A_194 : memref<10000x64xf32, #tpu.memory_space<hbm>>) dst(%arg9 : memref<128x64xf32, #tpu.memory_space<vmem>>)
      %dma_start3A_195 = arith.constant 0 : i32
      %dma_start3A_196 = tpu.memref_slice %arg8[%sub3A_184, %dma_start3A_195] : memref<160x128xi32, #tpu.memory_space<vmem>> -> memref<1x128xi32, #tpu.memory_space<vmem>>
      %dma_start3A_197 = tpu.memref_squeeze %dma_start3A_196 : memref<1x128xi32, #tpu.memory_space<vmem>> -> memref<128xi32, #tpu.memory_space<vmem>>
      %dma_start3A_198 = arith.constant 0 : i32
      %dma_start3A_199 = arith.constant 0 : i32
      %dma_start3A_200 = tpu.memref_slice %arg14[%dma_start3A_198, %dma_start3A_199] : memref<10240x64xf32, #tpu.memory_space<vmem_shared>> -> memref<10240x64xf32, #tpu.memory_space<vmem_shared>>
      tpu.enqueue_indirect_dma source(%arg9 : memref<128x64xf32, #tpu.memory_space<vmem>>) target(%dma_start3A_200 : memref<10240x64xf32, #tpu.memory_space<vmem_shared>>) offsets(%dma_start3A_197 : memref<128xi32, #tpu.memory_space<vmem>>) semaphore(%arg20 : memref<!tpu.dma_semaphore, #tpu.memory_space<semaphore_mem>>) {add = true}
      %add3A_201 = arith.constant 4 : i32
      %add3A_202 = arith.addi %mul3A_98, %add3A_201 : i32
      %gt3A_203 = arith.constant 0 : i32
      %gt3A_204 = arith.cmpi sgt, %scan3A_96, %gt3A_203 : i32
      %convert_element_type3A_205 = arith.extui %gt3A_204 : i1 to i32
      %cond3A_206 = arith.constant 0 : i32
      %cond3A_207 = arith.cmpi ne, %convert_element_type3A_205, %cond3A_206 : i32
      scf.if %cond3A_207 {
        %sub3A_236 = arith.constant 5 : i32
        %sub3A_237 = arith.subi %add3A_202, %sub3A_236 : i32
        %dma_wait3A_238 = arith.constant 0 : i32
        %dma_wait3A_239 = tpu.memref_slice %arg8[%sub3A_237, %dma_wait3A_238] : memref<160x128xi32, #tpu.memory_space<vmem>> -> memref<1x128xi32, #tpu.memory_space<vmem>>
        %dma_wait3A_240 = tpu.memref_squeeze %dma_wait3A_239 : memref<1x128xi32, #tpu.memory_space<vmem>> -> memref<128xi32, #tpu.memory_space<vmem>>
        %dma_wait3A_241 = arith.constant 0 : i32
        %dma_wait3A_242 = arith.constant 0 : i32
        %dma_wait3A_243 = tpu.memref_slice %arg14[%dma_wait3A_241, %dma_wait3A_242] : memref<10240x64xf32, #tpu.memory_space<vmem_shared>> -> memref<10240x64xf32, #tpu.memory_space<vmem_shared>>
        tpu.wait_indirect_dma semaphore(%arg24 : memref<!tpu.dma_semaphore, #tpu.memory_space<semaphore_mem>>) src(%arg13 : memref<128x64xf32, #tpu.memory_space<vmem>>) dst(%dma_wait3A_243 : memref<10240x64xf32, #tpu.memory_space<vmem_shared>>)
      } else {
      }
      %dma_start3A_208 = arith.constant 0 : i32
      %dma_start3A_209 = tpu.memref_slice %arg7[%add3A_202, %dma_start3A_208] : memref<160x128xi32, #tpu.memory_space<vmem>> -> memref<1x128xi32, #tpu.memory_space<vmem>>
      %dma_start3A_210 = tpu.memref_squeeze %dma_start3A_209 : memref<1x128xi32, #tpu.memory_space<vmem>> -> memref<128xi32, #tpu.memory_space<vmem>>
      %dma_start3A_211 = arith.constant 0 : i32
      %dma_start3A_212 = arith.constant 0 : i32
      %dma_start3A_213 = tpu.memref_slice %arg2[%arg0, %dma_start3A_211, %dma_start3A_212] : memref<2x10000x64xf32, #tpu.memory_space<hbm>> -> memref<1x10000x64xf32, #tpu.memory_space<hbm>>
      %dma_start3A_214 = tpu.memref_squeeze %dma_start3A_213 : memref<1x10000x64xf32, #tpu.memory_space<hbm>> -> memref<10000x64xf32, #tpu.memory_space<hbm>>
      %dma_start3A_215 = arith.constant 0 : i32
      %dma_start3A_216 = arith.constant 0 : i32
      %dma_start3A_217 = tpu.memref_slice %dma_start3A_214[%dma_start3A_215, %dma_start3A_216] : memref<10000x64xf32, #tpu.memory_space<hbm>> -> memref<10000x64xf32, #tpu.memory_space<hbm>>
      tpu.enqueue_indirect_dma source(%dma_start3A_217 : memref<10000x64xf32, #tpu.memory_space<hbm>>) target(%arg13 : memref<128x64xf32, #tpu.memory_space<vmem>>) offsets(%dma_start3A_210 : memref<128xi32, #tpu.memory_space<vmem>>) semaphore(%arg19 : memref<!tpu.dma_semaphore, #tpu.memory_space<semaphore_mem>>)
      %sub3A_218 = arith.constant 3 : i32
      %sub3A_219 = arith.subi %add3A_202, %sub3A_218 : i32
      %dma_wait3A_220 = arith.constant 0 : i32
      %dma_wait3A_221 = tpu.memref_slice %arg7[%sub3A_219, %dma_wait3A_220] : memref<160x128xi32, #tpu.memory_space<vmem>> -> memref<1x128xi32, #tpu.memory_space<vmem>>
      %dma_wait3A_222 = tpu.memref_squeeze %dma_wait3A_221 : memref<1x128xi32, #tpu.memory_space<vmem>> -> memref<128xi32, #tpu.memory_space<vmem>>
      %dma_wait3A_223 = arith.constant 0 : i32
      %dma_wait3A_224 = arith.constant 0 : i32
      %dma_wait3A_225 = tpu.memref_slice %arg2[%arg0, %dma_wait3A_223, %dma_wait3A_224] : memref<2x10000x64xf32, #tpu.memory_space<hbm>> -> memref<1x10000x64xf32, #tpu.memory_space<hbm>>
      %dma_wait3A_226 = tpu.memref_squeeze %dma_wait3A_225 : memref<1x10000x64xf32, #tpu.memory_space<hbm>> -> memref<10000x64xf32, #tpu.memory_space<hbm>>
      %dma_wait3A_227 = arith.constant 0 : i32
      %dma_wait3A_228 = arith.constant 0 : i32
      %dma_wait3A_229 = tpu.memref_slice %dma_wait3A_226[%dma_wait3A_227, %dma_wait3A_228] : memref<10000x64xf32, #tpu.memory_space<hbm>> -> memref<10000x64xf32, #tpu.memory_space<hbm>>
      tpu.wait_indirect_dma semaphore(%arg16 : memref<!tpu.dma_semaphore, #tpu.memory_space<semaphore_mem>>) src(%dma_wait3A_229 : memref<10000x64xf32, #tpu.memory_space<hbm>>) dst(%arg10 : memref<128x64xf32, #tpu.memory_space<vmem>>)
      %dma_start3A_230 = arith.constant 0 : i32
      %dma_start3A_231 = tpu.memref_slice %arg8[%sub3A_219, %dma_start3A_230] : memref<160x128xi32, #tpu.memory_space<vmem>> -> memref<1x128xi32, #tpu.memory_space<vmem>>
      %dma_start3A_232 = tpu.memref_squeeze %dma_start3A_231 : memref<1x128xi32, #tpu.memory_space<vmem>> -> memref<128xi32, #tpu.memory_space<vmem>>
      %dma_start3A_233 = arith.constant 0 : i32
      %dma_start3A_234 = arith.constant 0 : i32
      %dma_start3A_235 = tpu.memref_slice %arg14[%dma_start3A_233, %dma_start3A_234] : memref<10240x64xf32, #tpu.memory_space<vmem_shared>> -> memref<10240x64xf32, #tpu.memory_space<vmem_shared>>
      tpu.enqueue_indirect_dma source(%arg10 : memref<128x64xf32, #tpu.memory_space<vmem>>) target(%dma_start3A_235 : memref<10240x64xf32, #tpu.memory_space<vmem_shared>>) offsets(%dma_start3A_232 : memref<128xi32, #tpu.memory_space<vmem>>) semaphore(%arg21 : memref<!tpu.dma_semaphore, #tpu.memory_space<semaphore_mem>>) {add = true}
    }
    %scan3A_5 = arith.constant 32 : i32
    %dma_wait3A = arith.constant 157 : i32
    %dma_wait3A_6 = arith.constant 0 : i32
    %dma_wait3A_7 = tpu.memref_slice %arg7[%dma_wait3A, %dma_wait3A_6] : memref<160x128xi32, #tpu.memory_space<vmem>> -> memref<1x128xi32, #tpu.memory_space<vmem>>
    %dma_wait3A_8 = tpu.memref_squeeze %dma_wait3A_7 : memref<1x128xi32, #tpu.memory_space<vmem>> -> memref<128xi32, #tpu.memory_space<vmem>>
    %dma_wait3A_9 = arith.constant 0 : i32
    %dma_wait3A_10 = arith.constant 0 : i32
    %dma_wait3A_11 = tpu.memref_slice %arg2[%arg0, %dma_wait3A_9, %dma_wait3A_10] : memref<2x10000x64xf32, #tpu.memory_space<hbm>> -> memref<1x10000x64xf32, #tpu.memory_space<hbm>>
    %dma_wait3A_12 = tpu.memref_squeeze %dma_wait3A_11 : memref<1x10000x64xf32, #tpu.memory_space<hbm>> -> memref<10000x64xf32, #tpu.memory_space<hbm>>
    %dma_wait3A_13 = arith.constant 0 : i32
    %dma_wait3A_14 = arith.constant 0 : i32
    %dma_wait3A_15 = tpu.memref_slice %dma_wait3A_12[%dma_wait3A_13, %dma_wait3A_14] : memref<10000x64xf32, #tpu.memory_space<hbm>> -> memref<10000x64xf32, #tpu.memory_space<hbm>>
    tpu.wait_indirect_dma semaphore(%arg17 : memref<!tpu.dma_semaphore, #tpu.memory_space<semaphore_mem>>) src(%dma_wait3A_15 : memref<10000x64xf32, #tpu.memory_space<hbm>>) dst(%arg11 : memref<128x64xf32, #tpu.memory_space<vmem>>)
    %dma_start3A = arith.constant 157 : i32
    %dma_start3A_16 = arith.constant 0 : i32
    %dma_start3A_17 = tpu.memref_slice %arg8[%dma_start3A, %dma_start3A_16] : memref<160x128xi32, #tpu.memory_space<vmem>> -> memref<1x128xi32, #tpu.memory_space<vmem>>
    %dma_start3A_18 = tpu.memref_squeeze %dma_start3A_17 : memref<1x128xi32, #tpu.memory_space<vmem>> -> memref<128xi32, #tpu.memory_space<vmem>>
    %dma_start3A_19 = arith.constant 0 : i32
    %dma_start3A_20 = arith.constant 0 : i32
    %dma_start3A_21 = tpu.memref_slice %arg14[%dma_start3A_19, %dma_start3A_20] : memref<10240x64xf32, #tpu.memory_space<vmem_shared>> -> memref<10240x64xf32, #tpu.memory_space<vmem_shared>>
    tpu.enqueue_indirect_dma source(%arg11 : memref<128x64xf32, #tpu.memory_space<vmem>>) target(%dma_start3A_21 : memref<10240x64xf32, #tpu.memory_space<vmem_shared>>) offsets(%dma_start3A_18 : memref<128xi32, #tpu.memory_space<vmem>>) semaphore(%arg22 : memref<!tpu.dma_semaphore, #tpu.memory_space<semaphore_mem>>) {add = true}
    %dma_wait3A_22 = arith.constant 158 : i32
    %dma_wait3A_23 = arith.constant 0 : i32
    %dma_wait3A_24 = tpu.memref_slice %arg7[%dma_wait3A_22, %dma_wait3A_23] : memref<160x128xi32, #tpu.memory_space<vmem>> -> memref<1x128xi32, #tpu.memory_space<vmem>>
    %dma_wait3A_25 = tpu.memref_squeeze %dma_wait3A_24 : memref<1x128xi32, #tpu.memory_space<vmem>> -> memref<128xi32, #tpu.memory_space<vmem>>
    %dma_wait3A_26 = arith.constant 0 : i32
    %dma_wait3A_27 = arith.constant 0 : i32
    %dma_wait3A_28 = tpu.memref_slice %arg2[%arg0, %dma_wait3A_26, %dma_wait3A_27] : memref<2x10000x64xf32, #tpu.memory_space<hbm>> -> memref<1x10000x64xf32, #tpu.memory_space<hbm>>
    %dma_wait3A_29 = tpu.memref_squeeze %dma_wait3A_28 : memref<1x10000x64xf32, #tpu.memory_space<hbm>> -> memref<10000x64xf32, #tpu.memory_space<hbm>>
    %dma_wait3A_30 = arith.constant 0 : i32
    %dma_wait3A_31 = arith.constant 0 : i32
    %dma_wait3A_32 = tpu.memref_slice %dma_wait3A_29[%dma_wait3A_30, %dma_wait3A_31] : memref<10000x64xf32, #tpu.memory_space<hbm>> -> memref<10000x64xf32, #tpu.memory_space<hbm>>
    tpu.wait_indirect_dma semaphore(%arg18 : memref<!tpu.dma_semaphore, #tpu.memory_space<semaphore_mem>>) src(%dma_wait3A_32 : memref<10000x64xf32, #tpu.memory_space<hbm>>) dst(%arg12 : memref<128x64xf32, #tpu.memory_space<vmem>>)
    %dma_start3A_33 = arith.constant 158 : i32
    %dma_start3A_34 = arith.constant 0 : i32
    %dma_start3A_35 = tpu.memref_slice %arg8[%dma_start3A_33, %dma_start3A_34] : memref<160x128xi32, #tpu.memory_space<vmem>> -> memref<1x128xi32, #tpu.memory_space<vmem>>
    %dma_start3A_36 = tpu.memref_squeeze %dma_start3A_35 : memref<1x128xi32, #tpu.memory_space<vmem>> -> memref<128xi32, #tpu.memory_space<vmem>>
    %dma_start3A_37 = arith.constant 0 : i32
    %dma_start3A_38 = arith.constant 0 : i32
    %dma_start3A_39 = tpu.memref_slice %arg14[%dma_start3A_37, %dma_start3A_38] : memref<10240x64xf32, #tpu.memory_space<vmem_shared>> -> memref<10240x64xf32, #tpu.memory_space<vmem_shared>>
    tpu.enqueue_indirect_dma source(%arg12 : memref<128x64xf32, #tpu.memory_space<vmem>>) target(%dma_start3A_39 : memref<10240x64xf32, #tpu.memory_space<vmem_shared>>) offsets(%dma_start3A_36 : memref<128xi32, #tpu.memory_space<vmem>>) semaphore(%arg23 : memref<!tpu.dma_semaphore, #tpu.memory_space<semaphore_mem>>) {add = true}
    %dma_wait3A_40 = arith.constant 159 : i32
    %dma_wait3A_41 = arith.constant 0 : i32
    %dma_wait3A_42 = tpu.memref_slice %arg7[%dma_wait3A_40, %dma_wait3A_41] : memref<160x128xi32, #tpu.memory_space<vmem>> -> memref<1x128xi32, #tpu.memory_space<vmem>>
    %dma_wait3A_43 = tpu.memref_squeeze %dma_wait3A_42 : memref<1x128xi32, #tpu.memory_space<vmem>> -> memref<128xi32, #tpu.memory_space<vmem>>
    %dma_wait3A_44 = arith.constant 0 : i32
    %dma_wait3A_45 = arith.constant 0 : i32
    %dma_wait3A_46 = tpu.memref_slice %arg2[%arg0, %dma_wait3A_44, %dma_wait3A_45] : memref<2x10000x64xf32, #tpu.memory_space<hbm>> -> memref<1x10000x64xf32, #tpu.memory_space<hbm>>
    %dma_wait3A_47 = tpu.memref_squeeze %dma_wait3A_46 : memref<1x10000x64xf32, #tpu.memory_space<hbm>> -> memref<10000x64xf32, #tpu.memory_space<hbm>>
    %dma_wait3A_48 = arith.constant 0 : i32
    %dma_wait3A_49 = arith.constant 0 : i32
    %dma_wait3A_50 = tpu.memref_slice %dma_wait3A_47[%dma_wait3A_48, %dma_wait3A_49] : memref<10000x64xf32, #tpu.memory_space<hbm>> -> memref<10000x64xf32, #tpu.memory_space<hbm>>
    tpu.wait_indirect_dma semaphore(%arg19 : memref<!tpu.dma_semaphore, #tpu.memory_space<semaphore_mem>>) src(%dma_wait3A_50 : memref<10000x64xf32, #tpu.memory_space<hbm>>) dst(%arg13 : memref<128x64xf32, #tpu.memory_space<vmem>>)
    %dma_start3A_51 = arith.constant 159 : i32
    %dma_start3A_52 = arith.constant 0 : i32
    %dma_start3A_53 = tpu.memref_slice %arg8[%dma_start3A_51, %dma_start3A_52] : memref<160x128xi32, #tpu.memory_space<vmem>> -> memref<1x128xi32, #tpu.memory_space<vmem>>
    %dma_start3A_54 = tpu.memref_squeeze %dma_start3A_53 : memref<1x128xi32, #tpu.memory_space<vmem>> -> memref<128xi32, #tpu.memory_space<vmem>>
    %dma_start3A_55 = arith.constant 0 : i32
    %dma_start3A_56 = arith.constant 0 : i32
    %dma_start3A_57 = tpu.memref_slice %arg14[%dma_start3A_55, %dma_start3A_56] : memref<10240x64xf32, #tpu.memory_space<vmem_shared>> -> memref<10240x64xf32, #tpu.memory_space<vmem_shared>>
    tpu.enqueue_indirect_dma source(%arg13 : memref<128x64xf32, #tpu.memory_space<vmem>>) target(%dma_start3A_57 : memref<10240x64xf32, #tpu.memory_space<vmem_shared>>) offsets(%dma_start3A_54 : memref<128xi32, #tpu.memory_space<vmem>>) semaphore(%arg24 : memref<!tpu.dma_semaphore, #tpu.memory_space<semaphore_mem>>) {add = true}
    %dma_wait3A_58 = arith.constant 155 : i32
    %dma_wait3A_59 = arith.constant 0 : i32
    %dma_wait3A_60 = tpu.memref_slice %arg8[%dma_wait3A_58, %dma_wait3A_59] : memref<160x128xi32, #tpu.memory_space<vmem>> -> memref<1x128xi32, #tpu.memory_space<vmem>>
    %dma_wait3A_61 = tpu.memref_squeeze %dma_wait3A_60 : memref<1x128xi32, #tpu.memory_space<vmem>> -> memref<128xi32, #tpu.memory_space<vmem>>
    %dma_wait3A_62 = arith.constant 0 : i32
    %dma_wait3A_63 = arith.constant 0 : i32
    %dma_wait3A_64 = tpu.memref_slice %arg14[%dma_wait3A_62, %dma_wait3A_63] : memref<10240x64xf32, #tpu.memory_space<vmem_shared>> -> memref<10240x64xf32, #tpu.memory_space<vmem_shared>>
    tpu.wait_indirect_dma semaphore(%arg20 : memref<!tpu.dma_semaphore, #tpu.memory_space<semaphore_mem>>) src(%arg9 : memref<128x64xf32, #tpu.memory_space<vmem>>) dst(%dma_wait3A_64 : memref<10240x64xf32, #tpu.memory_space<vmem_shared>>)
    %dma_wait3A_65 = arith.constant 156 : i32
    %dma_wait3A_66 = arith.constant 0 : i32
    %dma_wait3A_67 = tpu.memref_slice %arg8[%dma_wait3A_65, %dma_wait3A_66] : memref<160x128xi32, #tpu.memory_space<vmem>> -> memref<1x128xi32, #tpu.memory_space<vmem>>
    %dma_wait3A_68 = tpu.memref_squeeze %dma_wait3A_67 : memref<1x128xi32, #tpu.memory_space<vmem>> -> memref<128xi32, #tpu.memory_space<vmem>>
    %dma_wait3A_69 = arith.constant 0 : i32
    %dma_wait3A_70 = arith.constant 0 : i32
    %dma_wait3A_71 = tpu.memref_slice %arg14[%dma_wait3A_69, %dma_wait3A_70] : memref<10240x64xf32, #tpu.memory_space<vmem_shared>> -> memref<10240x64xf32, #tpu.memory_space<vmem_shared>>
    tpu.wait_indirect_dma semaphore(%arg21 : memref<!tpu.dma_semaphore, #tpu.memory_space<semaphore_mem>>) src(%arg10 : memref<128x64xf32, #tpu.memory_space<vmem>>) dst(%dma_wait3A_71 : memref<10240x64xf32, #tpu.memory_space<vmem_shared>>)
    %dma_wait3A_72 = arith.constant 157 : i32
    %dma_wait3A_73 = arith.constant 0 : i32
    %dma_wait3A_74 = tpu.memref_slice %arg8[%dma_wait3A_72, %dma_wait3A_73] : memref<160x128xi32, #tpu.memory_space<vmem>> -> memref<1x128xi32, #tpu.memory_space<vmem>>
    %dma_wait3A_75 = tpu.memref_squeeze %dma_wait3A_74 : memref<1x128xi32, #tpu.memory_space<vmem>> -> memref<128xi32, #tpu.memory_space<vmem>>
    %dma_wait3A_76 = arith.constant 0 : i32
    %dma_wait3A_77 = arith.constant 0 : i32
    %dma_wait3A_78 = tpu.memref_slice %arg14[%dma_wait3A_76, %dma_wait3A_77] : memref<10240x64xf32, #tpu.memory_space<vmem_shared>> -> memref<10240x64xf32, #tpu.memory_space<vmem_shared>>
    tpu.wait_indirect_dma semaphore(%arg22 : memref<!tpu.dma_semaphore, #tpu.memory_space<semaphore_mem>>) src(%arg11 : memref<128x64xf32, #tpu.memory_space<vmem>>) dst(%dma_wait3A_78 : memref<10240x64xf32, #tpu.memory_space<vmem_shared>>)
    %dma_wait3A_79 = arith.constant 158 : i32
    %dma_wait3A_80 = arith.constant 0 : i32
    %dma_wait3A_81 = tpu.memref_slice %arg8[%dma_wait3A_79, %dma_wait3A_80] : memref<160x128xi32, #tpu.memory_space<vmem>> -> memref<1x128xi32, #tpu.memory_space<vmem>>
    %dma_wait3A_82 = tpu.memref_squeeze %dma_wait3A_81 : memref<1x128xi32, #tpu.memory_space<vmem>> -> memref<128xi32, #tpu.memory_space<vmem>>
    %dma_wait3A_83 = arith.constant 0 : i32
    %dma_wait3A_84 = arith.constant 0 : i32
    %dma_wait3A_85 = tpu.memref_slice %arg14[%dma_wait3A_83, %dma_wait3A_84] : memref<10240x64xf32, #tpu.memory_space<vmem_shared>> -> memref<10240x64xf32, #tpu.memory_space<vmem_shared>>
    tpu.wait_indirect_dma semaphore(%arg23 : memref<!tpu.dma_semaphore, #tpu.memory_space<semaphore_mem>>) src(%arg12 : memref<128x64xf32, #tpu.memory_space<vmem>>) dst(%dma_wait3A_85 : memref<10240x64xf32, #tpu.memory_space<vmem_shared>>)
    %dma_wait3A_86 = arith.constant 159 : i32
    %dma_wait3A_87 = arith.constant 0 : i32
    %dma_wait3A_88 = tpu.memref_slice %arg8[%dma_wait3A_86, %dma_wait3A_87] : memref<160x128xi32, #tpu.memory_space<vmem>> -> memref<1x128xi32, #tpu.memory_space<vmem>>
    %dma_wait3A_89 = tpu.memref_squeeze %dma_wait3A_88 : memref<1x128xi32, #tpu.memory_space<vmem>> -> memref<128xi32, #tpu.memory_space<vmem>>
    %dma_wait3A_90 = arith.constant 0 : i32
    %dma_wait3A_91 = arith.constant 0 : i32
    %dma_wait3A_92 = tpu.memref_slice %arg14[%dma_wait3A_90, %dma_wait3A_91] : memref<10240x64xf32, #tpu.memory_space<vmem_shared>> -> memref<10240x64xf32, #tpu.memory_space<vmem_shared>>
    tpu.wait_indirect_dma semaphore(%arg24 : memref<!tpu.dma_semaphore, #tpu.memory_space<semaphore_mem>>) src(%arg13 : memref<128x64xf32, #tpu.memory_space<vmem>>) dst(%dma_wait3A_92 : memref<10240x64xf32, #tpu.memory_space<vmem_shared>>)
    %barrier3A_93 = arith.constant 0 : index
    tpu.barrier barrier_id(%barrier3A_93)
    %mul3A_94 = arith.constant 640 : i32
    %mul3A_95 = arith.muli %arg1, %mul3A_94 : i32
    "tpu.region"() ({
      %run_scoped3A = tpu.sem_alloc : memref<!tpu.dma_semaphore, #tpu.memory_space<semaphore_mem>>
      %dma_start3A_96 = arith.constant 0 : i32
      %dma_start3A_97 = tpu.memref_slice %arg6[%arg0, %mul3A_95, %dma_start3A_96] : memref<2x10240x64xf32, #tpu.memory_space<hbm>> -> memref<1x640x64xf32, #tpu.memory_space<hbm>>
      %dma_start3A_98 = tpu.memref_squeeze %dma_start3A_97 : memref<1x640x64xf32, #tpu.memory_space<hbm>> -> memref<640x64xf32, #tpu.memory_space<hbm>>
      %dma_start3A_99 = arith.constant 0 : i32
      %dma_start3A_100 = tpu.memref_slice %arg14[%mul3A_95, %dma_start3A_99] : memref<10240x64xf32, #tpu.memory_space<vmem_shared>> -> memref<640x64xf32, #tpu.memory_space<vmem_shared>>
      tpu.enqueue_dma source(%dma_start3A_100 : memref<640x64xf32, #tpu.memory_space<vmem_shared>>) target(%dma_start3A_98 : memref<640x64xf32, #tpu.memory_space<hbm>>) target_semaphore(%run_scoped3A : memref<!tpu.dma_semaphore, #tpu.memory_space<semaphore_mem>>)
      %dma_wait3A_101 = arith.constant 0 : i32
      %dma_wait3A_102 = tpu.memref_slice %arg6[%arg0, %mul3A_95, %dma_wait3A_101] : memref<2x10240x64xf32, #tpu.memory_space<hbm>> -> memref<1x640x64xf32, #tpu.memory_space<hbm>>
      %dma_wait3A_103 = tpu.memref_squeeze %dma_wait3A_102 : memref<1x640x64xf32, #tpu.memory_space<hbm>> -> memref<640x64xf32, #tpu.memory_space<hbm>>
      %dma_wait3A_104 = arith.constant 0 : i32
      %dma_wait3A_105 = tpu.memref_slice %arg14[%mul3A_95, %dma_wait3A_104] : memref<10240x64xf32, #tpu.memory_space<vmem_shared>> -> memref<640x64xf32, #tpu.memory_space<vmem_shared>>
      tpu.wait_dma2 semaphore(%run_scoped3A : memref<!tpu.dma_semaphore, #tpu.memory_space<semaphore_mem>>) src(%dma_wait3A_105 : memref<640x64xf32, #tpu.memory_space<vmem_shared>>) dst(%dma_wait3A_103 : memref<640x64xf32, #tpu.memory_space<hbm>>)
      tpu.yield
    }) : () -> ()
    return
  }
}

#map = affine_map<(d0, d1) -> (0, 0, 0)>
#map1 = affine_map<(d0, d1) -> (0, 0)>
module attributes {stable_mosaic.version = 14 : i64} {
  func.func @_agg_kernel(%arg0: i32, %arg1: i32, %arg2: memref<2x10000x64xf32, #tpu.memory_space<hbm>>, %arg3: memref<16x160x128xi32, #tpu.memory_space<hbm>>, %arg4: memref<16x160x128xi32, #tpu.memory_space<hbm>>, %arg5: memref<640x64xf32, #tpu.memory_space<hbm>>, %arg6: memref<2x10240x64xf32, #tpu.memory_space<hbm>>, %arg7: memref<160x128xi32, #tpu.memory_space<vmem>>, %arg8: memref<160x128xi32, #tpu.memory_space<vmem>>, %arg9: memref<128x64xf32, #tpu.memory_space<vmem>>, %arg10: memref<128x64xf32, #tpu.memory_space<vmem>>, %arg11: memref<128x64xf32, #tpu.memory_space<vmem>>, %arg12: memref<128x64xf32, #tpu.memory_space<vmem>>, %arg13: memref<128x64xf32, #tpu.memory_space<vmem>>, %arg14: memref<10240x64xf32, #tpu.memory_space<vmem_shared>>, %arg15: memref<!tpu.dma_semaphore, #tpu.memory_space<semaphore_mem>>, %arg16: memref<!tpu.dma_semaphore, #tpu.memory_space<semaphore_mem>>, %arg17: memref<!tpu.dma_semaphore, #tpu.memory_space<semaphore_mem>>, %arg18: memref<!tpu.dma_semaphore, #tpu.memory_space<semaphore_mem>>, %arg19: memref<!tpu.dma_semaphore, #tpu.memory_space<semaphore_mem>>, %arg20: memref<!tpu.dma_semaphore, #tpu.memory_space<semaphore_mem>>, %arg21: memref<!tpu.dma_semaphore, #tpu.memory_space<semaphore_mem>>, %arg22: memref<!tpu.dma_semaphore, #tpu.memory_space<semaphore_mem>>, %arg23: memref<!tpu.dma_semaphore, #tpu.memory_space<semaphore_mem>>, %arg24: memref<!tpu.dma_semaphore, #tpu.memory_space<semaphore_mem>>) attributes {dimension_semantics = [#tpu.dimension_semantics<core_parallel>, #tpu.dimension_semantics<subcore_parallel>], iteration_bounds = array<i64: 2, 16>, scalar_prefetch = 0 : i64, scratch_operands = 18 : i64, tpu.core_type = #tpu.core_type<sc_vector_subcore>, window_params = [{transform_indices = #map}, {transform_indices = #map}, {transform_indices = #map}, {transform_indices = #map1}, {transform_indices = #map}]} {
    %mul3A = arith.constant 640 : i32
    %mul3A_0 = arith.muli %arg1, %mul3A : i32
    "tpu.region"() ({
      %run_scoped3A = tpu.sem_alloc : memref<!tpu.dma_semaphore, #tpu.memory_space<semaphore_mem>>
      %dma_start3A_96 = arith.constant 0 : i32
      %dma_start3A_97 = tpu.memref_slice %arg14[%mul3A_0, %dma_start3A_96] : memref<10240x64xf32, #tpu.memory_space<vmem_shared>> -> memref<640x64xf32, #tpu.memory_space<vmem_shared>>
      tpu.enqueue_dma source(%arg5 : memref<640x64xf32, #tpu.memory_space<hbm>>) target(%dma_start3A_97 : memref<640x64xf32, #tpu.memory_space<vmem_shared>>) target_semaphore(%run_scoped3A : memref<!tpu.dma_semaphore, #tpu.memory_space<semaphore_mem>>)
      %dma_wait3A_98 = arith.constant 0 : i32
      %dma_wait3A_99 = tpu.memref_slice %arg14[%mul3A_0, %dma_wait3A_98] : memref<10240x64xf32, #tpu.memory_space<vmem_shared>> -> memref<640x64xf32, #tpu.memory_space<vmem_shared>>
      tpu.wait_dma2 semaphore(%run_scoped3A : memref<!tpu.dma_semaphore, #tpu.memory_space<semaphore_mem>>) src(%arg5 : memref<640x64xf32, #tpu.memory_space<hbm>>) dst(%dma_wait3A_99 : memref<640x64xf32, #tpu.memory_space<vmem_shared>>)
      tpu.yield
    }) : () -> ()
    "tpu.region"() ({
      %run_scoped3A = tpu.sem_alloc : memref<!tpu.dma_semaphore, #tpu.memory_space<semaphore_mem>>
      %dma_start3A_96 = arith.constant 0 : i32
      %dma_start3A_97 = arith.constant 0 : i32
      %dma_start3A_98 = tpu.memref_slice %arg3[%arg1, %dma_start3A_96, %dma_start3A_97] : memref<16x160x128xi32, #tpu.memory_space<hbm>> -> memref<1x160x128xi32, #tpu.memory_space<hbm>>
      %dma_start3A_99 = tpu.memref_squeeze %dma_start3A_98 : memref<1x160x128xi32, #tpu.memory_space<hbm>> -> memref<160x128xi32, #tpu.memory_space<hbm>>
      %dma_start3A_100 = arith.constant 0 : i32
      %dma_start3A_101 = arith.constant 0 : i32
      %dma_start3A_102 = tpu.memref_slice %arg3[%arg1, %dma_start3A_100, %dma_start3A_101] : memref<16x160x128xi32, #tpu.memory_space<hbm>> -> memref<1x160x128xi32, #tpu.memory_space<hbm>>
      %dma_start3A_103 = tpu.memref_squeeze %dma_start3A_102 : memref<1x160x128xi32, #tpu.memory_space<hbm>> -> memref<160x128xi32, #tpu.memory_space<hbm>>
      tpu.enqueue_dma source(%dma_start3A_103 : memref<160x128xi32, #tpu.memory_space<hbm>>) target(%arg7 : memref<160x128xi32, #tpu.memory_space<vmem>>) target_semaphore(%run_scoped3A : memref<!tpu.dma_semaphore, #tpu.memory_space<semaphore_mem>>)
      %dma_wait3A_104 = arith.constant 0 : i32
      %dma_wait3A_105 = arith.constant 0 : i32
      %dma_wait3A_106 = tpu.memref_slice %arg3[%arg1, %dma_wait3A_104, %dma_wait3A_105] : memref<16x160x128xi32, #tpu.memory_space<hbm>> -> memref<1x160x128xi32, #tpu.memory_space<hbm>>
      %dma_wait3A_107 = tpu.memref_squeeze %dma_wait3A_106 : memref<1x160x128xi32, #tpu.memory_space<hbm>> -> memref<160x128xi32, #tpu.memory_space<hbm>>
      %dma_wait3A_108 = arith.constant 0 : i32
      %dma_wait3A_109 = arith.constant 0 : i32
      %dma_wait3A_110 = tpu.memref_slice %arg3[%arg1, %dma_wait3A_108, %dma_wait3A_109] : memref<16x160x128xi32, #tpu.memory_space<hbm>> -> memref<1x160x128xi32, #tpu.memory_space<hbm>>
      %dma_wait3A_111 = tpu.memref_squeeze %dma_wait3A_110 : memref<1x160x128xi32, #tpu.memory_space<hbm>> -> memref<160x128xi32, #tpu.memory_space<hbm>>
      tpu.wait_dma2 semaphore(%run_scoped3A : memref<!tpu.dma_semaphore, #tpu.memory_space<semaphore_mem>>) src(%dma_wait3A_111 : memref<160x128xi32, #tpu.memory_space<hbm>>) dst(%arg7 : memref<160x128xi32, #tpu.memory_space<vmem>>)
      tpu.yield
    }) : () -> ()
    "tpu.region"() ({
      %run_scoped3A = tpu.sem_alloc : memref<!tpu.dma_semaphore, #tpu.memory_space<semaphore_mem>>
      %dma_start3A_96 = arith.constant 0 : i32
      %dma_start3A_97 = arith.constant 0 : i32
      %dma_start3A_98 = tpu.memref_slice %arg4[%arg1, %dma_start3A_96, %dma_start3A_97] : memref<16x160x128xi32, #tpu.memory_space<hbm>> -> memref<1x160x128xi32, #tpu.memory_space<hbm>>
      %dma_start3A_99 = tpu.memref_squeeze %dma_start3A_98 : memref<1x160x128xi32, #tpu.memory_space<hbm>> -> memref<160x128xi32, #tpu.memory_space<hbm>>
      %dma_start3A_100 = arith.constant 0 : i32
      %dma_start3A_101 = arith.constant 0 : i32
      %dma_start3A_102 = tpu.memref_slice %arg4[%arg1, %dma_start3A_100, %dma_start3A_101] : memref<16x160x128xi32, #tpu.memory_space<hbm>> -> memref<1x160x128xi32, #tpu.memory_space<hbm>>
      %dma_start3A_103 = tpu.memref_squeeze %dma_start3A_102 : memref<1x160x128xi32, #tpu.memory_space<hbm>> -> memref<160x128xi32, #tpu.memory_space<hbm>>
      tpu.enqueue_dma source(%dma_start3A_103 : memref<160x128xi32, #tpu.memory_space<hbm>>) target(%arg8 : memref<160x128xi32, #tpu.memory_space<vmem>>) target_semaphore(%run_scoped3A : memref<!tpu.dma_semaphore, #tpu.memory_space<semaphore_mem>>)
      %dma_wait3A_104 = arith.constant 0 : i32
      %dma_wait3A_105 = arith.constant 0 : i32
      %dma_wait3A_106 = tpu.memref_slice %arg4[%arg1, %dma_wait3A_104, %dma_wait3A_105] : memref<16x160x128xi32, #tpu.memory_space<hbm>> -> memref<1x160x128xi32, #tpu.memory_space<hbm>>
      %dma_wait3A_107 = tpu.memref_squeeze %dma_wait3A_106 : memref<1x160x128xi32, #tpu.memory_space<hbm>> -> memref<160x128xi32, #tpu.memory_space<hbm>>
      %dma_wait3A_108 = arith.constant 0 : i32
      %dma_wait3A_109 = arith.constant 0 : i32
      %dma_wait3A_110 = tpu.memref_slice %arg4[%arg1, %dma_wait3A_108, %dma_wait3A_109] : memref<16x160x128xi32, #tpu.memory_space<hbm>> -> memref<1x160x128xi32, #tpu.memory_space<hbm>>
      %dma_wait3A_111 = tpu.memref_squeeze %dma_wait3A_110 : memref<1x160x128xi32, #tpu.memory_space<hbm>> -> memref<160x128xi32, #tpu.memory_space<hbm>>
      tpu.wait_dma2 semaphore(%run_scoped3A : memref<!tpu.dma_semaphore, #tpu.memory_space<semaphore_mem>>) src(%dma_wait3A_111 : memref<160x128xi32, #tpu.memory_space<hbm>>) dst(%arg8 : memref<160x128xi32, #tpu.memory_space<vmem>>)
      tpu.yield
    }) : () -> ()
    %barrier3A = arith.constant 0 : index
    tpu.barrier barrier_id(%barrier3A)
    %scan3A = arith.constant 0 : i32
    %scan3A_1 = arith.constant 0 : i32
    %scan3A_2 = arith.constant 32 : i32
    %scan3A_3 = arith.addi %scan3A_1, %scan3A_2 : i32
    %scan3A_4 = arith.constant 1 : i32
    scf.for %scan3A_96 = %scan3A_1 to %scan3A_3 step %scan3A_4  : i32 {
      %mul3A_97 = arith.constant 5 : i32
      %mul3A_98 = arith.muli %scan3A_96, %mul3A_97 : i32
      %add3A = arith.constant 0 : i32
      %add3A_99 = arith.addi %mul3A_98, %add3A : i32
      %gt3A = arith.constant 0 : i32
      %gt3A_100 = arith.cmpi sgt, %scan3A_96, %gt3A : i32
      %convert_element_type3A = arith.extui %gt3A_100 : i1 to i32
      %cond3A = arith.constant 0 : i32
      %cond3A_101 = arith.cmpi ne, %convert_element_type3A, %cond3A : i32
      scf.if %cond3A_101 {
        %sub3A_236 = arith.constant 5 : i32
        %sub3A_237 = arith.subi %add3A_99, %sub3A_236 : i32
        %dma_wait3A_238 = arith.constant 0 : i32
        %dma_wait3A_239 = tpu.memref_slice %arg8[%sub3A_237, %dma_wait3A_238] : memref<160x128xi32, #tpu.memory_space<vmem>> -> memref<1x128xi32, #tpu.memory_space<vmem>>
        %dma_wait3A_240 = tpu.memref_squeeze %dma_wait3A_239 : memref<1x128xi32, #tpu.memory_space<vmem>> -> memref<128xi32, #tpu.memory_space<vmem>>
        %dma_wait3A_241 = arith.constant 0 : i32
        %dma_wait3A_242 = arith.constant 0 : i32
        %dma_wait3A_243 = tpu.memref_slice %arg14[%dma_wait3A_241, %dma_wait3A_242] : memref<10240x64xf32, #tpu.memory_space<vmem_shared>> -> memref<10240x64xf32, #tpu.memory_space<vmem_shared>>
        tpu.wait_indirect_dma semaphore(%arg20 : memref<!tpu.dma_semaphore, #tpu.memory_space<semaphore_mem>>) src(%arg9 : memref<128x64xf32, #tpu.memory_space<vmem>>) dst(%dma_wait3A_243 : memref<10240x64xf32, #tpu.memory_space<vmem_shared>>)
      } else {
      }
      %dma_start3A_102 = arith.constant 0 : i32
      %dma_start3A_103 = tpu.memref_slice %arg7[%add3A_99, %dma_start3A_102] : memref<160x128xi32, #tpu.memory_space<vmem>> -> memref<1x128xi32, #tpu.memory_space<vmem>>
      %dma_start3A_104 = tpu.memref_squeeze %dma_start3A_103 : memref<1x128xi32, #tpu.memory_space<vmem>> -> memref<128xi32, #tpu.memory_space<vmem>>
      %dma_start3A_105 = arith.constant 0 : i32
      %dma_start3A_106 = arith.constant 0 : i32
      %dma_start3A_107 = tpu.memref_slice %arg2[%arg0, %dma_start3A_105, %dma_start3A_106] : memref<2x10000x64xf32, #tpu.memory_space<hbm>> -> memref<1x10000x64xf32, #tpu.memory_space<hbm>>
      %dma_start3A_108 = tpu.memref_squeeze %dma_start3A_107 : memref<1x10000x64xf32, #tpu.memory_space<hbm>> -> memref<10000x64xf32, #tpu.memory_space<hbm>>
      %dma_start3A_109 = arith.constant 0 : i32
      %dma_start3A_110 = arith.constant 0 : i32
      %dma_start3A_111 = tpu.memref_slice %dma_start3A_108[%dma_start3A_109, %dma_start3A_110] : memref<10000x64xf32, #tpu.memory_space<hbm>> -> memref<10000x64xf32, #tpu.memory_space<hbm>>
      tpu.enqueue_indirect_dma source(%dma_start3A_111 : memref<10000x64xf32, #tpu.memory_space<hbm>>) target(%arg9 : memref<128x64xf32, #tpu.memory_space<vmem>>) offsets(%dma_start3A_104 : memref<128xi32, #tpu.memory_space<vmem>>) semaphore(%arg15 : memref<!tpu.dma_semaphore, #tpu.memory_space<semaphore_mem>>)
      %sub3A = arith.constant 3 : i32
      %sub3A_112 = arith.subi %add3A_99, %sub3A : i32
      %gt3A_113 = arith.constant 0 : i32
      %gt3A_114 = arith.cmpi sgt, %scan3A_96, %gt3A_113 : i32
      %convert_element_type3A_115 = arith.extui %gt3A_114 : i1 to i32
      %cond3A_116 = arith.constant 0 : i32
      %cond3A_117 = arith.cmpi ne, %convert_element_type3A_115, %cond3A_116 : i32
      scf.if %cond3A_117 {
        %dma_wait3A_236 = arith.constant 0 : i32
        %dma_wait3A_237 = tpu.memref_slice %arg7[%sub3A_112, %dma_wait3A_236] : memref<160x128xi32, #tpu.memory_space<vmem>> -> memref<1x128xi32, #tpu.memory_space<vmem>>
        %dma_wait3A_238 = tpu.memref_squeeze %dma_wait3A_237 : memref<1x128xi32, #tpu.memory_space<vmem>> -> memref<128xi32, #tpu.memory_space<vmem>>
        %dma_wait3A_239 = arith.constant 0 : i32
        %dma_wait3A_240 = arith.constant 0 : i32
        %dma_wait3A_241 = tpu.memref_slice %arg2[%arg0, %dma_wait3A_239, %dma_wait3A_240] : memref<2x10000x64xf32, #tpu.memory_space<hbm>> -> memref<1x10000x64xf32, #tpu.memory_space<hbm>>
        %dma_wait3A_242 = tpu.memref_squeeze %dma_wait3A_241 : memref<1x10000x64xf32, #tpu.memory_space<hbm>> -> memref<10000x64xf32, #tpu.memory_space<hbm>>
        %dma_wait3A_243 = arith.constant 0 : i32
        %dma_wait3A_244 = arith.constant 0 : i32
        %dma_wait3A_245 = tpu.memref_slice %dma_wait3A_242[%dma_wait3A_243, %dma_wait3A_244] : memref<10000x64xf32, #tpu.memory_space<hbm>> -> memref<10000x64xf32, #tpu.memory_space<hbm>>
        tpu.wait_indirect_dma semaphore(%arg17 : memref<!tpu.dma_semaphore, #tpu.memory_space<semaphore_mem>>) src(%dma_wait3A_245 : memref<10000x64xf32, #tpu.memory_space<hbm>>) dst(%arg11 : memref<128x64xf32, #tpu.memory_space<vmem>>)
        %dma_start3A_246 = arith.constant 0 : i32
        %dma_start3A_247 = tpu.memref_slice %arg8[%sub3A_112, %dma_start3A_246] : memref<160x128xi32, #tpu.memory_space<vmem>> -> memref<1x128xi32, #tpu.memory_space<vmem>>
        %dma_start3A_248 = tpu.memref_squeeze %dma_start3A_247 : memref<1x128xi32, #tpu.memory_space<vmem>> -> memref<128xi32, #tpu.memory_space<vmem>>
        %dma_start3A_249 = arith.constant 0 : i32
        %dma_start3A_250 = arith.constant 0 : i32
        %dma_start3A_251 = tpu.memref_slice %arg14[%dma_start3A_249, %dma_start3A_250] : memref<10240x64xf32, #tpu.memory_space<vmem_shared>> -> memref<10240x64xf32, #tpu.memory_space<vmem_shared>>
        tpu.enqueue_indirect_dma source(%arg11 : memref<128x64xf32, #tpu.memory_space<vmem>>) target(%dma_start3A_251 : memref<10240x64xf32, #tpu.memory_space<vmem_shared>>) offsets(%dma_start3A_248 : memref<128xi32, #tpu.memory_space<vmem>>) semaphore(%arg22 : memref<!tpu.dma_semaphore, #tpu.memory_space<semaphore_mem>>) {add = true}
      } else {
      }
      %add3A_118 = arith.constant 1 : i32
      %add3A_119 = arith.addi %mul3A_98, %add3A_118 : i32
      %gt3A_120 = arith.constant 0 : i32
      %gt3A_121 = arith.cmpi sgt, %scan3A_96, %gt3A_120 : i32
      %convert_element_type3A_122 = arith.extui %gt3A_121 : i1 to i32
      %cond3A_123 = arith.constant 0 : i32
      %cond3A_124 = arith.cmpi ne, %convert_element_type3A_122, %cond3A_123 : i32
      scf.if %cond3A_124 {
        %sub3A_236 = arith.constant 5 : i32
        %sub3A_237 = arith.subi %add3A_119, %sub3A_236 : i32
        %dma_wait3A_238 = arith.constant 0 : i32
        %dma_wait3A_239 = tpu.memref_slice %arg8[%sub3A_237, %dma_wait3A_238] : memref<160x128xi32, #tpu.memory_space<vmem>> -> memref<1x128xi32, #tpu.memory_space<vmem>>
        %dma_wait3A_240 = tpu.memref_squeeze %dma_wait3A_239 : memref<1x128xi32, #tpu.memory_space<vmem>> -> memref<128xi32, #tpu.memory_space<vmem>>
        %dma_wait3A_241 = arith.constant 0 : i32
        %dma_wait3A_242 = arith.constant 0 : i32
        %dma_wait3A_243 = tpu.memref_slice %arg14[%dma_wait3A_241, %dma_wait3A_242] : memref<10240x64xf32, #tpu.memory_space<vmem_shared>> -> memref<10240x64xf32, #tpu.memory_space<vmem_shared>>
        tpu.wait_indirect_dma semaphore(%arg21 : memref<!tpu.dma_semaphore, #tpu.memory_space<semaphore_mem>>) src(%arg10 : memref<128x64xf32, #tpu.memory_space<vmem>>) dst(%dma_wait3A_243 : memref<10240x64xf32, #tpu.memory_space<vmem_shared>>)
      } else {
      }
      %dma_start3A_125 = arith.constant 0 : i32
      %dma_start3A_126 = tpu.memref_slice %arg7[%add3A_119, %dma_start3A_125] : memref<160x128xi32, #tpu.memory_space<vmem>> -> memref<1x128xi32, #tpu.memory_space<vmem>>
      %dma_start3A_127 = tpu.memref_squeeze %dma_start3A_126 : memref<1x128xi32, #tpu.memory_space<vmem>> -> memref<128xi32, #tpu.memory_space<vmem>>
      %dma_start3A_128 = arith.constant 0 : i32
      %dma_start3A_129 = arith.constant 0 : i32
      %dma_start3A_130 = tpu.memref_slice %arg2[%arg0, %dma_start3A_128, %dma_start3A_129] : memref<2x10000x64xf32, #tpu.memory_space<hbm>> -> memref<1x10000x64xf32, #tpu.memory_space<hbm>>
      %dma_start3A_131 = tpu.memref_squeeze %dma_start3A_130 : memref<1x10000x64xf32, #tpu.memory_space<hbm>> -> memref<10000x64xf32, #tpu.memory_space<hbm>>
      %dma_start3A_132 = arith.constant 0 : i32
      %dma_start3A_133 = arith.constant 0 : i32
      %dma_start3A_134 = tpu.memref_slice %dma_start3A_131[%dma_start3A_132, %dma_start3A_133] : memref<10000x64xf32, #tpu.memory_space<hbm>> -> memref<10000x64xf32, #tpu.memory_space<hbm>>
      tpu.enqueue_indirect_dma source(%dma_start3A_134 : memref<10000x64xf32, #tpu.memory_space<hbm>>) target(%arg10 : memref<128x64xf32, #tpu.memory_space<vmem>>) offsets(%dma_start3A_127 : memref<128xi32, #tpu.memory_space<vmem>>) semaphore(%arg16 : memref<!tpu.dma_semaphore, #tpu.memory_space<semaphore_mem>>)
      %sub3A_135 = arith.constant 3 : i32
      %sub3A_136 = arith.subi %add3A_119, %sub3A_135 : i32
      %gt3A_137 = arith.constant 0 : i32
      %gt3A_138 = arith.cmpi sgt, %scan3A_96, %gt3A_137 : i32
      %convert_element_type3A_139 = arith.extui %gt3A_138 : i1 to i32
      %cond3A_140 = arith.constant 0 : i32
      %cond3A_141 = arith.cmpi ne, %convert_element_type3A_139, %cond3A_140 : i32
      scf.if %cond3A_141 {
        %dma_wait3A_236 = arith.constant 0 : i32
        %dma_wait3A_237 = tpu.memref_slice %arg7[%sub3A_136, %dma_wait3A_236] : memref<160x128xi32, #tpu.memory_space<vmem>> -> memref<1x128xi32, #tpu.memory_space<vmem>>
        %dma_wait3A_238 = tpu.memref_squeeze %dma_wait3A_237 : memref<1x128xi32, #tpu.memory_space<vmem>> -> memref<128xi32, #tpu.memory_space<vmem>>
        %dma_wait3A_239 = arith.constant 0 : i32
        %dma_wait3A_240 = arith.constant 0 : i32
        %dma_wait3A_241 = tpu.memref_slice %arg2[%arg0, %dma_wait3A_239, %dma_wait3A_240] : memref<2x10000x64xf32, #tpu.memory_space<hbm>> -> memref<1x10000x64xf32, #tpu.memory_space<hbm>>
        %dma_wait3A_242 = tpu.memref_squeeze %dma_wait3A_241 : memref<1x10000x64xf32, #tpu.memory_space<hbm>> -> memref<10000x64xf32, #tpu.memory_space<hbm>>
        %dma_wait3A_243 = arith.constant 0 : i32
        %dma_wait3A_244 = arith.constant 0 : i32
        %dma_wait3A_245 = tpu.memref_slice %dma_wait3A_242[%dma_wait3A_243, %dma_wait3A_244] : memref<10000x64xf32, #tpu.memory_space<hbm>> -> memref<10000x64xf32, #tpu.memory_space<hbm>>
        tpu.wait_indirect_dma semaphore(%arg18 : memref<!tpu.dma_semaphore, #tpu.memory_space<semaphore_mem>>) src(%dma_wait3A_245 : memref<10000x64xf32, #tpu.memory_space<hbm>>) dst(%arg12 : memref<128x64xf32, #tpu.memory_space<vmem>>)
        %dma_start3A_246 = arith.constant 0 : i32
        %dma_start3A_247 = tpu.memref_slice %arg8[%sub3A_136, %dma_start3A_246] : memref<160x128xi32, #tpu.memory_space<vmem>> -> memref<1x128xi32, #tpu.memory_space<vmem>>
        %dma_start3A_248 = tpu.memref_squeeze %dma_start3A_247 : memref<1x128xi32, #tpu.memory_space<vmem>> -> memref<128xi32, #tpu.memory_space<vmem>>
        %dma_start3A_249 = arith.constant 0 : i32
        %dma_start3A_250 = arith.constant 0 : i32
        %dma_start3A_251 = tpu.memref_slice %arg14[%dma_start3A_249, %dma_start3A_250] : memref<10240x64xf32, #tpu.memory_space<vmem_shared>> -> memref<10240x64xf32, #tpu.memory_space<vmem_shared>>
        tpu.enqueue_indirect_dma source(%arg12 : memref<128x64xf32, #tpu.memory_space<vmem>>) target(%dma_start3A_251 : memref<10240x64xf32, #tpu.memory_space<vmem_shared>>) offsets(%dma_start3A_248 : memref<128xi32, #tpu.memory_space<vmem>>) semaphore(%arg23 : memref<!tpu.dma_semaphore, #tpu.memory_space<semaphore_mem>>) {add = true}
      } else {
      }
      %add3A_142 = arith.constant 2 : i32
      %add3A_143 = arith.addi %mul3A_98, %add3A_142 : i32
      %gt3A_144 = arith.constant 0 : i32
      %gt3A_145 = arith.cmpi sgt, %scan3A_96, %gt3A_144 : i32
      %convert_element_type3A_146 = arith.extui %gt3A_145 : i1 to i32
      %cond3A_147 = arith.constant 0 : i32
      %cond3A_148 = arith.cmpi ne, %convert_element_type3A_146, %cond3A_147 : i32
      scf.if %cond3A_148 {
        %sub3A_236 = arith.constant 5 : i32
        %sub3A_237 = arith.subi %add3A_143, %sub3A_236 : i32
        %dma_wait3A_238 = arith.constant 0 : i32
        %dma_wait3A_239 = tpu.memref_slice %arg8[%sub3A_237, %dma_wait3A_238] : memref<160x128xi32, #tpu.memory_space<vmem>> -> memref<1x128xi32, #tpu.memory_space<vmem>>
        %dma_wait3A_240 = tpu.memref_squeeze %dma_wait3A_239 : memref<1x128xi32, #tpu.memory_space<vmem>> -> memref<128xi32, #tpu.memory_space<vmem>>
        %dma_wait3A_241 = arith.constant 0 : i32
        %dma_wait3A_242 = arith.constant 0 : i32
        %dma_wait3A_243 = tpu.memref_slice %arg14[%dma_wait3A_241, %dma_wait3A_242] : memref<10240x64xf32, #tpu.memory_space<vmem_shared>> -> memref<10240x64xf32, #tpu.memory_space<vmem_shared>>
        tpu.wait_indirect_dma semaphore(%arg22 : memref<!tpu.dma_semaphore, #tpu.memory_space<semaphore_mem>>) src(%arg11 : memref<128x64xf32, #tpu.memory_space<vmem>>) dst(%dma_wait3A_243 : memref<10240x64xf32, #tpu.memory_space<vmem_shared>>)
      } else {
      }
      %dma_start3A_149 = arith.constant 0 : i32
      %dma_start3A_150 = tpu.memref_slice %arg7[%add3A_143, %dma_start3A_149] : memref<160x128xi32, #tpu.memory_space<vmem>> -> memref<1x128xi32, #tpu.memory_space<vmem>>
      %dma_start3A_151 = tpu.memref_squeeze %dma_start3A_150 : memref<1x128xi32, #tpu.memory_space<vmem>> -> memref<128xi32, #tpu.memory_space<vmem>>
      %dma_start3A_152 = arith.constant 0 : i32
      %dma_start3A_153 = arith.constant 0 : i32
      %dma_start3A_154 = tpu.memref_slice %arg2[%arg0, %dma_start3A_152, %dma_start3A_153] : memref<2x10000x64xf32, #tpu.memory_space<hbm>> -> memref<1x10000x64xf32, #tpu.memory_space<hbm>>
      %dma_start3A_155 = tpu.memref_squeeze %dma_start3A_154 : memref<1x10000x64xf32, #tpu.memory_space<hbm>> -> memref<10000x64xf32, #tpu.memory_space<hbm>>
      %dma_start3A_156 = arith.constant 0 : i32
      %dma_start3A_157 = arith.constant 0 : i32
      %dma_start3A_158 = tpu.memref_slice %dma_start3A_155[%dma_start3A_156, %dma_start3A_157] : memref<10000x64xf32, #tpu.memory_space<hbm>> -> memref<10000x64xf32, #tpu.memory_space<hbm>>
      tpu.enqueue_indirect_dma source(%dma_start3A_158 : memref<10000x64xf32, #tpu.memory_space<hbm>>) target(%arg11 : memref<128x64xf32, #tpu.memory_space<vmem>>) offsets(%dma_start3A_151 : memref<128xi32, #tpu.memory_space<vmem>>) semaphore(%arg17 : memref<!tpu.dma_semaphore, #tpu.memory_space<semaphore_mem>>)
      %sub3A_159 = arith.constant 3 : i32
      %sub3A_160 = arith.subi %add3A_143, %sub3A_159 : i32
      %gt3A_161 = arith.constant 0 : i32
      %gt3A_162 = arith.cmpi sgt, %scan3A_96, %gt3A_161 : i32
      %convert_element_type3A_163 = arith.extui %gt3A_162 : i1 to i32
      %cond3A_164 = arith.constant 0 : i32
      %cond3A_165 = arith.cmpi ne, %convert_element_type3A_163, %cond3A_164 : i32
      scf.if %cond3A_165 {
        %dma_wait3A_236 = arith.constant 0 : i32
        %dma_wait3A_237 = tpu.memref_slice %arg7[%sub3A_160, %dma_wait3A_236] : memref<160x128xi32, #tpu.memory_space<vmem>> -> memref<1x128xi32, #tpu.memory_space<vmem>>
        %dma_wait3A_238 = tpu.memref_squeeze %dma_wait3A_237 : memref<1x128xi32, #tpu.memory_space<vmem>> -> memref<128xi32, #tpu.memory_space<vmem>>
        %dma_wait3A_239 = arith.constant 0 : i32
        %dma_wait3A_240 = arith.constant 0 : i32
        %dma_wait3A_241 = tpu.memref_slice %arg2[%arg0, %dma_wait3A_239, %dma_wait3A_240] : memref<2x10000x64xf32, #tpu.memory_space<hbm>> -> memref<1x10000x64xf32, #tpu.memory_space<hbm>>
        %dma_wait3A_242 = tpu.memref_squeeze %dma_wait3A_241 : memref<1x10000x64xf32, #tpu.memory_space<hbm>> -> memref<10000x64xf32, #tpu.memory_space<hbm>>
        %dma_wait3A_243 = arith.constant 0 : i32
        %dma_wait3A_244 = arith.constant 0 : i32
        %dma_wait3A_245 = tpu.memref_slice %dma_wait3A_242[%dma_wait3A_243, %dma_wait3A_244] : memref<10000x64xf32, #tpu.memory_space<hbm>> -> memref<10000x64xf32, #tpu.memory_space<hbm>>
        tpu.wait_indirect_dma semaphore(%arg19 : memref<!tpu.dma_semaphore, #tpu.memory_space<semaphore_mem>>) src(%dma_wait3A_245 : memref<10000x64xf32, #tpu.memory_space<hbm>>) dst(%arg13 : memref<128x64xf32, #tpu.memory_space<vmem>>)
        %dma_start3A_246 = arith.constant 0 : i32
        %dma_start3A_247 = tpu.memref_slice %arg8[%sub3A_160, %dma_start3A_246] : memref<160x128xi32, #tpu.memory_space<vmem>> -> memref<1x128xi32, #tpu.memory_space<vmem>>
        %dma_start3A_248 = tpu.memref_squeeze %dma_start3A_247 : memref<1x128xi32, #tpu.memory_space<vmem>> -> memref<128xi32, #tpu.memory_space<vmem>>
        %dma_start3A_249 = arith.constant 0 : i32
        %dma_start3A_250 = arith.constant 0 : i32
        %dma_start3A_251 = tpu.memref_slice %arg14[%dma_start3A_249, %dma_start3A_250] : memref<10240x64xf32, #tpu.memory_space<vmem_shared>> -> memref<10240x64xf32, #tpu.memory_space<vmem_shared>>
        tpu.enqueue_indirect_dma source(%arg13 : memref<128x64xf32, #tpu.memory_space<vmem>>) target(%dma_start3A_251 : memref<10240x64xf32, #tpu.memory_space<vmem_shared>>) offsets(%dma_start3A_248 : memref<128xi32, #tpu.memory_space<vmem>>) semaphore(%arg24 : memref<!tpu.dma_semaphore, #tpu.memory_space<semaphore_mem>>) {add = true}
      } else {
      }
      %add3A_166 = arith.constant 3 : i32
      %add3A_167 = arith.addi %mul3A_98, %add3A_166 : i32
      %gt3A_168 = arith.constant 0 : i32
      %gt3A_169 = arith.cmpi sgt, %scan3A_96, %gt3A_168 : i32
      %convert_element_type3A_170 = arith.extui %gt3A_169 : i1 to i32
      %cond3A_171 = arith.constant 0 : i32
      %cond3A_172 = arith.cmpi ne, %convert_element_type3A_170, %cond3A_171 : i32
      scf.if %cond3A_172 {
        %sub3A_236 = arith.constant 5 : i32
        %sub3A_237 = arith.subi %add3A_167, %sub3A_236 : i32
        %dma_wait3A_238 = arith.constant 0 : i32
        %dma_wait3A_239 = tpu.memref_slice %arg8[%sub3A_237, %dma_wait3A_238] : memref<160x128xi32, #tpu.memory_space<vmem>> -> memref<1x128xi32, #tpu.memory_space<vmem>>
        %dma_wait3A_240 = tpu.memref_squeeze %dma_wait3A_239 : memref<1x128xi32, #tpu.memory_space<vmem>> -> memref<128xi32, #tpu.memory_space<vmem>>
        %dma_wait3A_241 = arith.constant 0 : i32
        %dma_wait3A_242 = arith.constant 0 : i32
        %dma_wait3A_243 = tpu.memref_slice %arg14[%dma_wait3A_241, %dma_wait3A_242] : memref<10240x64xf32, #tpu.memory_space<vmem_shared>> -> memref<10240x64xf32, #tpu.memory_space<vmem_shared>>
        tpu.wait_indirect_dma semaphore(%arg23 : memref<!tpu.dma_semaphore, #tpu.memory_space<semaphore_mem>>) src(%arg12 : memref<128x64xf32, #tpu.memory_space<vmem>>) dst(%dma_wait3A_243 : memref<10240x64xf32, #tpu.memory_space<vmem_shared>>)
      } else {
      }
      %dma_start3A_173 = arith.constant 0 : i32
      %dma_start3A_174 = tpu.memref_slice %arg7[%add3A_167, %dma_start3A_173] : memref<160x128xi32, #tpu.memory_space<vmem>> -> memref<1x128xi32, #tpu.memory_space<vmem>>
      %dma_start3A_175 = tpu.memref_squeeze %dma_start3A_174 : memref<1x128xi32, #tpu.memory_space<vmem>> -> memref<128xi32, #tpu.memory_space<vmem>>
      %dma_start3A_176 = arith.constant 0 : i32
      %dma_start3A_177 = arith.constant 0 : i32
      %dma_start3A_178 = tpu.memref_slice %arg2[%arg0, %dma_start3A_176, %dma_start3A_177] : memref<2x10000x64xf32, #tpu.memory_space<hbm>> -> memref<1x10000x64xf32, #tpu.memory_space<hbm>>
      %dma_start3A_179 = tpu.memref_squeeze %dma_start3A_178 : memref<1x10000x64xf32, #tpu.memory_space<hbm>> -> memref<10000x64xf32, #tpu.memory_space<hbm>>
      %dma_start3A_180 = arith.constant 0 : i32
      %dma_start3A_181 = arith.constant 0 : i32
      %dma_start3A_182 = tpu.memref_slice %dma_start3A_179[%dma_start3A_180, %dma_start3A_181] : memref<10000x64xf32, #tpu.memory_space<hbm>> -> memref<10000x64xf32, #tpu.memory_space<hbm>>
      tpu.enqueue_indirect_dma source(%dma_start3A_182 : memref<10000x64xf32, #tpu.memory_space<hbm>>) target(%arg12 : memref<128x64xf32, #tpu.memory_space<vmem>>) offsets(%dma_start3A_175 : memref<128xi32, #tpu.memory_space<vmem>>) semaphore(%arg18 : memref<!tpu.dma_semaphore, #tpu.memory_space<semaphore_mem>>)
      %sub3A_183 = arith.constant 3 : i32
      %sub3A_184 = arith.subi %add3A_167, %sub3A_183 : i32
      %dma_wait3A_185 = arith.constant 0 : i32
      %dma_wait3A_186 = tpu.memref_slice %arg7[%sub3A_184, %dma_wait3A_185] : memref<160x128xi32, #tpu.memory_space<vmem>> -> memref<1x128xi32, #tpu.memory_space<vmem>>
      %dma_wait3A_187 = tpu.memref_squeeze %dma_wait3A_186 : memref<1x128xi32, #tpu.memory_space<vmem>> -> memref<128xi32, #tpu.memory_space<vmem>>
      %dma_wait3A_188 = arith.constant 0 : i32
      %dma_wait3A_189 = arith.constant 0 : i32
      %dma_wait3A_190 = tpu.memref_slice %arg2[%arg0, %dma_wait3A_188, %dma_wait3A_189] : memref<2x10000x64xf32, #tpu.memory_space<hbm>> -> memref<1x10000x64xf32, #tpu.memory_space<hbm>>
      %dma_wait3A_191 = tpu.memref_squeeze %dma_wait3A_190 : memref<1x10000x64xf32, #tpu.memory_space<hbm>> -> memref<10000x64xf32, #tpu.memory_space<hbm>>
      %dma_wait3A_192 = arith.constant 0 : i32
      %dma_wait3A_193 = arith.constant 0 : i32
      %dma_wait3A_194 = tpu.memref_slice %dma_wait3A_191[%dma_wait3A_192, %dma_wait3A_193] : memref<10000x64xf32, #tpu.memory_space<hbm>> -> memref<10000x64xf32, #tpu.memory_space<hbm>>
      tpu.wait_indirect_dma semaphore(%arg15 : memref<!tpu.dma_semaphore, #tpu.memory_space<semaphore_mem>>) src(%dma_wait3A_194 : memref<10000x64xf32, #tpu.memory_space<hbm>>) dst(%arg9 : memref<128x64xf32, #tpu.memory_space<vmem>>)
      %dma_start3A_195 = arith.constant 0 : i32
      %dma_start3A_196 = tpu.memref_slice %arg8[%sub3A_184, %dma_start3A_195] : memref<160x128xi32, #tpu.memory_space<vmem>> -> memref<1x128xi32, #tpu.memory_space<vmem>>
      %dma_start3A_197 = tpu.memref_squeeze %dma_start3A_196 : memref<1x128xi32, #tpu.memory_space<vmem>> -> memref<128xi32, #tpu.memory_space<vmem>>
      %dma_start3A_198 = arith.constant 0 : i32
      %dma_start3A_199 = arith.constant 0 : i32
      %dma_start3A_200 = tpu.memref_slice %arg14[%dma_start3A_198, %dma_start3A_199] : memref<10240x64xf32, #tpu.memory_space<vmem_shared>> -> memref<10240x64xf32, #tpu.memory_space<vmem_shared>>
      tpu.enqueue_indirect_dma source(%arg9 : memref<128x64xf32, #tpu.memory_space<vmem>>) target(%dma_start3A_200 : memref<10240x64xf32, #tpu.memory_space<vmem_shared>>) offsets(%dma_start3A_197 : memref<128xi32, #tpu.memory_space<vmem>>) semaphore(%arg20 : memref<!tpu.dma_semaphore, #tpu.memory_space<semaphore_mem>>) {add = true}
      %add3A_201 = arith.constant 4 : i32
      %add3A_202 = arith.addi %mul3A_98, %add3A_201 : i32
      %gt3A_203 = arith.constant 0 : i32
      %gt3A_204 = arith.cmpi sgt, %scan3A_96, %gt3A_203 : i32
      %convert_element_type3A_205 = arith.extui %gt3A_204 : i1 to i32
      %cond3A_206 = arith.constant 0 : i32
      %cond3A_207 = arith.cmpi ne, %convert_element_type3A_205, %cond3A_206 : i32
      scf.if %cond3A_207 {
        %sub3A_236 = arith.constant 5 : i32
        %sub3A_237 = arith.subi %add3A_202, %sub3A_236 : i32
        %dma_wait3A_238 = arith.constant 0 : i32
        %dma_wait3A_239 = tpu.memref_slice %arg8[%sub3A_237, %dma_wait3A_238] : memref<160x128xi32, #tpu.memory_space<vmem>> -> memref<1x128xi32, #tpu.memory_space<vmem>>
        %dma_wait3A_240 = tpu.memref_squeeze %dma_wait3A_239 : memref<1x128xi32, #tpu.memory_space<vmem>> -> memref<128xi32, #tpu.memory_space<vmem>>
        %dma_wait3A_241 = arith.constant 0 : i32
        %dma_wait3A_242 = arith.constant 0 : i32
        %dma_wait3A_243 = tpu.memref_slice %arg14[%dma_wait3A_241, %dma_wait3A_242] : memref<10240x64xf32, #tpu.memory_space<vmem_shared>> -> memref<10240x64xf32, #tpu.memory_space<vmem_shared>>
        tpu.wait_indirect_dma semaphore(%arg24 : memref<!tpu.dma_semaphore, #tpu.memory_space<semaphore_mem>>) src(%arg13 : memref<128x64xf32, #tpu.memory_space<vmem>>) dst(%dma_wait3A_243 : memref<10240x64xf32, #tpu.memory_space<vmem_shared>>)
      } else {
      }
      %dma_start3A_208 = arith.constant 0 : i32
      %dma_start3A_209 = tpu.memref_slice %arg7[%add3A_202, %dma_start3A_208] : memref<160x128xi32, #tpu.memory_space<vmem>> -> memref<1x128xi32, #tpu.memory_space<vmem>>
      %dma_start3A_210 = tpu.memref_squeeze %dma_start3A_209 : memref<1x128xi32, #tpu.memory_space<vmem>> -> memref<128xi32, #tpu.memory_space<vmem>>
      %dma_start3A_211 = arith.constant 0 : i32
      %dma_start3A_212 = arith.constant 0 : i32
      %dma_start3A_213 = tpu.memref_slice %arg2[%arg0, %dma_start3A_211, %dma_start3A_212] : memref<2x10000x64xf32, #tpu.memory_space<hbm>> -> memref<1x10000x64xf32, #tpu.memory_space<hbm>>
      %dma_start3A_214 = tpu.memref_squeeze %dma_start3A_213 : memref<1x10000x64xf32, #tpu.memory_space<hbm>> -> memref<10000x64xf32, #tpu.memory_space<hbm>>
      %dma_start3A_215 = arith.constant 0 : i32
      %dma_start3A_216 = arith.constant 0 : i32
      %dma_start3A_217 = tpu.memref_slice %dma_start3A_214[%dma_start3A_215, %dma_start3A_216] : memref<10000x64xf32, #tpu.memory_space<hbm>> -> memref<10000x64xf32, #tpu.memory_space<hbm>>
      tpu.enqueue_indirect_dma source(%dma_start3A_217 : memref<10000x64xf32, #tpu.memory_space<hbm>>) target(%arg13 : memref<128x64xf32, #tpu.memory_space<vmem>>) offsets(%dma_start3A_210 : memref<128xi32, #tpu.memory_space<vmem>>) semaphore(%arg19 : memref<!tpu.dma_semaphore, #tpu.memory_space<semaphore_mem>>)
      %sub3A_218 = arith.constant 3 : i32
      %sub3A_219 = arith.subi %add3A_202, %sub3A_218 : i32
      %dma_wait3A_220 = arith.constant 0 : i32
      %dma_wait3A_221 = tpu.memref_slice %arg7[%sub3A_219, %dma_wait3A_220] : memref<160x128xi32, #tpu.memory_space<vmem>> -> memref<1x128xi32, #tpu.memory_space<vmem>>
      %dma_wait3A_222 = tpu.memref_squeeze %dma_wait3A_221 : memref<1x128xi32, #tpu.memory_space<vmem>> -> memref<128xi32, #tpu.memory_space<vmem>>
      %dma_wait3A_223 = arith.constant 0 : i32
      %dma_wait3A_224 = arith.constant 0 : i32
      %dma_wait3A_225 = tpu.memref_slice %arg2[%arg0, %dma_wait3A_223, %dma_wait3A_224] : memref<2x10000x64xf32, #tpu.memory_space<hbm>> -> memref<1x10000x64xf32, #tpu.memory_space<hbm>>
      %dma_wait3A_226 = tpu.memref_squeeze %dma_wait3A_225 : memref<1x10000x64xf32, #tpu.memory_space<hbm>> -> memref<10000x64xf32, #tpu.memory_space<hbm>>
      %dma_wait3A_227 = arith.constant 0 : i32
      %dma_wait3A_228 = arith.constant 0 : i32
      %dma_wait3A_229 = tpu.memref_slice %dma_wait3A_226[%dma_wait3A_227, %dma_wait3A_228] : memref<10000x64xf32, #tpu.memory_space<hbm>> -> memref<10000x64xf32, #tpu.memory_space<hbm>>
      tpu.wait_indirect_dma semaphore(%arg16 : memref<!tpu.dma_semaphore, #tpu.memory_space<semaphore_mem>>) src(%dma_wait3A_229 : memref<10000x64xf32, #tpu.memory_space<hbm>>) dst(%arg10 : memref<128x64xf32, #tpu.memory_space<vmem>>)
      %dma_start3A_230 = arith.constant 0 : i32
      %dma_start3A_231 = tpu.memref_slice %arg8[%sub3A_219, %dma_start3A_230] : memref<160x128xi32, #tpu.memory_space<vmem>> -> memref<1x128xi32, #tpu.memory_space<vmem>>
      %dma_start3A_232 = tpu.memref_squeeze %dma_start3A_231 : memref<1x128xi32, #tpu.memory_space<vmem>> -> memref<128xi32, #tpu.memory_space<vmem>>
      %dma_start3A_233 = arith.constant 0 : i32
      %dma_start3A_234 = arith.constant 0 : i32
      %dma_start3A_235 = tpu.memref_slice %arg14[%dma_start3A_233, %dma_start3A_234] : memref<10240x64xf32, #tpu.memory_space<vmem_shared>> -> memref<10240x64xf32, #tpu.memory_space<vmem_shared>>
      tpu.enqueue_indirect_dma source(%arg10 : memref<128x64xf32, #tpu.memory_space<vmem>>) target(%dma_start3A_235 : memref<10240x64xf32, #tpu.memory_space<vmem_shared>>) offsets(%dma_start3A_232 : memref<128xi32, #tpu.memory_space<vmem>>) semaphore(%arg21 : memref<!tpu.dma_semaphore, #tpu.memory_space<semaphore_mem>>) {add = true}
    }
    %scan3A_5 = arith.constant 32 : i32
    %dma_wait3A = arith.constant 157 : i32
    %dma_wait3A_6 = arith.constant 0 : i32
    %dma_wait3A_7 = tpu.memref_slice %arg7[%dma_wait3A, %dma_wait3A_6] : memref<160x128xi32, #tpu.memory_space<vmem>> -> memref<1x128xi32, #tpu.memory_space<vmem>>
    %dma_wait3A_8 = tpu.memref_squeeze %dma_wait3A_7 : memref<1x128xi32, #tpu.memory_space<vmem>> -> memref<128xi32, #tpu.memory_space<vmem>>
    %dma_wait3A_9 = arith.constant 0 : i32
    %dma_wait3A_10 = arith.constant 0 : i32
    %dma_wait3A_11 = tpu.memref_slice %arg2[%arg0, %dma_wait3A_9, %dma_wait3A_10] : memref<2x10000x64xf32, #tpu.memory_space<hbm>> -> memref<1x10000x64xf32, #tpu.memory_space<hbm>>
    %dma_wait3A_12 = tpu.memref_squeeze %dma_wait3A_11 : memref<1x10000x64xf32, #tpu.memory_space<hbm>> -> memref<10000x64xf32, #tpu.memory_space<hbm>>
    %dma_wait3A_13 = arith.constant 0 : i32
    %dma_wait3A_14 = arith.constant 0 : i32
    %dma_wait3A_15 = tpu.memref_slice %dma_wait3A_12[%dma_wait3A_13, %dma_wait3A_14] : memref<10000x64xf32, #tpu.memory_space<hbm>> -> memref<10000x64xf32, #tpu.memory_space<hbm>>
    tpu.wait_indirect_dma semaphore(%arg17 : memref<!tpu.dma_semaphore, #tpu.memory_space<semaphore_mem>>) src(%dma_wait3A_15 : memref<10000x64xf32, #tpu.memory_space<hbm>>) dst(%arg11 : memref<128x64xf32, #tpu.memory_space<vmem>>)
    %dma_start3A = arith.constant 157 : i32
    %dma_start3A_16 = arith.constant 0 : i32
    %dma_start3A_17 = tpu.memref_slice %arg8[%dma_start3A, %dma_start3A_16] : memref<160x128xi32, #tpu.memory_space<vmem>> -> memref<1x128xi32, #tpu.memory_space<vmem>>
    %dma_start3A_18 = tpu.memref_squeeze %dma_start3A_17 : memref<1x128xi32, #tpu.memory_space<vmem>> -> memref<128xi32, #tpu.memory_space<vmem>>
    %dma_start3A_19 = arith.constant 0 : i32
    %dma_start3A_20 = arith.constant 0 : i32
    %dma_start3A_21 = tpu.memref_slice %arg14[%dma_start3A_19, %dma_start3A_20] : memref<10240x64xf32, #tpu.memory_space<vmem_shared>> -> memref<10240x64xf32, #tpu.memory_space<vmem_shared>>
    tpu.enqueue_indirect_dma source(%arg11 : memref<128x64xf32, #tpu.memory_space<vmem>>) target(%dma_start3A_21 : memref<10240x64xf32, #tpu.memory_space<vmem_shared>>) offsets(%dma_start3A_18 : memref<128xi32, #tpu.memory_space<vmem>>) semaphore(%arg22 : memref<!tpu.dma_semaphore, #tpu.memory_space<semaphore_mem>>) {add = true}
    %dma_wait3A_22 = arith.constant 158 : i32
    %dma_wait3A_23 = arith.constant 0 : i32
    %dma_wait3A_24 = tpu.memref_slice %arg7[%dma_wait3A_22, %dma_wait3A_23] : memref<160x128xi32, #tpu.memory_space<vmem>> -> memref<1x128xi32, #tpu.memory_space<vmem>>
    %dma_wait3A_25 = tpu.memref_squeeze %dma_wait3A_24 : memref<1x128xi32, #tpu.memory_space<vmem>> -> memref<128xi32, #tpu.memory_space<vmem>>
    %dma_wait3A_26 = arith.constant 0 : i32
    %dma_wait3A_27 = arith.constant 0 : i32
    %dma_wait3A_28 = tpu.memref_slice %arg2[%arg0, %dma_wait3A_26, %dma_wait3A_27] : memref<2x10000x64xf32, #tpu.memory_space<hbm>> -> memref<1x10000x64xf32, #tpu.memory_space<hbm>>
    %dma_wait3A_29 = tpu.memref_squeeze %dma_wait3A_28 : memref<1x10000x64xf32, #tpu.memory_space<hbm>> -> memref<10000x64xf32, #tpu.memory_space<hbm>>
    %dma_wait3A_30 = arith.constant 0 : i32
    %dma_wait3A_31 = arith.constant 0 : i32
    %dma_wait3A_32 = tpu.memref_slice %dma_wait3A_29[%dma_wait3A_30, %dma_wait3A_31] : memref<10000x64xf32, #tpu.memory_space<hbm>> -> memref<10000x64xf32, #tpu.memory_space<hbm>>
    tpu.wait_indirect_dma semaphore(%arg18 : memref<!tpu.dma_semaphore, #tpu.memory_space<semaphore_mem>>) src(%dma_wait3A_32 : memref<10000x64xf32, #tpu.memory_space<hbm>>) dst(%arg12 : memref<128x64xf32, #tpu.memory_space<vmem>>)
    %dma_start3A_33 = arith.constant 158 : i32
    %dma_start3A_34 = arith.constant 0 : i32
    %dma_start3A_35 = tpu.memref_slice %arg8[%dma_start3A_33, %dma_start3A_34] : memref<160x128xi32, #tpu.memory_space<vmem>> -> memref<1x128xi32, #tpu.memory_space<vmem>>
    %dma_start3A_36 = tpu.memref_squeeze %dma_start3A_35 : memref<1x128xi32, #tpu.memory_space<vmem>> -> memref<128xi32, #tpu.memory_space<vmem>>
    %dma_start3A_37 = arith.constant 0 : i32
    %dma_start3A_38 = arith.constant 0 : i32
    %dma_start3A_39 = tpu.memref_slice %arg14[%dma_start3A_37, %dma_start3A_38] : memref<10240x64xf32, #tpu.memory_space<vmem_shared>> -> memref<10240x64xf32, #tpu.memory_space<vmem_shared>>
    tpu.enqueue_indirect_dma source(%arg12 : memref<128x64xf32, #tpu.memory_space<vmem>>) target(%dma_start3A_39 : memref<10240x64xf32, #tpu.memory_space<vmem_shared>>) offsets(%dma_start3A_36 : memref<128xi32, #tpu.memory_space<vmem>>) semaphore(%arg23 : memref<!tpu.dma_semaphore, #tpu.memory_space<semaphore_mem>>) {add = true}
    %dma_wait3A_40 = arith.constant 159 : i32
    %dma_wait3A_41 = arith.constant 0 : i32
    %dma_wait3A_42 = tpu.memref_slice %arg7[%dma_wait3A_40, %dma_wait3A_41] : memref<160x128xi32, #tpu.memory_space<vmem>> -> memref<1x128xi32, #tpu.memory_space<vmem>>
    %dma_wait3A_43 = tpu.memref_squeeze %dma_wait3A_42 : memref<1x128xi32, #tpu.memory_space<vmem>> -> memref<128xi32, #tpu.memory_space<vmem>>
    %dma_wait3A_44 = arith.constant 0 : i32
    %dma_wait3A_45 = arith.constant 0 : i32
    %dma_wait3A_46 = tpu.memref_slice %arg2[%arg0, %dma_wait3A_44, %dma_wait3A_45] : memref<2x10000x64xf32, #tpu.memory_space<hbm>> -> memref<1x10000x64xf32, #tpu.memory_space<hbm>>
    %dma_wait3A_47 = tpu.memref_squeeze %dma_wait3A_46 : memref<1x10000x64xf32, #tpu.memory_space<hbm>> -> memref<10000x64xf32, #tpu.memory_space<hbm>>
    %dma_wait3A_48 = arith.constant 0 : i32
    %dma_wait3A_49 = arith.constant 0 : i32
    %dma_wait3A_50 = tpu.memref_slice %dma_wait3A_47[%dma_wait3A_48, %dma_wait3A_49] : memref<10000x64xf32, #tpu.memory_space<hbm>> -> memref<10000x64xf32, #tpu.memory_space<hbm>>
    tpu.wait_indirect_dma semaphore(%arg19 : memref<!tpu.dma_semaphore, #tpu.memory_space<semaphore_mem>>) src(%dma_wait3A_50 : memref<10000x64xf32, #tpu.memory_space<hbm>>) dst(%arg13 : memref<128x64xf32, #tpu.memory_space<vmem>>)
    %dma_start3A_51 = arith.constant 159 : i32
    %dma_start3A_52 = arith.constant 0 : i32
    %dma_start3A_53 = tpu.memref_slice %arg8[%dma_start3A_51, %dma_start3A_52] : memref<160x128xi32, #tpu.memory_space<vmem>> -> memref<1x128xi32, #tpu.memory_space<vmem>>
    %dma_start3A_54 = tpu.memref_squeeze %dma_start3A_53 : memref<1x128xi32, #tpu.memory_space<vmem>> -> memref<128xi32, #tpu.memory_space<vmem>>
    %dma_start3A_55 = arith.constant 0 : i32
    %dma_start3A_56 = arith.constant 0 : i32
    %dma_start3A_57 = tpu.memref_slice %arg14[%dma_start3A_55, %dma_start3A_56] : memref<10240x64xf32, #tpu.memory_space<vmem_shared>> -> memref<10240x64xf32, #tpu.memory_space<vmem_shared>>
    tpu.enqueue_indirect_dma source(%arg13 : memref<128x64xf32, #tpu.memory_space<vmem>>) target(%dma_start3A_57 : memref<10240x64xf32, #tpu.memory_space<vmem_shared>>) offsets(%dma_start3A_54 : memref<128xi32, #tpu.memory_space<vmem>>) semaphore(%arg24 : memref<!tpu.dma_semaphore, #tpu.memory_space<semaphore_mem>>) {add = true}
    %dma_wait3A_58 = arith.constant 155 : i32
    %dma_wait3A_59 = arith.constant 0 : i32
    %dma_wait3A_60 = tpu.memref_slice %arg8[%dma_wait3A_58, %dma_wait3A_59] : memref<160x128xi32, #tpu.memory_space<vmem>> -> memref<1x128xi32, #tpu.memory_space<vmem>>
    %dma_wait3A_61 = tpu.memref_squeeze %dma_wait3A_60 : memref<1x128xi32, #tpu.memory_space<vmem>> -> memref<128xi32, #tpu.memory_space<vmem>>
    %dma_wait3A_62 = arith.constant 0 : i32
    %dma_wait3A_63 = arith.constant 0 : i32
    %dma_wait3A_64 = tpu.memref_slice %arg14[%dma_wait3A_62, %dma_wait3A_63] : memref<10240x64xf32, #tpu.memory_space<vmem_shared>> -> memref<10240x64xf32, #tpu.memory_space<vmem_shared>>
    tpu.wait_indirect_dma semaphore(%arg20 : memref<!tpu.dma_semaphore, #tpu.memory_space<semaphore_mem>>) src(%arg9 : memref<128x64xf32, #tpu.memory_space<vmem>>) dst(%dma_wait3A_64 : memref<10240x64xf32, #tpu.memory_space<vmem_shared>>)
    %dma_wait3A_65 = arith.constant 156 : i32
    %dma_wait3A_66 = arith.constant 0 : i32
    %dma_wait3A_67 = tpu.memref_slice %arg8[%dma_wait3A_65, %dma_wait3A_66] : memref<160x128xi32, #tpu.memory_space<vmem>> -> memref<1x128xi32, #tpu.memory_space<vmem>>
    %dma_wait3A_68 = tpu.memref_squeeze %dma_wait3A_67 : memref<1x128xi32, #tpu.memory_space<vmem>> -> memref<128xi32, #tpu.memory_space<vmem>>
    %dma_wait3A_69 = arith.constant 0 : i32
    %dma_wait3A_70 = arith.constant 0 : i32
    %dma_wait3A_71 = tpu.memref_slice %arg14[%dma_wait3A_69, %dma_wait3A_70] : memref<10240x64xf32, #tpu.memory_space<vmem_shared>> -> memref<10240x64xf32, #tpu.memory_space<vmem_shared>>
    tpu.wait_indirect_dma semaphore(%arg21 : memref<!tpu.dma_semaphore, #tpu.memory_space<semaphore_mem>>) src(%arg10 : memref<128x64xf32, #tpu.memory_space<vmem>>) dst(%dma_wait3A_71 : memref<10240x64xf32, #tpu.memory_space<vmem_shared>>)
    %dma_wait3A_72 = arith.constant 157 : i32
    %dma_wait3A_73 = arith.constant 0 : i32
    %dma_wait3A_74 = tpu.memref_slice %arg8[%dma_wait3A_72, %dma_wait3A_73] : memref<160x128xi32, #tpu.memory_space<vmem>> -> memref<1x128xi32, #tpu.memory_space<vmem>>
    %dma_wait3A_75 = tpu.memref_squeeze %dma_wait3A_74 : memref<1x128xi32, #tpu.memory_space<vmem>> -> memref<128xi32, #tpu.memory_space<vmem>>
    %dma_wait3A_76 = arith.constant 0 : i32
    %dma_wait3A_77 = arith.constant 0 : i32
    %dma_wait3A_78 = tpu.memref_slice %arg14[%dma_wait3A_76, %dma_wait3A_77] : memref<10240x64xf32, #tpu.memory_space<vmem_shared>> -> memref<10240x64xf32, #tpu.memory_space<vmem_shared>>
    tpu.wait_indirect_dma semaphore(%arg22 : memref<!tpu.dma_semaphore, #tpu.memory_space<semaphore_mem>>) src(%arg11 : memref<128x64xf32, #tpu.memory_space<vmem>>) dst(%dma_wait3A_78 : memref<10240x64xf32, #tpu.memory_space<vmem_shared>>)
    %dma_wait3A_79 = arith.constant 158 : i32
    %dma_wait3A_80 = arith.constant 0 : i32
    %dma_wait3A_81 = tpu.memref_slice %arg8[%dma_wait3A_79, %dma_wait3A_80] : memref<160x128xi32, #tpu.memory_space<vmem>> -> memref<1x128xi32, #tpu.memory_space<vmem>>
    %dma_wait3A_82 = tpu.memref_squeeze %dma_wait3A_81 : memref<1x128xi32, #tpu.memory_space<vmem>> -> memref<128xi32, #tpu.memory_space<vmem>>
    %dma_wait3A_83 = arith.constant 0 : i32
    %dma_wait3A_84 = arith.constant 0 : i32
    %dma_wait3A_85 = tpu.memref_slice %arg14[%dma_wait3A_83, %dma_wait3A_84] : memref<10240x64xf32, #tpu.memory_space<vmem_shared>> -> memref<10240x64xf32, #tpu.memory_space<vmem_shared>>
    tpu.wait_indirect_dma semaphore(%arg23 : memref<!tpu.dma_semaphore, #tpu.memory_space<semaphore_mem>>) src(%arg12 : memref<128x64xf32, #tpu.memory_space<vmem>>) dst(%dma_wait3A_85 : memref<10240x64xf32, #tpu.memory_space<vmem_shared>>)
    %dma_wait3A_86 = arith.constant 159 : i32
    %dma_wait3A_87 = arith.constant 0 : i32
    %dma_wait3A_88 = tpu.memref_slice %arg8[%dma_wait3A_86, %dma_wait3A_87] : memref<160x128xi32, #tpu.memory_space<vmem>> -> memref<1x128xi32, #tpu.memory_space<vmem>>
    %dma_wait3A_89 = tpu.memref_squeeze %dma_wait3A_88 : memref<1x128xi32, #tpu.memory_space<vmem>> -> memref<128xi32, #tpu.memory_space<vmem>>
    %dma_wait3A_90 = arith.constant 0 : i32
    %dma_wait3A_91 = arith.constant 0 : i32
    %dma_wait3A_92 = tpu.memref_slice %arg14[%dma_wait3A_90, %dma_wait3A_91] : memref<10240x64xf32, #tpu.memory_space<vmem_shared>> -> memref<10240x64xf32, #tpu.memory_space<vmem_shared>>
    tpu.wait_indirect_dma semaphore(%arg24 : memref<!tpu.dma_semaphore, #tpu.memory_space<semaphore_mem>>) src(%arg13 : memref<128x64xf32, #tpu.memory_space<vmem>>) dst(%dma_wait3A_92 : memref<10240x64xf32, #tpu.memory_space<vmem_shared>>)
    %barrier3A_93 = arith.constant 0 : index
    tpu.barrier barrier_id(%barrier3A_93)
    %mul3A_94 = arith.constant 640 : i32
    %mul3A_95 = arith.muli %arg1, %mul3A_94 : i32
    "tpu.region"() ({
      %run_scoped3A = tpu.sem_alloc : memref<!tpu.dma_semaphore, #tpu.memory_space<semaphore_mem>>
      %dma_start3A_96 = arith.constant 0 : i32
      %dma_start3A_97 = tpu.memref_slice %arg6[%arg0, %mul3A_95, %dma_start3A_96] : memref<2x10240x64xf32, #tpu.memory_space<hbm>> -> memref<1x640x64xf32, #tpu.memory_space<hbm>>
      %dma_start3A_98 = tpu.memref_squeeze %dma_start3A_97 : memref<1x640x64xf32, #tpu.memory_space<hbm>> -> memref<640x64xf32, #tpu.memory_space<hbm>>
      %dma_start3A_99 = arith.constant 0 : i32
      %dma_start3A_100 = tpu.memref_slice %arg14[%mul3A_95, %dma_start3A_99] : memref<10240x64xf32, #tpu.memory_space<vmem_shared>> -> memref<640x64xf32, #tpu.memory_space<vmem_shared>>
      tpu.enqueue_dma source(%dma_start3A_100 : memref<640x64xf32, #tpu.memory_space<vmem_shared>>) target(%dma_start3A_98 : memref<640x64xf32, #tpu.memory_space<hbm>>) target_semaphore(%run_scoped3A : memref<!tpu.dma_semaphore, #tpu.memory_space<semaphore_mem>>)
      %dma_wait3A_101 = arith.constant 0 : i32
      %dma_wait3A_102 = tpu.memref_slice %arg6[%arg0, %mul3A_95, %dma_wait3A_101] : memref<2x10240x64xf32, #tpu.memory_space<hbm>> -> memref<1x640x64xf32, #tpu.memory_space<hbm>>
      %dma_wait3A_103 = tpu.memref_squeeze %dma_wait3A_102 : memref<1x640x64xf32, #tpu.memory_space<hbm>> -> memref<640x64xf32, #tpu.memory_space<hbm>>
      %dma_wait3A_104 = arith.constant 0 : i32
      %dma_wait3A_105 = tpu.memref_slice %arg14[%mul3A_95, %dma_wait3A_104] : memref<10240x64xf32, #tpu.memory_space<vmem_shared>> -> memref<640x64xf32, #tpu.memory_space<vmem_shared>>
      tpu.wait_dma2 semaphore(%run_scoped3A : memref<!tpu.dma_semaphore, #tpu.memory_space<semaphore_mem>>) src(%dma_wait3A_105 : memref<640x64xf32, #tpu.memory_space<vmem_shared>>) dst(%dma_wait3A_103 : memref<640x64xf32, #tpu.memory_space<hbm>>)
      tpu.yield
    }) : () -> ()
    return
  }
}

module attributes {stable_mosaic.version = 14 : i64} {
  func.func @_tc_in_body(%arg0: i32, %arg1: memref<1000x128xf32, #tpu.memory_space<vmem>>, %arg2: memref<128x128xf32, #tpu.memory_space<vmem>>, %arg3: memref<1x128xf32, #tpu.memory_space<vmem>>, %arg4: memref<1000x4xf32, #tpu.memory_space<vmem>>, %arg5: memref<1000x128xf32, #tpu.memory_space<vmem>>, %arg6: memref<2x1000x64xf32, #tpu.memory_space<vmem>>) attributes {dimension_semantics = [#tpu.dimension_semantics<arbitrary>], iteration_bounds = array<i64: 10>, scalar_prefetch = 0 : i64, scratch_operands = 0 : i64, tpu.core_type = #tpu.core_type<tc>, window_params = [{transform_indices = @transform_0, window_bounds = array<i64: 1000, 128>}, {pipeline_mode = #tpu.pipeline_mode<synchronous>, transform_indices = @transform_1, window_bounds = array<i64: 128, 128>}, {pipeline_mode = #tpu.pipeline_mode<synchronous>, transform_indices = @transform_2, window_bounds = array<i64: 1, 128>}, {transform_indices = @transform_3, window_bounds = array<i64: 1000, 4>}, {transform_indices = @transform_4, window_bounds = array<i64: 1000, 128>}, {transform_indices = @transform_5, window_bounds = array<i64: 2, 1000, 64>}]} {
    %get3A = arith.constant 0 : index
    %get3A_0 = arith.constant 0 : index
    %get3A_1 = vector.load %arg1[%get3A, %get3A_0] : memref<1000x128xf32, #tpu.memory_space<vmem>>, vector<1000x128xf32>
    %get3A_2 = arith.constant 0 : index
    %get3A_3 = arith.constant 0 : index
    %get3A_4 = vector.load %arg2[%get3A_2, %get3A_3] : memref<128x128xf32, #tpu.memory_space<vmem>>, vector<128x128xf32>
    %dot_general3A = arith.constant dense<0.000000e+00> : vector<1000x128xf32>
    %dot_general3A_5 = tpu.matmul %get3A_1, %get3A_4, %dot_general3A {dimension_numbers = #tpu.dot_dimension_numbers<[1], [0], [0], [1], [0, 0, 1, 1], [], []>, transpose_lhs_hint = false} : vector<1000x128xf32>, vector<128x128xf32>, vector<1000x128xf32> -> vector<1000x128xf32>
    %get3A_6 = arith.constant 0 : index
    %get3A_7 = arith.constant 0 : index
    %get3A_8 = vector.load %arg3[%get3A_6, %get3A_7] : memref<1x128xf32, #tpu.memory_space<vmem>>, vector<1x128xf32>
    %add3A = vector.broadcast %get3A_8 : vector<1x128xf32> to vector<1000x128xf32>
    %add3A_9 = arith.addf %dot_general3A_5, %add3A : vector<1000x128xf32>
    %max3A = arith.constant 0.000000e+00 : f32
    %max3A_10 = vector.broadcast %max3A : f32 to vector<1000x128xf32>
    %max3A_11 = arith.maximumf %add3A_9, %max3A_10 : vector<1000x128xf32>
    %get3A_12 = arith.constant 0 : index
    %get3A_13 = arith.constant 0 : index
    %get3A_14 = vector.load %arg4[%get3A_12, %get3A_13] : memref<1000x4xf32, #tpu.memory_space<vmem>>, vector<1000x4xf32>
    %slice3A = vector.extract_strided_slice %get3A_14 {offsets = [0, 0], sizes = [1000, 1], strides = [1, 1]} : vector<1000x4xf32> to vector<1000x1xf32>
    %squeeze3A = vector.shape_cast %slice3A : vector<1000x1xf32> to vector<1000xf32>
    %slice3A_15 = vector.extract_strided_slice %get3A_14 {offsets = [0, 2], sizes = [1000, 1], strides = [1, 1]} : vector<1000x4xf32> to vector<1000x1xf32>
    %squeeze3A_16 = vector.shape_cast %slice3A_15 : vector<1000x1xf32> to vector<1000xf32>
    %add3A_17 = arith.addf %squeeze3A, %squeeze3A_16 : vector<1000xf32>
    %max3A_18 = arith.constant 1.000000e+00 : f32
    %max3A_19 = vector.broadcast %max3A_18 : f32 to vector<1000xf32>
    %max3A_20 = arith.maximumf %add3A_17, %max3A_19 : vector<1000xf32>
    %rsqrt3A = math.rsqrt %max3A_20 : vector<1000xf32>
    %swap3A = arith.constant 0 : index
    %swap3A_21 = arith.constant 0 : index
    %swap3A_22 = vector.load %arg5[%swap3A, %swap3A_21] : memref<1000x128xf32, #tpu.memory_space<vmem>>, vector<1000x128xf32>
    tpu.vector_store %arg5[%swap3A, %swap3A_21], %max3A_11 {strides = array<i32>} : memref<1000x128xf32, #tpu.memory_space<vmem>>, vector<1000x128xf32>,
    %broadcast_in_dim3A = vector.shape_cast %rsqrt3A : vector<1000xf32> to vector<1000x1xf32>
    %mul3A = vector.broadcast %broadcast_in_dim3A : vector<1000x1xf32> to vector<1000x128xf32>
    %mul3A_23 = arith.mulf %max3A_11, %mul3A : vector<1000x128xf32>
    %slice3A_24 = vector.extract_strided_slice %mul3A_23 {offsets = [0, 0], sizes = [1000, 64], strides = [1, 1]} : vector<1000x128xf32> to vector<1000x64xf32>
    %swap3A_25 = arith.constant 0 : index
    %swap3A_26 = arith.constant 0 : index
    %swap3A_27 = arith.constant 0 : index
    %swap3A_28 = vector.load %arg6[%swap3A_25, %swap3A_26, %swap3A_27] : memref<2x1000x64xf32, #tpu.memory_space<vmem>>, vector<1x1000x64xf32>
    %swap3A_29 = vector.shape_cast %swap3A_28 : vector<1x1000x64xf32> to vector<1000x64xf32>
    %swap3A_30 = vector.shape_cast %slice3A_24 : vector<1000x64xf32> to vector<1x1000x64xf32>
    tpu.vector_store %arg6[%swap3A_25, %swap3A_26, %swap3A_27], %swap3A_30 {strides = array<i32>} : memref<2x1000x64xf32, #tpu.memory_space<vmem>>, vector<1x1000x64xf32>,
    %slice3A_31 = vector.extract_strided_slice %mul3A_23 {offsets = [0, 64], sizes = [1000, 64], strides = [1, 1]} : vector<1000x128xf32> to vector<1000x64xf32>
    %swap3A_32 = arith.constant 1 : index
    %swap3A_33 = arith.constant 0 : index
    %swap3A_34 = arith.constant 0 : index
    %swap3A_35 = vector.load %arg6[%swap3A_32, %swap3A_33, %swap3A_34] : memref<2x1000x64xf32, #tpu.memory_space<vmem>>, vector<1x1000x64xf32>
    %swap3A_36 = vector.shape_cast %swap3A_35 : vector<1x1000x64xf32> to vector<1000x64xf32>
    %swap3A_37 = vector.shape_cast %slice3A_31 : vector<1000x64xf32> to vector<1x1000x64xf32>
    tpu.vector_store %arg6[%swap3A_32, %swap3A_33, %swap3A_34], %swap3A_37 {strides = array<i32>} : memref<2x1000x64xf32, #tpu.memory_space<vmem>>, vector<1x1000x64xf32>,
    return
  }
  func.func @transform_0(%arg0: i32) -> (i32, i32) {
    %c0_i32 = arith.constant 0 : i32
    %c0_i32_0 = arith.constant 0 : i32
    return %arg0, %c0_i32 : i32, i32
  }
  func.func @transform_1(%arg0: i32) -> (i32, i32) {
    %c0_i32 = arith.constant 0 : i32
    %c0_i32_0 = arith.constant 0 : i32
    %c0_i32_1 = arith.constant 0 : i32
    return %c0_i32, %c0_i32_0 : i32, i32
  }
  func.func @transform_2(%arg0: i32) -> (i32, i32) {
    %c0_i32 = arith.constant 0 : i32
    %c0_i32_0 = arith.constant 0 : i32
    %c0_i32_1 = arith.constant 0 : i32
    return %c0_i32, %c0_i32_0 : i32, i32
  }
  func.func @transform_3(%arg0: i32) -> (i32, i32) {
    %c0_i32 = arith.constant 0 : i32
    %c0_i32_0 = arith.constant 0 : i32
    return %arg0, %c0_i32 : i32, i32
  }
  func.func @transform_4(%arg0: i32) -> (i32, i32) {
    %c0_i32 = arith.constant 0 : i32
    %c0_i32_0 = arith.constant 0 : i32
    return %arg0, %c0_i32 : i32, i32
  }
  func.func @transform_5(%arg0: i32) -> (i32, i32, i32) {
    %c0_i32 = arith.constant 0 : i32
    %c0_i32_0 = arith.constant 0 : i32
    %c0_i32_1 = arith.constant 0 : i32
    return %c0_i32, %arg0, %c0_i32_0 : i32, i32, i32
  }
}

module attributes {stable_mosaic.version = 14 : i64} {
  func.func @_tc_layer_body(%arg0: i32, %arg1: memref<2x1000x64xf32, #tpu.memory_space<vmem>>, %arg2: memref<1000x128xf32, #tpu.memory_space<vmem>>, %arg3: memref<1000x4xf32, #tpu.memory_space<vmem>>, %arg4: memref<128x128xf32, #tpu.memory_space<vmem>>, %arg5: memref<2x1000x64xf32, #tpu.memory_space<vmem>>) attributes {dimension_semantics = [#tpu.dimension_semantics<arbitrary>], iteration_bounds = array<i64: 10>, scalar_prefetch = 0 : i64, scratch_operands = 0 : i64, tpu.core_type = #tpu.core_type<tc>, window_params = [{transform_indices = @transform_0, window_bounds = array<i64: 2, 1000, 64>}, {transform_indices = @transform_1, window_bounds = array<i64: 1000, 128>}, {transform_indices = @transform_2, window_bounds = array<i64: 1000, 4>}, {pipeline_mode = #tpu.pipeline_mode<synchronous>, transform_indices = @transform_3, window_bounds = array<i64: 128, 128>}, {transform_indices = @transform_4, window_bounds = array<i64: 2, 1000, 64>}]} {
    %get3A = arith.constant 0 : index
    %get3A_0 = arith.constant 0 : index
    %get3A_1 = vector.load %arg3[%get3A, %get3A_0] : memref<1000x4xf32, #tpu.memory_space<vmem>>, vector<1000x4xf32>
    %slice3A = vector.extract_strided_slice %get3A_1 {offsets = [0, 0], sizes = [1000, 1], strides = [1, 1]} : vector<1000x4xf32> to vector<1000x1xf32>
    %squeeze3A = vector.shape_cast %slice3A : vector<1000x1xf32> to vector<1000xf32>
    %slice3A_2 = vector.extract_strided_slice %get3A_1 {offsets = [0, 2], sizes = [1000, 1], strides = [1, 1]} : vector<1000x4xf32> to vector<1000x1xf32>
    %squeeze3A_3 = vector.shape_cast %slice3A_2 : vector<1000x1xf32> to vector<1000xf32>
    %add3A = arith.addf %squeeze3A, %squeeze3A_3 : vector<1000xf32>
    %slice3A_4 = vector.extract_strided_slice %get3A_1 {offsets = [0, 1], sizes = [1000, 1], strides = [1, 1]} : vector<1000x4xf32> to vector<1000x1xf32>
    %squeeze3A_5 = vector.shape_cast %slice3A_4 : vector<1000x1xf32> to vector<1000xf32>
    %slice3A_6 = vector.extract_strided_slice %get3A_1 {offsets = [0, 3], sizes = [1000, 1], strides = [1, 1]} : vector<1000x4xf32> to vector<1000x1xf32>
    %squeeze3A_7 = vector.shape_cast %slice3A_6 : vector<1000x1xf32> to vector<1000xf32>
    %add3A_8 = arith.addf %squeeze3A_5, %squeeze3A_7 : vector<1000xf32>
    %max3A = arith.constant 1.000000e+00 : f32
    %max3A_9 = vector.broadcast %max3A : f32 to vector<1000xf32>
    %max3A_10 = arith.maximumf %add3A, %max3A_9 : vector<1000xf32>
    %rsqrt3A = math.rsqrt %max3A_10 : vector<1000xf32>
    %max3A_11 = arith.constant 1.000000e+00 : f32
    %max3A_12 = vector.broadcast %max3A_11 : f32 to vector<1000xf32>
    %max3A_13 = arith.maximumf %add3A_8, %max3A_12 : vector<1000xf32>
    %rsqrt3A_14 = math.rsqrt %max3A_13 : vector<1000xf32>
    %get3A_15 = arith.constant 0 : index
    %get3A_16 = arith.constant 0 : index
    %get3A_17 = arith.constant 0 : index
    %get3A_18 = vector.load %arg1[%get3A_15, %get3A_16, %get3A_17] : memref<2x1000x64xf32, #tpu.memory_space<vmem>>, vector<2x1000x64xf32>
    %slice3A_19 = vector.extract_strided_slice %get3A_18 {offsets = [0, 0, 0], sizes = [1, 1000, 64], strides = [1, 1, 1]} : vector<2x1000x64xf32> to vector<1x1000x64xf32>
    %squeeze3A_20 = vector.shape_cast %slice3A_19 : vector<1x1000x64xf32> to vector<1000x64xf32>
    %slice3A_21 = vector.extract_strided_slice %get3A_18 {offsets = [1, 0, 0], sizes = [1, 1000, 64], strides = [1, 1, 1]} : vector<2x1000x64xf32> to vector<1x1000x64xf32>
    %squeeze3A_22 = vector.shape_cast %slice3A_21 : vector<1x1000x64xf32> to vector<1000x64xf32>
    %concatenate3A = tpu.concatenate %squeeze3A_20, %squeeze3A_22 in 1 : vector<1000x64xf32>, vector<1000x64xf32> -> vector<1000x128xf32>
    %broadcast_in_dim3A = vector.shape_cast %rsqrt3A_14 : vector<1000xf32> to vector<1000x1xf32>
    %mul3A = vector.broadcast %broadcast_in_dim3A : vector<1000x1xf32> to vector<1000x128xf32>
    %mul3A_23 = arith.mulf %concatenate3A, %mul3A : vector<1000x128xf32>
    %mul3A_24 = arith.constant 0.899999976 : f32
    %mul3A_25 = vector.broadcast %mul3A_24 : f32 to vector<1000x128xf32>
    %mul3A_26 = arith.mulf %mul3A_25, %mul3A_23 : vector<1000x128xf32>
    %get3A_27 = arith.constant 0 : index
    %get3A_28 = arith.constant 0 : index
    %get3A_29 = vector.load %arg2[%get3A_27, %get3A_28] : memref<1000x128xf32, #tpu.memory_space<vmem>>, vector<1000x128xf32>
    %mul3A_30 = arith.constant 1.000000e-01 : f32
    %mul3A_31 = vector.broadcast %mul3A_30 : f32 to vector<1000x128xf32>
    %mul3A_32 = arith.mulf %mul3A_31, %get3A_29 : vector<1000x128xf32>
    %add3A_33 = arith.addf %mul3A_26, %mul3A_32 : vector<1000x128xf32>
    %mul3A_34 = arith.constant 0.594534874 : f32
    %mul3A_35 = vector.broadcast %mul3A_34 : f32 to vector<1000x128xf32>
    %mul3A_36 = arith.mulf %mul3A_35, %add3A_33 : vector<1000x128xf32>
    %get3A_37 = arith.constant 0 : index
    %get3A_38 = arith.constant 0 : index
    %get3A_39 = vector.load %arg4[%get3A_37, %get3A_38] : memref<128x128xf32, #tpu.memory_space<vmem>>, vector<128x128xf32>
    %dot_general3A = arith.constant dense<0.000000e+00> : vector<1000x128xf32>
    %dot_general3A_40 = tpu.matmul %add3A_33, %get3A_39, %dot_general3A {dimension_numbers = #tpu.dot_dimension_numbers<[1], [0], [0], [1], [0, 0, 1, 1], [], []>, transpose_lhs_hint = false} : vector<1000x128xf32>, vector<128x128xf32>, vector<1000x128xf32> -> vector<1000x128xf32>
    %mul3A_41 = arith.constant 0.405465096 : f32
    %mul3A_42 = vector.broadcast %mul3A_41 : f32 to vector<1000x128xf32>
    %mul3A_43 = arith.mulf %mul3A_42, %dot_general3A_40 : vector<1000x128xf32>
    %add3A_44 = arith.addf %mul3A_36, %mul3A_43 : vector<1000x128xf32>
    %max3A_45 = arith.constant 0.000000e+00 : f32
    %max3A_46 = vector.broadcast %max3A_45 : f32 to vector<1000x128xf32>
    %max3A_47 = arith.maximumf %add3A_44, %max3A_46 : vector<1000x128xf32>
    %broadcast_in_dim3A_48 = vector.shape_cast %rsqrt3A : vector<1000xf32> to vector<1000x1xf32>
    %mul3A_49 = vector.broadcast %broadcast_in_dim3A_48 : vector<1000x1xf32> to vector<1000x128xf32>
    %mul3A_50 = arith.mulf %max3A_47, %mul3A_49 : vector<1000x128xf32>
    %slice3A_51 = vector.extract_strided_slice %mul3A_50 {offsets = [0, 0], sizes = [1000, 64], strides = [1, 1]} : vector<1000x128xf32> to vector<1000x64xf32>
    %swap3A = arith.constant 0 : index
    %swap3A_52 = arith.constant 0 : index
    %swap3A_53 = arith.constant 0 : index
    %swap3A_54 = vector.load %arg5[%swap3A, %swap3A_52, %swap3A_53] : memref<2x1000x64xf32, #tpu.memory_space<vmem>>, vector<1x1000x64xf32>
    %swap3A_55 = vector.shape_cast %swap3A_54 : vector<1x1000x64xf32> to vector<1000x64xf32>
    %swap3A_56 = vector.shape_cast %slice3A_51 : vector<1000x64xf32> to vector<1x1000x64xf32>
    tpu.vector_store %arg5[%swap3A, %swap3A_52, %swap3A_53], %swap3A_56 {strides = array<i32>} : memref<2x1000x64xf32, #tpu.memory_space<vmem>>, vector<1x1000x64xf32>,
    %slice3A_57 = vector.extract_strided_slice %mul3A_50 {offsets = [0, 64], sizes = [1000, 64], strides = [1, 1]} : vector<1000x128xf32> to vector<1000x64xf32>
    %swap3A_58 = arith.constant 1 : index
    %swap3A_59 = arith.constant 0 : index
    %swap3A_60 = arith.constant 0 : index
    %swap3A_61 = vector.load %arg5[%swap3A_58, %swap3A_59, %swap3A_60] : memref<2x1000x64xf32, #tpu.memory_space<vmem>>, vector<1x1000x64xf32>
    %swap3A_62 = vector.shape_cast %swap3A_61 : vector<1x1000x64xf32> to vector<1000x64xf32>
    %swap3A_63 = vector.shape_cast %slice3A_57 : vector<1000x64xf32> to vector<1x1000x64xf32>
    tpu.vector_store %arg5[%swap3A_58, %swap3A_59, %swap3A_60], %swap3A_63 {strides = array<i32>} : memref<2x1000x64xf32, #tpu.memory_space<vmem>>, vector<1x1000x64xf32>,
    return
  }
  func.func @transform_0(%arg0: i32) -> (i32, i32, i32) {
    %c0_i32 = arith.constant 0 : i32
    %c0_i32_0 = arith.constant 0 : i32
    %c0_i32_1 = arith.constant 0 : i32
    return %c0_i32, %arg0, %c0_i32_0 : i32, i32, i32
  }
  func.func @transform_1(%arg0: i32) -> (i32, i32) {
    %c0_i32 = arith.constant 0 : i32
    %c0_i32_0 = arith.constant 0 : i32
    return %arg0, %c0_i32 : i32, i32
  }
  func.func @transform_2(%arg0: i32) -> (i32, i32) {
    %c0_i32 = arith.constant 0 : i32
    %c0_i32_0 = arith.constant 0 : i32
    return %arg0, %c0_i32 : i32, i32
  }
  func.func @transform_3(%arg0: i32) -> (i32, i32) {
    %c0_i32 = arith.constant 0 : i32
    %c0_i32_0 = arith.constant 0 : i32
    %c0_i32_1 = arith.constant 0 : i32
    return %c0_i32, %c0_i32_0 : i32, i32
  }
  func.func @transform_4(%arg0: i32) -> (i32, i32, i32) {
    %c0_i32 = arith.constant 0 : i32
    %c0_i32_0 = arith.constant 0 : i32
    %c0_i32_1 = arith.constant 0 : i32
    return %c0_i32, %arg0, %c0_i32_0 : i32, i32, i32
  }
}

module attributes {stable_mosaic.version = 14 : i64} {
  func.func @_tc_layer_body(%arg0: i32, %arg1: memref<2x1000x64xf32, #tpu.memory_space<vmem>>, %arg2: memref<1000x128xf32, #tpu.memory_space<vmem>>, %arg3: memref<1000x4xf32, #tpu.memory_space<vmem>>, %arg4: memref<128x128xf32, #tpu.memory_space<vmem>>, %arg5: memref<2x1000x64xf32, #tpu.memory_space<vmem>>) attributes {dimension_semantics = [#tpu.dimension_semantics<arbitrary>], iteration_bounds = array<i64: 10>, scalar_prefetch = 0 : i64, scratch_operands = 0 : i64, tpu.core_type = #tpu.core_type<tc>, window_params = [{transform_indices = @transform_0, window_bounds = array<i64: 2, 1000, 64>}, {transform_indices = @transform_1, window_bounds = array<i64: 1000, 128>}, {transform_indices = @transform_2, window_bounds = array<i64: 1000, 4>}, {pipeline_mode = #tpu.pipeline_mode<synchronous>, transform_indices = @transform_3, window_bounds = array<i64: 128, 128>}, {transform_indices = @transform_4, window_bounds = array<i64: 2, 1000, 64>}]} {
    %get3A = arith.constant 0 : index
    %get3A_0 = arith.constant 0 : index
    %get3A_1 = vector.load %arg3[%get3A, %get3A_0] : memref<1000x4xf32, #tpu.memory_space<vmem>>, vector<1000x4xf32>
    %slice3A = vector.extract_strided_slice %get3A_1 {offsets = [0, 0], sizes = [1000, 1], strides = [1, 1]} : vector<1000x4xf32> to vector<1000x1xf32>
    %squeeze3A = vector.shape_cast %slice3A : vector<1000x1xf32> to vector<1000xf32>
    %slice3A_2 = vector.extract_strided_slice %get3A_1 {offsets = [0, 2], sizes = [1000, 1], strides = [1, 1]} : vector<1000x4xf32> to vector<1000x1xf32>
    %squeeze3A_3 = vector.shape_cast %slice3A_2 : vector<1000x1xf32> to vector<1000xf32>
    %add3A = arith.addf %squeeze3A, %squeeze3A_3 : vector<1000xf32>
    %slice3A_4 = vector.extract_strided_slice %get3A_1 {offsets = [0, 1], sizes = [1000, 1], strides = [1, 1]} : vector<1000x4xf32> to vector<1000x1xf32>
    %squeeze3A_5 = vector.shape_cast %slice3A_4 : vector<1000x1xf32> to vector<1000xf32>
    %slice3A_6 = vector.extract_strided_slice %get3A_1 {offsets = [0, 3], sizes = [1000, 1], strides = [1, 1]} : vector<1000x4xf32> to vector<1000x1xf32>
    %squeeze3A_7 = vector.shape_cast %slice3A_6 : vector<1000x1xf32> to vector<1000xf32>
    %add3A_8 = arith.addf %squeeze3A_5, %squeeze3A_7 : vector<1000xf32>
    %max3A = arith.constant 1.000000e+00 : f32
    %max3A_9 = vector.broadcast %max3A : f32 to vector<1000xf32>
    %max3A_10 = arith.maximumf %add3A, %max3A_9 : vector<1000xf32>
    %rsqrt3A = math.rsqrt %max3A_10 : vector<1000xf32>
    %max3A_11 = arith.constant 1.000000e+00 : f32
    %max3A_12 = vector.broadcast %max3A_11 : f32 to vector<1000xf32>
    %max3A_13 = arith.maximumf %add3A_8, %max3A_12 : vector<1000xf32>
    %rsqrt3A_14 = math.rsqrt %max3A_13 : vector<1000xf32>
    %get3A_15 = arith.constant 0 : index
    %get3A_16 = arith.constant 0 : index
    %get3A_17 = arith.constant 0 : index
    %get3A_18 = vector.load %arg1[%get3A_15, %get3A_16, %get3A_17] : memref<2x1000x64xf32, #tpu.memory_space<vmem>>, vector<2x1000x64xf32>
    %slice3A_19 = vector.extract_strided_slice %get3A_18 {offsets = [0, 0, 0], sizes = [1, 1000, 64], strides = [1, 1, 1]} : vector<2x1000x64xf32> to vector<1x1000x64xf32>
    %squeeze3A_20 = vector.shape_cast %slice3A_19 : vector<1x1000x64xf32> to vector<1000x64xf32>
    %slice3A_21 = vector.extract_strided_slice %get3A_18 {offsets = [1, 0, 0], sizes = [1, 1000, 64], strides = [1, 1, 1]} : vector<2x1000x64xf32> to vector<1x1000x64xf32>
    %squeeze3A_22 = vector.shape_cast %slice3A_21 : vector<1x1000x64xf32> to vector<1000x64xf32>
    %concatenate3A = tpu.concatenate %squeeze3A_20, %squeeze3A_22 in 1 : vector<1000x64xf32>, vector<1000x64xf32> -> vector<1000x128xf32>
    %broadcast_in_dim3A = vector.shape_cast %rsqrt3A_14 : vector<1000xf32> to vector<1000x1xf32>
    %mul3A = vector.broadcast %broadcast_in_dim3A : vector<1000x1xf32> to vector<1000x128xf32>
    %mul3A_23 = arith.mulf %concatenate3A, %mul3A : vector<1000x128xf32>
    %mul3A_24 = arith.constant 0.899999976 : f32
    %mul3A_25 = vector.broadcast %mul3A_24 : f32 to vector<1000x128xf32>
    %mul3A_26 = arith.mulf %mul3A_25, %mul3A_23 : vector<1000x128xf32>
    %get3A_27 = arith.constant 0 : index
    %get3A_28 = arith.constant 0 : index
    %get3A_29 = vector.load %arg2[%get3A_27, %get3A_28] : memref<1000x128xf32, #tpu.memory_space<vmem>>, vector<1000x128xf32>
    %mul3A_30 = arith.constant 1.000000e-01 : f32
    %mul3A_31 = vector.broadcast %mul3A_30 : f32 to vector<1000x128xf32>
    %mul3A_32 = arith.mulf %mul3A_31, %get3A_29 : vector<1000x128xf32>
    %add3A_33 = arith.addf %mul3A_26, %mul3A_32 : vector<1000x128xf32>
    %mul3A_34 = arith.constant 0.776856422 : f32
    %mul3A_35 = vector.broadcast %mul3A_34 : f32 to vector<1000x128xf32>
    %mul3A_36 = arith.mulf %mul3A_35, %add3A_33 : vector<1000x128xf32>
    %get3A_37 = arith.constant 0 : index
    %get3A_38 = arith.constant 0 : index
    %get3A_39 = vector.load %arg4[%get3A_37, %get3A_38] : memref<128x128xf32, #tpu.memory_space<vmem>>, vector<128x128xf32>
    %dot_general3A = arith.constant dense<0.000000e+00> : vector<1000x128xf32>
    %dot_general3A_40 = tpu.matmul %add3A_33, %get3A_39, %dot_general3A {dimension_numbers = #tpu.dot_dimension_numbers<[1], [0], [0], [1], [0, 0, 1, 1], [], []>, transpose_lhs_hint = false} : vector<1000x128xf32>, vector<128x128xf32>, vector<1000x128xf32> -> vector<1000x128xf32>
    %mul3A_41 = arith.constant 0.223143548 : f32
    %mul3A_42 = vector.broadcast %mul3A_41 : f32 to vector<1000x128xf32>
    %mul3A_43 = arith.mulf %mul3A_42, %dot_general3A_40 : vector<1000x128xf32>
    %add3A_44 = arith.addf %mul3A_36, %mul3A_43 : vector<1000x128xf32>
    %max3A_45 = arith.constant 0.000000e+00 : f32
    %max3A_46 = vector.broadcast %max3A_45 : f32 to vector<1000x128xf32>
    %max3A_47 = arith.maximumf %add3A_44, %max3A_46 : vector<1000x128xf32>
    %broadcast_in_dim3A_48 = vector.shape_cast %rsqrt3A : vector<1000xf32> to vector<1000x1xf32>
    %mul3A_49 = vector.broadcast %broadcast_in_dim3A_48 : vector<1000x1xf32> to vector<1000x128xf32>
    %mul3A_50 = arith.mulf %max3A_47, %mul3A_49 : vector<1000x128xf32>
    %slice3A_51 = vector.extract_strided_slice %mul3A_50 {offsets = [0, 0], sizes = [1000, 64], strides = [1, 1]} : vector<1000x128xf32> to vector<1000x64xf32>
    %swap3A = arith.constant 0 : index
    %swap3A_52 = arith.constant 0 : index
    %swap3A_53 = arith.constant 0 : index
    %swap3A_54 = vector.load %arg5[%swap3A, %swap3A_52, %swap3A_53] : memref<2x1000x64xf32, #tpu.memory_space<vmem>>, vector<1x1000x64xf32>
    %swap3A_55 = vector.shape_cast %swap3A_54 : vector<1x1000x64xf32> to vector<1000x64xf32>
    %swap3A_56 = vector.shape_cast %slice3A_51 : vector<1000x64xf32> to vector<1x1000x64xf32>
    tpu.vector_store %arg5[%swap3A, %swap3A_52, %swap3A_53], %swap3A_56 {strides = array<i32>} : memref<2x1000x64xf32, #tpu.memory_space<vmem>>, vector<1x1000x64xf32>,
    %slice3A_57 = vector.extract_strided_slice %mul3A_50 {offsets = [0, 64], sizes = [1000, 64], strides = [1, 1]} : vector<1000x128xf32> to vector<1000x64xf32>
    %swap3A_58 = arith.constant 1 : index
    %swap3A_59 = arith.constant 0 : index
    %swap3A_60 = arith.constant 0 : index
    %swap3A_61 = vector.load %arg5[%swap3A_58, %swap3A_59, %swap3A_60] : memref<2x1000x64xf32, #tpu.memory_space<vmem>>, vector<1x1000x64xf32>
    %swap3A_62 = vector.shape_cast %swap3A_61 : vector<1x1000x64xf32> to vector<1000x64xf32>
    %swap3A_63 = vector.shape_cast %slice3A_57 : vector<1000x64xf32> to vector<1x1000x64xf32>
    tpu.vector_store %arg5[%swap3A_58, %swap3A_59, %swap3A_60], %swap3A_63 {strides = array<i32>} : memref<2x1000x64xf32, #tpu.memory_space<vmem>>, vector<1x1000x64xf32>,
    return
  }
  func.func @transform_0(%arg0: i32) -> (i32, i32, i32) {
    %c0_i32 = arith.constant 0 : i32
    %c0_i32_0 = arith.constant 0 : i32
    %c0_i32_1 = arith.constant 0 : i32
    return %c0_i32, %arg0, %c0_i32_0 : i32, i32, i32
  }
  func.func @transform_1(%arg0: i32) -> (i32, i32) {
    %c0_i32 = arith.constant 0 : i32
    %c0_i32_0 = arith.constant 0 : i32
    return %arg0, %c0_i32 : i32, i32
  }
  func.func @transform_2(%arg0: i32) -> (i32, i32) {
    %c0_i32 = arith.constant 0 : i32
    %c0_i32_0 = arith.constant 0 : i32
    return %arg0, %c0_i32 : i32, i32
  }
  func.func @transform_3(%arg0: i32) -> (i32, i32) {
    %c0_i32 = arith.constant 0 : i32
    %c0_i32_0 = arith.constant 0 : i32
    %c0_i32_1 = arith.constant 0 : i32
    return %c0_i32, %c0_i32_0 : i32, i32
  }
  func.func @transform_4(%arg0: i32) -> (i32, i32, i32) {
    %c0_i32 = arith.constant 0 : i32
    %c0_i32_0 = arith.constant 0 : i32
    %c0_i32_1 = arith.constant 0 : i32
    return %c0_i32, %arg0, %c0_i32_0 : i32, i32, i32
  }
}

module attributes {stable_mosaic.version = 14 : i64} {
  func.func @_tc_final_body(%arg0: i32, %arg1: memref<2x1000x64xf32, #tpu.memory_space<vmem>>, %arg2: memref<1000x128xf32, #tpu.memory_space<vmem>>, %arg3: memref<1000x4xf32, #tpu.memory_space<vmem>>, %arg4: memref<128x128xf32, #tpu.memory_space<vmem>>, %arg5: memref<128x64xf32, #tpu.memory_space<vmem>>, %arg6: memref<1x64xf32, #tpu.memory_space<vmem>>, %arg7: memref<1000x64xf32, #tpu.memory_space<vmem>>) attributes {dimension_semantics = [#tpu.dimension_semantics<arbitrary>], iteration_bounds = array<i64: 10>, scalar_prefetch = 0 : i64, scratch_operands = 0 : i64, tpu.core_type = #tpu.core_type<tc>, window_params = [{transform_indices = @transform_0, window_bounds = array<i64: 2, 1000, 64>}, {transform_indices = @transform_1, window_bounds = array<i64: 1000, 128>}, {transform_indices = @transform_2, window_bounds = array<i64: 1000, 4>}, {pipeline_mode = #tpu.pipeline_mode<synchronous>, transform_indices = @transform_3, window_bounds = array<i64: 128, 128>}, {pipeline_mode = #tpu.pipeline_mode<synchronous>, transform_indices = @transform_4, window_bounds = array<i64: 128, 64>}, {pipeline_mode = #tpu.pipeline_mode<synchronous>, transform_indices = @transform_5, window_bounds = array<i64: 1, 64>}, {transform_indices = @transform_6, window_bounds = array<i64: 1000, 64>}]} {
    %get3A = arith.constant 0 : index
    %get3A_0 = arith.constant 0 : index
    %get3A_1 = vector.load %arg3[%get3A, %get3A_0] : memref<1000x4xf32, #tpu.memory_space<vmem>>, vector<1000x4xf32>
    %slice3A = vector.extract_strided_slice %get3A_1 {offsets = [0, 1], sizes = [1000, 1], strides = [1, 1]} : vector<1000x4xf32> to vector<1000x1xf32>
    %squeeze3A = vector.shape_cast %slice3A : vector<1000x1xf32> to vector<1000xf32>
    %slice3A_2 = vector.extract_strided_slice %get3A_1 {offsets = [0, 3], sizes = [1000, 1], strides = [1, 1]} : vector<1000x4xf32> to vector<1000x1xf32>
    %squeeze3A_3 = vector.shape_cast %slice3A_2 : vector<1000x1xf32> to vector<1000xf32>
    %add3A = arith.addf %squeeze3A, %squeeze3A_3 : vector<1000xf32>
    %max3A = arith.constant 1.000000e+00 : f32
    %max3A_4 = vector.broadcast %max3A : f32 to vector<1000xf32>
    %max3A_5 = arith.maximumf %add3A, %max3A_4 : vector<1000xf32>
    %rsqrt3A = math.rsqrt %max3A_5 : vector<1000xf32>
    %get3A_6 = arith.constant 0 : index
    %get3A_7 = arith.constant 0 : index
    %get3A_8 = arith.constant 0 : index
    %get3A_9 = vector.load %arg1[%get3A_6, %get3A_7, %get3A_8] : memref<2x1000x64xf32, #tpu.memory_space<vmem>>, vector<2x1000x64xf32>
    %slice3A_10 = vector.extract_strided_slice %get3A_9 {offsets = [0, 0, 0], sizes = [1, 1000, 64], strides = [1, 1, 1]} : vector<2x1000x64xf32> to vector<1x1000x64xf32>
    %squeeze3A_11 = vector.shape_cast %slice3A_10 : vector<1x1000x64xf32> to vector<1000x64xf32>
    %slice3A_12 = vector.extract_strided_slice %get3A_9 {offsets = [1, 0, 0], sizes = [1, 1000, 64], strides = [1, 1, 1]} : vector<2x1000x64xf32> to vector<1x1000x64xf32>
    %squeeze3A_13 = vector.shape_cast %slice3A_12 : vector<1x1000x64xf32> to vector<1000x64xf32>
    %concatenate3A = tpu.concatenate %squeeze3A_11, %squeeze3A_13 in 1 : vector<1000x64xf32>, vector<1000x64xf32> -> vector<1000x128xf32>
    %broadcast_in_dim3A = vector.shape_cast %rsqrt3A : vector<1000xf32> to vector<1000x1xf32>
    %mul3A = vector.broadcast %broadcast_in_dim3A : vector<1000x1xf32> to vector<1000x128xf32>
    %mul3A_14 = arith.mulf %concatenate3A, %mul3A : vector<1000x128xf32>
    %mul3A_15 = arith.constant 0.899999976 : f32
    %mul3A_16 = vector.broadcast %mul3A_15 : f32 to vector<1000x128xf32>
    %mul3A_17 = arith.mulf %mul3A_16, %mul3A_14 : vector<1000x128xf32>
    %get3A_18 = arith.constant 0 : index
    %get3A_19 = arith.constant 0 : index
    %get3A_20 = vector.load %arg2[%get3A_18, %get3A_19] : memref<1000x128xf32, #tpu.memory_space<vmem>>, vector<1000x128xf32>
    %mul3A_21 = arith.constant 1.000000e-01 : f32
    %mul3A_22 = vector.broadcast %mul3A_21 : f32 to vector<1000x128xf32>
    %mul3A_23 = arith.mulf %mul3A_22, %get3A_20 : vector<1000x128xf32>
    %add3A_24 = arith.addf %mul3A_17, %mul3A_23 : vector<1000x128xf32>
    %mul3A_25 = arith.constant 0.845849335 : f32
    %mul3A_26 = vector.broadcast %mul3A_25 : f32 to vector<1000x128xf32>
    %mul3A_27 = arith.mulf %mul3A_26, %add3A_24 : vector<1000x128xf32>
    %get3A_28 = arith.constant 0 : index
    %get3A_29 = arith.constant 0 : index
    %get3A_30 = vector.load %arg4[%get3A_28, %get3A_29] : memref<128x128xf32, #tpu.memory_space<vmem>>, vector<128x128xf32>
    %dot_general3A = arith.constant dense<0.000000e+00> : vector<1000x128xf32>
    %dot_general3A_31 = tpu.matmul %add3A_24, %get3A_30, %dot_general3A {dimension_numbers = #tpu.dot_dimension_numbers<[1], [0], [0], [1], [0, 0, 1, 1], [], []>, transpose_lhs_hint = false} : vector<1000x128xf32>, vector<128x128xf32>, vector<1000x128xf32> -> vector<1000x128xf32>
    %mul3A_32 = arith.constant 0.15415068 : f32
    %mul3A_33 = vector.broadcast %mul3A_32 : f32 to vector<1000x128xf32>
    %mul3A_34 = arith.mulf %mul3A_33, %dot_general3A_31 : vector<1000x128xf32>
    %add3A_35 = arith.addf %mul3A_27, %mul3A_34 : vector<1000x128xf32>
    %get3A_36 = arith.constant 0 : index
    %get3A_37 = arith.constant 0 : index
    %get3A_38 = vector.load %arg5[%get3A_36, %get3A_37] : memref<128x64xf32, #tpu.memory_space<vmem>>, vector<128x64xf32>
    %dot_general3A_39 = arith.constant dense<0.000000e+00> : vector<1000x64xf32>
    %dot_general3A_40 = tpu.matmul %add3A_35, %get3A_38, %dot_general3A_39 {dimension_numbers = #tpu.dot_dimension_numbers<[1], [0], [0], [1], [0, 0, 1, 1], [], []>, transpose_lhs_hint = false} : vector<1000x128xf32>, vector<128x64xf32>, vector<1000x64xf32> -> vector<1000x64xf32>
    %get3A_41 = arith.constant 0 : index
    %get3A_42 = arith.constant 0 : index
    %get3A_43 = vector.load %arg6[%get3A_41, %get3A_42] : memref<1x64xf32, #tpu.memory_space<vmem>>, vector<1x64xf32>
    %add3A_44 = vector.broadcast %get3A_43 : vector<1x64xf32> to vector<1000x64xf32>
    %add3A_45 = arith.addf %dot_general3A_40, %add3A_44 : vector<1000x64xf32>
    %swap3A = arith.constant 0 : index
    %swap3A_46 = arith.constant 0 : index
    %swap3A_47 = vector.load %arg7[%swap3A, %swap3A_46] : memref<1000x64xf32, #tpu.memory_space<vmem>>, vector<1000x64xf32>
    tpu.vector_store %arg7[%swap3A, %swap3A_46], %add3A_45 {strides = array<i32>} : memref<1000x64xf32, #tpu.memory_space<vmem>>, vector<1000x64xf32>,
    return
  }
  func.func @transform_0(%arg0: i32) -> (i32, i32, i32) {
    %c0_i32 = arith.constant 0 : i32
    %c0_i32_0 = arith.constant 0 : i32
    %c0_i32_1 = arith.constant 0 : i32
    return %c0_i32, %arg0, %c0_i32_0 : i32, i32, i32
  }
  func.func @transform_1(%arg0: i32) -> (i32, i32) {
    %c0_i32 = arith.constant 0 : i32
    %c0_i32_0 = arith.constant 0 : i32
    return %arg0, %c0_i32 : i32, i32
  }
  func.func @transform_2(%arg0: i32) -> (i32, i32) {
    %c0_i32 = arith.constant 0 : i32
    %c0_i32_0 = arith.constant 0 : i32
    return %arg0, %c0_i32 : i32, i32
  }
  func.func @transform_3(%arg0: i32) -> (i32, i32) {
    %c0_i32 = arith.constant 0 : i32
    %c0_i32_0 = arith.constant 0 : i32
    %c0_i32_1 = arith.constant 0 : i32
    return %c0_i32, %c0_i32_0 : i32, i32
  }
  func.func @transform_4(%arg0: i32) -> (i32, i32) {
    %c0_i32 = arith.constant 0 : i32
    %c0_i32_0 = arith.constant 0 : i32
    %c0_i32_1 = arith.constant 0 : i32
    return %c0_i32, %c0_i32_0 : i32, i32
  }
  func.func @transform_5(%arg0: i32) -> (i32, i32) {
    %c0_i32 = arith.constant 0 : i32
    %c0_i32_0 = arith.constant 0 : i32
    %c0_i32_1 = arith.constant 0 : i32
    return %c0_i32, %c0_i32_0 : i32, i32
  }
  func.func @transform_6(%arg0: i32) -> (i32, i32) {
    %c0_i32 = arith.constant 0 : i32
    %c0_i32_0 = arith.constant 0 : i32
    return %arg0, %c0_i32 : i32, i32
  }
}

</mosaic_0001>

<sc_bundles>
// kernel: kernel.10.cloned.1.call-start
scs
__scs_entry_jumppad:
0x0: {  	(pc) =	sbr.rel $0x88, $3  }
0x1: {  	(tag) =	ssettag $0x0;
	lr =	simm.s32 $0x1  }
0x2: {  	[smem:$0x3F98] =	sst lr;
	_ =	strace $0xD0000000  }
0x3: {  	_ = 	snop  }
0x4: {  	_ = 	snop  }
0x5: {  	_ = 	snop  }
0x6: {  	_ = 	snop  }
0x7: {  	_ = 	snop  }
__scs_overlays_trampoline_lowered:
0x8: {  	[smem:$0x3FA7] =	sst s0  }
0x9: {  	[smem:$0x3FA8] =	sst s1  }
0xa: {  	[smem:$0x3FA9] =	sst s2  }
0xb: {  	[smem:$0x3FAA] =	sst s3  }
0xc: {  	[smem:$0x3FAB] =	sst s4  }
0xd: {  	[smem:$0x3FAC] =	sst s5  }
0xe: {  	[smem:$0x3FAD] =	sst s6  }
0xf: {  	[smem:$0x3FAE] =	sst s7  }
0x10: {  	[smem:$0x3FAF] =	sst s8  }
0x11: {  	[smem:$0x3FB0] =	sst s9;
	s0 =	simm.s32 @!p0 $0x0  }
0x12: {  	s1 =	sld [smem:$0x3F96];
	s0 =	simm.s32 @p0 $0x1  }
0x13: {  	[smem:$0x3FB1] =	sst s0;
	s0 =	simm.s32 @!p1 $0x0  }
0x14: {  	s2 =	sld [smem:$0x3F95];
	s0 =	simm.s32 @p1 $0x1  }
0x15: {  	[smem:$0x3FB2] =	sst s0;
	s0 =	simm.s32 @!p2 $0x0  }
0x16: {  	s3 =	sld [smem:$0x3FDB];
	s0 =	simm.s32 @p2 $0x1  }
0x17: {  	s4 =	simm.s32 $0x1BF5;
	[smem:$0x3FB4] =	sst s0  }
0x18: {  	s0 =	sld [smem:$0x3F97];
	_ =	swait.ge [sflag:s4], $0x0  }
0x19: {  	s7 =	sld [smem:$0x3F98]  }
0x1a: {  	s8 =	sadd.s32 $0xFFFFE003, lr  }
0x1b: {  	s9 =	sadd.s32 $0xFFFFFEF7, lr;
	s5 =	simm.s32 $0xFFFFFFFF;
	p2 =	slt.u32 s8, $0xFFFFF086  }
0x1c: {  	p1 =	slt.u32 s9, $0xF7A;
	s5 =	simm.s32 @!p2 $0x0  }
0x1d: {  	s5 =	simm.s32 @p1 $0x1;
	p0 =	seq.s32 s7, s2  }
0x1e: {  	s7 =	smul.u32 @!p0 $0xF7A, s2;
	p2 =	seq.s32 @!p0 s5, $0x0  }
0x1f: {  	s9 =	smul.u32 $0xF7A, s1;
	s8 =	simm.s32 @!p0 $0x1BF5;
	p2 =	por !p2, p0  }
0x20: {  	[sflag:s8] =	ssyncset.s32 @!p0 $0xFFFFF086;
	s6 =	sadd.s32 @!p0 s3, s7;
	s7 =	simm.s32 @!p0 $0x108  }
0x21: {  	s3 =	sadd.s32 s3, s9;
	s6 =	sadd.s32 @!p0 $0x88, s6;
	s7 =	simm.s32 @p2 $0x1082  }
0x22: {  	[simem:s7], [sflag:s8] =	dma.local @!p0 [hbm:s6], $0xF7A  }
0x23: {  	s9 =	sor.u32 $0xD0000000, s2;
	s6 =	simm.s32 $0x108;
	_ =	swait.ge @!p0 [sflag:s8], $0x0  }
0x24: {  	s3 =	sadd.s32 $0x88, s3;
	s6 =	simm.s32 @!p1 $0x1082;
	[sflag:s4] =	ssyncset.s32 $0xFFFFF086  }
0x25: {  	[simem:s6], [sflag:s4] =	dma.local [hbm:s3], $0xF7A  }
0x26: {  	[smem:$0x3F98] =	sst s1;
	(tag) =	ssettag s2;
	_ =	strace s9  }
0x27: {  	s1 =	sld [smem:$0x3FA8]  }
0x28: {  	s2 =	sld [smem:$0x3FA9]  }
0x29: {  	s4 =	sld [smem:$0x3FAB]  }
0x2a: {  	p0 =	seq.s32 s5, $0x0;
	s5 =	sld [smem:$0x3FAC]  }
0x2b: {  	s6 =	sld [smem:$0x3FAD]  }
0x2c: {  	s7 =	sld [smem:$0x3FAE]  }
0x2d: {  	s3 =	simm.s32 $0x108;
	s8 =	sld [smem:$0x3FAF]  }
0x2e: {  	s3 =	simm.s32 @!p0 $0x1082;
	s9 =	sld [smem:$0x3FB0]  }
0x2f: {  	lr =	sadd.s32 s0, s3;
	s0 =	sld [smem:$0x3FA7]  }
0x30: {  	s3 =	sld [smem:$0x3FAA]  }
0x31: {  	[smem:$0x3FB3] =	sst s10  }
0x32: {  	s10 =	sld [smem:$0x3FB1];
	_ =	sdelay $0x3  }
0x33: {  	p0 =	seq.s32 s10, $0x1;
	s10 =	sld [smem:$0x3FB3];
	_ =	sdelay $0x3  }
0x34: {  	[smem:$0x3FB3] =	sst s10  }
0x35: {  	s10 =	sld [smem:$0x3FB2];
	_ =	sdelay $0x3  }
0x36: {  	p1 =	seq.s32 s10, $0x1;
	s10 =	sld [smem:$0x3FB3];
	_ =	sdelay $0x3  }
0x37: {  	[smem:$0x3FB3] =	sst s10  }
0x38: {  	s10 =	sld [smem:$0x3FB4]  }
0x39: {  	_ = 	snop;
	(pc) =	sbr.ind lr, $3  }
0x3a: {  	_ = 	snop  }
0x3b: {  	_ = 	snop  }
0x3c: {  	p2 =	seq.s32 s10, $0x1;
	s10 =	sld [smem:$0x3FB3]  }
0x3d: {  	_ =	shalt  }
0x3e: {  	_ =	shalt  }
0x3f: {  	_ =	shalt  }
0x40: {  	_ =	shalt  }
0x41: {  	_ =	shalt  }
0x42: {  	_ =	shalt  }
0x43: {  	_ =	shalt  }
0x44: {  	_ =	shalt  }
0x45: {  	_ =	shalt  }
0x46: {  	_ =	shalt  }
0x47: {  	_ =	shalt  }
0x48: {  	_ =	shalt  }
0x49: {  	_ =	shalt  }
0x4a: {  	_ =	shalt  }
0x4b: {  	_ =	shalt  }
0x4c: {  	_ =	shalt  }
0x4d: {  	_ =	shalt  }
0x4e: {  	_ =	shalt  }
0x4f: {  	_ =	shalt  }
0x50: {  	_ =	shalt  }
0x51: {  	_ =	shalt  }
0x52: {  	_ =	shalt  }
0x53: {  	_ =	shalt  }
0x54: {  	_ =	shalt  }
0x55: {  	_ =	shalt  }
0x56: {  	_ =	shalt  }
0x57: {  	_ =	shalt  }
0x58: {  	_ =	shalt  }
0x59: {  	_ =	shalt  }
0x5a: {  	_ =	shalt  }
0x5b: {  	_ =	shalt  }
0x5c: {  	_ =	shalt  }
0x5d: {  	_ =	shalt  }
0x5e: {  	_ =	shalt  }
0x5f: {  	_ =	shalt  }
0x60: {  	_ =	shalt  }
0x61: {  	_ =	shalt  }
0x62: {  	_ =	shalt  }
0x63: {  	_ =	shalt  }
0x64: {  	_ =	shalt  }
0x65: {  	_ =	shalt  }
0x66: {  	_ =	shalt  }
0x67: {  	_ =	shalt  }
0x68: {  	_ =	shalt  }
0x69: {  	_ =	shalt  }
0x6a: {  	_ =	shalt  }
0x6b: {  	_ =	shalt  }
0x6c: {  	_ =	shalt  }
0x6d: {  	_ =	shalt  }
0x6e: {  	_ =	shalt  }
0x6f: {  	_ =	shalt  }
0x70: {  	_ =	shalt  }
0x71: {  	_ =	shalt  }
0x72: {  	_ =	shalt  }
0x73: {  	_ =	shalt  }
0x74: {  	_ =	shalt  }
0x75: {  	_ =	shalt  }
0x76: {  	_ =	shalt  }
0x77: {  	_ =	shalt  }
0x78: {  	_ =	shalt  }
0x79: {  	_ =	shalt  }
0x7a: {  	_ =	shalt  }
0x7b: {  	_ =	shalt  }
0x7c: {  	_ =	shalt  }
0x7d: {  	_ =	shalt  }
0x7e: {  	_ =	shalt  }
0x7f: {  	_ =	shalt  }
0x80: {  	_ =	shalt  }
0x81: {  	_ =	shalt  }
0x82: {  	_ =	shalt  }
0x83: {  	_ =	shalt  }
0x84: {  	_ =	shalt  }
0x85: {  	_ =	shalt  }
0x86: {  	_ =	shalt  }
0x87: {  	_ =	shalt  }
.Lfunc_end0:
.L_simem_size_0:
called_computation_lowered:
.L_overlay_start_0:
0x88: {  	s2 =	sld [smem:$0x3FD9]  }
0x89: {  	s3 =	sld [smem:$0x3FFE];
	_ =	sdelay $0x1  }
0x8a: {  	s1 =	srdreg.scid  }
0x8b: {  	s0 =	sand.u32 $0x1, s1  }
0x8c: {  	s16 =	sshll.u32 s0, $0xA;
	s2 =	sadd.s32 s3, s2  }
0x8d: {  	s2 =	sadd.s32 s2, s16  }
0x8e: {  	[smem:$0x3FBF] =	sst s2  }
0x8f: {  	_ = 	snop  }
0x90: {  	(tm) =	ssettm $0x1  }
0x91: {  	s17 =	sld [smem:$0x3FFB];
	_ =	sdelay $0x3  }
0x92: {  	_ =	strace s17  }
0x93: {  	s2 =	sld [smem:$0x3FFC];
	_ =	sdelay $0x3  }
0x94: {  	_ =	strace s2  }
0x95: {  	s2 =	sld [smem:$0x3FFD];
	_ =	sdelay $0x3  }
0x96: {  	_ =	strace s2  }
0x97: {  	_ =	strace $0x8FFFFFFF  }
0x98: {  	s18 =	sld [smem:$0x3FDB];
	_ =	sdelay $0x1  }
0x99: {  	s19 =	simm.s32 $_scs_section_size  }
0x9a: {  	s4 =	simm.s32 $_size__tile_overlayer_lowered;
	s5 =	simm.s32 $_tile_overlayer_lowered  }
0x9b: {  	s22 =	simm.s32 $0x1BFF;
	s21 =	sshll.u32 s5, $0x1;
	s2 =	sadd.s32 s19, s18  }
0x9c: {  	s6 =	simm.s32 $0x0;
	s20 =	sshll.u32 s4, $0x1;
	s4 =	sadd.s32 s21, s2  }
0x9d: {  	[timem:s6], [sflag:s22] =	dma.local [hbm:s4], s20  }
0x9e: {  	_ =	swait.ge [sflag:s22], s20  }
0x9f: {  	s3 =	ssub.s32 $0x0, s20;
	[sflag:s22] =	ssyncset.done $0x0  }
0xa0: {  	[sflag:s22] =	ssyncadd.s32 s3;
	_ =	sdelay $0x1  }
0xa1: {  	s23 =	simm.s32 $0x1B8B  }
0xa2: {  	_ =	swait.ge [sflag:s23], $0x1  }
0xa3: {  	[sflag:s23] =	ssyncset.done $0x0  }
0xa4: {  	s25 =	simm.s32 $0x1B8E;
	s24 =	sld [smem:$0x3FFE];
	[sflag:s23] =	ssyncadd.s32 $0xFFFFFFFF  }
0xa5: {  	s26 =	simm.s32 $execute0_lowered;
	[smem:$0x3FD2] =	sst s25  }
0xa6: {  	s4 =	sshll.u32 s26, $0x1;
	_ =	strace $0x80000046;
	[dreg:$0x1] =	wrdreg $0xFFFFFFFF  }
0xa7: {  	s28 =	simm.s32 $_size_execute0_lowered;
	s2 =	sadd.s32 s2, s4;
	[dreg:$0x0] =	wrdreg $0x0  }
0xa8: {  	s4 =	sshll.u32 s28, $0x1;
	[dreg:$0x2] =	wrdreg s2  }
0xa9: {  	[dreg:$0x3] =	wrdreg s4  }
0xaa: {  	[dreg:$0x4] =	wrdreg $0xC0  }
0xab: {  	_ =	task [dreg:s6], $0x5FFFF  }
0xac: {  	[dreg:$0x1] =	wrdreg $0xFFFFFFFF  }
0xad: {  	[dreg:$0x0] =	wrdreg $0x60  }
0xae: {  	[dreg:$0x2] =	wrdreg s24  }
0xaf: {  	[dreg:$0x3] =	wrdreg $0x53000  }
0xb0: {  	[dreg:$0x4] =	wrdreg $0x55800  }
0xb1: {  	[dreg:$0x5] =	wrdreg $0x9  }
0xb2: {  	_ =	task.clear_ibuf [dreg:s6], $0x6FFFF;
	_ =	strace $0x90000046  }
0xb3: {  	s29 =	simm.s32 $0x9;
	_ =	strace $0x80000048  }
0xb4: {  	_ =	swait.ge [sflag:s29], $0x1  }
0xb5: {  	[sflag:s29] =	ssyncadd.s32 $0xFFFFFFFF  }
0xb6: {  	_ =	strace $0x90000048  }
0xb7: {  	_ =	sfence  }
0xb8: {  	s30 =	sld [smem:$0x0];
	_ =	sdelay $0x2  }
0xb9: {  	s31 =	sshll.u32 s1, $0xD;
	s1 =	sshrl.u32 s1, $0x2  }
0xba: {  	s3 =	sand.u32 $0x4000, s31;
	s1 =	sadd.s32 s1, s30  }
0xbb: {  	s0 =	sor.u32 s3, s0;
	s1 =	sshll.u32 s1, $0x11  }
0xbc: {  	s0 =	sor.u32 s1, s0  }
0xbd: {  	s0 =	sadd.s32 $0x8F2B, s0  }
0xbe: {  	[sflag:s0] =	ssyncadd.remote.s32 $0x1  }
0xbf: {  	_ =	sfence.sel $0xFFFF  }
0xc0: {  	[dreg:$0x0] =	wrdreg $0xFFFFFFFF;
	(pc) =	sbr.abs _section_cstart, $3  }
0xc1: {  	[dreg:$0x1] =	wrdreg $0xFFFFFFFF  }
0xc2: {  	_ =	task.clear_ibuf [dreg:s6], $0x2FFFF;
	_ =	strace $0x9FFFFFFF  }
0xc3: {  	(tm) =	ssettm $0x7FFFFFFF  }
tec
execute0_lowered:
.L_overlay_start_1:
0x0: {  	(tag) =	ssettag $0x1  }
0x1: {  	s5 =	rddreg [dreg:$0x0]  }
0x2: {  	s1 =	rddreg [dreg:$0x1]  }
0x3: {  	s2 =	rddreg [dreg:$0x2]  }
0x4: {  	s3 =	srdreg.scid;
	s0 =	rddreg [dreg:$0x3];
	s4 =	simm.s32 $0x0  }
0x5: {  	s13 =	simm.s32 $0x1;
	s14 =	simm.s32 $0x2800;
	s15 =	simm.s32 $0x80  }
0x6: {  	s16 =	simm.s32 $0x5000;
	s19 =	simm.s32 $0x20;
	s20 =	simm.s32 $0x10  }
0x7: {  	s22 =	simm.s32 $0x0;
	s6 =	sand.u32 $0x1, s3;
	s3 =	stileid.u32  }
0x8: {  	[smem:$0x7FF] =	sst s4;
	s7 =	sshll.u32 s6, $0x4;
	s8 =	smul.u32 $0x5000, s6  }
0x9: {  	s9 =	smul.u32 $0x500, s3;
	_ =	strace $0x80000047;
	s6 =	ssub.s32 $0x2, s6  }
0xa: {  	s29 =	smul.u32 $0x280, s3;
	s17 =	sshll.u32 s3, $0x6;
	s7 =	sor.u32 s3, s7  }
0xb: {  	s31 =	sshrl.u32 s6, $0x1;
	s17 =	sor.u32 $0x1C01, s17;
	s7 =	smul.u32 $0x500, s7  }
0xc: {  	s8 =	sadd.s32 s9, s8;
	s12 =	ssub.s32 s6, s31;
	s6 =	sadd.s32 s29, s2  }
0xd: {  	s30 =	sshrl.u32 s8, $0x3;
	s21 =	sshrl.u32 s6, $0x3;
	s10 =	sadd.s32 s7, s5  }
0xe: {  	s11 =	sadd.s32 s30, s5;
	s5 =	sadd.s32 s29, s1;
	s7 =	sadd.s32 $0x2200, s10  }
0xf: {  	s8 =	sadd.s32 $0xC200, s10;
	s9 =	sadd.s32 $0x16200, s11;
	s10 =	sadd.s32 $0x16210, s11  }
0x10: {  	v0 =	vimm.f32 $1.000000000e+00;
	v1 =	vimm.f32 $0.0e+00;
	s11 =	smax.u32 s12, $0x1;
	s12 =	simm.s32 $0x5080;
	s18 =	sshrl.u32 s5, $0x3  }
.LBB2_1:
0x11: {  	[tilespmem:$0x5000] =	vst v0  }
0x12: {  	[tilespmem:$0x5010] =	vst v0  }
0x13: {  	[tilespmem:$0x5020] =	vst v0  }
0x14: {  	[tilespmem:$0x5030] =	vst v0  }
0x15: {  	[tilespmem:$0x5040] =	vst v0  }
0x16: {  	[tilespmem:$0x5050] =	vst v0  }
0x17: {  	[tilespmem:$0x5060] =	vst v0  }
0x18: {  	[tilespmem:$0x5070] =	vst v0  }
0x19: {  	[tilespmem:$0x5080] =	vst v1  }
0x1a: {  	[tilespmem:$0x5090] =	vst v1  }
0x1b: {  	[tilespmem:$0x50A0] =	vst v1  }
0x1c: {  	[tilespmem:$0x50B0] =	vst v1  }
0x1d: {  	[tilespmem:$0x50C0] =	vst v1  }
0x1e: {  	[tilespmem:$0x50D0] =	vst v1  }
0x1f: {  	[tilespmem:$0x50E0] =	vst v1  }
0x20: {  	[tilespmem:$0x50F0] =	vst v1  }
0x21: {  	[tilespmem:$0x5100] =	vst v1  }
0x22: {  	[tilespmem:$0x5110] =	vst v1  }
0x23: {  	[tilespmem:$0x5120] =	vst v1  }
0x24: {  	[tilespmem:$0x5130] =	vst v1  }
0x25: {  	[tilespmem:$0x5140] =	vst v1  }
0x26: {  	[tilespmem:$0x5150] =	vst v1  }
0x27: {  	[tilespmem:$0x5160] =	vst v1  }
0x28: {  	[tilespmem:$0x5170] =	vst v1  }
0x29: {  	[tilespmem:$0x5180] =	vst v1  }
0x2a: {  	[tilespmem:$0x5190] =	vst v1  }
0x2b: {  	[tilespmem:$0x51A0] =	vst v1  }
0x2c: {  	[tilespmem:$0x51B0] =	vst v1  }
0x2d: {  	[tilespmem:$0x51C0] =	vst v1  }
0x2e: {  	[tilespmem:$0x51D0] =	vst v1  }
0x2f: {  	[tilespmem:$0x51E0] =	vst v1  }
0x30: {  	[tilespmem:$0x51F0] =	vst v1  }
0x31: {  	[tilespmem:$0x5200] =	vst v1  }
0x32: {  	[tilespmem:$0x5210] =	vst v1  }
0x33: {  	[tilespmem:$0x5220] =	vst v1  }
0x34: {  	[tilespmem:$0x5230] =	vst v1  }
0x35: {  	[tilespmem:$0x5240] =	vst v1  }
0x36: {  	[tilespmem:$0x5250] =	vst v1  }
0x37: {  	[tilespmem:$0x5260] =	vst v1  }
0x38: {  	[tilespmem:$0x5270] =	vst v1  }
0x39: {  	[tilespmem:$0x5280] =	vst v1  }
0x3a: {  	[tilespmem:$0x5290] =	vst v1  }
0x3b: {  	[tilespmem:$0x52A0] =	vst v1  }
0x3c: {  	[tilespmem:$0x52B0] =	vst v1  }
0x3d: {  	[tilespmem:$0x52C0] =	vst v1  }
0x3e: {  	[tilespmem:$0x52D0] =	vst v1  }
0x3f: {  	[tilespmem:$0x52E0] =	vst v1  }
0x40: {  	[tilespmem:$0x52F0] =	vst v1  }
0x41: {  	[spmem:s5] =	stream.linear.scatter [tilespmem:s12], [sflag:$0x1], $0x280, $0x38;
	[tilespmem:$0x5800] =	vst v63  }
0x42: {  	_ =	swait.ge [sflag:s13], $0x280  }
0x43: {  	[sflag:s13] =	ssyncset.done $0x0  }
0x44: {  	[sflag:s13] =	ssyncadd.s32 $0xFFFFFD80  }
0x45: {  	[spmem:s6] =	stream.linear.scatter [tilespmem:s12], [sflag:$0x1], $0x280, $0x38;
	[tilespmem:$0x5800] =	vst v63  }
0x46: {  	_ =	swait.ge [sflag:s13], $0x280  }
0x47: {  	[sflag:s13] =	ssyncset.done $0x0  }
0x48: {  	[sflag:s13] =	ssyncadd.s32 $0xFFFFFD80  }
0x49: {  	[tilespmem:s4], [sflag:$0x1] =	stream.linear.gather [hbm4b:s7+s4], $0x2800, $0x38;
	[tilespmem:$0x5800] =	vst v63  }
0x4a: {  	_ =	swait.ge [sflag:s13], $0x2800  }
0x4b: {  	[sflag:s13] =	ssyncset.done $0x0  }
0x4c: {  	[sflag:s13] =	ssyncadd.s32 $0xFFFFD800  }
0x4d: {  	[tilespmem:s14], [sflag:$0x1] =	stream.linear.gather [hbm4b:s8+s4], $0x2800, $0x38;
	[tilespmem:$0x5800] =	vst v63  }
0x4e: {  	_ =	swait.ge [sflag:s13], $0x2800  }
0x4f: {  	[sflag:s13] =	ssyncset.done $0x0  }
0x50: {  	[sflag:s13] =	ssyncadd.s32 $0xFFFFD800  }
0x51: {  	s23 =	simm.s32 $0x0;
	[bflag:$0x0] =	sbarrier.arrive $0xFFFF  }
0x52: {  	[spmem:s1] =	stream.indirect.scatter.add.f32 [tilespmem:s16], [sflag:$0x1], $0x1, s23, s15, $0xb8;
	[tilespmem:$0x5800] =	vst v63  }
0x53: {  	_ =	swait.ge [sflag:s13], $0x80  }
0x54: {  	[sflag:s13] =	ssyncset.done $0x0  }
0x55: {  	s31 =	simm.s32 $0x2800;
	[sflag:s13] =	ssyncadd.s32 $0xFFFFFF80  }
0x56: {  	[spmem:s2] =	stream.indirect.scatter.add.f32 [tilespmem:s16], [sflag:$0x1], $0x1, s31, s15, $0xb8;
	[tilespmem:$0x5800] =	vst v63  }
0x57: {  	_ =	swait.ge [sflag:s13], $0x80  }
0x58: {  	s24 =	simm.s32 $0x400;
	s23 =	simm.s32 $0x200;
	[sflag:s13] =	ssyncset.done $0x0  }
.LBB2_2:
0x59: {  	s25 =	sshra.s32 s23, $0x2  }
0x5a: {  	[sflag:s13] =	ssyncadd.s32 $0xFFFFFF80;
	s23 =	smov.u32 s24;
	s26 =	sadd.s32 $0x200, s24  }
0x5b: {  	[spmem:s1] =	stream.indirect.scatter.add.f32 [tilespmem:s16], [sflag:$0x1], $0x1, s25, s15, $0xb8;
	[tilespmem:$0x5800] =	vst v63  }
0x5c: {  	p0 =	sne.s32 s24, $0x9E00;
	_ =	swait.ge [sflag:s13], $0x80  }
.Ltmp0:
0x5d: {  	[sflag:s13] =	ssyncset.done $0x0;
	(pc) =	sbr.rel @p0 .LBB2_2-.Ltmp0, $4  }
0x5e: {  	s24 =	sadd.s32 $0x2800, s25;
	[sflag:s13] =	ssyncadd.s32 $0xFFFFFF80  }
0x5f: {  	[spmem:s2] =	stream.indirect.scatter.add.f32 [tilespmem:s16], [sflag:$0x1], $0x1, s24, s15, $0xb8;
	[tilespmem:$0x5800] =	vst v63  }
0x60: {  	_ =	swait.ge [sflag:s13], $0x80  }
0x61: {  	s24 =	smov.u32 s26;
	[sflag:s13] =	ssyncset.done $0x0  }
0x62: {  	s23 =	sshra.s32 s23, $0x2;
	[sflag:s13] =	ssyncadd.s32 $0xFFFFFF80  }
0x63: {  	[spmem:s1] =	stream.indirect.scatter.add.f32 [tilespmem:s16], [sflag:$0x1], $0x1, s23, s15, $0xb8;
	[tilespmem:$0x5800] =	vst v63  }
0x64: {  	_ =	swait.ge [sflag:s13], $0x80  }
0x65: {  	[sflag:s13] =	ssyncset.done $0x0  }
0x66: {  	s23 =	sadd.s32 $0x2800, s23;
	[sflag:s13] =	ssyncadd.s32 $0xFFFFFF80  }
0x67: {  	[spmem:s2] =	stream.indirect.scatter.add.f32 [tilespmem:s16], [sflag:$0x1], $0x1, s23, s15, $0xb8;
	[tilespmem:$0x5800] =	vst v63  }
0x68: {  	_ =	swait.ge [sflag:s13], $0x80  }
0x69: {  	[sflag:s13] =	ssyncset.done $0x0  }
0x6a: {  	[sflag:s13] =	ssyncadd.s32 $0xFFFFFF80  }
0x6b: {  	[bflag:$0x0] =	sbarrier.arrive $0xFFFF  }
0x6c: {  	[hbm:s9@s19], [sflag:s17] =	dma.strided [spmem:s18@s20], $0x50, s13, $0x10   }
0x6d: {  	s22 =	sadd.s32 $0x1, s22;
	_ =	swait.ge [sflag:s13], $0x50  }
0x6e: {  	p0 =	sne.s32 s22, s11;
	[sflag:s13] =	ssyncset.done $0x0  }
.Ltmp1:
0x6f: {  	[sflag:s13] =	ssyncadd.s32 $0xFFFFFFB0;
	(pc) =	sbr.rel @p0 .LBB2_1-.Ltmp1, $4  }
0x70: {  	[hbm:s10@s19], [sflag:s17] =	dma.strided [spmem:s21@s20], $0x50, s13, $0x10   }
0x71: {  	_ =	swait.ge [sflag:s13], $0x50  }
0x72: {  	[sflag:s13] =	ssyncset.done $0x0  }
0x73: {  	[sflag:s13] =	ssyncadd.s32 $0xFFFFFFB0  }
0x74: {  	_ =	sfence.sel $0x180000  }
0x75: {  	[bflag:$0x0] =	sbarrier.arrive $0xFFFF  }
0x76: {  	p0 =	sne.s32 s3, $0x0;
	_ =	strace $0x90000047  }
0x77: {  	s0 =	sadd.s32 @!p0 $0x100000, s0;
	[bflag:$0x2] =	sbarrier.arrive $0xFFFF  }
0x78: {  	[sflag:s0] =	ssyncadd.tile.s32 @!p0 $0x1;
	_ =	shalt  }
.Lfunc_end2:
_tile_overlayer_lowered:
.L_overlay_start_2:
0x79: {  	(tag) =	ssettag $0x2  }
0x7a: {  	s0 =	rddreg [dreg:$0x0];
	s2 =	stileid.u32  }
0x7b: {  	s1 =	rddreg [dreg:$0x1];
	p0 =	sne.s32 s2, $0x0  }
0x7c: {  	s3 =	rddreg [dreg:$0x2];
	[bflag:$0x3] =	sbarrier.arrive $0xFFFF;
	s2 =	simm.s32 @!p0 $0x1C01  }
0x7d: {  	[timem:s3], [sflag:s2] =	dma.local @!p0 [hbm:s0], s1  }
0x7e: {  	s0 =	simm.s32 @!p0 $0x1  }
0x7f: {  	_ =	swait.ge @!p0 [sflag:s0], s1  }
0x80: {  	s1 =	ssub.s32 @!p0 $0x0, s1;
	[sflag:s0] =	ssyncset.done @!p0 $0x0  }
0x81: {  	[sflag:s0] =	ssyncadd.s32 @!p0 s1  }
0x82: {  	[bflag:$0x3] =	sbarrier.arrive $0xFFFF  }
0x83: {  	_ =	shalt  }

// kernel: kernel.13.cloned.1.call-start
scs
__scs_entry_jumppad:
0x0: {  	(pc) =	sbr.rel $0x88, $3  }
0x1: {  	(tag) =	ssettag $0x0;
	lr =	simm.s32 $0x1  }
0x2: {  	[smem:$0x3F98] =	sst lr;
	_ =	strace $0xD0000000  }
0x3: {  	_ = 	snop  }
0x4: {  	_ = 	snop  }
0x5: {  	_ = 	snop  }
0x6: {  	_ = 	snop  }
0x7: {  	_ = 	snop  }
__scs_overlays_trampoline_lowered:
0x8: {  	[smem:$0x3FA7] =	sst s0  }
0x9: {  	[smem:$0x3FA8] =	sst s1  }
0xa: {  	[smem:$0x3FA9] =	sst s2  }
0xb: {  	[smem:$0x3FAA] =	sst s3  }
0xc: {  	[smem:$0x3FAB] =	sst s4  }
0xd: {  	[smem:$0x3FAC] =	sst s5  }
0xe: {  	[smem:$0x3FAD] =	sst s6  }
0xf: {  	[smem:$0x3FAE] =	sst s7  }
0x10: {  	[smem:$0x3FAF] =	sst s8  }
0x11: {  	[smem:$0x3FB0] =	sst s9;
	s0 =	simm.s32 @!p0 $0x0  }
0x12: {  	s1 =	sld [smem:$0x3F96];
	s0 =	simm.s32 @p0 $0x1  }
0x13: {  	[smem:$0x3FB1] =	sst s0;
	s0 =	simm.s32 @!p1 $0x0  }
0x14: {  	s2 =	sld [smem:$0x3F95];
	s0 =	simm.s32 @p1 $0x1  }
0x15: {  	[smem:$0x3FB2] =	sst s0;
	s0 =	simm.s32 @!p2 $0x0  }
0x16: {  	s3 =	sld [smem:$0x3FDB];
	s0 =	simm.s32 @p2 $0x1  }
0x17: {  	s4 =	simm.s32 $0x1BF5;
	[smem:$0x3FB4] =	sst s0  }
0x18: {  	s0 =	sld [smem:$0x3F97];
	_ =	swait.ge [sflag:s4], $0x0  }
0x19: {  	s7 =	sld [smem:$0x3F98]  }
0x1a: {  	s8 =	sadd.s32 $0xFFFFE003, lr  }
0x1b: {  	s9 =	sadd.s32 $0xFFFFFEF7, lr;
	s5 =	simm.s32 $0xFFFFFFFF;
	p2 =	slt.u32 s8, $0xFFFFF086  }
0x1c: {  	p1 =	slt.u32 s9, $0xF7A;
	s5 =	simm.s32 @!p2 $0x0  }
0x1d: {  	s5 =	simm.s32 @p1 $0x1;
	p0 =	seq.s32 s7, s2  }
0x1e: {  	s7 =	smul.u32 @!p0 $0xF7A, s2;
	p2 =	seq.s32 @!p0 s5, $0x0  }
0x1f: {  	s9 =	smul.u32 $0xF7A, s1;
	s8 =	simm.s32 @!p0 $0x1BF5;
	p2 =	por !p2, p0  }
0x20: {  	[sflag:s8] =	ssyncset.s32 @!p0 $0xFFFFF086;
	s6 =	sadd.s32 @!p0 s3, s7;
	s7 =	simm.s32 @!p0 $0x108  }
0x21: {  	s3 =	sadd.s32 s3, s9;
	s6 =	sadd.s32 @!p0 $0x88, s6;
	s7 =	simm.s32 @p2 $0x1082  }
0x22: {  	[simem:s7], [sflag:s8] =	dma.local @!p0 [hbm:s6], $0xF7A  }
0x23: {  	s9 =	sor.u32 $0xD0000000, s2;
	s6 =	simm.s32 $0x108;
	_ =	swait.ge @!p0 [sflag:s8], $0x0  }
0x24: {  	s3 =	sadd.s32 $0x88, s3;
	s6 =	simm.s32 @!p1 $0x1082;
	[sflag:s4] =	ssyncset.s32 $0xFFFFF086  }
0x25: {  	[simem:s6], [sflag:s4] =	dma.local [hbm:s3], $0xF7A  }
0x26: {  	[smem:$0x3F98] =	sst s1;
	(tag) =	ssettag s2;
	_ =	strace s9  }
0x27: {  	s1 =	sld [smem:$0x3FA8]  }
0x28: {  	s2 =	sld [smem:$0x3FA9]  }
0x29: {  	s4 =	sld [smem:$0x3FAB]  }
0x2a: {  	p0 =	seq.s32 s5, $0x0;
	s5 =	sld [smem:$0x3FAC]  }
0x2b: {  	s6 =	sld [smem:$0x3FAD]  }
0x2c: {  	s7 =	sld [smem:$0x3FAE]  }
0x2d: {  	s3 =	simm.s32 $0x108;
	s8 =	sld [smem:$0x3FAF]  }
0x2e: {  	s3 =	simm.s32 @!p0 $0x1082;
	s9 =	sld [smem:$0x3FB0]  }
0x2f: {  	lr =	sadd.s32 s0, s3;
	s0 =	sld [smem:$0x3FA7]  }
0x30: {  	s3 =	sld [smem:$0x3FAA]  }
0x31: {  	[smem:$0x3FB3] =	sst s10  }
0x32: {  	s10 =	sld [smem:$0x3FB1];
	_ =	sdelay $0x3  }
0x33: {  	p0 =	seq.s32 s10, $0x1;
	s10 =	sld [smem:$0x3FB3];
	_ =	sdelay $0x3  }
0x34: {  	[smem:$0x3FB3] =	sst s10  }
0x35: {  	s10 =	sld [smem:$0x3FB2];
	_ =	sdelay $0x3  }
0x36: {  	p1 =	seq.s32 s10, $0x1;
	s10 =	sld [smem:$0x3FB3];
	_ =	sdelay $0x3  }
0x37: {  	[smem:$0x3FB3] =	sst s10  }
0x38: {  	s10 =	sld [smem:$0x3FB4]  }
0x39: {  	_ = 	snop;
	(pc) =	sbr.ind lr, $3  }
0x3a: {  	_ = 	snop  }
0x3b: {  	_ = 	snop  }
0x3c: {  	p2 =	seq.s32 s10, $0x1;
	s10 =	sld [smem:$0x3FB3]  }
0x3d: {  	_ =	shalt  }
0x3e: {  	_ =	shalt  }
0x3f: {  	_ =	shalt  }
0x40: {  	_ =	shalt  }
0x41: {  	_ =	shalt  }
0x42: {  	_ =	shalt  }
0x43: {  	_ =	shalt  }
0x44: {  	_ =	shalt  }
0x45: {  	_ =	shalt  }
0x46: {  	_ =	shalt  }
0x47: {  	_ =	shalt  }
0x48: {  	_ =	shalt  }
0x49: {  	_ =	shalt  }
0x4a: {  	_ =	shalt  }
0x4b: {  	_ =	shalt  }
0x4c: {  	_ =	shalt  }
0x4d: {  	_ =	shalt  }
0x4e: {  	_ =	shalt  }
0x4f: {  	_ =	shalt  }
0x50: {  	_ =	shalt  }
0x51: {  	_ =	shalt  }
0x52: {  	_ =	shalt  }
0x53: {  	_ =	shalt  }
0x54: {  	_ =	shalt  }
0x55: {  	_ =	shalt  }
0x56: {  	_ =	shalt  }
0x57: {  	_ =	shalt  }
0x58: {  	_ =	shalt  }
0x59: {  	_ =	shalt  }
0x5a: {  	_ =	shalt  }
0x5b: {  	_ =	shalt  }
0x5c: {  	_ =	shalt  }
0x5d: {  	_ =	shalt  }
0x5e: {  	_ =	shalt  }
0x5f: {  	_ =	shalt  }
0x60: {  	_ =	shalt  }
0x61: {  	_ =	shalt  }
0x62: {  	_ =	shalt  }
0x63: {  	_ =	shalt  }
0x64: {  	_ =	shalt  }
0x65: {  	_ =	shalt  }
0x66: {  	_ =	shalt  }
0x67: {  	_ =	shalt  }
0x68: {  	_ =	shalt  }
0x69: {  	_ =	shalt  }
0x6a: {  	_ =	shalt  }
0x6b: {  	_ =	shalt  }
0x6c: {  	_ =	shalt  }
0x6d: {  	_ =	shalt  }
0x6e: {  	_ =	shalt  }
0x6f: {  	_ =	shalt  }
0x70: {  	_ =	shalt  }
0x71: {  	_ =	shalt  }
0x72: {  	_ =	shalt  }
0x73: {  	_ =	shalt  }
0x74: {  	_ =	shalt  }
0x75: {  	_ =	shalt  }
0x76: {  	_ =	shalt  }
0x77: {  	_ =	shalt  }
0x78: {  	_ =	shalt  }
0x79: {  	_ =	shalt  }
0x7a: {  	_ =	shalt  }
0x7b: {  	_ =	shalt  }
0x7c: {  	_ =	shalt  }
0x7d: {  	_ =	shalt  }
0x7e: {  	_ =	shalt  }
0x7f: {  	_ =	shalt  }
0x80: {  	_ =	shalt  }
0x81: {  	_ =	shalt  }
0x82: {  	_ =	shalt  }
0x83: {  	_ =	shalt  }
0x84: {  	_ =	shalt  }
0x85: {  	_ =	shalt  }
0x86: {  	_ =	shalt  }
0x87: {  	_ =	shalt  }
.Lfunc_end0:
.L_simem_size_0:
called_computation.1_lowered:
.L_overlay_start_0:
0x88: {  	s2 =	sld [smem:$0x3FD9]  }
0x89: {  	s3 =	sld [smem:$0x3FFE];
	_ =	sdelay $0x1  }
0x8a: {  	s1 =	srdreg.scid  }
0x8b: {  	s0 =	sand.u32 $0x1, s1  }
0x8c: {  	s17 =	sshll.u32 s0, $0xA;
	s2 =	sadd.s32 s3, s2  }
0x8d: {  	s2 =	sadd.s32 s2, s17  }
0x8e: {  	[smem:$0x3FBF] =	sst s2  }
0x8f: {  	_ = 	snop  }
0x90: {  	s2 =	sld [smem:$0x3FD0];
	(tm) =	ssettm $0x1  }
0x91: {  	s18 =	sld [smem:$0x3FFB];
	_ =	sdelay $0x3  }
0x92: {  	_ =	strace s18  }
0x93: {  	s3 =	sld [smem:$0x3FFC];
	_ =	sdelay $0x3  }
0x94: {  	_ =	strace s3  }
0x95: {  	s3 =	sld [smem:$0x3FFD];
	_ =	sdelay $0x3  }
0x96: {  	_ =	strace s3  }
0x97: {  	_ =	strace $0x8FFFFFFF  }
0x98: {  	s19 =	sld [smem:$0x3FDB];
	_ =	sdelay $0x1  }
0x99: {  	s4 =	simm.s32 $_scs_section_size  }
0x9a: {  	s5 =	simm.s32 $_size__tile_overlayer_lowered;
	s6 =	simm.s32 $_tile_overlayer_lowered  }
0x9b: {  	s22 =	simm.s32 $0x1BFF;
	s21 =	sshll.u32 s6, $0x1;
	s3 =	sadd.s32 s4, s19  }
0x9c: {  	s7 =	simm.s32 $0x0;
	s20 =	sshll.u32 s5, $0x1;
	s5 =	sadd.s32 s21, s3  }
0x9d: {  	[timem:s7], [sflag:s22] =	dma.local [hbm:s5], s20  }
0x9e: {  	_ =	swait.ge [sflag:s22], s20  }
0x9f: {  	s4 =	ssub.s32 $0x0, s20;
	[sflag:s22] =	ssyncset.done $0x0  }
0xa0: {  	[sflag:s22] =	ssyncadd.s32 s4;
	_ =	sdelay $0x1  }
0xa1: {  	s23 =	simm.s32 $0x1B8B  }
0xa2: {  	_ =	swait.ge [sflag:s23], $0x1  }
0xa3: {  	[sflag:s23] =	ssyncset.done $0x0  }
0xa4: {  	s25 =	simm.s32 $0x1B8E;
	s24 =	sld [smem:$0x3FFE];
	[sflag:s23] =	ssyncadd.s32 $0xFFFFFFFF  }
0xa5: {  	s26 =	simm.s32 $execute0_lowered;
	[smem:$0x3FD2] =	sst s25  }
0xa6: {  	s5 =	sshll.u32 s26, $0x1;
	_ =	strace $0x80000049;
	[dreg:$0x1] =	wrdreg $0xFFFFFFFF  }
0xa7: {  	s28 =	simm.s32 $_size_execute0_lowered;
	s3 =	sadd.s32 s3, s5;
	[dreg:$0x0] =	wrdreg $0x0  }
0xa8: {  	s5 =	sshll.u32 s28, $0x1;
	[dreg:$0x2] =	wrdreg s3  }
0xa9: {  	[dreg:$0x3] =	wrdreg s5  }
0xaa: {  	[dreg:$0x4] =	wrdreg $0xC0  }
0xab: {  	_ =	task [dreg:s7], $0x5FFFF  }
0xac: {  	[dreg:$0x1] =	wrdreg $0xFFFFFFFF  }
0xad: {  	[dreg:$0x0] =	wrdreg $0x60  }
0xae: {  	[dreg:$0x2] =	wrdreg s24  }
0xaf: {  	[dreg:$0x3] =	wrdreg s2  }
0xb0: {  	[dreg:$0x4] =	wrdreg $0x140000  }
0xb1: {  	[dreg:$0x5] =	wrdreg $0x9  }
0xb2: {  	_ =	task.clear_ibuf [dreg:s7], $0x6FFFF;
	_ =	strace $0x90000049  }
0xb3: {  	s29 =	simm.s32 $0x9;
	_ =	strace $0x8000004B  }
0xb4: {  	_ =	swait.ge [sflag:s29], $0x1  }
0xb5: {  	[sflag:s29] =	ssyncadd.s32 $0xFFFFFFFF  }
0xb6: {  	_ =	strace $0x9000004B  }
0xb7: {  	_ =	sfence  }
0xb8: {  	s30 =	sld [smem:$0x0];
	_ =	sdelay $0x2  }
0xb9: {  	s31 =	sshll.u32 s1, $0xD;
	s1 =	sshrl.u32 s1, $0x2  }
0xba: {  	s3 =	sand.u32 $0x4000, s31;
	s1 =	sadd.s32 s1, s30  }
0xbb: {  	s0 =	sor.u32 s3, s0;
	s1 =	sshll.u32 s1, $0x11  }
0xbc: {  	s0 =	sor.u32 s1, s0  }
0xbd: {  	s0 =	sadd.s32 $0x8F2B, s0  }
0xbe: {  	[sflag:s0] =	ssyncadd.remote.s32 $0x1  }
0xbf: {  	_ =	sfence.sel $0xFFFF  }
0xc0: {  	[dreg:$0x0] =	wrdreg $0xFFFFFFFF;
	(pc) =	sbr.abs _section_cstart, $3  }
0xc1: {  	[dreg:$0x1] =	wrdreg $0xFFFFFFFF  }
0xc2: {  	_ =	task.clear_ibuf [dreg:s7], $0x2FFFF;
	_ =	strace $0x9FFFFFFF  }
0xc3: {  	(tm) =	ssettm $0x7FFFFFFF  }
tec
execute0_lowered:
.L_overlay_start_1:
0x0: {  	(tag) =	ssettag $0x1  }
0x1: {  	s0 =	rddreg [dreg:$0x0]  }
0x2: {  	s1 =	srdreg.scid;
	s6 =	rddreg [dreg:$0x1]  }
0x3: {  	s12 =	stileid.u32;
	s2 =	rddreg [dreg:$0x2];
	s3 =	simm.s32 $0x0  }
0x4: {  	s13 =	simm.s32 $0x5000;
	s14 =	simm.s32 $0x80;
	s15 =	simm.s32 $0xA000  }
0x5: {  	s16 =	simm.s32 $0xC000;
	s18 =	simm.s32 $0xE000;
	s20 =	simm.s32 $0x10000  }
0x6: {  	s21 =	simm.s32 $0x1;
	s28 =	simm.s32 $0x3;
	s29 =	simm.s32 $0x7  }
0x7: {  	s30 =	simm.s32 $0x4;
	s31 =	simm.s32 $0x8;
	s17 =	simm.s32 $0xA  }
0x8: {  	s19 =	simm.s32 $0x0;
	s1 =	sand.u32 $0x1, s1;
	s5 =	smul.u32 $0xA000, s12  }
0x9: {  	[smem:$0x7FF] =	sst s3;
	s8 =	smul.u32 $0xA00, s12;
	s24 =	sadd.s32 $0x2200, s0  }
0xa: {  	s26 =	sshll.u32 s12, $0x6;
	s12 =	simm.s32 $0xB;
	s4 =	smul.u32 $0x13880, s1  }
0xb: {  	s7 =	smul.u32 $0xA0000, s1;
	_ =	strace $0x8000004A;
	s1 =	ssub.s32 $0x2, s1  }
0xc: {  	[dreg:$0x4] =	wrdreg s24;
	s24 =	simm.s32 $0x2;
	s23 =	sadd.s32 s8, s0  }
0xd: {  	s25 =	sshrl.u32 s1, $0x1;
	s11 =	sadd.s32 s5, s2;
	s6 =	sadd.s32 s6, s8  }
0xe: {  	s9 =	sadd.s32 s4, s0;
	s22 =	sadd.s32 s5, s7;
	s1 =	ssub.s32 s1, s25  }
0xf: {  	s5 =	sor.u32 $0x1C0B, s26;
	s7 =	sadd.s32 $0xC200, s23;
	s11 =	sshrl.u32 s11, $0x3  }
0x10: {  	s23 =	simm.s32 $0x12000;
	s26 =	simm.s32 $0x6;
	s10 =	sshrl.u32 s22, $0x3  }
0x11: {  	s8 =	sadd.s32 $0x64400, s9;
	s0 =	sadd.s32 s10, s0;
	s10 =	smax.u32 s1, $0x1  }
0x12: {  	s1 =	simm.s32 $0x5;
	s9 =	sadd.s32 $0x16200, s0;
	s0 =	simm.s32 $0x9  }
.LBB2_1:
0x13: {  	s4 =	rddreg [dreg:$0x4]  }
0x14: {  	[spmem:s11], [sflag:s5] =	dma.local [hbm:s4], $0x1400  }
0x15: {  	_ =	swait.ge [sflag:s12], $0x1400  }
0x16: {  	[sflag:s12] =	ssyncset.done $0x0  }
0x17: {  	[sflag:s12] =	ssyncadd.s32 $0xFFFFEC00  }
0x18: {  	[tilespmem:s3], [sflag:$0xB] =	stream.linear.gather [hbm4b:s6+s3], $0x5000, $0x38;
	[tilespmem:$0x1E000] =	vst v63  }
0x19: {  	_ =	swait.ge [sflag:s12], $0x5000  }
0x1a: {  	[sflag:s12] =	ssyncset.done $0x0  }
0x1b: {  	[sflag:s12] =	ssyncadd.s32 $0xFFFFB000  }
0x1c: {  	[tilespmem:s13], [sflag:$0xB] =	stream.linear.gather [hbm4b:s7+s3], $0x5000, $0x38;
	[tilespmem:$0x1E000] =	vst v63  }
0x1d: {  	_ =	swait.ge [sflag:s12], $0x5000  }
0x1e: {  	[sflag:s12] =	ssyncset.done $0x0  }
0x1f: {  	[sflag:s12] =	ssyncadd.s32 $0xFFFFB000  }
0x20: {  	[bflag:$0x0] =	sbarrier.arrive $0xFFFF  }
0x21: {  	[tilespmem:s15], [sflag:$0x1] =	stream.indirect.gather [hbm4b:s8+s14], $0x40, s3, s14, $0xb8;
	[tilespmem:$0x1E000] =	vst v63  }
0x22: {  	_ = 	snop  }
0x23: {  	[tilespmem:s16], [sflag:$0x2] =	stream.indirect.gather [hbm4b:s8+s14], $0x40, s14, s14, $0xb8;
	[tilespmem:$0x1E000] =	vst v63  }
0x24: {  	s22 =	simm.s32 $0x100  }
0x25: {  	[tilespmem:s18], [sflag:$0x3] =	stream.indirect.gather [hbm4b:s8+s14], $0x40, s22, s14, $0xb8;
	[tilespmem:$0x1E000] =	vst v63  }
0x26: {  	s25 =	simm.s32 $0x180  }
0x27: {  	[tilespmem:s20], [sflag:$0x4] =	stream.indirect.gather [hbm4b:s8+s14], $0x40, s25, s14, $0xb8;
	[tilespmem:$0x1E000] =	vst v63  }
0x28: {  	_ =	swait.ge [sflag:s21], $0x2000  }
0x29: {  	[sflag:s21] =	ssyncset.done $0x0  }
0x2a: {  	[sflag:s21] =	ssyncadd.s32 $0xFFFFE000  }
0x2b: {  	[spmem:s2] =	stream.indirect.scatter.add.f32 [tilespmem:s15], [sflag:$0x6], $0x40, s13, s14, $0xb8;
	[tilespmem:$0x1E000] =	vst v63  }
0x2c: {  	s22 =	simm.s32 $0x200  }
0x2d: {  	[tilespmem:s23], [sflag:$0x5] =	stream.indirect.gather [hbm4b:s8+s14], $0x40, s22, s14, $0xb8;
	[tilespmem:$0x1E000] =	vst v63  }
0x2e: {  	_ =	swait.ge [sflag:s24], $0x2000  }
0x2f: {  	[sflag:s24] =	ssyncset.done $0x0  }
0x30: {  	s25 =	simm.s32 $0x5080;
	[sflag:s24] =	ssyncadd.s32 $0xFFFFE000  }
0x31: {  	[spmem:s2] =	stream.indirect.scatter.add.f32 [tilespmem:s16], [sflag:$0x7], $0x40, s25, s14, $0xb8;
	[tilespmem:$0x1E000] =	vst v63  }
0x32: {  	_ =	swait.ge [sflag:s26], $0x2000  }
0x33: {  	[sflag:s26] =	ssyncset.done $0x0  }
0x34: {  	s22 =	simm.s32 $0x280;
	[sflag:s26] =	ssyncadd.s32 $0xFFFFE000  }
0x35: {  	[tilespmem:s15], [sflag:$0x1] =	stream.indirect.gather [hbm4b:s8+s14], $0x40, s22, s14, $0xb8;
	[tilespmem:$0x1E000] =	vst v63  }
0x36: {  	_ =	swait.ge [sflag:s28], $0x2000  }
0x37: {  	[sflag:s28] =	ssyncset.done $0x0  }
0x38: {  	s4 =	simm.s32 $0x5100;
	[sflag:s28] =	ssyncadd.s32 $0xFFFFE000  }
0x39: {  	[spmem:s2] =	stream.indirect.scatter.add.f32 [tilespmem:s18], [sflag:$0x8], $0x40, s4, s14, $0xb8;
	[tilespmem:$0x1E000] =	vst v63  }
0x3a: {  	_ =	swait.ge [sflag:s29], $0x2000  }
0x3b: {  	[sflag:s29] =	ssyncset.done $0x0  }
0x3c: {  	s25 =	simm.s32 $0x300;
	[sflag:s29] =	ssyncadd.s32 $0xFFFFE000  }
0x3d: {  	[tilespmem:s16], [sflag:$0x2] =	stream.indirect.gather [hbm4b:s8+s14], $0x40, s25, s14, $0xb8;
	[tilespmem:$0x1E000] =	vst v63  }
0x3e: {  	_ =	swait.ge [sflag:s30], $0x2000  }
0x3f: {  	[sflag:s30] =	ssyncset.done $0x0  }
0x40: {  	s4 =	simm.s32 $0x5180;
	[sflag:s30] =	ssyncadd.s32 $0xFFFFE000  }
0x41: {  	[spmem:s2] =	stream.indirect.scatter.add.f32 [tilespmem:s20], [sflag:$0x9], $0x40, s4, s14, $0xb8;
	[tilespmem:$0x1E000] =	vst v63  }
0x42: {  	_ =	swait.ge [sflag:s31], $0x2000  }
0x43: {  	[sflag:s31] =	ssyncset.done $0x0  }
0x44: {  	s25 =	simm.s32 $0x380;
	[sflag:s31] =	ssyncadd.s32 $0xFFFFE000  }
0x45: {  	[tilespmem:s18], [sflag:$0x3] =	stream.indirect.gather [hbm4b:s8+s14], $0x40, s25, s14, $0xb8;
	[tilespmem:$0x1E000] =	vst v63  }
0x46: {  	_ =	swait.ge [sflag:s1], $0x2000  }
0x47: {  	[sflag:s1] =	ssyncset.done $0x0  }
0x48: {  	s4 =	simm.s32 $0x5200;
	[sflag:s1] =	ssyncadd.s32 $0xFFFFE000  }
0x49: {  	[spmem:s2] =	stream.indirect.scatter.add.f32 [tilespmem:s23], [sflag:$0xA], $0x40, s4, s14, $0xb8;
	[tilespmem:$0x1E000] =	vst v63  }
0x4a: {  	_ =	swait.ge [sflag:s0], $0x2000  }
0x4b: {  	[sflag:s0] =	ssyncset.done $0x0  }
0x4c: {  	s25 =	simm.s32 $0x400;
	[sflag:s0] =	ssyncadd.s32 $0xFFFFE000  }
0x4d: {  	[tilespmem:s20], [sflag:$0x4] =	stream.indirect.gather [hbm4b:s8+s14], $0x40, s25, s14, $0xb8;
	[tilespmem:$0x1E000] =	vst v63  }
0x4e: {  	_ =	swait.ge [sflag:s21], $0x2000  }
0x4f: {  	[sflag:s21] =	ssyncset.done $0x0  }
0x50: {  	s4 =	simm.s32 $0x5280;
	[sflag:s21] =	ssyncadd.s32 $0xFFFFE000  }
0x51: {  	[spmem:s2] =	stream.indirect.scatter.add.f32 [tilespmem:s15], [sflag:$0x6], $0x40, s4, s14, $0xb8;
	[tilespmem:$0x1E000] =	vst v63  }
0x52: {  	_ =	swait.ge [sflag:s17], $0x2000  }
0x53: {  	[sflag:s17] =	ssyncset.done $0x0  }
0x54: {  	s25 =	simm.s32 $0x480;
	[sflag:s17] =	ssyncadd.s32 $0xFFFFE000  }
0x55: {  	[tilespmem:s23], [sflag:$0x5] =	stream.indirect.gather [hbm4b:s8+s14], $0x40, s25, s14, $0xb8;
	[tilespmem:$0x1E000] =	vst v63  }
0x56: {  	_ =	swait.ge [sflag:s24], $0x2000  }
0x57: {  	[sflag:s24] =	ssyncset.done $0x0  }
0x58: {  	s22 =	simm.s32 $0xA00;
	s25 =	simm.s32 $0x5300;
	[sflag:s24] =	ssyncadd.s32 $0xFFFFE000  }
.LBB2_2:
0x59: {  	[spmem:s2] =	stream.indirect.scatter.add.f32 [tilespmem:s16], [sflag:$0x7], $0x40, s25, s14, $0xb8;
	[tilespmem:$0x1E000] =	vst v63  }
0x5a: {  	s25 =	smov.u32 s22  }
0x5b: {  	p0 =	sne.s32 s22, $0x12C00;
	s22 =	sadd.s32 $0xA00, s22;
	_ =	swait.ge [sflag:s26], $0x2000  }
0x5c: {  	s25 =	sshra.s32 s25, $0x2;
	[sflag:s26] =	ssyncset.done $0x0  }
0x5d: {  	s4 =	sadd.s32 $0x280, s25;
	[sflag:s26] =	ssyncadd.s32 $0xFFFFE000  }
0x5e: {  	[tilespmem:s15], [sflag:$0x1] =	stream.indirect.gather [hbm4b:s8+s14], $0x40, s4, s14, $0xb8;
	[tilespmem:$0x1E000] =	vst v63  }
0x5f: {  	_ =	swait.ge [sflag:s28], $0x2000  }
0x60: {  	[sflag:s28] =	ssyncset.done $0x0  }
0x61: {  	s4 =	sadd.s32 $0x5100, s25;
	[sflag:s28] =	ssyncadd.s32 $0xFFFFE000  }
0x62: {  	[spmem:s2] =	stream.indirect.scatter.add.f32 [tilespmem:s18], [sflag:$0x8], $0x40, s4, s14, $0xb8;
	[tilespmem:$0x1E000] =	vst v63  }
0x63: {  	_ =	swait.ge [sflag:s29], $0x2000  }
0x64: {  	[sflag:s29] =	ssyncset.done $0x0  }
0x65: {  	s4 =	sadd.s32 $0x300, s25;
	[sflag:s29] =	ssyncadd.s32 $0xFFFFE000  }
0x66: {  	[tilespmem:s16], [sflag:$0x2] =	stream.indirect.gather [hbm4b:s8+s14], $0x40, s4, s14, $0xb8;
	[tilespmem:$0x1E000] =	vst v63  }
0x67: {  	_ =	swait.ge [sflag:s30], $0x2000  }
0x68: {  	[sflag:s30] =	ssyncset.done $0x0  }
0x69: {  	s4 =	sadd.s32 $0x5180, s25;
	[sflag:s30] =	ssyncadd.s32 $0xFFFFE000  }
0x6a: {  	[spmem:s2] =	stream.indirect.scatter.add.f32 [tilespmem:s20], [sflag:$0x9], $0x40, s4, s14, $0xb8;
	[tilespmem:$0x1E000] =	vst v63  }
0x6b: {  	_ =	swait.ge [sflag:s31], $0x2000  }
0x6c: {  	[sflag:s31] =	ssyncset.done $0x0  }
0x6d: {  	s4 =	sadd.s32 $0x380, s25;
	[sflag:s31] =	ssyncadd.s32 $0xFFFFE000  }
0x6e: {  	[tilespmem:s18], [sflag:$0x3] =	stream.indirect.gather [hbm4b:s8+s14], $0x40, s4, s14, $0xb8;
	[tilespmem:$0x1E000] =	vst v63  }
0x6f: {  	_ =	swait.ge [sflag:s1], $0x2000  }
0x70: {  	[sflag:s1] =	ssyncset.done $0x0  }
0x71: {  	s4 =	sadd.s32 $0x5200, s25;
	[sflag:s1] =	ssyncadd.s32 $0xFFFFE000  }
0x72: {  	[spmem:s2] =	stream.indirect.scatter.add.f32 [tilespmem:s23], [sflag:$0xA], $0x40, s4, s14, $0xb8;
	[tilespmem:$0x1E000] =	vst v63  }
0x73: {  	_ =	swait.ge [sflag:s0], $0x2000  }
0x74: {  	[sflag:s0] =	ssyncset.done $0x0  }
0x75: {  	s4 =	sadd.s32 $0x400, s25;
	[sflag:s0] =	ssyncadd.s32 $0xFFFFE000  }
0x76: {  	[tilespmem:s20], [sflag:$0x4] =	stream.indirect.gather [hbm4b:s8+s14], $0x40, s4, s14, $0xb8;
	[tilespmem:$0x1E000] =	vst v63  }
0x77: {  	_ =	swait.ge [sflag:s21], $0x2000  }
0x78: {  	[sflag:s21] =	ssyncset.done $0x0  }
0x79: {  	s4 =	sadd.s32 $0x5280, s25;
	[sflag:s21] =	ssyncadd.s32 $0xFFFFE000  }
0x7a: {  	[spmem:s2] =	stream.indirect.scatter.add.f32 [tilespmem:s15], [sflag:$0x6], $0x40, s4, s14, $0xb8;
	[tilespmem:$0x1E000] =	vst v63  }
0x7b: {  	_ =	swait.ge [sflag:s17], $0x2000  }
0x7c: {  	[sflag:s17] =	ssyncset.done $0x0  }
.Ltmp0:
0x7d: {  	s4 =	sadd.s32 $0x480, s25;
	[sflag:s17] =	ssyncadd.s32 $0xFFFFE000;
	(pc) =	sbr.rel @p0 .LBB2_2-.Ltmp0, $4  }
0x7e: {  	[tilespmem:s23], [sflag:$0x5] =	stream.indirect.gather [hbm4b:s8+s14], $0x40, s4, s14, $0xb8;
	[tilespmem:$0x1E000] =	vst v63  }
0x7f: {  	_ =	swait.ge [sflag:s24], $0x2000  }
0x80: {  	[sflag:s24] =	ssyncset.done $0x0  }
0x81: {  	s25 =	sadd.s32 $0x5300, s25;
	[sflag:s24] =	ssyncadd.s32 $0xFFFFE000  }
0x82: {  	[spmem:s2] =	stream.indirect.scatter.add.f32 [tilespmem:s16], [sflag:$0x7], $0x40, s25, s14, $0xb8;
	[tilespmem:$0x1E000] =	vst v63  }
0x83: {  	_ =	swait.ge [sflag:s28], $0x2000  }
0x84: {  	[sflag:s28] =	ssyncset.done $0x0  }
0x85: {  	s4 =	simm.s32 $0x9E80;
	[sflag:s28] =	ssyncadd.s32 $0xFFFFE000  }
0x86: {  	[spmem:s2] =	stream.indirect.scatter.add.f32 [tilespmem:s18], [sflag:$0x8], $0x40, s4, s14, $0xb8;
	[tilespmem:$0x1E000] =	vst v63  }
0x87: {  	_ =	swait.ge [sflag:s30], $0x2000  }
0x88: {  	[sflag:s30] =	ssyncset.done $0x0  }
0x89: {  	s22 =	simm.s32 $0x9F00;
	[sflag:s30] =	ssyncadd.s32 $0xFFFFE000  }
0x8a: {  	[spmem:s2] =	stream.indirect.scatter.add.f32 [tilespmem:s20], [sflag:$0x9], $0x40, s22, s14, $0xb8;
	[tilespmem:$0x1E000] =	vst v63  }
0x8b: {  	_ =	swait.ge [sflag:s1], $0x2000  }
0x8c: {  	[sflag:s1] =	ssyncset.done $0x0  }
0x8d: {  	s25 =	simm.s32 $0x9F80;
	[sflag:s1] =	ssyncadd.s32 $0xFFFFE000  }
0x8e: {  	[spmem:s2] =	stream.indirect.scatter.add.f32 [tilespmem:s23], [sflag:$0xA], $0x40, s25, s14, $0xb8;
	[tilespmem:$0x1E000] =	vst v63  }
0x8f: {  	_ =	swait.ge [sflag:s26], $0x2000  }
0x90: {  	[sflag:s26] =	ssyncset.done $0x0  }
0x91: {  	[sflag:s26] =	ssyncadd.s32 $0xFFFFE000  }
0x92: {  	_ =	swait.ge [sflag:s29], $0x2000  }
0x93: {  	[sflag:s29] =	ssyncset.done $0x0  }
0x94: {  	[sflag:s29] =	ssyncadd.s32 $0xFFFFE000  }
0x95: {  	_ =	swait.ge [sflag:s31], $0x2000  }
0x96: {  	[sflag:s31] =	ssyncset.done $0x0  }
0x97: {  	[sflag:s31] =	ssyncadd.s32 $0xFFFFE000  }
0x98: {  	_ =	swait.ge [sflag:s0], $0x2000  }
0x99: {  	[sflag:s0] =	ssyncset.done $0x0  }
0x9a: {  	[sflag:s0] =	ssyncadd.s32 $0xFFFFE000  }
0x9b: {  	_ =	swait.ge [sflag:s17], $0x2000  }
0x9c: {  	s19 =	sadd.s32 $0x1, s19;
	[sflag:s17] =	ssyncset.done $0x0  }
0x9d: {  	p0 =	sne.s32 s19, s10;
	[sflag:s17] =	ssyncadd.s32 $0xFFFFE000  }
.Ltmp1:
0x9e: {  	[bflag:$0x0] =	sbarrier.arrive $0xFFFF;
	(pc) =	sbr.rel @p0 .LBB2_1-.Ltmp1, $4  }
0x9f: {  	[hbm:s9], [sflag:s5] =	dma.local [spmem:s11], $0x1400  }
0xa0: {  	_ =	swait.ge [sflag:s12], $0x1400  }
0xa1: {  	[sflag:s12] =	ssyncset.done $0x0  }
0xa2: {  	[sflag:s12] =	ssyncadd.s32 $0xFFFFEC00  }
0xa3: {  	_ =	sfence.sel $0x180000  }
0xa4: {  	[bflag:$0x0] =	sbarrier.arrive $0xFFFF  }
0xa5: {  	_ =	strace $0x9000004A  }
0xa6: {  	s0 =	stileid.u32;
	[bflag:$0x2] =	sbarrier.arrive $0xFFFF  }
0xa7: {  	p0 =	sne.s32 s0, $0x0;
	s0 =	rddreg [dreg:$0x3]  }
0xa8: {  	s0 =	sadd.s32 @!p0 $0x100000, s0  }
0xa9: {  	[sflag:s0] =	ssyncadd.tile.s32 @!p0 $0x1;
	_ =	shalt  }
.Lfunc_end2:
_tile_overlayer_lowered:
.L_overlay_start_2:
0xaa: {  	(tag) =	ssettag $0x2  }
0xab: {  	s0 =	rddreg [dreg:$0x0];
	s2 =	stileid.u32  }
0xac: {  	s1 =	rddreg [dreg:$0x1];
	p0 =	sne.s32 s2, $0x0  }
0xad: {  	s3 =	rddreg [dreg:$0x2];
	[bflag:$0x3] =	sbarrier.arrive $0xFFFF;
	s2 =	simm.s32 @!p0 $0x1C0B  }
0xae: {  	[timem:s3], [sflag:s2] =	dma.local @!p0 [hbm:s0], s1  }
0xaf: {  	s0 =	simm.s32 @!p0 $0xB  }
0xb0: {  	_ =	swait.ge @!p0 [sflag:s0], s1  }
0xb1: {  	s1 =	ssub.s32 @!p0 $0x0, s1;
	[sflag:s0] =	ssyncset.done @!p0 $0x0  }
0xb2: {  	[sflag:s0] =	ssyncadd.s32 @!p0 s1  }
0xb3: {  	[bflag:$0x3] =	sbarrier.arrive $0xFFFF  }
0xb4: {  	_ =	shalt  }

// kernel: kernel.16.cloned.1.call-start
scs
__scs_entry_jumppad:
0x0: {  	(pc) =	sbr.rel $0x88, $3  }
0x1: {  	(tag) =	ssettag $0x0;
	lr =	simm.s32 $0x1  }
0x2: {  	[smem:$0x3F98] =	sst lr;
	_ =	strace $0xD0000000  }
0x3: {  	_ = 	snop  }
0x4: {  	_ = 	snop  }
0x5: {  	_ = 	snop  }
0x6: {  	_ = 	snop  }
0x7: {  	_ = 	snop  }
__scs_overlays_trampoline_lowered:
0x8: {  	[smem:$0x3FA7] =	sst s0  }
0x9: {  	[smem:$0x3FA8] =	sst s1  }
0xa: {  	[smem:$0x3FA9] =	sst s2  }
0xb: {  	[smem:$0x3FAA] =	sst s3  }
0xc: {  	[smem:$0x3FAB] =	sst s4  }
0xd: {  	[smem:$0x3FAC] =	sst s5  }
0xe: {  	[smem:$0x3FAD] =	sst s6  }
0xf: {  	[smem:$0x3FAE] =	sst s7  }
0x10: {  	[smem:$0x3FAF] =	sst s8  }
0x11: {  	[smem:$0x3FB0] =	sst s9;
	s0 =	simm.s32 @!p0 $0x0  }
0x12: {  	s1 =	sld [smem:$0x3F96];
	s0 =	simm.s32 @p0 $0x1  }
0x13: {  	[smem:$0x3FB1] =	sst s0;
	s0 =	simm.s32 @!p1 $0x0  }
0x14: {  	s2 =	sld [smem:$0x3F95];
	s0 =	simm.s32 @p1 $0x1  }
0x15: {  	[smem:$0x3FB2] =	sst s0;
	s0 =	simm.s32 @!p2 $0x0  }
0x16: {  	s3 =	sld [smem:$0x3FDB];
	s0 =	simm.s32 @p2 $0x1  }
0x17: {  	s4 =	simm.s32 $0x1BF5;
	[smem:$0x3FB4] =	sst s0  }
0x18: {  	s0 =	sld [smem:$0x3F97];
	_ =	swait.ge [sflag:s4], $0x0  }
0x19: {  	s7 =	sld [smem:$0x3F98]  }
0x1a: {  	s8 =	sadd.s32 $0xFFFFE003, lr  }
0x1b: {  	s9 =	sadd.s32 $0xFFFFFEF7, lr;
	s5 =	simm.s32 $0xFFFFFFFF;
	p2 =	slt.u32 s8, $0xFFFFF086  }
0x1c: {  	p1 =	slt.u32 s9, $0xF7A;
	s5 =	simm.s32 @!p2 $0x0  }
0x1d: {  	s5 =	simm.s32 @p1 $0x1;
	p0 =	seq.s32 s7, s2  }
0x1e: {  	s7 =	smul.u32 @!p0 $0xF7A, s2;
	p2 =	seq.s32 @!p0 s5, $0x0  }
0x1f: {  	s9 =	smul.u32 $0xF7A, s1;
	s8 =	simm.s32 @!p0 $0x1BF5;
	p2 =	por !p2, p0  }
0x20: {  	[sflag:s8] =	ssyncset.s32 @!p0 $0xFFFFF086;
	s6 =	sadd.s32 @!p0 s3, s7;
	s7 =	simm.s32 @!p0 $0x108  }
0x21: {  	s3 =	sadd.s32 s3, s9;
	s6 =	sadd.s32 @!p0 $0x88, s6;
	s7 =	simm.s32 @p2 $0x1082  }
0x22: {  	[simem:s7], [sflag:s8] =	dma.local @!p0 [hbm:s6], $0xF7A  }
0x23: {  	s9 =	sor.u32 $0xD0000000, s2;
	s6 =	simm.s32 $0x108;
	_ =	swait.ge @!p0 [sflag:s8], $0x0  }
0x24: {  	s3 =	sadd.s32 $0x88, s3;
	s6 =	simm.s32 @!p1 $0x1082;
	[sflag:s4] =	ssyncset.s32 $0xFFFFF086  }
0x25: {  	[simem:s6], [sflag:s4] =	dma.local [hbm:s3], $0xF7A  }
0x26: {  	[smem:$0x3F98] =	sst s1;
	(tag) =	ssettag s2;
	_ =	strace s9  }
0x27: {  	s1 =	sld [smem:$0x3FA8]  }
0x28: {  	s2 =	sld [smem:$0x3FA9]  }
0x29: {  	s4 =	sld [smem:$0x3FAB]  }
0x2a: {  	p0 =	seq.s32 s5, $0x0;
	s5 =	sld [smem:$0x3FAC]  }
0x2b: {  	s6 =	sld [smem:$0x3FAD]  }
0x2c: {  	s7 =	sld [smem:$0x3FAE]  }
0x2d: {  	s3 =	simm.s32 $0x108;
	s8 =	sld [smem:$0x3FAF]  }
0x2e: {  	s3 =	simm.s32 @!p0 $0x1082;
	s9 =	sld [smem:$0x3FB0]  }
0x2f: {  	lr =	sadd.s32 s0, s3;
	s0 =	sld [smem:$0x3FA7]  }
0x30: {  	s3 =	sld [smem:$0x3FAA]  }
0x31: {  	[smem:$0x3FB3] =	sst s10  }
0x32: {  	s10 =	sld [smem:$0x3FB1];
	_ =	sdelay $0x3  }
0x33: {  	p0 =	seq.s32 s10, $0x1;
	s10 =	sld [smem:$0x3FB3];
	_ =	sdelay $0x3  }
0x34: {  	[smem:$0x3FB3] =	sst s10  }
0x35: {  	s10 =	sld [smem:$0x3FB2];
	_ =	sdelay $0x3  }
0x36: {  	p1 =	seq.s32 s10, $0x1;
	s10 =	sld [smem:$0x3FB3];
	_ =	sdelay $0x3  }
0x37: {  	[smem:$0x3FB3] =	sst s10  }
0x38: {  	s10 =	sld [smem:$0x3FB4]  }
0x39: {  	_ = 	snop;
	(pc) =	sbr.ind lr, $3  }
0x3a: {  	_ = 	snop  }
0x3b: {  	_ = 	snop  }
0x3c: {  	p2 =	seq.s32 s10, $0x1;
	s10 =	sld [smem:$0x3FB3]  }
0x3d: {  	_ =	shalt  }
0x3e: {  	_ =	shalt  }
0x3f: {  	_ =	shalt  }
0x40: {  	_ =	shalt  }
0x41: {  	_ =	shalt  }
0x42: {  	_ =	shalt  }
0x43: {  	_ =	shalt  }
0x44: {  	_ =	shalt  }
0x45: {  	_ =	shalt  }
0x46: {  	_ =	shalt  }
0x47: {  	_ =	shalt  }
0x48: {  	_ =	shalt  }
0x49: {  	_ =	shalt  }
0x4a: {  	_ =	shalt  }
0x4b: {  	_ =	shalt  }
0x4c: {  	_ =	shalt  }
0x4d: {  	_ =	shalt  }
0x4e: {  	_ =	shalt  }
0x4f: {  	_ =	shalt  }
0x50: {  	_ =	shalt  }
0x51: {  	_ =	shalt  }
0x52: {  	_ =	shalt  }
0x53: {  	_ =	shalt  }
0x54: {  	_ =	shalt  }
0x55: {  	_ =	shalt  }
0x56: {  	_ =	shalt  }
0x57: {  	_ =	shalt  }
0x58: {  	_ =	shalt  }
0x59: {  	_ =	shalt  }
0x5a: {  	_ =	shalt  }
0x5b: {  	_ =	shalt  }
0x5c: {  	_ =	shalt  }
0x5d: {  	_ =	shalt  }
0x5e: {  	_ =	shalt  }
0x5f: {  	_ =	shalt  }
0x60: {  	_ =	shalt  }
0x61: {  	_ =	shalt  }
0x62: {  	_ =	shalt  }
0x63: {  	_ =	shalt  }
0x64: {  	_ =	shalt  }
0x65: {  	_ =	shalt  }
0x66: {  	_ =	shalt  }
0x67: {  	_ =	shalt  }
0x68: {  	_ =	shalt  }
0x69: {  	_ =	shalt  }
0x6a: {  	_ =	shalt  }
0x6b: {  	_ =	shalt  }
0x6c: {  	_ =	shalt  }
0x6d: {  	_ =	shalt  }
0x6e: {  	_ =	shalt  }
0x6f: {  	_ =	shalt  }
0x70: {  	_ =	shalt  }
0x71: {  	_ =	shalt  }
0x72: {  	_ =	shalt  }
0x73: {  	_ =	shalt  }
0x74: {  	_ =	shalt  }
0x75: {  	_ =	shalt  }
0x76: {  	_ =	shalt  }
0x77: {  	_ =	shalt  }
0x78: {  	_ =	shalt  }
0x79: {  	_ =	shalt  }
0x7a: {  	_ =	shalt  }
0x7b: {  	_ =	shalt  }
0x7c: {  	_ =	shalt  }
0x7d: {  	_ =	shalt  }
0x7e: {  	_ =	shalt  }
0x7f: {  	_ =	shalt  }
0x80: {  	_ =	shalt  }
0x81: {  	_ =	shalt  }
0x82: {  	_ =	shalt  }
0x83: {  	_ =	shalt  }
0x84: {  	_ =	shalt  }
0x85: {  	_ =	shalt  }
0x86: {  	_ =	shalt  }
0x87: {  	_ =	shalt  }
.Lfunc_end0:
.L_simem_size_0:
called_computation.2_lowered:
.L_overlay_start_0:
0x88: {  	s2 =	sld [smem:$0x3FD9]  }
0x89: {  	s3 =	sld [smem:$0x3FFE];
	_ =	sdelay $0x1  }
0x8a: {  	s1 =	srdreg.scid  }
0x8b: {  	s0 =	sand.u32 $0x1, s1  }
0x8c: {  	s17 =	sshll.u32 s0, $0xA;
	s2 =	sadd.s32 s3, s2  }
0x8d: {  	s2 =	sadd.s32 s2, s17  }
0x8e: {  	[smem:$0x3FBF] =	sst s2  }
0x8f: {  	_ = 	snop  }
0x90: {  	s2 =	sld [smem:$0x3FD0];
	(tm) =	ssettm $0x1  }
0x91: {  	s18 =	sld [smem:$0x3FFB];
	_ =	sdelay $0x3  }
0x92: {  	_ =	strace s18  }
0x93: {  	s3 =	sld [smem:$0x3FFC];
	_ =	sdelay $0x3  }
0x94: {  	_ =	strace s3  }
0x95: {  	s3 =	sld [smem:$0x3FFD];
	_ =	sdelay $0x3  }
0x96: {  	_ =	strace s3  }
0x97: {  	_ =	strace $0x8FFFFFFF  }
0x98: {  	s19 =	sld [smem:$0x3FDB];
	_ =	sdelay $0x1  }
0x99: {  	s4 =	simm.s32 $_scs_section_size  }
0x9a: {  	s5 =	simm.s32 $_size__tile_overlayer_lowered;
	s6 =	simm.s32 $_tile_overlayer_lowered  }
0x9b: {  	s22 =	simm.s32 $0x1BFF;
	s21 =	sshll.u32 s6, $0x1;
	s3 =	sadd.s32 s4, s19  }
0x9c: {  	s7 =	simm.s32 $0x0;
	s20 =	sshll.u32 s5, $0x1;
	s5 =	sadd.s32 s21, s3  }
0x9d: {  	[timem:s7], [sflag:s22] =	dma.local [hbm:s5], s20  }
0x9e: {  	_ =	swait.ge [sflag:s22], s20  }
0x9f: {  	s4 =	ssub.s32 $0x0, s20;
	[sflag:s22] =	ssyncset.done $0x0  }
0xa0: {  	[sflag:s22] =	ssyncadd.s32 s4;
	_ =	sdelay $0x1  }
0xa1: {  	s23 =	simm.s32 $0x1B8B  }
0xa2: {  	_ =	swait.ge [sflag:s23], $0x1  }
0xa3: {  	[sflag:s23] =	ssyncset.done $0x0  }
0xa4: {  	s25 =	simm.s32 $0x1B8E;
	s24 =	sld [smem:$0x3FFE];
	[sflag:s23] =	ssyncadd.s32 $0xFFFFFFFF  }
0xa5: {  	s26 =	simm.s32 $execute0_lowered;
	[smem:$0x3FD2] =	sst s25  }
0xa6: {  	s5 =	sshll.u32 s26, $0x1;
	_ =	strace $0x8000004C;
	[dreg:$0x1] =	wrdreg $0xFFFFFFFF  }
0xa7: {  	s28 =	simm.s32 $_size_execute0_lowered;
	s3 =	sadd.s32 s3, s5;
	[dreg:$0x0] =	wrdreg $0x0  }
0xa8: {  	s5 =	sshll.u32 s28, $0x1;
	[dreg:$0x2] =	wrdreg s3  }
0xa9: {  	[dreg:$0x3] =	wrdreg s5  }
0xaa: {  	[dreg:$0x4] =	wrdreg $0xC0  }
0xab: {  	_ =	task [dreg:s7], $0x5FFFF  }
0xac: {  	[dreg:$0x1] =	wrdreg $0xFFFFFFFF  }
0xad: {  	[dreg:$0x0] =	wrdreg $0x60  }
0xae: {  	[dreg:$0x2] =	wrdreg s24  }
0xaf: {  	[dreg:$0x3] =	wrdreg s2  }
0xb0: {  	[dreg:$0x4] =	wrdreg $0x140000  }
0xb1: {  	[dreg:$0x5] =	wrdreg $0x9  }
0xb2: {  	_ =	task.clear_ibuf [dreg:s7], $0x6FFFF;
	_ =	strace $0x9000004C  }
0xb3: {  	s29 =	simm.s32 $0x9;
	_ =	strace $0x8000004E  }
0xb4: {  	_ =	swait.ge [sflag:s29], $0x1  }
0xb5: {  	[sflag:s29] =	ssyncadd.s32 $0xFFFFFFFF  }
0xb6: {  	_ =	strace $0x9000004E  }
0xb7: {  	_ =	sfence  }
0xb8: {  	s30 =	sld [smem:$0x0];
	_ =	sdelay $0x2  }
0xb9: {  	s31 =	sshll.u32 s1, $0xD;
	s1 =	sshrl.u32 s1, $0x2  }
0xba: {  	s3 =	sand.u32 $0x4000, s31;
	s1 =	sadd.s32 s1, s30  }
0xbb: {  	s0 =	sor.u32 s3, s0;
	s1 =	sshll.u32 s1, $0x11  }
0xbc: {  	s0 =	sor.u32 s1, s0  }
0xbd: {  	s0 =	sadd.s32 $0x8F2B, s0  }
0xbe: {  	[sflag:s0] =	ssyncadd.remote.s32 $0x1  }
0xbf: {  	_ =	sfence.sel $0xFFFF  }
0xc0: {  	[dreg:$0x0] =	wrdreg $0xFFFFFFFF;
	(pc) =	sbr.abs _section_cstart, $3  }
0xc1: {  	[dreg:$0x1] =	wrdreg $0xFFFFFFFF  }
0xc2: {  	_ =	task.clear_ibuf [dreg:s7], $0x2FFFF;
	_ =	strace $0x9FFFFFFF  }
0xc3: {  	(tm) =	ssettm $0x7FFFFFFF  }
tec
execute0_lowered:
.L_overlay_start_1:
0x0: {  	(tag) =	ssettag $0x1  }
0x1: {  	s0 =	rddreg [dreg:$0x0]  }
0x2: {  	s1 =	srdreg.scid;
	s6 =	rddreg [dreg:$0x1]  }
0x3: {  	s12 =	stileid.u32;
	s2 =	rddreg [dreg:$0x2];
	s3 =	simm.s32 $0x0  }
0x4: {  	s13 =	simm.s32 $0x5000;
	s14 =	simm.s32 $0x80;
	s15 =	simm.s32 $0xA000  }
0x5: {  	s16 =	simm.s32 $0xC000;
	s18 =	simm.s32 $0xE000;
	s20 =	simm.s32 $0x10000  }
0x6: {  	s21 =	simm.s32 $0x1;
	s28 =	simm.s32 $0x3;
	s29 =	simm.s32 $0x7  }
0x7: {  	s30 =	simm.s32 $0x4;
	s31 =	simm.s32 $0x8;
	s17 =	simm.s32 $0xA  }
0x8: {  	s19 =	simm.s32 $0x0;
	s1 =	sand.u32 $0x1, s1;
	s5 =	smul.u32 $0xA000, s12  }
0x9: {  	[smem:$0x7FF] =	sst s3;
	s8 =	smul.u32 $0xA00, s12;
	s24 =	sadd.s32 $0x2200, s0  }
0xa: {  	s26 =	sshll.u32 s12, $0x6;
	s12 =	simm.s32 $0xB;
	s4 =	smul.u32 $0x13880, s1  }
0xb: {  	s7 =	smul.u32 $0xA0000, s1;
	_ =	strace $0x8000004D;
	s1 =	ssub.s32 $0x2, s1  }
0xc: {  	[dreg:$0x4] =	wrdreg s24;
	s24 =	simm.s32 $0x2;
	s23 =	sadd.s32 s8, s0  }
0xd: {  	s25 =	sshrl.u32 s1, $0x1;
	s11 =	sadd.s32 s5, s2;
	s6 =	sadd.s32 s6, s8  }
0xe: {  	s9 =	sadd.s32 s4, s0;
	s22 =	sadd.s32 s5, s7;
	s1 =	ssub.s32 s1, s25  }
0xf: {  	s5 =	sor.u32 $0x1C0B, s26;
	s7 =	sadd.s32 $0xC200, s23;
	s11 =	sshrl.u32 s11, $0x3  }
0x10: {  	s23 =	simm.s32 $0x12000;
	s26 =	simm.s32 $0x6;
	s10 =	sshrl.u32 s22, $0x3  }
0x11: {  	s8 =	sadd.s32 $0x16200, s9;
	s0 =	sadd.s32 s10, s0;
	s10 =	smax.u32 s1, $0x1  }
0x12: {  	s1 =	simm.s32 $0x5;
	s9 =	sadd.s32 $0x3D400, s0;
	s0 =	simm.s32 $0x9  }
.LBB2_1:
0x13: {  	s4 =	rddreg [dreg:$0x4]  }
0x14: {  	[spmem:s11], [sflag:s5] =	dma.local [hbm:s4], $0x1400  }
0x15: {  	_ =	swait.ge [sflag:s12], $0x1400  }
0x16: {  	[sflag:s12] =	ssyncset.done $0x0  }
0x17: {  	[sflag:s12] =	ssyncadd.s32 $0xFFFFEC00  }
0x18: {  	[tilespmem:s3], [sflag:$0xB] =	stream.linear.gather [hbm4b:s6+s3], $0x5000, $0x38;
	[tilespmem:$0x1E000] =	vst v63  }
0x19: {  	_ =	swait.ge [sflag:s12], $0x5000  }
0x1a: {  	[sflag:s12] =	ssyncset.done $0x0  }
0x1b: {  	[sflag:s12] =	ssyncadd.s32 $0xFFFFB000  }
0x1c: {  	[tilespmem:s13], [sflag:$0xB] =	stream.linear.gather [hbm4b:s7+s3], $0x5000, $0x38;
	[tilespmem:$0x1E000] =	vst v63  }
0x1d: {  	_ =	swait.ge [sflag:s12], $0x5000  }
0x1e: {  	[sflag:s12] =	ssyncset.done $0x0  }
0x1f: {  	[sflag:s12] =	ssyncadd.s32 $0xFFFFB000  }
0x20: {  	[bflag:$0x0] =	sbarrier.arrive $0xFFFF  }
0x21: {  	[tilespmem:s15], [sflag:$0x1] =	stream.indirect.gather [hbm4b:s8+s14], $0x40, s3, s14, $0xb8;
	[tilespmem:$0x1E000] =	vst v63  }
0x22: {  	_ = 	snop  }
0x23: {  	[tilespmem:s16], [sflag:$0x2] =	stream.indirect.gather [hbm4b:s8+s14], $0x40, s14, s14, $0xb8;
	[tilespmem:$0x1E000] =	vst v63  }
0x24: {  	s22 =	simm.s32 $0x100  }
0x25: {  	[tilespmem:s18], [sflag:$0x3] =	stream.indirect.gather [hbm4b:s8+s14], $0x40, s22, s14, $0xb8;
	[tilespmem:$0x1E000] =	vst v63  }
0x26: {  	s25 =	simm.s32 $0x180  }
0x27: {  	[tilespmem:s20], [sflag:$0x4] =	stream.indirect.gather [hbm4b:s8+s14], $0x40, s25, s14, $0xb8;
	[tilespmem:$0x1E000] =	vst v63  }
0x28: {  	_ =	swait.ge [sflag:s21], $0x2000  }
0x29: {  	[sflag:s21] =	ssyncset.done $0x0  }
0x2a: {  	[sflag:s21] =	ssyncadd.s32 $0xFFFFE000  }
0x2b: {  	[spmem:s2] =	stream.indirect.scatter.add.f32 [tilespmem:s15], [sflag:$0x6], $0x40, s13, s14, $0xb8;
	[tilespmem:$0x1E000] =	vst v63  }
0x2c: {  	s22 =	simm.s32 $0x200  }
0x2d: {  	[tilespmem:s23], [sflag:$0x5] =	stream.indirect.gather [hbm4b:s8+s14], $0x40, s22, s14, $0xb8;
	[tilespmem:$0x1E000] =	vst v63  }
0x2e: {  	_ =	swait.ge [sflag:s24], $0x2000  }
0x2f: {  	[sflag:s24] =	ssyncset.done $0x0  }
0x30: {  	s25 =	simm.s32 $0x5080;
	[sflag:s24] =	ssyncadd.s32 $0xFFFFE000  }
0x31: {  	[spmem:s2] =	stream.indirect.scatter.add.f32 [tilespmem:s16], [sflag:$0x7], $0x40, s25, s14, $0xb8;
	[tilespmem:$0x1E000] =	vst v63  }
0x32: {  	_ =	swait.ge [sflag:s26], $0x2000  }
0x33: {  	[sflag:s26] =	ssyncset.done $0x0  }
0x34: {  	s22 =	simm.s32 $0x280;
	[sflag:s26] =	ssyncadd.s32 $0xFFFFE000  }
0x35: {  	[tilespmem:s15], [sflag:$0x1] =	stream.indirect.gather [hbm4b:s8+s14], $0x40, s22, s14, $0xb8;
	[tilespmem:$0x1E000] =	vst v63  }
0x36: {  	_ =	swait.ge [sflag:s28], $0x2000  }
0x37: {  	[sflag:s28] =	ssyncset.done $0x0  }
0x38: {  	s4 =	simm.s32 $0x5100;
	[sflag:s28] =	ssyncadd.s32 $0xFFFFE000  }
0x39: {  	[spmem:s2] =	stream.indirect.scatter.add.f32 [tilespmem:s18], [sflag:$0x8], $0x40, s4, s14, $0xb8;
	[tilespmem:$0x1E000] =	vst v63  }
0x3a: {  	_ =	swait.ge [sflag:s29], $0x2000  }
0x3b: {  	[sflag:s29] =	ssyncset.done $0x0  }
0x3c: {  	s25 =	simm.s32 $0x300;
	[sflag:s29] =	ssyncadd.s32 $0xFFFFE000  }
0x3d: {  	[tilespmem:s16], [sflag:$0x2] =	stream.indirect.gather [hbm4b:s8+s14], $0x40, s25, s14, $0xb8;
	[tilespmem:$0x1E000] =	vst v63  }
0x3e: {  	_ =	swait.ge [sflag:s30], $0x2000  }
0x3f: {  	[sflag:s30] =	ssyncset.done $0x0  }
0x40: {  	s4 =	simm.s32 $0x5180;
	[sflag:s30] =	ssyncadd.s32 $0xFFFFE000  }
0x41: {  	[spmem:s2] =	stream.indirect.scatter.add.f32 [tilespmem:s20], [sflag:$0x9], $0x40, s4, s14, $0xb8;
	[tilespmem:$0x1E000] =	vst v63  }
0x42: {  	_ =	swait.ge [sflag:s31], $0x2000  }
0x43: {  	[sflag:s31] =	ssyncset.done $0x0  }
0x44: {  	s25 =	simm.s32 $0x380;
	[sflag:s31] =	ssyncadd.s32 $0xFFFFE000  }
0x45: {  	[tilespmem:s18], [sflag:$0x3] =	stream.indirect.gather [hbm4b:s8+s14], $0x40, s25, s14, $0xb8;
	[tilespmem:$0x1E000] =	vst v63  }
0x46: {  	_ =	swait.ge [sflag:s1], $0x2000  }
0x47: {  	[sflag:s1] =	ssyncset.done $0x0  }
0x48: {  	s4 =	simm.s32 $0x5200;
	[sflag:s1] =	ssyncadd.s32 $0xFFFFE000  }
0x49: {  	[spmem:s2] =	stream.indirect.scatter.add.f32 [tilespmem:s23], [sflag:$0xA], $0x40, s4, s14, $0xb8;
	[tilespmem:$0x1E000] =	vst v63  }
0x4a: {  	_ =	swait.ge [sflag:s0], $0x2000  }
0x4b: {  	[sflag:s0] =	ssyncset.done $0x0  }
0x4c: {  	s25 =	simm.s32 $0x400;
	[sflag:s0] =	ssyncadd.s32 $0xFFFFE000  }
0x4d: {  	[tilespmem:s20], [sflag:$0x4] =	stream.indirect.gather [hbm4b:s8+s14], $0x40, s25, s14, $0xb8;
	[tilespmem:$0x1E000] =	vst v63  }
0x4e: {  	_ =	swait.ge [sflag:s21], $0x2000  }
0x4f: {  	[sflag:s21] =	ssyncset.done $0x0  }
0x50: {  	s4 =	simm.s32 $0x5280;
	[sflag:s21] =	ssyncadd.s32 $0xFFFFE000  }
0x51: {  	[spmem:s2] =	stream.indirect.scatter.add.f32 [tilespmem:s15], [sflag:$0x6], $0x40, s4, s14, $0xb8;
	[tilespmem:$0x1E000] =	vst v63  }
0x52: {  	_ =	swait.ge [sflag:s17], $0x2000  }
0x53: {  	[sflag:s17] =	ssyncset.done $0x0  }
0x54: {  	s25 =	simm.s32 $0x480;
	[sflag:s17] =	ssyncadd.s32 $0xFFFFE000  }
0x55: {  	[tilespmem:s23], [sflag:$0x5] =	stream.indirect.gather [hbm4b:s8+s14], $0x40, s25, s14, $0xb8;
	[tilespmem:$0x1E000] =	vst v63  }
0x56: {  	_ =	swait.ge [sflag:s24], $0x2000  }
0x57: {  	[sflag:s24] =	ssyncset.done $0x0  }
0x58: {  	s22 =	simm.s32 $0xA00;
	s25 =	simm.s32 $0x5300;
	[sflag:s24] =	ssyncadd.s32 $0xFFFFE000  }
.LBB2_2:
0x59: {  	[spmem:s2] =	stream.indirect.scatter.add.f32 [tilespmem:s16], [sflag:$0x7], $0x40, s25, s14, $0xb8;
	[tilespmem:$0x1E000] =	vst v63  }
0x5a: {  	s25 =	smov.u32 s22  }
0x5b: {  	p0 =	sne.s32 s22, $0x12C00;
	s22 =	sadd.s32 $0xA00, s22;
	_ =	swait.ge [sflag:s26], $0x2000  }
0x5c: {  	s25 =	sshra.s32 s25, $0x2;
	[sflag:s26] =	ssyncset.done $0x0  }
0x5d: {  	s4 =	sadd.s32 $0x280, s25;
	[sflag:s26] =	ssyncadd.s32 $0xFFFFE000  }
0x5e: {  	[tilespmem:s15], [sflag:$0x1] =	stream.indirect.gather [hbm4b:s8+s14], $0x40, s4, s14, $0xb8;
	[tilespmem:$0x1E000] =	vst v63  }
0x5f: {  	_ =	swait.ge [sflag:s28], $0x2000  }
0x60: {  	[sflag:s28] =	ssyncset.done $0x0  }
0x61: {  	s4 =	sadd.s32 $0x5100, s25;
	[sflag:s28] =	ssyncadd.s32 $0xFFFFE000  }
0x62: {  	[spmem:s2] =	stream.indirect.scatter.add.f32 [tilespmem:s18], [sflag:$0x8], $0x40, s4, s14, $0xb8;
	[tilespmem:$0x1E000] =	vst v63  }
0x63: {  	_ =	swait.ge [sflag:s29], $0x2000  }
0x64: {  	[sflag:s29] =	ssyncset.done $0x0  }
0x65: {  	s4 =	sadd.s32 $0x300, s25;
	[sflag:s29] =	ssyncadd.s32 $0xFFFFE000  }
0x66: {  	[tilespmem:s16], [sflag:$0x2] =	stream.indirect.gather [hbm4b:s8+s14], $0x40, s4, s14, $0xb8;
	[tilespmem:$0x1E000] =	vst v63  }
0x67: {  	_ =	swait.ge [sflag:s30], $0x2000  }
0x68: {  	[sflag:s30] =	ssyncset.done $0x0  }
0x69: {  	s4 =	sadd.s32 $0x5180, s25;
	[sflag:s30] =	ssyncadd.s32 $0xFFFFE000  }
0x6a: {  	[spmem:s2] =	stream.indirect.scatter.add.f32 [tilespmem:s20], [sflag:$0x9], $0x40, s4, s14, $0xb8;
	[tilespmem:$0x1E000] =	vst v63  }
0x6b: {  	_ =	swait.ge [sflag:s31], $0x2000  }
0x6c: {  	[sflag:s31] =	ssyncset.done $0x0  }
0x6d: {  	s4 =	sadd.s32 $0x380, s25;
	[sflag:s31] =	ssyncadd.s32 $0xFFFFE000  }
0x6e: {  	[tilespmem:s18], [sflag:$0x3] =	stream.indirect.gather [hbm4b:s8+s14], $0x40, s4, s14, $0xb8;
	[tilespmem:$0x1E000] =	vst v63  }
0x6f: {  	_ =	swait.ge [sflag:s1], $0x2000  }
0x70: {  	[sflag:s1] =	ssyncset.done $0x0  }
0x71: {  	s4 =	sadd.s32 $0x5200, s25;
	[sflag:s1] =	ssyncadd.s32 $0xFFFFE000  }
0x72: {  	[spmem:s2] =	stream.indirect.scatter.add.f32 [tilespmem:s23], [sflag:$0xA], $0x40, s4, s14, $0xb8;
	[tilespmem:$0x1E000] =	vst v63  }
0x73: {  	_ =	swait.ge [sflag:s0], $0x2000  }
0x74: {  	[sflag:s0] =	ssyncset.done $0x0  }
0x75: {  	s4 =	sadd.s32 $0x400, s25;
	[sflag:s0] =	ssyncadd.s32 $0xFFFFE000  }
0x76: {  	[tilespmem:s20], [sflag:$0x4] =	stream.indirect.gather [hbm4b:s8+s14], $0x40, s4, s14, $0xb8;
	[tilespmem:$0x1E000] =	vst v63  }
0x77: {  	_ =	swait.ge [sflag:s21], $0x2000  }
0x78: {  	[sflag:s21] =	ssyncset.done $0x0  }
0x79: {  	s4 =	sadd.s32 $0x5280, s25;
	[sflag:s21] =	ssyncadd.s32 $0xFFFFE000  }
0x7a: {  	[spmem:s2] =	stream.indirect.scatter.add.f32 [tilespmem:s15], [sflag:$0x6], $0x40, s4, s14, $0xb8;
	[tilespmem:$0x1E000] =	vst v63  }
0x7b: {  	_ =	swait.ge [sflag:s17], $0x2000  }
0x7c: {  	[sflag:s17] =	ssyncset.done $0x0  }
.Ltmp0:
0x7d: {  	s4 =	sadd.s32 $0x480, s25;
	[sflag:s17] =	ssyncadd.s32 $0xFFFFE000;
	(pc) =	sbr.rel @p0 .LBB2_2-.Ltmp0, $4  }
0x7e: {  	[tilespmem:s23], [sflag:$0x5] =	stream.indirect.gather [hbm4b:s8+s14], $0x40, s4, s14, $0xb8;
	[tilespmem:$0x1E000] =	vst v63  }
0x7f: {  	_ =	swait.ge [sflag:s24], $0x2000  }
0x80: {  	[sflag:s24] =	ssyncset.done $0x0  }
0x81: {  	s25 =	sadd.s32 $0x5300, s25;
	[sflag:s24] =	ssyncadd.s32 $0xFFFFE000  }
0x82: {  	[spmem:s2] =	stream.indirect.scatter.add.f32 [tilespmem:s16], [sflag:$0x7], $0x40, s25, s14, $0xb8;
	[tilespmem:$0x1E000] =	vst v63  }
0x83: {  	_ =	swait.ge [sflag:s28], $0x2000  }
0x84: {  	[sflag:s28] =	ssyncset.done $0x0  }
0x85: {  	s4 =	simm.s32 $0x9E80;
	[sflag:s28] =	ssyncadd.s32 $0xFFFFE000  }
0x86: {  	[spmem:s2] =	stream.indirect.scatter.add.f32 [tilespmem:s18], [sflag:$0x8], $0x40, s4, s14, $0xb8;
	[tilespmem:$0x1E000] =	vst v63  }
0x87: {  	_ =	swait.ge [sflag:s30], $0x2000  }
0x88: {  	[sflag:s30] =	ssyncset.done $0x0  }
0x89: {  	s22 =	simm.s32 $0x9F00;
	[sflag:s30] =	ssyncadd.s32 $0xFFFFE000  }
0x8a: {  	[spmem:s2] =	stream.indirect.scatter.add.f32 [tilespmem:s20], [sflag:$0x9], $0x40, s22, s14, $0xb8;
	[tilespmem:$0x1E000] =	vst v63  }
0x8b: {  	_ =	swait.ge [sflag:s1], $0x2000  }
0x8c: {  	[sflag:s1] =	ssyncset.done $0x0  }
0x8d: {  	s25 =	simm.s32 $0x9F80;
	[sflag:s1] =	ssyncadd.s32 $0xFFFFE000  }
0x8e: {  	[spmem:s2] =	stream.indirect.scatter.add.f32 [tilespmem:s23], [sflag:$0xA], $0x40, s25, s14, $0xb8;
	[tilespmem:$0x1E000] =	vst v63  }
0x8f: {  	_ =	swait.ge [sflag:s26], $0x2000  }
0x90: {  	[sflag:s26] =	ssyncset.done $0x0  }
0x91: {  	[sflag:s26] =	ssyncadd.s32 $0xFFFFE000  }
0x92: {  	_ =	swait.ge [sflag:s29], $0x2000  }
0x93: {  	[sflag:s29] =	ssyncset.done $0x0  }
0x94: {  	[sflag:s29] =	ssyncadd.s32 $0xFFFFE000  }
0x95: {  	_ =	swait.ge [sflag:s31], $0x2000  }
0x96: {  	[sflag:s31] =	ssyncset.done $0x0  }
0x97: {  	[sflag:s31] =	ssyncadd.s32 $0xFFFFE000  }
0x98: {  	_ =	swait.ge [sflag:s0], $0x2000  }
0x99: {  	[sflag:s0] =	ssyncset.done $0x0  }
0x9a: {  	[sflag:s0] =	ssyncadd.s32 $0xFFFFE000  }
0x9b: {  	_ =	swait.ge [sflag:s17], $0x2000  }
0x9c: {  	s19 =	sadd.s32 $0x1, s19;
	[sflag:s17] =	ssyncset.done $0x0  }
0x9d: {  	p0 =	sne.s32 s19, s10;
	[sflag:s17] =	ssyncadd.s32 $0xFFFFE000  }
.Ltmp1:
0x9e: {  	[bflag:$0x0] =	sbarrier.arrive $0xFFFF;
	(pc) =	sbr.rel @p0 .LBB2_1-.Ltmp1, $4  }
0x9f: {  	[hbm:s9], [sflag:s5] =	dma.local [spmem:s11], $0x1400  }
0xa0: {  	_ =	swait.ge [sflag:s12], $0x1400  }
0xa1: {  	[sflag:s12] =	ssyncset.done $0x0  }
0xa2: {  	[sflag:s12] =	ssyncadd.s32 $0xFFFFEC00  }
0xa3: {  	_ =	sfence.sel $0x180000  }
0xa4: {  	[bflag:$0x0] =	sbarrier.arrive $0xFFFF  }
0xa5: {  	_ =	strace $0x9000004D  }
0xa6: {  	s0 =	stileid.u32;
	[bflag:$0x2] =	sbarrier.arrive $0xFFFF  }
0xa7: {  	p0 =	sne.s32 s0, $0x0;
	s0 =	rddreg [dreg:$0x3]  }
0xa8: {  	s0 =	sadd.s32 @!p0 $0x100000, s0  }
0xa9: {  	[sflag:s0] =	ssyncadd.tile.s32 @!p0 $0x1;
	_ =	shalt  }
.Lfunc_end2:
_tile_overlayer_lowered:
.L_overlay_start_2:
0xaa: {  	(tag) =	ssettag $0x2  }
0xab: {  	s0 =	rddreg [dreg:$0x0];
	s2 =	stileid.u32  }
0xac: {  	s1 =	rddreg [dreg:$0x1];
	p0 =	sne.s32 s2, $0x0  }
0xad: {  	s3 =	rddreg [dreg:$0x2];
	[bflag:$0x3] =	sbarrier.arrive $0xFFFF;
	s2 =	simm.s32 @!p0 $0x1C0B  }
0xae: {  	[timem:s3], [sflag:s2] =	dma.local @!p0 [hbm:s0], s1  }
0xaf: {  	s0 =	simm.s32 @!p0 $0xB  }
0xb0: {  	_ =	swait.ge @!p0 [sflag:s0], s1  }
0xb1: {  	s1 =	ssub.s32 @!p0 $0x0, s1;
	[sflag:s0] =	ssyncset.done @!p0 $0x0  }
0xb2: {  	[sflag:s0] =	ssyncadd.s32 @!p0 s1  }
0xb3: {  	[bflag:$0x3] =	sbarrier.arrive $0xFFFF  }
0xb4: {  	_ =	shalt  }

// kernel: kernel.19.cloned.1.call-start
scs
__scs_entry_jumppad:
0x0: {  	(pc) =	sbr.rel $0x88, $3  }
0x1: {  	(tag) =	ssettag $0x0;
	lr =	simm.s32 $0x1  }
0x2: {  	[smem:$0x3F98] =	sst lr;
	_ =	strace $0xD0000000  }
0x3: {  	_ = 	snop  }
0x4: {  	_ = 	snop  }
0x5: {  	_ = 	snop  }
0x6: {  	_ = 	snop  }
0x7: {  	_ = 	snop  }
__scs_overlays_trampoline_lowered:
0x8: {  	[smem:$0x3FA7] =	sst s0  }
0x9: {  	[smem:$0x3FA8] =	sst s1  }
0xa: {  	[smem:$0x3FA9] =	sst s2  }
0xb: {  	[smem:$0x3FAA] =	sst s3  }
0xc: {  	[smem:$0x3FAB] =	sst s4  }
0xd: {  	[smem:$0x3FAC] =	sst s5  }
0xe: {  	[smem:$0x3FAD] =	sst s6  }
0xf: {  	[smem:$0x3FAE] =	sst s7  }
0x10: {  	[smem:$0x3FAF] =	sst s8  }
0x11: {  	[smem:$0x3FB0] =	sst s9;
	s0 =	simm.s32 @!p0 $0x0  }
0x12: {  	s1 =	sld [smem:$0x3F96];
	s0 =	simm.s32 @p0 $0x1  }
0x13: {  	[smem:$0x3FB1] =	sst s0;
	s0 =	simm.s32 @!p1 $0x0  }
0x14: {  	s2 =	sld [smem:$0x3F95];
	s0 =	simm.s32 @p1 $0x1  }
0x15: {  	[smem:$0x3FB2] =	sst s0;
	s0 =	simm.s32 @!p2 $0x0  }
0x16: {  	s3 =	sld [smem:$0x3FDB];
	s0 =	simm.s32 @p2 $0x1  }
0x17: {  	s4 =	simm.s32 $0x1BF5;
	[smem:$0x3FB4] =	sst s0  }
0x18: {  	s0 =	sld [smem:$0x3F97];
	_ =	swait.ge [sflag:s4], $0x0  }
0x19: {  	s7 =	sld [smem:$0x3F98]  }
0x1a: {  	s8 =	sadd.s32 $0xFFFFE003, lr  }
0x1b: {  	s9 =	sadd.s32 $0xFFFFFEF7, lr;
	s5 =	simm.s32 $0xFFFFFFFF;
	p2 =	slt.u32 s8, $0xFFFFF086  }
0x1c: {  	p1 =	slt.u32 s9, $0xF7A;
	s5 =	simm.s32 @!p2 $0x0  }
0x1d: {  	s5 =	simm.s32 @p1 $0x1;
	p0 =	seq.s32 s7, s2  }
0x1e: {  	s7 =	smul.u32 @!p0 $0xF7A, s2;
	p2 =	seq.s32 @!p0 s5, $0x0  }
0x1f: {  	s9 =	smul.u32 $0xF7A, s1;
	s8 =	simm.s32 @!p0 $0x1BF5;
	p2 =	por !p2, p0  }
0x20: {  	[sflag:s8] =	ssyncset.s32 @!p0 $0xFFFFF086;
	s6 =	sadd.s32 @!p0 s3, s7;
	s7 =	simm.s32 @!p0 $0x108  }
0x21: {  	s3 =	sadd.s32 s3, s9;
	s6 =	sadd.s32 @!p0 $0x88, s6;
	s7 =	simm.s32 @p2 $0x1082  }
0x22: {  	[simem:s7], [sflag:s8] =	dma.local @!p0 [hbm:s6], $0xF7A  }
0x23: {  	s9 =	sor.u32 $0xD0000000, s2;
	s6 =	simm.s32 $0x108;
	_ =	swait.ge @!p0 [sflag:s8], $0x0  }
0x24: {  	s3 =	sadd.s32 $0x88, s3;
	s6 =	simm.s32 @!p1 $0x1082;
	[sflag:s4] =	ssyncset.s32 $0xFFFFF086  }
0x25: {  	[simem:s6], [sflag:s4] =	dma.local [hbm:s3], $0xF7A  }
0x26: {  	[smem:$0x3F98] =	sst s1;
	(tag) =	ssettag s2;
	_ =	strace s9  }
0x27: {  	s1 =	sld [smem:$0x3FA8]  }
0x28: {  	s2 =	sld [smem:$0x3FA9]  }
0x29: {  	s4 =	sld [smem:$0x3FAB]  }
0x2a: {  	p0 =	seq.s32 s5, $0x0;
	s5 =	sld [smem:$0x3FAC]  }
0x2b: {  	s6 =	sld [smem:$0x3FAD]  }
0x2c: {  	s7 =	sld [smem:$0x3FAE]  }
0x2d: {  	s3 =	simm.s32 $0x108;
	s8 =	sld [smem:$0x3FAF]  }
0x2e: {  	s3 =	simm.s32 @!p0 $0x1082;
	s9 =	sld [smem:$0x3FB0]  }
0x2f: {  	lr =	sadd.s32 s0, s3;
	s0 =	sld [smem:$0x3FA7]  }
0x30: {  	s3 =	sld [smem:$0x3FAA]  }
0x31: {  	[smem:$0x3FB3] =	sst s10  }
0x32: {  	s10 =	sld [smem:$0x3FB1];
	_ =	sdelay $0x3  }
0x33: {  	p0 =	seq.s32 s10, $0x1;
	s10 =	sld [smem:$0x3FB3];
	_ =	sdelay $0x3  }
0x34: {  	[smem:$0x3FB3] =	sst s10  }
0x35: {  	s10 =	sld [smem:$0x3FB2];
	_ =	sdelay $0x3  }
0x36: {  	p1 =	seq.s32 s10, $0x1;
	s10 =	sld [smem:$0x3FB3];
	_ =	sdelay $0x3  }
0x37: {  	[smem:$0x3FB3] =	sst s10  }
0x38: {  	s10 =	sld [smem:$0x3FB4]  }
0x39: {  	_ = 	snop;
	(pc) =	sbr.ind lr, $3  }
0x3a: {  	_ = 	snop  }
0x3b: {  	_ = 	snop  }
0x3c: {  	p2 =	seq.s32 s10, $0x1;
	s10 =	sld [smem:$0x3FB3]  }
0x3d: {  	_ =	shalt  }
0x3e: {  	_ =	shalt  }
0x3f: {  	_ =	shalt  }
0x40: {  	_ =	shalt  }
0x41: {  	_ =	shalt  }
0x42: {  	_ =	shalt  }
0x43: {  	_ =	shalt  }
0x44: {  	_ =	shalt  }
0x45: {  	_ =	shalt  }
0x46: {  	_ =	shalt  }
0x47: {  	_ =	shalt  }
0x48: {  	_ =	shalt  }
0x49: {  	_ =	shalt  }
0x4a: {  	_ =	shalt  }
0x4b: {  	_ =	shalt  }
0x4c: {  	_ =	shalt  }
0x4d: {  	_ =	shalt  }
0x4e: {  	_ =	shalt  }
0x4f: {  	_ =	shalt  }
0x50: {  	_ =	shalt  }
0x51: {  	_ =	shalt  }
0x52: {  	_ =	shalt  }
0x53: {  	_ =	shalt  }
0x54: {  	_ =	shalt  }
0x55: {  	_ =	shalt  }
0x56: {  	_ =	shalt  }
0x57: {  	_ =	shalt  }
0x58: {  	_ =	shalt  }
0x59: {  	_ =	shalt  }
0x5a: {  	_ =	shalt  }
0x5b: {  	_ =	shalt  }
0x5c: {  	_ =	shalt  }
0x5d: {  	_ =	shalt  }
0x5e: {  	_ =	shalt  }
0x5f: {  	_ =	shalt  }
0x60: {  	_ =	shalt  }
0x61: {  	_ =	shalt  }
0x62: {  	_ =	shalt  }
0x63: {  	_ =	shalt  }
0x64: {  	_ =	shalt  }
0x65: {  	_ =	shalt  }
0x66: {  	_ =	shalt  }
0x67: {  	_ =	shalt  }
0x68: {  	_ =	shalt  }
0x69: {  	_ =	shalt  }
0x6a: {  	_ =	shalt  }
0x6b: {  	_ =	shalt  }
0x6c: {  	_ =	shalt  }
0x6d: {  	_ =	shalt  }
0x6e: {  	_ =	shalt  }
0x6f: {  	_ =	shalt  }
0x70: {  	_ =	shalt  }
0x71: {  	_ =	shalt  }
0x72: {  	_ =	shalt  }
0x73: {  	_ =	shalt  }
0x74: {  	_ =	shalt  }
0x75: {  	_ =	shalt  }
0x76: {  	_ =	shalt  }
0x77: {  	_ =	shalt  }
0x78: {  	_ =	shalt  }
0x79: {  	_ =	shalt  }
0x7a: {  	_ =	shalt  }
0x7b: {  	_ =	shalt  }
0x7c: {  	_ =	shalt  }
0x7d: {  	_ =	shalt  }
0x7e: {  	_ =	shalt  }
0x7f: {  	_ =	shalt  }
0x80: {  	_ =	shalt  }
0x81: {  	_ =	shalt  }
0x82: {  	_ =	shalt  }
0x83: {  	_ =	shalt  }
0x84: {  	_ =	shalt  }
0x85: {  	_ =	shalt  }
0x86: {  	_ =	shalt  }
0x87: {  	_ =	shalt  }
.Lfunc_end0:
.L_simem_size_0:
called_computation.3_lowered:
.L_overlay_start_0:
0x88: {  	s2 =	sld [smem:$0x3FD9]  }
0x89: {  	s3 =	sld [smem:$0x3FFE];
	_ =	sdelay $0x1  }
0x8a: {  	s1 =	srdreg.scid  }
0x8b: {  	s0 =	sand.u32 $0x1, s1  }
0x8c: {  	s17 =	sshll.u32 s0, $0xA;
	s2 =	sadd.s32 s3, s2  }
0x8d: {  	s2 =	sadd.s32 s2, s17  }
0x8e: {  	[smem:$0x3FBF] =	sst s2  }
0x8f: {  	_ = 	snop  }
0x90: {  	s2 =	sld [smem:$0x3FD0];
	(tm) =	ssettm $0x1  }
0x91: {  	s18 =	sld [smem:$0x3FFB];
	_ =	sdelay $0x3  }
0x92: {  	_ =	strace s18  }
0x93: {  	s3 =	sld [smem:$0x3FFC];
	_ =	sdelay $0x3  }
0x94: {  	_ =	strace s3  }
0x95: {  	s3 =	sld [smem:$0x3FFD];
	_ =	sdelay $0x3  }
0x96: {  	_ =	strace s3  }
0x97: {  	_ =	strace $0x8FFFFFFF  }
0x98: {  	s19 =	sld [smem:$0x3FDB];
	_ =	sdelay $0x1  }
0x99: {  	s4 =	simm.s32 $_scs_section_size  }
0x9a: {  	s5 =	simm.s32 $_size__tile_overlayer_lowered;
	s6 =	simm.s32 $_tile_overlayer_lowered  }
0x9b: {  	s22 =	simm.s32 $0x1BFF;
	s21 =	sshll.u32 s6, $0x1;
	s3 =	sadd.s32 s4, s19  }
0x9c: {  	s7 =	simm.s32 $0x0;
	s20 =	sshll.u32 s5, $0x1;
	s5 =	sadd.s32 s21, s3  }
0x9d: {  	[timem:s7], [sflag:s22] =	dma.local [hbm:s5], s20  }
0x9e: {  	_ =	swait.ge [sflag:s22], s20  }
0x9f: {  	s4 =	ssub.s32 $0x0, s20;
	[sflag:s22] =	ssyncset.done $0x0  }
0xa0: {  	[sflag:s22] =	ssyncadd.s32 s4;
	_ =	sdelay $0x1  }
0xa1: {  	s23 =	simm.s32 $0x1B8B  }
0xa2: {  	_ =	swait.ge [sflag:s23], $0x1  }
0xa3: {  	[sflag:s23] =	ssyncset.done $0x0  }
0xa4: {  	s25 =	simm.s32 $0x1B8E;
	s24 =	sld [smem:$0x3FFE];
	[sflag:s23] =	ssyncadd.s32 $0xFFFFFFFF  }
0xa5: {  	s26 =	simm.s32 $execute0_lowered;
	[smem:$0x3FD2] =	sst s25  }
0xa6: {  	s5 =	sshll.u32 s26, $0x1;
	_ =	strace $0x8000004F;
	[dreg:$0x1] =	wrdreg $0xFFFFFFFF  }
0xa7: {  	s28 =	simm.s32 $_size_execute0_lowered;
	s3 =	sadd.s32 s3, s5;
	[dreg:$0x0] =	wrdreg $0x0  }
0xa8: {  	s5 =	sshll.u32 s28, $0x1;
	[dreg:$0x2] =	wrdreg s3  }
0xa9: {  	[dreg:$0x3] =	wrdreg s5  }
0xaa: {  	[dreg:$0x4] =	wrdreg $0xC0  }
0xab: {  	_ =	task [dreg:s7], $0x5FFFF  }
0xac: {  	[dreg:$0x1] =	wrdreg $0xFFFFFFFF  }
0xad: {  	[dreg:$0x0] =	wrdreg $0x60  }
0xae: {  	[dreg:$0x2] =	wrdreg s24  }
0xaf: {  	[dreg:$0x3] =	wrdreg s2  }
0xb0: {  	[dreg:$0x4] =	wrdreg $0x140000  }
0xb1: {  	[dreg:$0x5] =	wrdreg $0x9  }
0xb2: {  	_ =	task.clear_ibuf [dreg:s7], $0x6FFFF;
	_ =	strace $0x9000004F  }
0xb3: {  	s29 =	simm.s32 $0x9;
	_ =	strace $0x80000051  }
0xb4: {  	_ =	swait.ge [sflag:s29], $0x1  }
0xb5: {  	[sflag:s29] =	ssyncadd.s32 $0xFFFFFFFF  }
0xb6: {  	_ =	strace $0x90000051  }
0xb7: {  	_ =	sfence  }
0xb8: {  	s30 =	sld [smem:$0x0];
	_ =	sdelay $0x2  }
0xb9: {  	s31 =	sshll.u32 s1, $0xD;
	s1 =	sshrl.u32 s1, $0x2  }
0xba: {  	s3 =	sand.u32 $0x4000, s31;
	s1 =	sadd.s32 s1, s30  }
0xbb: {  	s0 =	sor.u32 s3, s0;
	s1 =	sshll.u32 s1, $0x11  }
0xbc: {  	s0 =	sor.u32 s1, s0  }
0xbd: {  	s0 =	sadd.s32 $0x8F2B, s0  }
0xbe: {  	[sflag:s0] =	ssyncadd.remote.s32 $0x1  }
0xbf: {  	_ =	sfence.sel $0xFFFF  }
0xc0: {  	[dreg:$0x0] =	wrdreg $0xFFFFFFFF;
	(pc) =	sbr.abs _section_cstart, $3  }
0xc1: {  	[dreg:$0x1] =	wrdreg $0xFFFFFFFF  }
0xc2: {  	_ =	task.clear_ibuf [dreg:s7], $0x2FFFF;
	_ =	strace $0x9FFFFFFF  }
0xc3: {  	(tm) =	ssettm $0x7FFFFFFF  }
tec
execute0_lowered:
.L_overlay_start_1:
0x0: {  	(tag) =	ssettag $0x1  }
0x1: {  	s0 =	rddreg [dreg:$0x0]  }
0x2: {  	s1 =	srdreg.scid;
	s6 =	rddreg [dreg:$0x1]  }
0x3: {  	s12 =	stileid.u32;
	s2 =	rddreg [dreg:$0x2];
	s3 =	simm.s32 $0x0  }
0x4: {  	s13 =	simm.s32 $0x5000;
	s14 =	simm.s32 $0x80;
	s15 =	simm.s32 $0xA000  }
0x5: {  	s16 =	simm.s32 $0xC000;
	s18 =	simm.s32 $0xE000;
	s20 =	simm.s32 $0x10000  }
0x6: {  	s21 =	simm.s32 $0x1;
	s28 =	simm.s32 $0x3;
	s29 =	simm.s32 $0x7  }
0x7: {  	s30 =	simm.s32 $0x4;
	s31 =	simm.s32 $0x8;
	s17 =	simm.s32 $0xA  }
0x8: {  	s19 =	simm.s32 $0x0;
	s1 =	sand.u32 $0x1, s1;
	s5 =	smul.u32 $0xA000, s12  }
0x9: {  	[smem:$0x7FF] =	sst s3;
	s8 =	smul.u32 $0xA00, s12;
	s24 =	sadd.s32 $0x2200, s0  }
0xa: {  	s26 =	sshll.u32 s12, $0x6;
	s12 =	simm.s32 $0xB;
	s4 =	smul.u32 $0x13880, s1  }
0xb: {  	s7 =	smul.u32 $0xA0000, s1;
	_ =	strace $0x80000050;
	s1 =	ssub.s32 $0x2, s1  }
0xc: {  	[dreg:$0x4] =	wrdreg s24;
	s24 =	simm.s32 $0x2;
	s23 =	sadd.s32 s8, s0  }
0xd: {  	s25 =	sshrl.u32 s1, $0x1;
	s11 =	sadd.s32 s5, s2;
	s6 =	sadd.s32 s6, s8  }
0xe: {  	s9 =	sadd.s32 s4, s0;
	s22 =	sadd.s32 s5, s7;
	s1 =	ssub.s32 s1, s25  }
0xf: {  	s5 =	sor.u32 $0x1C0B, s26;
	s7 =	sadd.s32 $0xC200, s23;
	s11 =	sshrl.u32 s11, $0x3  }
0x10: {  	s23 =	simm.s32 $0x12000;
	s26 =	simm.s32 $0x6;
	s10 =	sshrl.u32 s22, $0x3  }
0x11: {  	s8 =	sadd.s32 $0x16200, s9;
	s0 =	sadd.s32 s10, s0;
	s10 =	smax.u32 s1, $0x1  }
0x12: {  	s1 =	simm.s32 $0x5;
	s9 =	sadd.s32 $0x3D400, s0;
	s0 =	simm.s32 $0x9  }
.LBB2_1:
0x13: {  	s4 =	rddreg [dreg:$0x4]  }
0x14: {  	[spmem:s11], [sflag:s5] =	dma.local [hbm:s4], $0x1400  }
0x15: {  	_ =	swait.ge [sflag:s12], $0x1400  }
0x16: {  	[sflag:s12] =	ssyncset.done $0x0  }
0x17: {  	[sflag:s12] =	ssyncadd.s32 $0xFFFFEC00  }
0x18: {  	[tilespmem:s3], [sflag:$0xB] =	stream.linear.gather [hbm4b:s6+s3], $0x5000, $0x38;
	[tilespmem:$0x1E000] =	vst v63  }
0x19: {  	_ =	swait.ge [sflag:s12], $0x5000  }
0x1a: {  	[sflag:s12] =	ssyncset.done $0x0  }
0x1b: {  	[sflag:s12] =	ssyncadd.s32 $0xFFFFB000  }
0x1c: {  	[tilespmem:s13], [sflag:$0xB] =	stream.linear.gather [hbm4b:s7+s3], $0x5000, $0x38;
	[tilespmem:$0x1E000] =	vst v63  }
0x1d: {  	_ =	swait.ge [sflag:s12], $0x5000  }
0x1e: {  	[sflag:s12] =	ssyncset.done $0x0  }
0x1f: {  	[sflag:s12] =	ssyncadd.s32 $0xFFFFB000  }
0x20: {  	[bflag:$0x0] =	sbarrier.arrive $0xFFFF  }
0x21: {  	[tilespmem:s15], [sflag:$0x1] =	stream.indirect.gather [hbm4b:s8+s14], $0x40, s3, s14, $0xb8;
	[tilespmem:$0x1E000] =	vst v63  }
0x22: {  	_ = 	snop  }
0x23: {  	[tilespmem:s16], [sflag:$0x2] =	stream.indirect.gather [hbm4b:s8+s14], $0x40, s14, s14, $0xb8;
	[tilespmem:$0x1E000] =	vst v63  }
0x24: {  	s22 =	simm.s32 $0x100  }
0x25: {  	[tilespmem:s18], [sflag:$0x3] =	stream.indirect.gather [hbm4b:s8+s14], $0x40, s22, s14, $0xb8;
	[tilespmem:$0x1E000] =	vst v63  }
0x26: {  	s25 =	simm.s32 $0x180  }
0x27: {  	[tilespmem:s20], [sflag:$0x4] =	stream.indirect.gather [hbm4b:s8+s14], $0x40, s25, s14, $0xb8;
	[tilespmem:$0x1E000] =	vst v63  }
0x28: {  	_ =	swait.ge [sflag:s21], $0x2000  }
0x29: {  	[sflag:s21] =	ssyncset.done $0x0  }
0x2a: {  	[sflag:s21] =	ssyncadd.s32 $0xFFFFE000  }
0x2b: {  	[spmem:s2] =	stream.indirect.scatter.add.f32 [tilespmem:s15], [sflag:$0x6], $0x40, s13, s14, $0xb8;
	[tilespmem:$0x1E000] =	vst v63  }
0x2c: {  	s22 =	simm.s32 $0x200  }
0x2d: {  	[tilespmem:s23], [sflag:$0x5] =	stream.indirect.gather [hbm4b:s8+s14], $0x40, s22, s14, $0xb8;
	[tilespmem:$0x1E000] =	vst v63  }
0x2e: {  	_ =	swait.ge [sflag:s24], $0x2000  }
0x2f: {  	[sflag:s24] =	ssyncset.done $0x0  }
0x30: {  	s25 =	simm.s32 $0x5080;
	[sflag:s24] =	ssyncadd.s32 $0xFFFFE000  }
0x31: {  	[spmem:s2] =	stream.indirect.scatter.add.f32 [tilespmem:s16], [sflag:$0x7], $0x40, s25, s14, $0xb8;
	[tilespmem:$0x1E000] =	vst v63  }
0x32: {  	_ =	swait.ge [sflag:s26], $0x2000  }
0x33: {  	[sflag:s26] =	ssyncset.done $0x0  }
0x34: {  	s22 =	simm.s32 $0x280;
	[sflag:s26] =	ssyncadd.s32 $0xFFFFE000  }
0x35: {  	[tilespmem:s15], [sflag:$0x1] =	stream.indirect.gather [hbm4b:s8+s14], $0x40, s22, s14, $0xb8;
	[tilespmem:$0x1E000] =	vst v63  }
0x36: {  	_ =	swait.ge [sflag:s28], $0x2000  }
0x37: {  	[sflag:s28] =	ssyncset.done $0x0  }
0x38: {  	s4 =	simm.s32 $0x5100;
	[sflag:s28] =	ssyncadd.s32 $0xFFFFE000  }
0x39: {  	[spmem:s2] =	stream.indirect.scatter.add.f32 [tilespmem:s18], [sflag:$0x8], $0x40, s4, s14, $0xb8;
	[tilespmem:$0x1E000] =	vst v63  }
0x3a: {  	_ =	swait.ge [sflag:s29], $0x2000  }
0x3b: {  	[sflag:s29] =	ssyncset.done $0x0  }
0x3c: {  	s25 =	simm.s32 $0x300;
	[sflag:s29] =	ssyncadd.s32 $0xFFFFE000  }
0x3d: {  	[tilespmem:s16], [sflag:$0x2] =	stream.indirect.gather [hbm4b:s8+s14], $0x40, s25, s14, $0xb8;
	[tilespmem:$0x1E000] =	vst v63  }
0x3e: {  	_ =	swait.ge [sflag:s30], $0x2000  }
0x3f: {  	[sflag:s30] =	ssyncset.done $0x0  }
0x40: {  	s4 =	simm.s32 $0x5180;
	[sflag:s30] =	ssyncadd.s32 $0xFFFFE000  }
0x41: {  	[spmem:s2] =	stream.indirect.scatter.add.f32 [tilespmem:s20], [sflag:$0x9], $0x40, s4, s14, $0xb8;
	[tilespmem:$0x1E000] =	vst v63  }
0x42: {  	_ =	swait.ge [sflag:s31], $0x2000  }
0x43: {  	[sflag:s31] =	ssyncset.done $0x0  }
0x44: {  	s25 =	simm.s32 $0x380;
	[sflag:s31] =	ssyncadd.s32 $0xFFFFE000  }
0x45: {  	[tilespmem:s18], [sflag:$0x3] =	stream.indirect.gather [hbm4b:s8+s14], $0x40, s25, s14, $0xb8;
	[tilespmem:$0x1E000] =	vst v63  }
0x46: {  	_ =	swait.ge [sflag:s1], $0x2000  }
0x47: {  	[sflag:s1] =	ssyncset.done $0x0  }
0x48: {  	s4 =	simm.s32 $0x5200;
	[sflag:s1] =	ssyncadd.s32 $0xFFFFE000  }
0x49: {  	[spmem:s2] =	stream.indirect.scatter.add.f32 [tilespmem:s23], [sflag:$0xA], $0x40, s4, s14, $0xb8;
	[tilespmem:$0x1E000] =	vst v63  }
0x4a: {  	_ =	swait.ge [sflag:s0], $0x2000  }
0x4b: {  	[sflag:s0] =	ssyncset.done $0x0  }
0x4c: {  	s25 =	simm.s32 $0x400;
	[sflag:s0] =	ssyncadd.s32 $0xFFFFE000  }
0x4d: {  	[tilespmem:s20], [sflag:$0x4] =	stream.indirect.gather [hbm4b:s8+s14], $0x40, s25, s14, $0xb8;
	[tilespmem:$0x1E000] =	vst v63  }
0x4e: {  	_ =	swait.ge [sflag:s21], $0x2000  }
0x4f: {  	[sflag:s21] =	ssyncset.done $0x0  }
0x50: {  	s4 =	simm.s32 $0x5280;
	[sflag:s21] =	ssyncadd.s32 $0xFFFFE000  }
0x51: {  	[spmem:s2] =	stream.indirect.scatter.add.f32 [tilespmem:s15], [sflag:$0x6], $0x40, s4, s14, $0xb8;
	[tilespmem:$0x1E000] =	vst v63  }
0x52: {  	_ =	swait.ge [sflag:s17], $0x2000  }
0x53: {  	[sflag:s17] =	ssyncset.done $0x0  }
0x54: {  	s25 =	simm.s32 $0x480;
	[sflag:s17] =	ssyncadd.s32 $0xFFFFE000  }
0x55: {  	[tilespmem:s23], [sflag:$0x5] =	stream.indirect.gather [hbm4b:s8+s14], $0x40, s25, s14, $0xb8;
	[tilespmem:$0x1E000] =	vst v63  }
0x56: {  	_ =	swait.ge [sflag:s24], $0x2000  }
0x57: {  	[sflag:s24] =	ssyncset.done $0x0  }
0x58: {  	s22 =	simm.s32 $0xA00;
	s25 =	simm.s32 $0x5300;
	[sflag:s24] =	ssyncadd.s32 $0xFFFFE000  }
.LBB2_2:
0x59: {  	[spmem:s2] =	stream.indirect.scatter.add.f32 [tilespmem:s16], [sflag:$0x7], $0x40, s25, s14, $0xb8;
	[tilespmem:$0x1E000] =	vst v63  }
0x5a: {  	s25 =	smov.u32 s22  }
0x5b: {  	p0 =	sne.s32 s22, $0x12C00;
	s22 =	sadd.s32 $0xA00, s22;
	_ =	swait.ge [sflag:s26], $0x2000  }
0x5c: {  	s25 =	sshra.s32 s25, $0x2;
	[sflag:s26] =	ssyncset.done $0x0  }
0x5d: {  	s4 =	sadd.s32 $0x280, s25;
	[sflag:s26] =	ssyncadd.s32 $0xFFFFE000  }
0x5e: {  	[tilespmem:s15], [sflag:$0x1] =	stream.indirect.gather [hbm4b:s8+s14], $0x40, s4, s14, $0xb8;
	[tilespmem:$0x1E000] =	vst v63  }
0x5f: {  	_ =	swait.ge [sflag:s28], $0x2000  }
0x60: {  	[sflag:s28] =	ssyncset.done $0x0  }
0x61: {  	s4 =	sadd.s32 $0x5100, s25;
	[sflag:s28] =	ssyncadd.s32 $0xFFFFE000  }
0x62: {  	[spmem:s2] =	stream.indirect.scatter.add.f32 [tilespmem:s18], [sflag:$0x8], $0x40, s4, s14, $0xb8;
	[tilespmem:$0x1E000] =	vst v63  }
0x63: {  	_ =	swait.ge [sflag:s29], $0x2000  }
0x64: {  	[sflag:s29] =	ssyncset.done $0x0  }
0x65: {  	s4 =	sadd.s32 $0x300, s25;
	[sflag:s29] =	ssyncadd.s32 $0xFFFFE000  }
0x66: {  	[tilespmem:s16], [sflag:$0x2] =	stream.indirect.gather [hbm4b:s8+s14], $0x40, s4, s14, $0xb8;
	[tilespmem:$0x1E000] =	vst v63  }
0x67: {  	_ =	swait.ge [sflag:s30], $0x2000  }
0x68: {  	[sflag:s30] =	ssyncset.done $0x0  }
0x69: {  	s4 =	sadd.s32 $0x5180, s25;
	[sflag:s30] =	ssyncadd.s32 $0xFFFFE000  }
0x6a: {  	[spmem:s2] =	stream.indirect.scatter.add.f32 [tilespmem:s20], [sflag:$0x9], $0x40, s4, s14, $0xb8;
	[tilespmem:$0x1E000] =	vst v63  }
0x6b: {  	_ =	swait.ge [sflag:s31], $0x2000  }
0x6c: {  	[sflag:s31] =	ssyncset.done $0x0  }
0x6d: {  	s4 =	sadd.s32 $0x380, s25;
	[sflag:s31] =	ssyncadd.s32 $0xFFFFE000  }
0x6e: {  	[tilespmem:s18], [sflag:$0x3] =	stream.indirect.gather [hbm4b:s8+s14], $0x40, s4, s14, $0xb8;
	[tilespmem:$0x1E000] =	vst v63  }
0x6f: {  	_ =	swait.ge [sflag:s1], $0x2000  }
0x70: {  	[sflag:s1] =	ssyncset.done $0x0  }
0x71: {  	s4 =	sadd.s32 $0x5200, s25;
	[sflag:s1] =	ssyncadd.s32 $0xFFFFE000  }
0x72: {  	[spmem:s2] =	stream.indirect.scatter.add.f32 [tilespmem:s23], [sflag:$0xA], $0x40, s4, s14, $0xb8;
	[tilespmem:$0x1E000] =	vst v63  }
0x73: {  	_ =	swait.ge [sflag:s0], $0x2000  }
0x74: {  	[sflag:s0] =	ssyncset.done $0x0  }
0x75: {  	s4 =	sadd.s32 $0x400, s25;
	[sflag:s0] =	ssyncadd.s32 $0xFFFFE000  }
0x76: {  	[tilespmem:s20], [sflag:$0x4] =	stream.indirect.gather [hbm4b:s8+s14], $0x40, s4, s14, $0xb8;
	[tilespmem:$0x1E000] =	vst v63  }
0x77: {  	_ =	swait.ge [sflag:s21], $0x2000  }
0x78: {  	[sflag:s21] =	ssyncset.done $0x0  }
0x79: {  	s4 =	sadd.s32 $0x5280, s25;
	[sflag:s21] =	ssyncadd.s32 $0xFFFFE000  }
0x7a: {  	[spmem:s2] =	stream.indirect.scatter.add.f32 [tilespmem:s15], [sflag:$0x6], $0x40, s4, s14, $0xb8;
	[tilespmem:$0x1E000] =	vst v63  }
0x7b: {  	_ =	swait.ge [sflag:s17], $0x2000  }
0x7c: {  	[sflag:s17] =	ssyncset.done $0x0  }
.Ltmp0:
0x7d: {  	s4 =	sadd.s32 $0x480, s25;
	[sflag:s17] =	ssyncadd.s32 $0xFFFFE000;
	(pc) =	sbr.rel @p0 .LBB2_2-.Ltmp0, $4  }
0x7e: {  	[tilespmem:s23], [sflag:$0x5] =	stream.indirect.gather [hbm4b:s8+s14], $0x40, s4, s14, $0xb8;
	[tilespmem:$0x1E000] =	vst v63  }
0x7f: {  	_ =	swait.ge [sflag:s24], $0x2000  }
0x80: {  	[sflag:s24] =	ssyncset.done $0x0  }
0x81: {  	s25 =	sadd.s32 $0x5300, s25;
	[sflag:s24] =	ssyncadd.s32 $0xFFFFE000  }
0x82: {  	[spmem:s2] =	stream.indirect.scatter.add.f32 [tilespmem:s16], [sflag:$0x7], $0x40, s25, s14, $0xb8;
	[tilespmem:$0x1E000] =	vst v63  }
0x83: {  	_ =	swait.ge [sflag:s28], $0x2000  }
0x84: {  	[sflag:s28] =	ssyncset.done $0x0  }
0x85: {  	s4 =	simm.s32 $0x9E80;
	[sflag:s28] =	ssyncadd.s32 $0xFFFFE000  }
0x86: {  	[spmem:s2] =	stream.indirect.scatter.add.f32 [tilespmem:s18], [sflag:$0x8], $0x40, s4, s14, $0xb8;
	[tilespmem:$0x1E000] =	vst v63  }
0x87: {  	_ =	swait.ge [sflag:s30], $0x2000  }
0x88: {  	[sflag:s30] =	ssyncset.done $0x0  }
0x89: {  	s22 =	simm.s32 $0x9F00;
	[sflag:s30] =	ssyncadd.s32 $0xFFFFE000  }
0x8a: {  	[spmem:s2] =	stream.indirect.scatter.add.f32 [tilespmem:s20], [sflag:$0x9], $0x40, s22, s14, $0xb8;
	[tilespmem:$0x1E000] =	vst v63  }
0x8b: {  	_ =	swait.ge [sflag:s1], $0x2000  }
0x8c: {  	[sflag:s1] =	ssyncset.done $0x0  }
0x8d: {  	s25 =	simm.s32 $0x9F80;
	[sflag:s1] =	ssyncadd.s32 $0xFFFFE000  }
0x8e: {  	[spmem:s2] =	stream.indirect.scatter.add.f32 [tilespmem:s23], [sflag:$0xA], $0x40, s25, s14, $0xb8;
	[tilespmem:$0x1E000] =	vst v63  }
0x8f: {  	_ =	swait.ge [sflag:s26], $0x2000  }
0x90: {  	[sflag:s26] =	ssyncset.done $0x0  }
0x91: {  	[sflag:s26] =	ssyncadd.s32 $0xFFFFE000  }
0x92: {  	_ =	swait.ge [sflag:s29], $0x2000  }
0x93: {  	[sflag:s29] =	ssyncset.done $0x0  }
0x94: {  	[sflag:s29] =	ssyncadd.s32 $0xFFFFE000  }
0x95: {  	_ =	swait.ge [sflag:s31], $0x2000  }
0x96: {  	[sflag:s31] =	ssyncset.done $0x0  }
0x97: {  	[sflag:s31] =	ssyncadd.s32 $0xFFFFE000  }
0x98: {  	_ =	swait.ge [sflag:s0], $0x2000  }
0x99: {  	[sflag:s0] =	ssyncset.done $0x0  }
0x9a: {  	[sflag:s0] =	ssyncadd.s32 $0xFFFFE000  }
0x9b: {  	_ =	swait.ge [sflag:s17], $0x2000  }
0x9c: {  	s19 =	sadd.s32 $0x1, s19;
	[sflag:s17] =	ssyncset.done $0x0  }
0x9d: {  	p0 =	sne.s32 s19, s10;
	[sflag:s17] =	ssyncadd.s32 $0xFFFFE000  }
.Ltmp1:
0x9e: {  	[bflag:$0x0] =	sbarrier.arrive $0xFFFF;
	(pc) =	sbr.rel @p0 .LBB2_1-.Ltmp1, $4  }
0x9f: {  	[hbm:s9], [sflag:s5] =	dma.local [spmem:s11], $0x1400  }
0xa0: {  	_ =	swait.ge [sflag:s12], $0x1400  }
0xa1: {  	[sflag:s12] =	ssyncset.done $0x0  }
0xa2: {  	[sflag:s12] =	ssyncadd.s32 $0xFFFFEC00  }
0xa3: {  	_ =	sfence.sel $0x180000  }
0xa4: {  	[bflag:$0x0] =	sbarrier.arrive $0xFFFF  }
0xa5: {  	_ =	strace $0x90000050  }
0xa6: {  	s0 =	stileid.u32;
	[bflag:$0x2] =	sbarrier.arrive $0xFFFF  }
0xa7: {  	p0 =	sne.s32 s0, $0x0;
	s0 =	rddreg [dreg:$0x3]  }
0xa8: {  	s0 =	sadd.s32 @!p0 $0x100000, s0  }
0xa9: {  	[sflag:s0] =	ssyncadd.tile.s32 @!p0 $0x1;
	_ =	shalt  }
.Lfunc_end2:
_tile_overlayer_lowered:
.L_overlay_start_2:
0xaa: {  	(tag) =	ssettag $0x2  }
0xab: {  	s0 =	rddreg [dreg:$0x0];
	s2 =	stileid.u32  }
0xac: {  	s1 =	rddreg [dreg:$0x1];
	p0 =	sne.s32 s2, $0x0  }
0xad: {  	s3 =	rddreg [dreg:$0x2];
	[bflag:$0x3] =	sbarrier.arrive $0xFFFF;
	s2 =	simm.s32 @!p0 $0x1C0B  }
0xae: {  	[timem:s3], [sflag:s2] =	dma.local @!p0 [hbm:s0], s1  }
0xaf: {  	s0 =	simm.s32 @!p0 $0xB  }
0xb0: {  	_ =	swait.ge @!p0 [sflag:s0], s1  }
0xb1: {  	s1 =	ssub.s32 @!p0 $0x0, s1;
	[sflag:s0] =	ssyncset.done @!p0 $0x0  }
0xb2: {  	[sflag:s0] =	ssyncadd.s32 @!p0 s1  }
0xb3: {  	[bflag:$0x3] =	sbarrier.arrive $0xFFFF  }
0xb4: {  	_ =	shalt  }

</sc_bundles>
